<compile_context>
chip_gen: v7x
topology: tpu7x:2x2x1
jax: 0.10.2.dev20260603
libtpu: 0.0.44.dev20260713+nightly
codegen_flags: <defaults>
</compile_context>

<pallas_src>
import jax
import jax.numpy as jnp
from jax import lax
from jax.experimental import pallas as pl
from jax.experimental.pallas import tpu as pltpu
from jax.experimental.pallas import tpu_sc as plsc

NUM_GSPS = 360
B = 1024
N_PV = 512
F = 8
EMBED_DIM = 64
OUT_D = 2 * F + F + 2 + EMBED_DIM
VOCAB = 100000
VSLICE = 99000

NC = 2
NS = 16
NW = NC * NS
ROWS = B * N_PV
CH = 4096
NCH = ROWS // CH
BPW = B // NW
U = 8
YR = 8
NYT = BPW * F // YR


def _sc_body(y_hbm, x_hbm, idx_hbm, t_hbm, az_hbm, el_hbm, table_hbm,
             out_hbm, rowbuf, idxbuf, gatbuf, planebuf, ystage, scalbuf,
             yidx, xidx, isem, osem, ysem, ssem, bsem):
    wid = lax.axis_index("s") * NC + lax.axis_index("c")
    b0 = wid * BPW
    lane = lax.iota(jnp.int32, 16)

    for g in range(BPW * F // 16):
        r = b0 * F + g * 16 + lane
        bvec = lax.shift_right_logical(r, 3)
        fvec = jnp.bitwise_and(r, 7)
        rowv = jnp.full((16,), 2 * g, jnp.int32) + lax.shift_right_logical(
            lane, 3)
        colv = jnp.bitwise_and(lane, 7)
        plsc.store_scatter(yidx, [rowv, colv], fvec * B + bvec)
        plsc.store_scatter(xidx, [rowv, colv], (fvec + F) * B + bvec)

    def yx_planes(src_hbm, idxref):
        def chunk(t, p):
            @pl.when(t >= 2)
            def _():
                pltpu.make_async_copy(
                    ystage.at[p], out_hbm.at[idxref.at[0]], ysem.at[p]).wait()

            pltpu.async_copy(src_hbm.at[pl.ds(b0 * F + t * YR, YR)],
                             ystage.at[p], ssem.at[p])
            pltpu.make_async_copy(
                src_hbm.at[pl.ds(b0 * F + t * YR, YR)], ystage.at[p],
                ssem.at[p]).wait()
            pltpu.async_copy(ystage.at[p], out_hbm.at[idxref.at[t]],
                             ysem.at[p])

        def two(h, carry):
            chunk(2 * h, 0)
            chunk(2 * h + 1, 1)
            return carry

        lax.fori_loop(0, NYT // 2, two, 0, unroll=False)
        for p in range(2):
            pltpu.make_async_copy(
                ystage.at[p], out_hbm.at[idxref.at[0]], ysem.at[p]).wait()

    yx_planes(y_hbm, yidx)
    yx_planes(x_hbm, xidx)

    pltpu.sync_copy(t_hbm.at[:, pl.ds(b0, BPW)], scalbuf.at[pl.ds(0, F)])
    pltpu.sync_copy(az_hbm.at[pl.ds(b0, BPW)], scalbuf.at[F])
    pltpu.sync_copy(el_hbm.at[pl.ds(b0, BPW)], scalbuf.at[F + 1])

    BR = 4
    NBLK = BPW // BR

    def bblock(i, p):
        pi = lax.div(i, NBLK)
        blk = lax.rem(i, NBLK)

        @pl.when(i >= 2)
        def _():
            pltpu.make_async_copy(
                planebuf.at[p], out_hbm.at[pl.ds(0, BR), :],
                bsem.at[p]).wait()

        def fill_row(r, carry):
            v = plsc.load_gather(
                scalbuf, [jnp.full((16,), pi, jnp.int32),
                          jnp.full((16,), blk * BR + r, jnp.int32)])
            for k in range(N_PV // 16):
                planebuf[p, r, pl.ds(k * 16, 16)] = v
            return carry

        lax.fori_loop(0, BR, fill_row, 0, unroll=False)
        pltpu.async_copy(
            planebuf.at[p],
            out_hbm.at[pl.ds((2 * F + pi) * B + b0 + blk * BR, BR), :],
            bsem.at[p])

    def btwo(h, carry):
        bblock(2 * h, 0)
        bblock(2 * h + 1, 1)
        return carry

    lax.fori_loop(0, 10 * NBLK // 2, btwo, 0, unroll=False)

    def fire_idx(c, p):
        pltpu.async_copy(idx_hbm.at[pl.ds(c * CH, CH)], idxbuf.at[p],
                         isem.at[p])

    def wait_idx(c, p):
        pltpu.make_async_copy(idx_hbm.at[pl.ds(c * CH, CH)], idxbuf.at[p],
                              isem.at[p]).wait()

    def fire_out(plane, c, p):
        pltpu.async_copy(gatbuf.at[p],
                         out_hbm.at[pl.ds(plane * B + c * (CH // N_PV),
                                          CH // N_PV), :],
                         osem.at[p])

    def wait_out(p):
        pltpu.make_async_copy(gatbuf.at[p],
                              out_hbm.at[pl.ds(0, CH // N_PV), :],
                              osem.at[p]).wait()

    def gather_chunk(p):
        def rowfn(r, carry):
            base = r * N_PV
            for j in range(N_PV // 16):
                iv = idxbuf[p, pl.ds(base + j * 16, 16)]
                vals = plsc.load_gather(rowbuf, [iv])
                gatbuf[p, r, pl.ds(j * 16, 16)] = vals
            return carry

        lax.fori_loop(0, CH // N_PV, rowfn, 0, unroll=False)

    def emb_plane(e_row, plane):
        pltpu.sync_copy(table_hbm.at[e_row, pl.ds(NUM_GSPS, VSLICE)],
                        rowbuf.at[pl.ds(0, VSLICE)])
        fire_idx(0, 0)

        def pair(g, carry):
            c0 = 2 * g
            fire_idx(c0 + 1, 1)
            wait_idx(c0, 0)

            @pl.when(c0 >= 2)
            def _():
                wait_out(0)

            gather_chunk(0)
            fire_out(plane, c0, 0)

            @pl.when(c0 + 2 < NCH)
            def _():
                fire_idx(c0 + 2, 0)

            wait_idx(c0 + 1, 1)

            @pl.when(c0 + 1 >= 2)
            def _():
                wait_out(1)

            gather_chunk(1)
            fire_out(plane, c0 + 1, 1)
            return carry

        lax.fori_loop(0, NCH // 2, pair, 0, unroll=False)
        wait_out(0)
        wait_out(1)

    e0 = 2 * wid
    emb_plane(e0, 3 * F + 2 + e0)
    emb_plane(e0 + 1, 3 * F + 2 + e0 + 1)

    for p in range(2):
        pltpu.make_async_copy(planebuf.at[p], out_hbm.at[pl.ds(0, BR), :],
                              bsem.at[p]).wait()


@jax.jit
def _pv_query(y_t, x_t, idx_flat, t_t, az, el, table_t):
    mesh = plsc.VectorSubcoreMesh(core_axis_name="c", subcore_axis_name="s",
                                  num_cores=NC, num_subcores=NS)
    fn = pl.kernel(
        _sc_body,
        out_type=jax.ShapeDtypeStruct((OUT_D * B, N_PV), jnp.float32),
        mesh=mesh,
        scratch_types=[
            pltpu.VMEM((VSLICE,), jnp.float32),
            pltpu.VMEM((2, CH), jnp.int32),
            pltpu.VMEM((2, CH // N_PV, N_PV), jnp.float32),
            pltpu.VMEM((2, 4, N_PV), jnp.float32),
            pltpu.VMEM((2, YR, N_PV), jnp.float32),
            pltpu.VMEM((F + 2, BPW), jnp.float32),
            pltpu.VMEM((NYT, YR), jnp.int32),
            pltpu.VMEM((NYT, YR), jnp.int32),
            pltpu.SemaphoreType.DMA((2,)),
            pltpu.SemaphoreType.DMA((2,)),
            pltpu.SemaphoreType.DMA((2,)),
            pltpu.SemaphoreType.DMA((2,)),
            pltpu.SemaphoreType.DMA((2,)),
        ],
        compiler_params=pltpu.CompilerParams(use_tc_tiling_on_sc=False,
                                             needs_layout_passes=False),
    )
    return fn(y_t, x_t, idx_flat, t_t, az, el, table_t)


def kernel(pv_y_osgb_fourier, pv_x_osgb_fourier, pv_system_row_number,
           pv_x_osgb, pv_time_utc_fourier, solar_azimuth, solar_elevation,
           embedding_table):
    del pv_x_osgb
    y_t = jnp.transpose(pv_y_osgb_fourier, (0, 2, 1)).reshape(B * F, N_PV)
    x_t = jnp.transpose(pv_x_osgb_fourier, (0, 2, 1)).reshape(B * F, N_PV)
    idx_flat = pv_system_row_number.astype(jnp.int32).reshape(ROWS)
    t_t = jnp.transpose(pv_time_utc_fourier)
    table_t = jnp.transpose(embedding_table)
    out = _pv_query(y_t, x_t, idx_flat, t_t, solar_azimuth, solar_elevation,
                    table_t)
    return jnp.transpose(out.reshape(OUT_D, B, N_PV), (1, 2, 0))

# --- scband reference (transcript-rebuilt; emitter-appended) ---
"""Pipeline reference for scband-pvquery-generator-75342316306728 (READ-ONLY COPY).

The authoritative reference and input builder live on the scoring server;
editing this copy changes nothing except your own understanding.
"""

import jax, jax.numpy as jnp
import numpy as np

NUM_GSPS = 360
VOCAB = 100000
EMBED_DIM = 64
B = 1024
N_PV = 512
F = 8

def setup_inputs(seed: int = 0) -> dict:
    key = jax.random.key(seed)
    ks = jax.random.split(key, 8)
    return {
        "pv_y_osgb_fourier": jax.random.normal(ks[0], (B, N_PV, F), dtype=jnp.float32),
        "pv_x_osgb_fourier": jax.random.normal(ks[1], (B, N_PV, F), dtype=jnp.float32),
        "pv_system_row_number": jax.random.randint(ks[2], (B, N_PV), 0, 99000, dtype=jnp.int64) if jax.config.jax_enable_x64 else jax.random.randint(ks[2], (B, N_PV), 0, 99000, dtype=jnp.int32),
        "pv_x_osgb": jax.random.normal(ks[3], (B, N_PV), dtype=jnp.float32),
        "pv_time_utc_fourier": jax.random.normal(ks[4], (B, F), dtype=jnp.float32),
        "solar_azimuth": jax.random.uniform(ks[5], (B,), dtype=jnp.float32),
        "solar_elevation": jax.random.uniform(ks[6], (B,), dtype=jnp.float32),
        "embedding_table": jax.random.normal(ks[7], (VOCAB, EMBED_DIM), dtype=jnp.float32),
    }

def reference(pv_y_osgb_fourier, pv_x_osgb_fourier, pv_system_row_number, pv_x_osgb,
              pv_time_utc_fourier, solar_azimuth, solar_elevation, embedding_table):
    # for_satellite_transformer=True path
    row = pv_system_row_number + NUM_GSPS
    pv_system_embedding = jnp.take(embedding_table, row, axis=0)  # [B, N_PV, EMBED_DIM]
    n_pv_systems = pv_x_osgb.shape[1]
    ex = pv_time_utc_fourier.shape[0]
    time_fourier = jnp.broadcast_to(pv_time_utc_fourier[:, None, :], (ex, n_pv_systems, pv_time_utc_fourier.shape[1]))
    az = jnp.broadcast_to(solar_azimuth[:, None, None], (ex, n_pv_systems, 1))
    el = jnp.broadcast_to(solar_elevation[:, None, None], (ex, n_pv_systems, 1))
    pv_system_query = jnp.concatenate((pv_y_osgb_fourier, pv_x_osgb_fourier, time_fourier, az, el, pv_system_embedding), axis=2)
    pv_system_query = jnp.nan_to_num(pv_system_query, nan=0.0)
    return pv_system_query

if __name__ == "__main__":
    import jax
    _d = setup_inputs()
    print(jax.jit(kernel)(*tuple(_d.values())))

</pallas_src>

<mosaic_0001>
#map = affine_map<(d0, d1) -> (0, 0)>
#map1 = affine_map<(d0, d1) -> (0)>
module attributes {stable_mosaic.version = 14 : i64} {
  func.func @_sc_body(%arg0: i32, %arg1: i32, %arg2: memref<8192x512xf32, #tpu.memory_space<hbm>>, %arg3: memref<8192x512xf32, #tpu.memory_space<hbm>>, %arg4: memref<524288xi32, #tpu.memory_space<hbm>>, %arg5: memref<8x1024xf32, #tpu.memory_space<hbm>>, %arg6: memref<1024xf32, #tpu.memory_space<hbm>>, %arg7: memref<1024xf32, #tpu.memory_space<hbm>>, %arg8: memref<64x100000xf32, #tpu.memory_space<hbm>>, %arg9: memref<92160x512xf32, #tpu.memory_space<hbm>>, %arg10: memref<99000xf32, #tpu.memory_space<vmem>>, %arg11: memref<2x4096xi32, #tpu.memory_space<vmem>>, %arg12: memref<2x8x512xf32, #tpu.memory_space<vmem>>, %arg13: memref<2x4x512xf32, #tpu.memory_space<vmem>>, %arg14: memref<2x8x512xf32, #tpu.memory_space<vmem>>, %arg15: memref<10x32xf32, #tpu.memory_space<vmem>>, %arg16: memref<32x8xi32, #tpu.memory_space<vmem>>, %arg17: memref<32x8xi32, #tpu.memory_space<vmem>>, %arg18: memref<2x!tpu.dma_semaphore, #tpu.memory_space<semaphore_mem>>, %arg19: memref<2x!tpu.dma_semaphore, #tpu.memory_space<semaphore_mem>>, %arg20: memref<2x!tpu.dma_semaphore, #tpu.memory_space<semaphore_mem>>, %arg21: memref<2x!tpu.dma_semaphore, #tpu.memory_space<semaphore_mem>>, %arg22: memref<2x!tpu.dma_semaphore, #tpu.memory_space<semaphore_mem>>) attributes {dimension_semantics = [#tpu.dimension_semantics<core_parallel>, #tpu.dimension_semantics<subcore_parallel>], iteration_bounds = array<i64: 2, 16>, scalar_prefetch = 0 : i64, scratch_operands = 13 : i64, tpu.core_type = #tpu.core_type<sc_vector_subcore>, window_params = [{transform_indices = #map}, {transform_indices = #map}, {transform_indices = #map1}, {transform_indices = #map}, {transform_indices = #map1}, {transform_indices = #map1}, {transform_indices = #map}, {transform_indices = #map}]} {
    %mul3A = arith.constant 2 : i32
    %mul3A_0 = arith.muli %arg1, %mul3A : i32
    %add3A = arith.addi %mul3A_0, %arg0 : i32
    %mul3A_1 = arith.constant 32 : i32
    %mul3A_2 = arith.muli %add3A, %mul3A_1 : i32
    %iota3A = tpu.iota {dimensions = array<i32: 0>} : vector<16xi32>
    %mul3A_3 = arith.constant 8 : i32
    %mul3A_4 = arith.muli %mul3A_2, %mul3A_3 : i32
    %add3A_5 = arith.constant 0 : i32
    %add3A_6 = arith.addi %mul3A_4, %add3A_5 : i32
    %add3A_7 = vector.broadcast %add3A_6 : i32 to vector<16xi32>
    %add3A_8 = arith.addi %add3A_7, %iota3A : vector<16xi32>
    %shift_right_logical3A = arith.constant 3 : i32
    %shift_right_logical3A_9 = vector.broadcast %shift_right_logical3A : i32 to vector<16xi32>
    %shift_right_logical3A_10 = arith.shrui %add3A_8, %shift_right_logical3A_9 : vector<16xi32>
    %and3A = arith.constant 7 : i32
    %and3A_11 = vector.broadcast %and3A : i32 to vector<16xi32>
    %and3A_12 = arith.andi %add3A_8, %and3A_11 : vector<16xi32>
    %broadcast_in_dim3A = arith.constant 0 : i32
    %broadcast_in_dim3A_13 = vector.broadcast %broadcast_in_dim3A : i32 to vector<16xi32>
    %shift_right_logical3A_14 = arith.constant 3 : i32
    %shift_right_logical3A_15 = vector.broadcast %shift_right_logical3A_14 : i32 to vector<16xi32>
    %shift_right_logical3A_16 = arith.shrui %iota3A, %shift_right_logical3A_15 : vector<16xi32>
    %add3A_17 = arith.addi %broadcast_in_dim3A_13, %shift_right_logical3A_16 : vector<16xi32>
    %and3A_18 = arith.constant 7 : i32
    %and3A_19 = vector.broadcast %and3A_18 : i32 to vector<16xi32>
    %and3A_20 = arith.andi %iota3A, %and3A_19 : vector<16xi32>
    %mul3A_21 = arith.constant 1024 : i32
    %mul3A_22 = vector.broadcast %mul3A_21 : i32 to vector<16xi32>
    %mul3A_23 = arith.muli %and3A_12, %mul3A_22 : vector<16xi32>
    %add3A_24 = arith.addi %mul3A_23, %shift_right_logical3A_10 : vector<16xi32>
    tpu.vector_store_idx %arg16[%add3A_17, %and3A_20], %add3A_24 : memref<32x8xi32, #tpu.memory_space<vmem>>[vector<16xi32>, vector<16xi32>], vector<16xi32>,
    %add3A_25 = arith.constant 8 : i32
    %add3A_26 = vector.broadcast %add3A_25 : i32 to vector<16xi32>
    %add3A_27 = arith.addi %and3A_12, %add3A_26 : vector<16xi32>
    %mul3A_28 = arith.constant 1024 : i32
    %mul3A_29 = vector.broadcast %mul3A_28 : i32 to vector<16xi32>
    %mul3A_30 = arith.muli %add3A_27, %mul3A_29 : vector<16xi32>
    %add3A_31 = arith.addi %mul3A_30, %shift_right_logical3A_10 : vector<16xi32>
    tpu.vector_store_idx %arg17[%add3A_17, %and3A_20], %add3A_31 : memref<32x8xi32, #tpu.memory_space<vmem>>[vector<16xi32>, vector<16xi32>], vector<16xi32>,
    %mul3A_32 = arith.constant 8 : i32
    %mul3A_33 = arith.muli %mul3A_2, %mul3A_32 : i32
    %add3A_34 = arith.constant 16 : i32
    %add3A_35 = arith.addi %mul3A_33, %add3A_34 : i32
    %add3A_36 = vector.broadcast %add3A_35 : i32 to vector<16xi32>
    %add3A_37 = arith.addi %add3A_36, %iota3A : vector<16xi32>
    %shift_right_logical3A_38 = arith.constant 3 : i32
    %shift_right_logical3A_39 = vector.broadcast %shift_right_logical3A_38 : i32 to vector<16xi32>
    %shift_right_logical3A_40 = arith.shrui %add3A_37, %shift_right_logical3A_39 : vector<16xi32>
    %and3A_41 = arith.constant 7 : i32
    %and3A_42 = vector.broadcast %and3A_41 : i32 to vector<16xi32>
    %and3A_43 = arith.andi %add3A_37, %and3A_42 : vector<16xi32>
    %broadcast_in_dim3A_44 = arith.constant 2 : i32
    %broadcast_in_dim3A_45 = vector.broadcast %broadcast_in_dim3A_44 : i32 to vector<16xi32>
    %shift_right_logical3A_46 = arith.constant 3 : i32
    %shift_right_logical3A_47 = vector.broadcast %shift_right_logical3A_46 : i32 to vector<16xi32>
    %shift_right_logical3A_48 = arith.shrui %iota3A, %shift_right_logical3A_47 : vector<16xi32>
    %add3A_49 = arith.addi %broadcast_in_dim3A_45, %shift_right_logical3A_48 : vector<16xi32>
    %and3A_50 = arith.constant 7 : i32
    %and3A_51 = vector.broadcast %and3A_50 : i32 to vector<16xi32>
    %and3A_52 = arith.andi %iota3A, %and3A_51 : vector<16xi32>
    %mul3A_53 = arith.constant 1024 : i32
    %mul3A_54 = vector.broadcast %mul3A_53 : i32 to vector<16xi32>
    %mul3A_55 = arith.muli %and3A_43, %mul3A_54 : vector<16xi32>
    %add3A_56 = arith.addi %mul3A_55, %shift_right_logical3A_40 : vector<16xi32>
    tpu.vector_store_idx %arg16[%add3A_49, %and3A_52], %add3A_56 : memref<32x8xi32, #tpu.memory_space<vmem>>[vector<16xi32>, vector<16xi32>], vector<16xi32>,
    %add3A_57 = arith.constant 8 : i32
    %add3A_58 = vector.broadcast %add3A_57 : i32 to vector<16xi32>
    %add3A_59 = arith.addi %and3A_43, %add3A_58 : vector<16xi32>
    %mul3A_60 = arith.constant 1024 : i32
    %mul3A_61 = vector.broadcast %mul3A_60 : i32 to vector<16xi32>
    %mul3A_62 = arith.muli %add3A_59, %mul3A_61 : vector<16xi32>
    %add3A_63 = arith.addi %mul3A_62, %shift_right_logical3A_40 : vector<16xi32>
    tpu.vector_store_idx %arg17[%add3A_49, %and3A_52], %add3A_63 : memref<32x8xi32, #tpu.memory_space<vmem>>[vector<16xi32>, vector<16xi32>], vector<16xi32>,
    %mul3A_64 = arith.constant 8 : i32
    %mul3A_65 = arith.muli %mul3A_2, %mul3A_64 : i32
    %add3A_66 = arith.constant 32 : i32
    %add3A_67 = arith.addi %mul3A_65, %add3A_66 : i32
    %add3A_68 = vector.broadcast %add3A_67 : i32 to vector<16xi32>
    %add3A_69 = arith.addi %add3A_68, %iota3A : vector<16xi32>
    %shift_right_logical3A_70 = arith.constant 3 : i32
    %shift_right_logical3A_71 = vector.broadcast %shift_right_logical3A_70 : i32 to vector<16xi32>
    %shift_right_logical3A_72 = arith.shrui %add3A_69, %shift_right_logical3A_71 : vector<16xi32>
    %and3A_73 = arith.constant 7 : i32
    %and3A_74 = vector.broadcast %and3A_73 : i32 to vector<16xi32>
    %and3A_75 = arith.andi %add3A_69, %and3A_74 : vector<16xi32>
    %broadcast_in_dim3A_76 = arith.constant 4 : i32
    %broadcast_in_dim3A_77 = vector.broadcast %broadcast_in_dim3A_76 : i32 to vector<16xi32>
    %shift_right_logical3A_78 = arith.constant 3 : i32
    %shift_right_logical3A_79 = vector.broadcast %shift_right_logical3A_78 : i32 to vector<16xi32>
    %shift_right_logical3A_80 = arith.shrui %iota3A, %shift_right_logical3A_79 : vector<16xi32>
    %add3A_81 = arith.addi %broadcast_in_dim3A_77, %shift_right_logical3A_80 : vector<16xi32>
    %and3A_82 = arith.constant 7 : i32
    %and3A_83 = vector.broadcast %and3A_82 : i32 to vector<16xi32>
    %and3A_84 = arith.andi %iota3A, %and3A_83 : vector<16xi32>
    %mul3A_85 = arith.constant 1024 : i32
    %mul3A_86 = vector.broadcast %mul3A_85 : i32 to vector<16xi32>
    %mul3A_87 = arith.muli %and3A_75, %mul3A_86 : vector<16xi32>
    %add3A_88 = arith.addi %mul3A_87, %shift_right_logical3A_72 : vector<16xi32>
    tpu.vector_store_idx %arg16[%add3A_81, %and3A_84], %add3A_88 : memref<32x8xi32, #tpu.memory_space<vmem>>[vector<16xi32>, vector<16xi32>], vector<16xi32>,
    %add3A_89 = arith.constant 8 : i32
    %add3A_90 = vector.broadcast %add3A_89 : i32 to vector<16xi32>
    %add3A_91 = arith.addi %and3A_75, %add3A_90 : vector<16xi32>
    %mul3A_92 = arith.constant 1024 : i32
    %mul3A_93 = vector.broadcast %mul3A_92 : i32 to vector<16xi32>
    %mul3A_94 = arith.muli %add3A_91, %mul3A_93 : vector<16xi32>
    %add3A_95 = arith.addi %mul3A_94, %shift_right_logical3A_72 : vector<16xi32>
    tpu.vector_store_idx %arg17[%add3A_81, %and3A_84], %add3A_95 : memref<32x8xi32, #tpu.memory_space<vmem>>[vector<16xi32>, vector<16xi32>], vector<16xi32>,
    %mul3A_96 = arith.constant 8 : i32
    %mul3A_97 = arith.muli %mul3A_2, %mul3A_96 : i32
    %add3A_98 = arith.constant 48 : i32
    %add3A_99 = arith.addi %mul3A_97, %add3A_98 : i32
    %add3A_100 = vector.broadcast %add3A_99 : i32 to vector<16xi32>
    %add3A_101 = arith.addi %add3A_100, %iota3A : vector<16xi32>
    %shift_right_logical3A_102 = arith.constant 3 : i32
    %shift_right_logical3A_103 = vector.broadcast %shift_right_logical3A_102 : i32 to vector<16xi32>
    %shift_right_logical3A_104 = arith.shrui %add3A_101, %shift_right_logical3A_103 : vector<16xi32>
    %and3A_105 = arith.constant 7 : i32
    %and3A_106 = vector.broadcast %and3A_105 : i32 to vector<16xi32>
    %and3A_107 = arith.andi %add3A_101, %and3A_106 : vector<16xi32>
    %broadcast_in_dim3A_108 = arith.constant 6 : i32
    %broadcast_in_dim3A_109 = vector.broadcast %broadcast_in_dim3A_108 : i32 to vector<16xi32>
    %shift_right_logical3A_110 = arith.constant 3 : i32
    %shift_right_logical3A_111 = vector.broadcast %shift_right_logical3A_110 : i32 to vector<16xi32>
    %shift_right_logical3A_112 = arith.shrui %iota3A, %shift_right_logical3A_111 : vector<16xi32>
    %add3A_113 = arith.addi %broadcast_in_dim3A_109, %shift_right_logical3A_112 : vector<16xi32>
    %and3A_114 = arith.constant 7 : i32
    %and3A_115 = vector.broadcast %and3A_114 : i32 to vector<16xi32>
    %and3A_116 = arith.andi %iota3A, %and3A_115 : vector<16xi32>
    %mul3A_117 = arith.constant 1024 : i32
    %mul3A_118 = vector.broadcast %mul3A_117 : i32 to vector<16xi32>
    %mul3A_119 = arith.muli %and3A_107, %mul3A_118 : vector<16xi32>
    %add3A_120 = arith.addi %mul3A_119, %shift_right_logical3A_104 : vector<16xi32>
    tpu.vector_store_idx %arg16[%add3A_113, %and3A_116], %add3A_120 : memref<32x8xi32, #tpu.memory_space<vmem>>[vector<16xi32>, vector<16xi32>], vector<16xi32>,
    %add3A_121 = arith.constant 8 : i32
    %add3A_122 = vector.broadcast %add3A_121 : i32 to vector<16xi32>
    %add3A_123 = arith.addi %and3A_107, %add3A_122 : vector<16xi32>
    %mul3A_124 = arith.constant 1024 : i32
    %mul3A_125 = vector.broadcast %mul3A_124 : i32 to vector<16xi32>
    %mul3A_126 = arith.muli %add3A_123, %mul3A_125 : vector<16xi32>
    %add3A_127 = arith.addi %mul3A_126, %shift_right_logical3A_104 : vector<16xi32>
    tpu.vector_store_idx %arg17[%add3A_113, %and3A_116], %add3A_127 : memref<32x8xi32, #tpu.memory_space<vmem>>[vector<16xi32>, vector<16xi32>], vector<16xi32>,
    %mul3A_128 = arith.constant 8 : i32
    %mul3A_129 = arith.muli %mul3A_2, %mul3A_128 : i32
    %add3A_130 = arith.constant 64 : i32
    %add3A_131 = arith.addi %mul3A_129, %add3A_130 : i32
    %add3A_132 = vector.broadcast %add3A_131 : i32 to vector<16xi32>
    %add3A_133 = arith.addi %add3A_132, %iota3A : vector<16xi32>
    %shift_right_logical3A_134 = arith.constant 3 : i32
    %shift_right_logical3A_135 = vector.broadcast %shift_right_logical3A_134 : i32 to vector<16xi32>
    %shift_right_logical3A_136 = arith.shrui %add3A_133, %shift_right_logical3A_135 : vector<16xi32>
    %and3A_137 = arith.constant 7 : i32
    %and3A_138 = vector.broadcast %and3A_137 : i32 to vector<16xi32>
    %and3A_139 = arith.andi %add3A_133, %and3A_138 : vector<16xi32>
    %broadcast_in_dim3A_140 = arith.constant 8 : i32
    %broadcast_in_dim3A_141 = vector.broadcast %broadcast_in_dim3A_140 : i32 to vector<16xi32>
    %shift_right_logical3A_142 = arith.constant 3 : i32
    %shift_right_logical3A_143 = vector.broadcast %shift_right_logical3A_142 : i32 to vector<16xi32>
    %shift_right_logical3A_144 = arith.shrui %iota3A, %shift_right_logical3A_143 : vector<16xi32>
    %add3A_145 = arith.addi %broadcast_in_dim3A_141, %shift_right_logical3A_144 : vector<16xi32>
    %and3A_146 = arith.constant 7 : i32
    %and3A_147 = vector.broadcast %and3A_146 : i32 to vector<16xi32>
    %and3A_148 = arith.andi %iota3A, %and3A_147 : vector<16xi32>
    %mul3A_149 = arith.constant 1024 : i32
    %mul3A_150 = vector.broadcast %mul3A_149 : i32 to vector<16xi32>
    %mul3A_151 = arith.muli %and3A_139, %mul3A_150 : vector<16xi32>
    %add3A_152 = arith.addi %mul3A_151, %shift_right_logical3A_136 : vector<16xi32>
    tpu.vector_store_idx %arg16[%add3A_145, %and3A_148], %add3A_152 : memref<32x8xi32, #tpu.memory_space<vmem>>[vector<16xi32>, vector<16xi32>], vector<16xi32>,
    %add3A_153 = arith.constant 8 : i32
    %add3A_154 = vector.broadcast %add3A_153 : i32 to vector<16xi32>
    %add3A_155 = arith.addi %and3A_139, %add3A_154 : vector<16xi32>
    %mul3A_156 = arith.constant 1024 : i32
    %mul3A_157 = vector.broadcast %mul3A_156 : i32 to vector<16xi32>
    %mul3A_158 = arith.muli %add3A_155, %mul3A_157 : vector<16xi32>
    %add3A_159 = arith.addi %mul3A_158, %shift_right_logical3A_136 : vector<16xi32>
    tpu.vector_store_idx %arg17[%add3A_145, %and3A_148], %add3A_159 : memref<32x8xi32, #tpu.memory_space<vmem>>[vector<16xi32>, vector<16xi32>], vector<16xi32>,
    %mul3A_160 = arith.constant 8 : i32
    %mul3A_161 = arith.muli %mul3A_2, %mul3A_160 : i32
    %add3A_162 = arith.constant 80 : i32
    %add3A_163 = arith.addi %mul3A_161, %add3A_162 : i32
    %add3A_164 = vector.broadcast %add3A_163 : i32 to vector<16xi32>
    %add3A_165 = arith.addi %add3A_164, %iota3A : vector<16xi32>
    %shift_right_logical3A_166 = arith.constant 3 : i32
    %shift_right_logical3A_167 = vector.broadcast %shift_right_logical3A_166 : i32 to vector<16xi32>
    %shift_right_logical3A_168 = arith.shrui %add3A_165, %shift_right_logical3A_167 : vector<16xi32>
    %and3A_169 = arith.constant 7 : i32
    %and3A_170 = vector.broadcast %and3A_169 : i32 to vector<16xi32>
    %and3A_171 = arith.andi %add3A_165, %and3A_170 : vector<16xi32>
    %broadcast_in_dim3A_172 = arith.constant 10 : i32
    %broadcast_in_dim3A_173 = vector.broadcast %broadcast_in_dim3A_172 : i32 to vector<16xi32>
    %shift_right_logical3A_174 = arith.constant 3 : i32
    %shift_right_logical3A_175 = vector.broadcast %shift_right_logical3A_174 : i32 to vector<16xi32>
    %shift_right_logical3A_176 = arith.shrui %iota3A, %shift_right_logical3A_175 : vector<16xi32>
    %add3A_177 = arith.addi %broadcast_in_dim3A_173, %shift_right_logical3A_176 : vector<16xi32>
    %and3A_178 = arith.constant 7 : i32
    %and3A_179 = vector.broadcast %and3A_178 : i32 to vector<16xi32>
    %and3A_180 = arith.andi %iota3A, %and3A_179 : vector<16xi32>
    %mul3A_181 = arith.constant 1024 : i32
    %mul3A_182 = vector.broadcast %mul3A_181 : i32 to vector<16xi32>
    %mul3A_183 = arith.muli %and3A_171, %mul3A_182 : vector<16xi32>
    %add3A_184 = arith.addi %mul3A_183, %shift_right_logical3A_168 : vector<16xi32>
    tpu.vector_store_idx %arg16[%add3A_177, %and3A_180], %add3A_184 : memref<32x8xi32, #tpu.memory_space<vmem>>[vector<16xi32>, vector<16xi32>], vector<16xi32>,
    %add3A_185 = arith.constant 8 : i32
    %add3A_186 = vector.broadcast %add3A_185 : i32 to vector<16xi32>
    %add3A_187 = arith.addi %and3A_171, %add3A_186 : vector<16xi32>
    %mul3A_188 = arith.constant 1024 : i32
    %mul3A_189 = vector.broadcast %mul3A_188 : i32 to vector<16xi32>
    %mul3A_190 = arith.muli %add3A_187, %mul3A_189 : vector<16xi32>
    %add3A_191 = arith.addi %mul3A_190, %shift_right_logical3A_168 : vector<16xi32>
    tpu.vector_store_idx %arg17[%add3A_177, %and3A_180], %add3A_191 : memref<32x8xi32, #tpu.memory_space<vmem>>[vector<16xi32>, vector<16xi32>], vector<16xi32>,
    %mul3A_192 = arith.constant 8 : i32
    %mul3A_193 = arith.muli %mul3A_2, %mul3A_192 : i32
    %add3A_194 = arith.constant 96 : i32
    %add3A_195 = arith.addi %mul3A_193, %add3A_194 : i32
    %add3A_196 = vector.broadcast %add3A_195 : i32 to vector<16xi32>
    %add3A_197 = arith.addi %add3A_196, %iota3A : vector<16xi32>
    %shift_right_logical3A_198 = arith.constant 3 : i32
    %shift_right_logical3A_199 = vector.broadcast %shift_right_logical3A_198 : i32 to vector<16xi32>
    %shift_right_logical3A_200 = arith.shrui %add3A_197, %shift_right_logical3A_199 : vector<16xi32>
    %and3A_201 = arith.constant 7 : i32
    %and3A_202 = vector.broadcast %and3A_201 : i32 to vector<16xi32>
    %and3A_203 = arith.andi %add3A_197, %and3A_202 : vector<16xi32>
    %broadcast_in_dim3A_204 = arith.constant 12 : i32
    %broadcast_in_dim3A_205 = vector.broadcast %broadcast_in_dim3A_204 : i32 to vector<16xi32>
    %shift_right_logical3A_206 = arith.constant 3 : i32
    %shift_right_logical3A_207 = vector.broadcast %shift_right_logical3A_206 : i32 to vector<16xi32>
    %shift_right_logical3A_208 = arith.shrui %iota3A, %shift_right_logical3A_207 : vector<16xi32>
    %add3A_209 = arith.addi %broadcast_in_dim3A_205, %shift_right_logical3A_208 : vector<16xi32>
    %and3A_210 = arith.constant 7 : i32
    %and3A_211 = vector.broadcast %and3A_210 : i32 to vector<16xi32>
    %and3A_212 = arith.andi %iota3A, %and3A_211 : vector<16xi32>
    %mul3A_213 = arith.constant 1024 : i32
    %mul3A_214 = vector.broadcast %mul3A_213 : i32 to vector<16xi32>
    %mul3A_215 = arith.muli %and3A_203, %mul3A_214 : vector<16xi32>
    %add3A_216 = arith.addi %mul3A_215, %shift_right_logical3A_200 : vector<16xi32>
    tpu.vector_store_idx %arg16[%add3A_209, %and3A_212], %add3A_216 : memref<32x8xi32, #tpu.memory_space<vmem>>[vector<16xi32>, vector<16xi32>], vector<16xi32>,
    %add3A_217 = arith.constant 8 : i32
    %add3A_218 = vector.broadcast %add3A_217 : i32 to vector<16xi32>
    %add3A_219 = arith.addi %and3A_203, %add3A_218 : vector<16xi32>
    %mul3A_220 = arith.constant 1024 : i32
    %mul3A_221 = vector.broadcast %mul3A_220 : i32 to vector<16xi32>
    %mul3A_222 = arith.muli %add3A_219, %mul3A_221 : vector<16xi32>
    %add3A_223 = arith.addi %mul3A_222, %shift_right_logical3A_200 : vector<16xi32>
    tpu.vector_store_idx %arg17[%add3A_209, %and3A_212], %add3A_223 : memref<32x8xi32, #tpu.memory_space<vmem>>[vector<16xi32>, vector<16xi32>], vector<16xi32>,
    %mul3A_224 = arith.constant 8 : i32
    %mul3A_225 = arith.muli %mul3A_2, %mul3A_224 : i32
    %add3A_226 = arith.constant 112 : i32
    %add3A_227 = arith.addi %mul3A_225, %add3A_226 : i32
    %add3A_228 = vector.broadcast %add3A_227 : i32 to vector<16xi32>
    %add3A_229 = arith.addi %add3A_228, %iota3A : vector<16xi32>
    %shift_right_logical3A_230 = arith.constant 3 : i32
    %shift_right_logical3A_231 = vector.broadcast %shift_right_logical3A_230 : i32 to vector<16xi32>
    %shift_right_logical3A_232 = arith.shrui %add3A_229, %shift_right_logical3A_231 : vector<16xi32>
    %and3A_233 = arith.constant 7 : i32
    %and3A_234 = vector.broadcast %and3A_233 : i32 to vector<16xi32>
    %and3A_235 = arith.andi %add3A_229, %and3A_234 : vector<16xi32>
    %broadcast_in_dim3A_236 = arith.constant 14 : i32
    %broadcast_in_dim3A_237 = vector.broadcast %broadcast_in_dim3A_236 : i32 to vector<16xi32>
    %shift_right_logical3A_238 = arith.constant 3 : i32
    %shift_right_logical3A_239 = vector.broadcast %shift_right_logical3A_238 : i32 to vector<16xi32>
    %shift_right_logical3A_240 = arith.shrui %iota3A, %shift_right_logical3A_239 : vector<16xi32>
    %add3A_241 = arith.addi %broadcast_in_dim3A_237, %shift_right_logical3A_240 : vector<16xi32>
    %and3A_242 = arith.constant 7 : i32
    %and3A_243 = vector.broadcast %and3A_242 : i32 to vector<16xi32>
    %and3A_244 = arith.andi %iota3A, %and3A_243 : vector<16xi32>
    %mul3A_245 = arith.constant 1024 : i32
    %mul3A_246 = vector.broadcast %mul3A_245 : i32 to vector<16xi32>
    %mul3A_247 = arith.muli %and3A_235, %mul3A_246 : vector<16xi32>
    %add3A_248 = arith.addi %mul3A_247, %shift_right_logical3A_232 : vector<16xi32>
    tpu.vector_store_idx %arg16[%add3A_241, %and3A_244], %add3A_248 : memref<32x8xi32, #tpu.memory_space<vmem>>[vector<16xi32>, vector<16xi32>], vector<16xi32>,
    %add3A_249 = arith.constant 8 : i32
    %add3A_250 = vector.broadcast %add3A_249 : i32 to vector<16xi32>
    %add3A_251 = arith.addi %and3A_235, %add3A_250 : vector<16xi32>
    %mul3A_252 = arith.constant 1024 : i32
    %mul3A_253 = vector.broadcast %mul3A_252 : i32 to vector<16xi32>
    %mul3A_254 = arith.muli %add3A_251, %mul3A_253 : vector<16xi32>
    %add3A_255 = arith.addi %mul3A_254, %shift_right_logical3A_232 : vector<16xi32>
    tpu.vector_store_idx %arg17[%add3A_241, %and3A_244], %add3A_255 : memref<32x8xi32, #tpu.memory_space<vmem>>[vector<16xi32>, vector<16xi32>], vector<16xi32>,
    %mul3A_256 = arith.constant 8 : i32
    %mul3A_257 = arith.muli %mul3A_2, %mul3A_256 : i32
    %add3A_258 = arith.constant 128 : i32
    %add3A_259 = arith.addi %mul3A_257, %add3A_258 : i32
    %add3A_260 = vector.broadcast %add3A_259 : i32 to vector<16xi32>
    %add3A_261 = arith.addi %add3A_260, %iota3A : vector<16xi32>
    %shift_right_logical3A_262 = arith.constant 3 : i32
    %shift_right_logical3A_263 = vector.broadcast %shift_right_logical3A_262 : i32 to vector<16xi32>
    %shift_right_logical3A_264 = arith.shrui %add3A_261, %shift_right_logical3A_263 : vector<16xi32>
    %and3A_265 = arith.constant 7 : i32
    %and3A_266 = vector.broadcast %and3A_265 : i32 to vector<16xi32>
    %and3A_267 = arith.andi %add3A_261, %and3A_266 : vector<16xi32>
    %broadcast_in_dim3A_268 = arith.constant 16 : i32
    %broadcast_in_dim3A_269 = vector.broadcast %broadcast_in_dim3A_268 : i32 to vector<16xi32>
    %shift_right_logical3A_270 = arith.constant 3 : i32
    %shift_right_logical3A_271 = vector.broadcast %shift_right_logical3A_270 : i32 to vector<16xi32>
    %shift_right_logical3A_272 = arith.shrui %iota3A, %shift_right_logical3A_271 : vector<16xi32>
    %add3A_273 = arith.addi %broadcast_in_dim3A_269, %shift_right_logical3A_272 : vector<16xi32>
    %and3A_274 = arith.constant 7 : i32
    %and3A_275 = vector.broadcast %and3A_274 : i32 to vector<16xi32>
    %and3A_276 = arith.andi %iota3A, %and3A_275 : vector<16xi32>
    %mul3A_277 = arith.constant 1024 : i32
    %mul3A_278 = vector.broadcast %mul3A_277 : i32 to vector<16xi32>
    %mul3A_279 = arith.muli %and3A_267, %mul3A_278 : vector<16xi32>
    %add3A_280 = arith.addi %mul3A_279, %shift_right_logical3A_264 : vector<16xi32>
    tpu.vector_store_idx %arg16[%add3A_273, %and3A_276], %add3A_280 : memref<32x8xi32, #tpu.memory_space<vmem>>[vector<16xi32>, vector<16xi32>], vector<16xi32>,
    %add3A_281 = arith.constant 8 : i32
    %add3A_282 = vector.broadcast %add3A_281 : i32 to vector<16xi32>
    %add3A_283 = arith.addi %and3A_267, %add3A_282 : vector<16xi32>
    %mul3A_284 = arith.constant 1024 : i32
    %mul3A_285 = vector.broadcast %mul3A_284 : i32 to vector<16xi32>
    %mul3A_286 = arith.muli %add3A_283, %mul3A_285 : vector<16xi32>
    %add3A_287 = arith.addi %mul3A_286, %shift_right_logical3A_264 : vector<16xi32>
    tpu.vector_store_idx %arg17[%add3A_273, %and3A_276], %add3A_287 : memref<32x8xi32, #tpu.memory_space<vmem>>[vector<16xi32>, vector<16xi32>], vector<16xi32>,
    %mul3A_288 = arith.constant 8 : i32
    %mul3A_289 = arith.muli %mul3A_2, %mul3A_288 : i32
    %add3A_290 = arith.constant 144 : i32
    %add3A_291 = arith.addi %mul3A_289, %add3A_290 : i32
    %add3A_292 = vector.broadcast %add3A_291 : i32 to vector<16xi32>
    %add3A_293 = arith.addi %add3A_292, %iota3A : vector<16xi32>
    %shift_right_logical3A_294 = arith.constant 3 : i32
    %shift_right_logical3A_295 = vector.broadcast %shift_right_logical3A_294 : i32 to vector<16xi32>
    %shift_right_logical3A_296 = arith.shrui %add3A_293, %shift_right_logical3A_295 : vector<16xi32>
    %and3A_297 = arith.constant 7 : i32
    %and3A_298 = vector.broadcast %and3A_297 : i32 to vector<16xi32>
    %and3A_299 = arith.andi %add3A_293, %and3A_298 : vector<16xi32>
    %broadcast_in_dim3A_300 = arith.constant 18 : i32
    %broadcast_in_dim3A_301 = vector.broadcast %broadcast_in_dim3A_300 : i32 to vector<16xi32>
    %shift_right_logical3A_302 = arith.constant 3 : i32
    %shift_right_logical3A_303 = vector.broadcast %shift_right_logical3A_302 : i32 to vector<16xi32>
    %shift_right_logical3A_304 = arith.shrui %iota3A, %shift_right_logical3A_303 : vector<16xi32>
    %add3A_305 = arith.addi %broadcast_in_dim3A_301, %shift_right_logical3A_304 : vector<16xi32>
    %and3A_306 = arith.constant 7 : i32
    %and3A_307 = vector.broadcast %and3A_306 : i32 to vector<16xi32>
    %and3A_308 = arith.andi %iota3A, %and3A_307 : vector<16xi32>
    %mul3A_309 = arith.constant 1024 : i32
    %mul3A_310 = vector.broadcast %mul3A_309 : i32 to vector<16xi32>
    %mul3A_311 = arith.muli %and3A_299, %mul3A_310 : vector<16xi32>
    %add3A_312 = arith.addi %mul3A_311, %shift_right_logical3A_296 : vector<16xi32>
    tpu.vector_store_idx %arg16[%add3A_305, %and3A_308], %add3A_312 : memref<32x8xi32, #tpu.memory_space<vmem>>[vector<16xi32>, vector<16xi32>], vector<16xi32>,
    %add3A_313 = arith.constant 8 : i32
    %add3A_314 = vector.broadcast %add3A_313 : i32 to vector<16xi32>
    %add3A_315 = arith.addi %and3A_299, %add3A_314 : vector<16xi32>
    %mul3A_316 = arith.constant 1024 : i32
    %mul3A_317 = vector.broadcast %mul3A_316 : i32 to vector<16xi32>
    %mul3A_318 = arith.muli %add3A_315, %mul3A_317 : vector<16xi32>
    %add3A_319 = arith.addi %mul3A_318, %shift_right_logical3A_296 : vector<16xi32>
    tpu.vector_store_idx %arg17[%add3A_305, %and3A_308], %add3A_319 : memref<32x8xi32, #tpu.memory_space<vmem>>[vector<16xi32>, vector<16xi32>], vector<16xi32>,
    %mul3A_320 = arith.constant 8 : i32
    %mul3A_321 = arith.muli %mul3A_2, %mul3A_320 : i32
    %add3A_322 = arith.constant 160 : i32
    %add3A_323 = arith.addi %mul3A_321, %add3A_322 : i32
    %add3A_324 = vector.broadcast %add3A_323 : i32 to vector<16xi32>
    %add3A_325 = arith.addi %add3A_324, %iota3A : vector<16xi32>
    %shift_right_logical3A_326 = arith.constant 3 : i32
    %shift_right_logical3A_327 = vector.broadcast %shift_right_logical3A_326 : i32 to vector<16xi32>
    %shift_right_logical3A_328 = arith.shrui %add3A_325, %shift_right_logical3A_327 : vector<16xi32>
    %and3A_329 = arith.constant 7 : i32
    %and3A_330 = vector.broadcast %and3A_329 : i32 to vector<16xi32>
    %and3A_331 = arith.andi %add3A_325, %and3A_330 : vector<16xi32>
    %broadcast_in_dim3A_332 = arith.constant 20 : i32
    %broadcast_in_dim3A_333 = vector.broadcast %broadcast_in_dim3A_332 : i32 to vector<16xi32>
    %shift_right_logical3A_334 = arith.constant 3 : i32
    %shift_right_logical3A_335 = vector.broadcast %shift_right_logical3A_334 : i32 to vector<16xi32>
    %shift_right_logical3A_336 = arith.shrui %iota3A, %shift_right_logical3A_335 : vector<16xi32>
    %add3A_337 = arith.addi %broadcast_in_dim3A_333, %shift_right_logical3A_336 : vector<16xi32>
    %and3A_338 = arith.constant 7 : i32
    %and3A_339 = vector.broadcast %and3A_338 : i32 to vector<16xi32>
    %and3A_340 = arith.andi %iota3A, %and3A_339 : vector<16xi32>
    %mul3A_341 = arith.constant 1024 : i32
    %mul3A_342 = vector.broadcast %mul3A_341 : i32 to vector<16xi32>
    %mul3A_343 = arith.muli %and3A_331, %mul3A_342 : vector<16xi32>
    %add3A_344 = arith.addi %mul3A_343, %shift_right_logical3A_328 : vector<16xi32>
    tpu.vector_store_idx %arg16[%add3A_337, %and3A_340], %add3A_344 : memref<32x8xi32, #tpu.memory_space<vmem>>[vector<16xi32>, vector<16xi32>], vector<16xi32>,
    %add3A_345 = arith.constant 8 : i32
    %add3A_346 = vector.broadcast %add3A_345 : i32 to vector<16xi32>
    %add3A_347 = arith.addi %and3A_331, %add3A_346 : vector<16xi32>
    %mul3A_348 = arith.constant 1024 : i32
    %mul3A_349 = vector.broadcast %mul3A_348 : i32 to vector<16xi32>
    %mul3A_350 = arith.muli %add3A_347, %mul3A_349 : vector<16xi32>
    %add3A_351 = arith.addi %mul3A_350, %shift_right_logical3A_328 : vector<16xi32>
    tpu.vector_store_idx %arg17[%add3A_337, %and3A_340], %add3A_351 : memref<32x8xi32, #tpu.memory_space<vmem>>[vector<16xi32>, vector<16xi32>], vector<16xi32>,
    %mul3A_352 = arith.constant 8 : i32
    %mul3A_353 = arith.muli %mul3A_2, %mul3A_352 : i32
    %add3A_354 = arith.constant 176 : i32
    %add3A_355 = arith.addi %mul3A_353, %add3A_354 : i32
    %add3A_356 = vector.broadcast %add3A_355 : i32 to vector<16xi32>
    %add3A_357 = arith.addi %add3A_356, %iota3A : vector<16xi32>
    %shift_right_logical3A_358 = arith.constant 3 : i32
    %shift_right_logical3A_359 = vector.broadcast %shift_right_logical3A_358 : i32 to vector<16xi32>
    %shift_right_logical3A_360 = arith.shrui %add3A_357, %shift_right_logical3A_359 : vector<16xi32>
    %and3A_361 = arith.constant 7 : i32
    %and3A_362 = vector.broadcast %and3A_361 : i32 to vector<16xi32>
    %and3A_363 = arith.andi %add3A_357, %and3A_362 : vector<16xi32>
    %broadcast_in_dim3A_364 = arith.constant 22 : i32
    %broadcast_in_dim3A_365 = vector.broadcast %broadcast_in_dim3A_364 : i32 to vector<16xi32>
    %shift_right_logical3A_366 = arith.constant 3 : i32
    %shift_right_logical3A_367 = vector.broadcast %shift_right_logical3A_366 : i32 to vector<16xi32>
    %shift_right_logical3A_368 = arith.shrui %iota3A, %shift_right_logical3A_367 : vector<16xi32>
    %add3A_369 = arith.addi %broadcast_in_dim3A_365, %shift_right_logical3A_368 : vector<16xi32>
    %and3A_370 = arith.constant 7 : i32
    %and3A_371 = vector.broadcast %and3A_370 : i32 to vector<16xi32>
    %and3A_372 = arith.andi %iota3A, %and3A_371 : vector<16xi32>
    %mul3A_373 = arith.constant 1024 : i32
    %mul3A_374 = vector.broadcast %mul3A_373 : i32 to vector<16xi32>
    %mul3A_375 = arith.muli %and3A_363, %mul3A_374 : vector<16xi32>
    %add3A_376 = arith.addi %mul3A_375, %shift_right_logical3A_360 : vector<16xi32>
    tpu.vector_store_idx %arg16[%add3A_369, %and3A_372], %add3A_376 : memref<32x8xi32, #tpu.memory_space<vmem>>[vector<16xi32>, vector<16xi32>], vector<16xi32>,
    %add3A_377 = arith.constant 8 : i32
    %add3A_378 = vector.broadcast %add3A_377 : i32 to vector<16xi32>
    %add3A_379 = arith.addi %and3A_363, %add3A_378 : vector<16xi32>
    %mul3A_380 = arith.constant 1024 : i32
    %mul3A_381 = vector.broadcast %mul3A_380 : i32 to vector<16xi32>
    %mul3A_382 = arith.muli %add3A_379, %mul3A_381 : vector<16xi32>
    %add3A_383 = arith.addi %mul3A_382, %shift_right_logical3A_360 : vector<16xi32>
    tpu.vector_store_idx %arg17[%add3A_369, %and3A_372], %add3A_383 : memref<32x8xi32, #tpu.memory_space<vmem>>[vector<16xi32>, vector<16xi32>], vector<16xi32>,
    %mul3A_384 = arith.constant 8 : i32
    %mul3A_385 = arith.muli %mul3A_2, %mul3A_384 : i32
    %add3A_386 = arith.constant 192 : i32
    %add3A_387 = arith.addi %mul3A_385, %add3A_386 : i32
    %add3A_388 = vector.broadcast %add3A_387 : i32 to vector<16xi32>
    %add3A_389 = arith.addi %add3A_388, %iota3A : vector<16xi32>
    %shift_right_logical3A_390 = arith.constant 3 : i32
    %shift_right_logical3A_391 = vector.broadcast %shift_right_logical3A_390 : i32 to vector<16xi32>
    %shift_right_logical3A_392 = arith.shrui %add3A_389, %shift_right_logical3A_391 : vector<16xi32>
    %and3A_393 = arith.constant 7 : i32
    %and3A_394 = vector.broadcast %and3A_393 : i32 to vector<16xi32>
    %and3A_395 = arith.andi %add3A_389, %and3A_394 : vector<16xi32>
    %broadcast_in_dim3A_396 = arith.constant 24 : i32
    %broadcast_in_dim3A_397 = vector.broadcast %broadcast_in_dim3A_396 : i32 to vector<16xi32>
    %shift_right_logical3A_398 = arith.constant 3 : i32
    %shift_right_logical3A_399 = vector.broadcast %shift_right_logical3A_398 : i32 to vector<16xi32>
    %shift_right_logical3A_400 = arith.shrui %iota3A, %shift_right_logical3A_399 : vector<16xi32>
    %add3A_401 = arith.addi %broadcast_in_dim3A_397, %shift_right_logical3A_400 : vector<16xi32>
    %and3A_402 = arith.constant 7 : i32
    %and3A_403 = vector.broadcast %and3A_402 : i32 to vector<16xi32>
    %and3A_404 = arith.andi %iota3A, %and3A_403 : vector<16xi32>
    %mul3A_405 = arith.constant 1024 : i32
    %mul3A_406 = vector.broadcast %mul3A_405 : i32 to vector<16xi32>
    %mul3A_407 = arith.muli %and3A_395, %mul3A_406 : vector<16xi32>
    %add3A_408 = arith.addi %mul3A_407, %shift_right_logical3A_392 : vector<16xi32>
    tpu.vector_store_idx %arg16[%add3A_401, %and3A_404], %add3A_408 : memref<32x8xi32, #tpu.memory_space<vmem>>[vector<16xi32>, vector<16xi32>], vector<16xi32>,
    %add3A_409 = arith.constant 8 : i32
    %add3A_410 = vector.broadcast %add3A_409 : i32 to vector<16xi32>
    %add3A_411 = arith.addi %and3A_395, %add3A_410 : vector<16xi32>
    %mul3A_412 = arith.constant 1024 : i32
    %mul3A_413 = vector.broadcast %mul3A_412 : i32 to vector<16xi32>
    %mul3A_414 = arith.muli %add3A_411, %mul3A_413 : vector<16xi32>
    %add3A_415 = arith.addi %mul3A_414, %shift_right_logical3A_392 : vector<16xi32>
    tpu.vector_store_idx %arg17[%add3A_401, %and3A_404], %add3A_415 : memref<32x8xi32, #tpu.memory_space<vmem>>[vector<16xi32>, vector<16xi32>], vector<16xi32>,
    %mul3A_416 = arith.constant 8 : i32
    %mul3A_417 = arith.muli %mul3A_2, %mul3A_416 : i32
    %add3A_418 = arith.constant 208 : i32
    %add3A_419 = arith.addi %mul3A_417, %add3A_418 : i32
    %add3A_420 = vector.broadcast %add3A_419 : i32 to vector<16xi32>
    %add3A_421 = arith.addi %add3A_420, %iota3A : vector<16xi32>
    %shift_right_logical3A_422 = arith.constant 3 : i32
    %shift_right_logical3A_423 = vector.broadcast %shift_right_logical3A_422 : i32 to vector<16xi32>
    %shift_right_logical3A_424 = arith.shrui %add3A_421, %shift_right_logical3A_423 : vector<16xi32>
    %and3A_425 = arith.constant 7 : i32
    %and3A_426 = vector.broadcast %and3A_425 : i32 to vector<16xi32>
    %and3A_427 = arith.andi %add3A_421, %and3A_426 : vector<16xi32>
    %broadcast_in_dim3A_428 = arith.constant 26 : i32
    %broadcast_in_dim3A_429 = vector.broadcast %broadcast_in_dim3A_428 : i32 to vector<16xi32>
    %shift_right_logical3A_430 = arith.constant 3 : i32
    %shift_right_logical3A_431 = vector.broadcast %shift_right_logical3A_430 : i32 to vector<16xi32>
    %shift_right_logical3A_432 = arith.shrui %iota3A, %shift_right_logical3A_431 : vector<16xi32>
    %add3A_433 = arith.addi %broadcast_in_dim3A_429, %shift_right_logical3A_432 : vector<16xi32>
    %and3A_434 = arith.constant 7 : i32
    %and3A_435 = vector.broadcast %and3A_434 : i32 to vector<16xi32>
    %and3A_436 = arith.andi %iota3A, %and3A_435 : vector<16xi32>
    %mul3A_437 = arith.constant 1024 : i32
    %mul3A_438 = vector.broadcast %mul3A_437 : i32 to vector<16xi32>
    %mul3A_439 = arith.muli %and3A_427, %mul3A_438 : vector<16xi32>
    %add3A_440 = arith.addi %mul3A_439, %shift_right_logical3A_424 : vector<16xi32>
    tpu.vector_store_idx %arg16[%add3A_433, %and3A_436], %add3A_440 : memref<32x8xi32, #tpu.memory_space<vmem>>[vector<16xi32>, vector<16xi32>], vector<16xi32>,
    %add3A_441 = arith.constant 8 : i32
    %add3A_442 = vector.broadcast %add3A_441 : i32 to vector<16xi32>
    %add3A_443 = arith.addi %and3A_427, %add3A_442 : vector<16xi32>
    %mul3A_444 = arith.constant 1024 : i32
    %mul3A_445 = vector.broadcast %mul3A_444 : i32 to vector<16xi32>
    %mul3A_446 = arith.muli %add3A_443, %mul3A_445 : vector<16xi32>
    %add3A_447 = arith.addi %mul3A_446, %shift_right_logical3A_424 : vector<16xi32>
    tpu.vector_store_idx %arg17[%add3A_433, %and3A_436], %add3A_447 : memref<32x8xi32, #tpu.memory_space<vmem>>[vector<16xi32>, vector<16xi32>], vector<16xi32>,
    %mul3A_448 = arith.constant 8 : i32
    %mul3A_449 = arith.muli %mul3A_2, %mul3A_448 : i32
    %add3A_450 = arith.constant 224 : i32
    %add3A_451 = arith.addi %mul3A_449, %add3A_450 : i32
    %add3A_452 = vector.broadcast %add3A_451 : i32 to vector<16xi32>
    %add3A_453 = arith.addi %add3A_452, %iota3A : vector<16xi32>
    %shift_right_logical3A_454 = arith.constant 3 : i32
    %shift_right_logical3A_455 = vector.broadcast %shift_right_logical3A_454 : i32 to vector<16xi32>
    %shift_right_logical3A_456 = arith.shrui %add3A_453, %shift_right_logical3A_455 : vector<16xi32>
    %and3A_457 = arith.constant 7 : i32
    %and3A_458 = vector.broadcast %and3A_457 : i32 to vector<16xi32>
    %and3A_459 = arith.andi %add3A_453, %and3A_458 : vector<16xi32>
    %broadcast_in_dim3A_460 = arith.constant 28 : i32
    %broadcast_in_dim3A_461 = vector.broadcast %broadcast_in_dim3A_460 : i32 to vector<16xi32>
    %shift_right_logical3A_462 = arith.constant 3 : i32
    %shift_right_logical3A_463 = vector.broadcast %shift_right_logical3A_462 : i32 to vector<16xi32>
    %shift_right_logical3A_464 = arith.shrui %iota3A, %shift_right_logical3A_463 : vector<16xi32>
    %add3A_465 = arith.addi %broadcast_in_dim3A_461, %shift_right_logical3A_464 : vector<16xi32>
    %and3A_466 = arith.constant 7 : i32
    %and3A_467 = vector.broadcast %and3A_466 : i32 to vector<16xi32>
    %and3A_468 = arith.andi %iota3A, %and3A_467 : vector<16xi32>
    %mul3A_469 = arith.constant 1024 : i32
    %mul3A_470 = vector.broadcast %mul3A_469 : i32 to vector<16xi32>
    %mul3A_471 = arith.muli %and3A_459, %mul3A_470 : vector<16xi32>
    %add3A_472 = arith.addi %mul3A_471, %shift_right_logical3A_456 : vector<16xi32>
    tpu.vector_store_idx %arg16[%add3A_465, %and3A_468], %add3A_472 : memref<32x8xi32, #tpu.memory_space<vmem>>[vector<16xi32>, vector<16xi32>], vector<16xi32>,
    %add3A_473 = arith.constant 8 : i32
    %add3A_474 = vector.broadcast %add3A_473 : i32 to vector<16xi32>
    %add3A_475 = arith.addi %and3A_459, %add3A_474 : vector<16xi32>
    %mul3A_476 = arith.constant 1024 : i32
    %mul3A_477 = vector.broadcast %mul3A_476 : i32 to vector<16xi32>
    %mul3A_478 = arith.muli %add3A_475, %mul3A_477 : vector<16xi32>
    %add3A_479 = arith.addi %mul3A_478, %shift_right_logical3A_456 : vector<16xi32>
    tpu.vector_store_idx %arg17[%add3A_465, %and3A_468], %add3A_479 : memref<32x8xi32, #tpu.memory_space<vmem>>[vector<16xi32>, vector<16xi32>], vector<16xi32>,
    %mul3A_480 = arith.constant 8 : i32
    %mul3A_481 = arith.muli %mul3A_2, %mul3A_480 : i32
    %add3A_482 = arith.constant 240 : i32
    %add3A_483 = arith.addi %mul3A_481, %add3A_482 : i32
    %add3A_484 = vector.broadcast %add3A_483 : i32 to vector<16xi32>
    %add3A_485 = arith.addi %add3A_484, %iota3A : vector<16xi32>
    %shift_right_logical3A_486 = arith.constant 3 : i32
    %shift_right_logical3A_487 = vector.broadcast %shift_right_logical3A_486 : i32 to vector<16xi32>
    %shift_right_logical3A_488 = arith.shrui %add3A_485, %shift_right_logical3A_487 : vector<16xi32>
    %and3A_489 = arith.constant 7 : i32
    %and3A_490 = vector.broadcast %and3A_489 : i32 to vector<16xi32>
    %and3A_491 = arith.andi %add3A_485, %and3A_490 : vector<16xi32>
    %broadcast_in_dim3A_492 = arith.constant 30 : i32
    %broadcast_in_dim3A_493 = vector.broadcast %broadcast_in_dim3A_492 : i32 to vector<16xi32>
    %shift_right_logical3A_494 = arith.constant 3 : i32
    %shift_right_logical3A_495 = vector.broadcast %shift_right_logical3A_494 : i32 to vector<16xi32>
    %shift_right_logical3A_496 = arith.shrui %iota3A, %shift_right_logical3A_495 : vector<16xi32>
    %add3A_497 = arith.addi %broadcast_in_dim3A_493, %shift_right_logical3A_496 : vector<16xi32>
    %and3A_498 = arith.constant 7 : i32
    %and3A_499 = vector.broadcast %and3A_498 : i32 to vector<16xi32>
    %and3A_500 = arith.andi %iota3A, %and3A_499 : vector<16xi32>
    %mul3A_501 = arith.constant 1024 : i32
    %mul3A_502 = vector.broadcast %mul3A_501 : i32 to vector<16xi32>
    %mul3A_503 = arith.muli %and3A_491, %mul3A_502 : vector<16xi32>
    %add3A_504 = arith.addi %mul3A_503, %shift_right_logical3A_488 : vector<16xi32>
    tpu.vector_store_idx %arg16[%add3A_497, %and3A_500], %add3A_504 : memref<32x8xi32, #tpu.memory_space<vmem>>[vector<16xi32>, vector<16xi32>], vector<16xi32>,
    %add3A_505 = arith.constant 8 : i32
    %add3A_506 = vector.broadcast %add3A_505 : i32 to vector<16xi32>
    %add3A_507 = arith.addi %and3A_491, %add3A_506 : vector<16xi32>
    %mul3A_508 = arith.constant 1024 : i32
    %mul3A_509 = vector.broadcast %mul3A_508 : i32 to vector<16xi32>
    %mul3A_510 = arith.muli %add3A_507, %mul3A_509 : vector<16xi32>
    %add3A_511 = arith.addi %mul3A_510, %shift_right_logical3A_488 : vector<16xi32>
    tpu.vector_store_idx %arg17[%add3A_497, %and3A_500], %add3A_511 : memref<32x8xi32, #tpu.memory_space<vmem>>[vector<16xi32>, vector<16xi32>], vector<16xi32>,
    %scan3A = arith.constant 0 : i32
    %scan3A_512 = arith.constant 0 : i32
    %scan3A_513 = arith.constant 16 : i32
    %scan3A_514 = arith.addi %scan3A_512, %scan3A_513 : i32
    %scan3A_515 = arith.constant 1 : i32
    scf.for %scan3A_746 = %scan3A_512 to %scan3A_514 step %scan3A_515  : i32 {
      %mul3A_747 = arith.constant 2 : i32
      %mul3A_748 = arith.muli %mul3A_747, %scan3A_746 : i32
      %ge3A = arith.constant 2 : i32
      %ge3A_749 = arith.cmpi sge, %mul3A_748, %ge3A : i32
      %convert_element_type3A = arith.extui %ge3A_749 : i1 to i32
      %cond3A = arith.constant 0 : i32
      %cond3A_750 = arith.cmpi ne, %convert_element_type3A, %cond3A : i32
      scf.if %cond3A_750 {
        %dma_wait3A_872 = arith.constant 0 : i32
        %dma_wait3A_873 = arith.constant 0 : i32
        %dma_wait3A_874 = arith.constant 0 : i32
        %dma_wait3A_875 = arith.constant 0 : i32
        %dma_wait3A_876 = arith.constant 0 : i32
        %dma_wait3A_877 = tpu.memref_slice %arg14[%dma_wait3A_872, %dma_wait3A_875, %dma_wait3A_876] : memref<2x8x512xf32, #tpu.memory_space<vmem>> -> memref<1x8x512xf32, #tpu.memory_space<vmem>>
        %dma_wait3A_878 = tpu.memref_squeeze %dma_wait3A_877 : memref<1x8x512xf32, #tpu.memory_space<vmem>> -> memref<8x512xf32, #tpu.memory_space<vmem>>
        %dma_wait3A_879 = arith.constant 0 : i32
        %dma_wait3A_880 = tpu.memref_slice %arg16[%dma_wait3A_873, %dma_wait3A_879] : memref<32x8xi32, #tpu.memory_space<vmem>> -> memref<1x8xi32, #tpu.memory_space<vmem>>
        %dma_wait3A_881 = tpu.memref_squeeze %dma_wait3A_880 : memref<1x8xi32, #tpu.memory_space<vmem>> -> memref<8xi32, #tpu.memory_space<vmem>>
        %dma_wait3A_882 = arith.constant 0 : i32
        %dma_wait3A_883 = arith.constant 0 : i32
        %dma_wait3A_884 = tpu.memref_slice %arg9[%dma_wait3A_882, %dma_wait3A_883] : memref<92160x512xf32, #tpu.memory_space<hbm>> -> memref<92160x512xf32, #tpu.memory_space<hbm>>
        %dma_wait3A_885 = tpu.memref_slice %arg20[%dma_wait3A_874] : memref<2x!tpu.dma_semaphore, #tpu.memory_space<semaphore_mem>> -> memref<1x!tpu.dma_semaphore, #tpu.memory_space<semaphore_mem>>
        %dma_wait3A_886 = tpu.memref_squeeze %dma_wait3A_885 : memref<1x!tpu.dma_semaphore, #tpu.memory_space<semaphore_mem>> -> memref<!tpu.dma_semaphore, #tpu.memory_space<semaphore_mem>>
        tpu.wait_indirect_dma semaphore(%dma_wait3A_886 : memref<!tpu.dma_semaphore, #tpu.memory_space<semaphore_mem>>) src(%dma_wait3A_878 : memref<8x512xf32, #tpu.memory_space<vmem>>) dst(%dma_wait3A_884 : memref<92160x512xf32, #tpu.memory_space<hbm>>)
      } else {
      }
      %mul3A_751 = arith.constant 8 : i32
      %mul3A_752 = arith.muli %mul3A_2, %mul3A_751 : i32
      %mul3A_753 = arith.constant 8 : i32
      %mul3A_754 = arith.muli %mul3A_748, %mul3A_753 : i32
      %add3A_755 = arith.addi %mul3A_752, %mul3A_754 : i32
      %dma_start3A_756 = arith.constant 0 : i32
      %dma_start3A_757 = arith.constant 0 : i32
      %dma_start3A_758 = arith.constant 0 : i32
      %dma_start3A_759 = arith.constant 0 : i32
      %dma_start3A_760 = tpu.memref_slice %arg14[%dma_start3A_756, %dma_start3A_758, %dma_start3A_759] : memref<2x8x512xf32, #tpu.memory_space<vmem>> -> memref<1x8x512xf32, #tpu.memory_space<vmem>>
      %dma_start3A_761 = tpu.memref_squeeze %dma_start3A_760 : memref<1x8x512xf32, #tpu.memory_space<vmem>> -> memref<8x512xf32, #tpu.memory_space<vmem>>
      %dma_start3A_762 = arith.constant 0 : i32
      %dma_start3A_763 = tpu.memref_slice %arg2[%add3A_755, %dma_start3A_762] : memref<8192x512xf32, #tpu.memory_space<hbm>> -> memref<8x512xf32, #tpu.memory_space<hbm>>
      %dma_start3A_764 = tpu.memref_slice %arg21[%dma_start3A_757] : memref<2x!tpu.dma_semaphore, #tpu.memory_space<semaphore_mem>> -> memref<1x!tpu.dma_semaphore, #tpu.memory_space<semaphore_mem>>
      %dma_start3A_765 = tpu.memref_squeeze %dma_start3A_764 : memref<1x!tpu.dma_semaphore, #tpu.memory_space<semaphore_mem>> -> memref<!tpu.dma_semaphore, #tpu.memory_space<semaphore_mem>>
      %dma_start3A_766 = arith.constant 0 : i32
      %dma_start3A_767 = arith.constant 0 : i32
      %dma_start3A_768 = tpu.memref_slice %arg14[%dma_start3A_756, %dma_start3A_766, %dma_start3A_767] : memref<2x8x512xf32, #tpu.memory_space<vmem>> -> memref<1x8x512xf32, #tpu.memory_space<vmem>>
      %dma_start3A_769 = tpu.memref_squeeze %dma_start3A_768 : memref<1x8x512xf32, #tpu.memory_space<vmem>> -> memref<8x512xf32, #tpu.memory_space<vmem>>
      %dma_start3A_770 = arith.constant 0 : i32
      %dma_start3A_771 = tpu.memref_slice %arg2[%add3A_755, %dma_start3A_770] : memref<8192x512xf32, #tpu.memory_space<hbm>> -> memref<8x512xf32, #tpu.memory_space<hbm>>
      tpu.enqueue_dma source(%dma_start3A_771 : memref<8x512xf32, #tpu.memory_space<hbm>>) target(%dma_start3A_769 : memref<8x512xf32, #tpu.memory_space<vmem>>) target_semaphore(%dma_start3A_765 : memref<!tpu.dma_semaphore, #tpu.memory_space<semaphore_mem>>)
      %mul3A_772 = arith.constant 8 : i32
      %mul3A_773 = arith.muli %mul3A_2, %mul3A_772 : i32
      %mul3A_774 = arith.constant 8 : i32
      %mul3A_775 = arith.muli %mul3A_748, %mul3A_774 : i32
      %add3A_776 = arith.addi %mul3A_773, %mul3A_775 : i32
      %dma_wait3A_777 = arith.constant 0 : i32
      %dma_wait3A_778 = arith.constant 0 : i32
      %dma_wait3A_779 = arith.constant 0 : i32
      %dma_wait3A_780 = arith.constant 0 : i32
      %dma_wait3A_781 = tpu.memref_slice %arg14[%dma_wait3A_777, %dma_wait3A_779, %dma_wait3A_780] : memref<2x8x512xf32, #tpu.memory_space<vmem>> -> memref<1x8x512xf32, #tpu.memory_space<vmem>>
      %dma_wait3A_782 = tpu.memref_squeeze %dma_wait3A_781 : memref<1x8x512xf32, #tpu.memory_space<vmem>> -> memref<8x512xf32, #tpu.memory_space<vmem>>
      %dma_wait3A_783 = arith.constant 0 : i32
      %dma_wait3A_784 = tpu.memref_slice %arg2[%add3A_776, %dma_wait3A_783] : memref<8192x512xf32, #tpu.memory_space<hbm>> -> memref<8x512xf32, #tpu.memory_space<hbm>>
      %dma_wait3A_785 = tpu.memref_slice %arg21[%dma_wait3A_778] : memref<2x!tpu.dma_semaphore, #tpu.memory_space<semaphore_mem>> -> memref<1x!tpu.dma_semaphore, #tpu.memory_space<semaphore_mem>>
      %dma_wait3A_786 = tpu.memref_squeeze %dma_wait3A_785 : memref<1x!tpu.dma_semaphore, #tpu.memory_space<semaphore_mem>> -> memref<!tpu.dma_semaphore, #tpu.memory_space<semaphore_mem>>
      %dma_wait3A_787 = arith.constant 0 : i32
      %dma_wait3A_788 = arith.constant 0 : i32
      %dma_wait3A_789 = tpu.memref_slice %arg14[%dma_wait3A_777, %dma_wait3A_787, %dma_wait3A_788] : memref<2x8x512xf32, #tpu.memory_space<vmem>> -> memref<1x8x512xf32, #tpu.memory_space<vmem>>
      %dma_wait3A_790 = tpu.memref_squeeze %dma_wait3A_789 : memref<1x8x512xf32, #tpu.memory_space<vmem>> -> memref<8x512xf32, #tpu.memory_space<vmem>>
      %dma_wait3A_791 = arith.constant 0 : i32
      %dma_wait3A_792 = tpu.memref_slice %arg2[%add3A_776, %dma_wait3A_791] : memref<8192x512xf32, #tpu.memory_space<hbm>> -> memref<8x512xf32, #tpu.memory_space<hbm>>
      tpu.wait_dma2 semaphore(%dma_wait3A_786 : memref<!tpu.dma_semaphore, #tpu.memory_space<semaphore_mem>>) src(%dma_wait3A_792 : memref<8x512xf32, #tpu.memory_space<hbm>>) dst(%dma_wait3A_790 : memref<8x512xf32, #tpu.memory_space<vmem>>)
      %dma_start3A_793 = arith.constant 0 : i32
      %dma_start3A_794 = arith.constant 0 : i32
      %dma_start3A_795 = arith.constant 0 : i32
      %dma_start3A_796 = arith.constant 0 : i32
      %dma_start3A_797 = tpu.memref_slice %arg14[%dma_start3A_793, %dma_start3A_795, %dma_start3A_796] : memref<2x8x512xf32, #tpu.memory_space<vmem>> -> memref<1x8x512xf32, #tpu.memory_space<vmem>>
      %dma_start3A_798 = tpu.memref_squeeze %dma_start3A_797 : memref<1x8x512xf32, #tpu.memory_space<vmem>> -> memref<8x512xf32, #tpu.memory_space<vmem>>
      %dma_start3A_799 = arith.constant 0 : i32
      %dma_start3A_800 = tpu.memref_slice %arg16[%mul3A_748, %dma_start3A_799] : memref<32x8xi32, #tpu.memory_space<vmem>> -> memref<1x8xi32, #tpu.memory_space<vmem>>
      %dma_start3A_801 = tpu.memref_squeeze %dma_start3A_800 : memref<1x8xi32, #tpu.memory_space<vmem>> -> memref<8xi32, #tpu.memory_space<vmem>>
      %dma_start3A_802 = arith.constant 0 : i32
      %dma_start3A_803 = arith.constant 0 : i32
      %dma_start3A_804 = tpu.memref_slice %arg9[%dma_start3A_802, %dma_start3A_803] : memref<92160x512xf32, #tpu.memory_space<hbm>> -> memref<92160x512xf32, #tpu.memory_space<hbm>>
      %dma_start3A_805 = tpu.memref_slice %arg20[%dma_start3A_794] : memref<2x!tpu.dma_semaphore, #tpu.memory_space<semaphore_mem>> -> memref<1x!tpu.dma_semaphore, #tpu.memory_space<semaphore_mem>>
      %dma_start3A_806 = tpu.memref_squeeze %dma_start3A_805 : memref<1x!tpu.dma_semaphore, #tpu.memory_space<semaphore_mem>> -> memref<!tpu.dma_semaphore, #tpu.memory_space<semaphore_mem>>
      tpu.enqueue_indirect_dma source(%dma_start3A_798 : memref<8x512xf32, #tpu.memory_space<vmem>>) target(%dma_start3A_804 : memref<92160x512xf32, #tpu.memory_space<hbm>>) offsets(%dma_start3A_801 : memref<8xi32, #tpu.memory_space<vmem>>) semaphore(%dma_start3A_806 : memref<!tpu.dma_semaphore, #tpu.memory_space<semaphore_mem>>)
      %mul3A_807 = arith.constant 2 : i32
      %mul3A_808 = arith.muli %mul3A_807, %scan3A_746 : i32
      %add3A_809 = arith.constant 1 : i32
      %add3A_810 = arith.addi %mul3A_808, %add3A_809 : i32
      %ge3A_811 = arith.constant 2 : i32
      %ge3A_812 = arith.cmpi sge, %add3A_810, %ge3A_811 : i32
      %convert_element_type3A_813 = arith.extui %ge3A_812 : i1 to i32
      %cond3A_814 = arith.constant 0 : i32
      %cond3A_815 = arith.cmpi ne, %convert_element_type3A_813, %cond3A_814 : i32
      scf.if %cond3A_815 {
        %dma_wait3A_872 = arith.constant 1 : i32
        %dma_wait3A_873 = arith.constant 0 : i32
        %dma_wait3A_874 = arith.constant 1 : i32
        %dma_wait3A_875 = arith.constant 0 : i32
        %dma_wait3A_876 = arith.constant 0 : i32
        %dma_wait3A_877 = tpu.memref_slice %arg14[%dma_wait3A_872, %dma_wait3A_875, %dma_wait3A_876] : memref<2x8x512xf32, #tpu.memory_space<vmem>> -> memref<1x8x512xf32, #tpu.memory_space<vmem>>
        %dma_wait3A_878 = tpu.memref_squeeze %dma_wait3A_877 : memref<1x8x512xf32, #tpu.memory_space<vmem>> -> memref<8x512xf32, #tpu.memory_space<vmem>>
        %dma_wait3A_879 = arith.constant 0 : i32
        %dma_wait3A_880 = tpu.memref_slice %arg16[%dma_wait3A_873, %dma_wait3A_879] : memref<32x8xi32, #tpu.memory_space<vmem>> -> memref<1x8xi32, #tpu.memory_space<vmem>>
        %dma_wait3A_881 = tpu.memref_squeeze %dma_wait3A_880 : memref<1x8xi32, #tpu.memory_space<vmem>> -> memref<8xi32, #tpu.memory_space<vmem>>
        %dma_wait3A_882 = arith.constant 0 : i32
        %dma_wait3A_883 = arith.constant 0 : i32
        %dma_wait3A_884 = tpu.memref_slice %arg9[%dma_wait3A_882, %dma_wait3A_883] : memref<92160x512xf32, #tpu.memory_space<hbm>> -> memref<92160x512xf32, #tpu.memory_space<hbm>>
        %dma_wait3A_885 = tpu.memref_slice %arg20[%dma_wait3A_874] : memref<2x!tpu.dma_semaphore, #tpu.memory_space<semaphore_mem>> -> memref<1x!tpu.dma_semaphore, #tpu.memory_space<semaphore_mem>>
        %dma_wait3A_886 = tpu.memref_squeeze %dma_wait3A_885 : memref<1x!tpu.dma_semaphore, #tpu.memory_space<semaphore_mem>> -> memref<!tpu.dma_semaphore, #tpu.memory_space<semaphore_mem>>
        tpu.wait_indirect_dma semaphore(%dma_wait3A_886 : memref<!tpu.dma_semaphore, #tpu.memory_space<semaphore_mem>>) src(%dma_wait3A_878 : memref<8x512xf32, #tpu.memory_space<vmem>>) dst(%dma_wait3A_884 : memref<92160x512xf32, #tpu.memory_space<hbm>>)
      } else {
      }
      %mul3A_816 = arith.constant 8 : i32
      %mul3A_817 = arith.muli %mul3A_2, %mul3A_816 : i32
      %mul3A_818 = arith.constant 8 : i32
      %mul3A_819 = arith.muli %add3A_810, %mul3A_818 : i32
      %add3A_820 = arith.addi %mul3A_817, %mul3A_819 : i32
      %dma_start3A_821 = arith.constant 1 : i32
      %dma_start3A_822 = arith.constant 1 : i32
      %dma_start3A_823 = arith.constant 0 : i32
      %dma_start3A_824 = arith.constant 0 : i32
      %dma_start3A_825 = tpu.memref_slice %arg14[%dma_start3A_821, %dma_start3A_823, %dma_start3A_824] : memref<2x8x512xf32, #tpu.memory_space<vmem>> -> memref<1x8x512xf32, #tpu.memory_space<vmem>>
      %dma_start3A_826 = tpu.memref_squeeze %dma_start3A_825 : memref<1x8x512xf32, #tpu.memory_space<vmem>> -> memref<8x512xf32, #tpu.memory_space<vmem>>
      %dma_start3A_827 = arith.constant 0 : i32
      %dma_start3A_828 = tpu.memref_slice %arg2[%add3A_820, %dma_start3A_827] : memref<8192x512xf32, #tpu.memory_space<hbm>> -> memref<8x512xf32, #tpu.memory_space<hbm>>
      %dma_start3A_829 = tpu.memref_slice %arg21[%dma_start3A_822] : memref<2x!tpu.dma_semaphore, #tpu.memory_space<semaphore_mem>> -> memref<1x!tpu.dma_semaphore, #tpu.memory_space<semaphore_mem>>
      %dma_start3A_830 = tpu.memref_squeeze %dma_start3A_829 : memref<1x!tpu.dma_semaphore, #tpu.memory_space<semaphore_mem>> -> memref<!tpu.dma_semaphore, #tpu.memory_space<semaphore_mem>>
      %dma_start3A_831 = arith.constant 0 : i32
      %dma_start3A_832 = arith.constant 0 : i32
      %dma_start3A_833 = tpu.memref_slice %arg14[%dma_start3A_821, %dma_start3A_831, %dma_start3A_832] : memref<2x8x512xf32, #tpu.memory_space<vmem>> -> memref<1x8x512xf32, #tpu.memory_space<vmem>>
      %dma_start3A_834 = tpu.memref_squeeze %dma_start3A_833 : memref<1x8x512xf32, #tpu.memory_space<vmem>> -> memref<8x512xf32, #tpu.memory_space<vmem>>
      %dma_start3A_835 = arith.constant 0 : i32
      %dma_start3A_836 = tpu.memref_slice %arg2[%add3A_820, %dma_start3A_835] : memref<8192x512xf32, #tpu.memory_space<hbm>> -> memref<8x512xf32, #tpu.memory_space<hbm>>
      tpu.enqueue_dma source(%dma_start3A_836 : memref<8x512xf32, #tpu.memory_space<hbm>>) target(%dma_start3A_834 : memref<8x512xf32, #tpu.memory_space<vmem>>) target_semaphore(%dma_start3A_830 : memref<!tpu.dma_semaphore, #tpu.memory_space<semaphore_mem>>)
      %mul3A_837 = arith.constant 8 : i32
      %mul3A_838 = arith.muli %mul3A_2, %mul3A_837 : i32
      %mul3A_839 = arith.constant 8 : i32
      %mul3A_840 = arith.muli %add3A_810, %mul3A_839 : i32
      %add3A_841 = arith.addi %mul3A_838, %mul3A_840 : i32
      %dma_wait3A_842 = arith.constant 1 : i32
      %dma_wait3A_843 = arith.constant 1 : i32
      %dma_wait3A_844 = arith.constant 0 : i32
      %dma_wait3A_845 = arith.constant 0 : i32
      %dma_wait3A_846 = tpu.memref_slice %arg14[%dma_wait3A_842, %dma_wait3A_844, %dma_wait3A_845] : memref<2x8x512xf32, #tpu.memory_space<vmem>> -> memref<1x8x512xf32, #tpu.memory_space<vmem>>
      %dma_wait3A_847 = tpu.memref_squeeze %dma_wait3A_846 : memref<1x8x512xf32, #tpu.memory_space<vmem>> -> memref<8x512xf32, #tpu.memory_space<vmem>>
      %dma_wait3A_848 = arith.constant 0 : i32
      %dma_wait3A_849 = tpu.memref_slice %arg2[%add3A_841, %dma_wait3A_848] : memref<8192x512xf32, #tpu.memory_space<hbm>> -> memref<8x512xf32, #tpu.memory_space<hbm>>
      %dma_wait3A_850 = tpu.memref_slice %arg21[%dma_wait3A_843] : memref<2x!tpu.dma_semaphore, #tpu.memory_space<semaphore_mem>> -> memref<1x!tpu.dma_semaphore, #tpu.memory_space<semaphore_mem>>
      %dma_wait3A_851 = tpu.memref_squeeze %dma_wait3A_850 : memref<1x!tpu.dma_semaphore, #tpu.memory_space<semaphore_mem>> -> memref<!tpu.dma_semaphore, #tpu.memory_space<semaphore_mem>>
      %dma_wait3A_852 = arith.constant 0 : i32
      %dma_wait3A_853 = arith.constant 0 : i32
      %dma_wait3A_854 = tpu.memref_slice %arg14[%dma_wait3A_842, %dma_wait3A_852, %dma_wait3A_853] : memref<2x8x512xf32, #tpu.memory_space<vmem>> -> memref<1x8x512xf32, #tpu.memory_space<vmem>>
      %dma_wait3A_855 = tpu.memref_squeeze %dma_wait3A_854 : memref<1x8x512xf32, #tpu.memory_space<vmem>> -> memref<8x512xf32, #tpu.memory_space<vmem>>
      %dma_wait3A_856 = arith.constant 0 : i32
      %dma_wait3A_857 = tpu.memref_slice %arg2[%add3A_841, %dma_wait3A_856] : memref<8192x512xf32, #tpu.memory_space<hbm>> -> memref<8x512xf32, #tpu.memory_space<hbm>>
      tpu.wait_dma2 semaphore(%dma_wait3A_851 : memref<!tpu.dma_semaphore, #tpu.memory_space<semaphore_mem>>) src(%dma_wait3A_857 : memref<8x512xf32, #tpu.memory_space<hbm>>) dst(%dma_wait3A_855 : memref<8x512xf32, #tpu.memory_space<vmem>>)
      %dma_start3A_858 = arith.constant 1 : i32
      %dma_start3A_859 = arith.constant 1 : i32
      %dma_start3A_860 = arith.constant 0 : i32
      %dma_start3A_861 = arith.constant 0 : i32
      %dma_start3A_862 = tpu.memref_slice %arg14[%dma_start3A_858, %dma_start3A_860, %dma_start3A_861] : memref<2x8x512xf32, #tpu.memory_space<vmem>> -> memref<1x8x512xf32, #tpu.memory_space<vmem>>
      %dma_start3A_863 = tpu.memref_squeeze %dma_start3A_862 : memref<1x8x512xf32, #tpu.memory_space<vmem>> -> memref<8x512xf32, #tpu.memory_space<vmem>>
      %dma_start3A_864 = arith.constant 0 : i32
      %dma_start3A_865 = tpu.memref_slice %arg16[%add3A_810, %dma_start3A_864] : memref<32x8xi32, #tpu.memory_space<vmem>> -> memref<1x8xi32, #tpu.memory_space<vmem>>
      %dma_start3A_866 = tpu.memref_squeeze %dma_start3A_865 : memref<1x8xi32, #tpu.memory_space<vmem>> -> memref<8xi32, #tpu.memory_space<vmem>>
      %dma_start3A_867 = arith.constant 0 : i32
      %dma_start3A_868 = arith.constant 0 : i32
      %dma_start3A_869 = tpu.memref_slice %arg9[%dma_start3A_867, %dma_start3A_868] : memref<92160x512xf32, #tpu.memory_space<hbm>> -> memref<92160x512xf32, #tpu.memory_space<hbm>>
      %dma_start3A_870 = tpu.memref_slice %arg20[%dma_start3A_859] : memref<2x!tpu.dma_semaphore, #tpu.memory_space<semaphore_mem>> -> memref<1x!tpu.dma_semaphore, #tpu.memory_space<semaphore_mem>>
      %dma_start3A_871 = tpu.memref_squeeze %dma_start3A_870 : memref<1x!tpu.dma_semaphore, #tpu.memory_space<semaphore_mem>> -> memref<!tpu.dma_semaphore, #tpu.memory_space<semaphore_mem>>
      tpu.enqueue_indirect_dma source(%dma_start3A_863 : memref<8x512xf32, #tpu.memory_space<vmem>>) target(%dma_start3A_869 : memref<92160x512xf32, #tpu.memory_space<hbm>>) offsets(%dma_start3A_866 : memref<8xi32, #tpu.memory_space<vmem>>) semaphore(%dma_start3A_871 : memref<!tpu.dma_semaphore, #tpu.memory_space<semaphore_mem>>)
    }
    %scan3A_516 = arith.constant 16 : i32
    %dma_wait3A = arith.constant 0 : i32
    %dma_wait3A_517 = arith.constant 0 : i32
    %dma_wait3A_518 = arith.constant 0 : i32
    %dma_wait3A_519 = arith.constant 0 : i32
    %dma_wait3A_520 = arith.constant 0 : i32
    %dma_wait3A_521 = tpu.memref_slice %arg14[%dma_wait3A, %dma_wait3A_519, %dma_wait3A_520] : memref<2x8x512xf32, #tpu.memory_space<vmem>> -> memref<1x8x512xf32, #tpu.memory_space<vmem>>
    %dma_wait3A_522 = tpu.memref_squeeze %dma_wait3A_521 : memref<1x8x512xf32, #tpu.memory_space<vmem>> -> memref<8x512xf32, #tpu.memory_space<vmem>>
    %dma_wait3A_523 = arith.constant 0 : i32
    %dma_wait3A_524 = tpu.memref_slice %arg16[%dma_wait3A_517, %dma_wait3A_523] : memref<32x8xi32, #tpu.memory_space<vmem>> -> memref<1x8xi32, #tpu.memory_space<vmem>>
    %dma_wait3A_525 = tpu.memref_squeeze %dma_wait3A_524 : memref<1x8xi32, #tpu.memory_space<vmem>> -> memref<8xi32, #tpu.memory_space<vmem>>
    %dma_wait3A_526 = arith.constant 0 : i32
    %dma_wait3A_527 = arith.constant 0 : i32
    %dma_wait3A_528 = tpu.memref_slice %arg9[%dma_wait3A_526, %dma_wait3A_527] : memref<92160x512xf32, #tpu.memory_space<hbm>> -> memref<92160x512xf32, #tpu.memory_space<hbm>>
    %dma_wait3A_529 = tpu.memref_slice %arg20[%dma_wait3A_518] : memref<2x!tpu.dma_semaphore, #tpu.memory_space<semaphore_mem>> -> memref<1x!tpu.dma_semaphore, #tpu.memory_space<semaphore_mem>>
    %dma_wait3A_530 = tpu.memref_squeeze %dma_wait3A_529 : memref<1x!tpu.dma_semaphore, #tpu.memory_space<semaphore_mem>> -> memref<!tpu.dma_semaphore, #tpu.memory_space<semaphore_mem>>
    tpu.wait_indirect_dma semaphore(%dma_wait3A_530 : memref<!tpu.dma_semaphore, #tpu.memory_space<semaphore_mem>>) src(%dma_wait3A_522 : memref<8x512xf32, #tpu.memory_space<vmem>>) dst(%dma_wait3A_528 : memref<92160x512xf32, #tpu.memory_space<hbm>>)
    %dma_wait3A_531 = arith.constant 1 : i32
    %dma_wait3A_532 = arith.constant 0 : i32
    %dma_wait3A_533 = arith.constant 1 : i32
    %dma_wait3A_534 = arith.constant 0 : i32
    %dma_wait3A_535 = arith.constant 0 : i32
    %dma_wait3A_536 = tpu.memref_slice %arg14[%dma_wait3A_531, %dma_wait3A_534, %dma_wait3A_535] : memref<2x8x512xf32, #tpu.memory_space<vmem>> -> memref<1x8x512xf32, #tpu.memory_space<vmem>>
    %dma_wait3A_537 = tpu.memref_squeeze %dma_wait3A_536 : memref<1x8x512xf32, #tpu.memory_space<vmem>> -> memref<8x512xf32, #tpu.memory_space<vmem>>
    %dma_wait3A_538 = arith.constant 0 : i32
    %dma_wait3A_539 = tpu.memref_slice %arg16[%dma_wait3A_532, %dma_wait3A_538] : memref<32x8xi32, #tpu.memory_space<vmem>> -> memref<1x8xi32, #tpu.memory_space<vmem>>
    %dma_wait3A_540 = tpu.memref_squeeze %dma_wait3A_539 : memref<1x8xi32, #tpu.memory_space<vmem>> -> memref<8xi32, #tpu.memory_space<vmem>>
    %dma_wait3A_541 = arith.constant 0 : i32
    %dma_wait3A_542 = arith.constant 0 : i32
    %dma_wait3A_543 = tpu.memref_slice %arg9[%dma_wait3A_541, %dma_wait3A_542] : memref<92160x512xf32, #tpu.memory_space<hbm>> -> memref<92160x512xf32, #tpu.memory_space<hbm>>
    %dma_wait3A_544 = tpu.memref_slice %arg20[%dma_wait3A_533] : memref<2x!tpu.dma_semaphore, #tpu.memory_space<semaphore_mem>> -> memref<1x!tpu.dma_semaphore, #tpu.memory_space<semaphore_mem>>
    %dma_wait3A_545 = tpu.memref_squeeze %dma_wait3A_544 : memref<1x!tpu.dma_semaphore, #tpu.memory_space<semaphore_mem>> -> memref<!tpu.dma_semaphore, #tpu.memory_space<semaphore_mem>>
    tpu.wait_indirect_dma semaphore(%dma_wait3A_545 : memref<!tpu.dma_semaphore, #tpu.memory_space<semaphore_mem>>) src(%dma_wait3A_537 : memref<8x512xf32, #tpu.memory_space<vmem>>) dst(%dma_wait3A_543 : memref<92160x512xf32, #tpu.memory_space<hbm>>)
    %scan3A_546 = arith.constant 0 : i32
    %scan3A_547 = arith.constant 0 : i32
    %scan3A_548 = arith.constant 16 : i32
    %scan3A_549 = arith.addi %scan3A_547, %scan3A_548 : i32
    %scan3A_550 = arith.constant 1 : i32
    scf.for %scan3A_746 = %scan3A_547 to %scan3A_549 step %scan3A_550  : i32 {
      %mul3A_747 = arith.constant 2 : i32
      %mul3A_748 = arith.muli %mul3A_747, %scan3A_746 : i32
      %ge3A = arith.constant 2 : i32
      %ge3A_749 = arith.cmpi sge, %mul3A_748, %ge3A : i32
      %convert_element_type3A = arith.extui %ge3A_749 : i1 to i32
      %cond3A = arith.constant 0 : i32
      %cond3A_750 = arith.cmpi ne, %convert_element_type3A, %cond3A : i32
      scf.if %cond3A_750 {
        %dma_wait3A_872 = arith.constant 0 : i32
        %dma_wait3A_873 = arith.constant 0 : i32
        %dma_wait3A_874 = arith.constant 0 : i32
        %dma_wait3A_875 = arith.constant 0 : i32
        %dma_wait3A_876 = arith.constant 0 : i32
        %dma_wait3A_877 = tpu.memref_slice %arg14[%dma_wait3A_872, %dma_wait3A_875, %dma_wait3A_876] : memref<2x8x512xf32, #tpu.memory_space<vmem>> -> memref<1x8x512xf32, #tpu.memory_space<vmem>>
        %dma_wait3A_878 = tpu.memref_squeeze %dma_wait3A_877 : memref<1x8x512xf32, #tpu.memory_space<vmem>> -> memref<8x512xf32, #tpu.memory_space<vmem>>
        %dma_wait3A_879 = arith.constant 0 : i32
        %dma_wait3A_880 = tpu.memref_slice %arg17[%dma_wait3A_873, %dma_wait3A_879] : memref<32x8xi32, #tpu.memory_space<vmem>> -> memref<1x8xi32, #tpu.memory_space<vmem>>
        %dma_wait3A_881 = tpu.memref_squeeze %dma_wait3A_880 : memref<1x8xi32, #tpu.memory_space<vmem>> -> memref<8xi32, #tpu.memory_space<vmem>>
        %dma_wait3A_882 = arith.constant 0 : i32
        %dma_wait3A_883 = arith.constant 0 : i32
        %dma_wait3A_884 = tpu.memref_slice %arg9[%dma_wait3A_882, %dma_wait3A_883] : memref<92160x512xf32, #tpu.memory_space<hbm>> -> memref<92160x512xf32, #tpu.memory_space<hbm>>
        %dma_wait3A_885 = tpu.memref_slice %arg20[%dma_wait3A_874] : memref<2x!tpu.dma_semaphore, #tpu.memory_space<semaphore_mem>> -> memref<1x!tpu.dma_semaphore, #tpu.memory_space<semaphore_mem>>
        %dma_wait3A_886 = tpu.memref_squeeze %dma_wait3A_885 : memref<1x!tpu.dma_semaphore, #tpu.memory_space<semaphore_mem>> -> memref<!tpu.dma_semaphore, #tpu.memory_space<semaphore_mem>>
        tpu.wait_indirect_dma semaphore(%dma_wait3A_886 : memref<!tpu.dma_semaphore, #tpu.memory_space<semaphore_mem>>) src(%dma_wait3A_878 : memref<8x512xf32, #tpu.memory_space<vmem>>) dst(%dma_wait3A_884 : memref<92160x512xf32, #tpu.memory_space<hbm>>)
      } else {
      }
      %mul3A_751 = arith.constant 8 : i32
      %mul3A_752 = arith.muli %mul3A_2, %mul3A_751 : i32
      %mul3A_753 = arith.constant 8 : i32
      %mul3A_754 = arith.muli %mul3A_748, %mul3A_753 : i32
      %add3A_755 = arith.addi %mul3A_752, %mul3A_754 : i32
      %dma_start3A_756 = arith.constant 0 : i32
      %dma_start3A_757 = arith.constant 0 : i32
      %dma_start3A_758 = arith.constant 0 : i32
      %dma_start3A_759 = arith.constant 0 : i32
      %dma_start3A_760 = tpu.memref_slice %arg14[%dma_start3A_756, %dma_start3A_758, %dma_start3A_759] : memref<2x8x512xf32, #tpu.memory_space<vmem>> -> memref<1x8x512xf32, #tpu.memory_space<vmem>>
      %dma_start3A_761 = tpu.memref_squeeze %dma_start3A_760 : memref<1x8x512xf32, #tpu.memory_space<vmem>> -> memref<8x512xf32, #tpu.memory_space<vmem>>
      %dma_start3A_762 = arith.constant 0 : i32
      %dma_start3A_763 = tpu.memref_slice %arg3[%add3A_755, %dma_start3A_762] : memref<8192x512xf32, #tpu.memory_space<hbm>> -> memref<8x512xf32, #tpu.memory_space<hbm>>
      %dma_start3A_764 = tpu.memref_slice %arg21[%dma_start3A_757] : memref<2x!tpu.dma_semaphore, #tpu.memory_space<semaphore_mem>> -> memref<1x!tpu.dma_semaphore, #tpu.memory_space<semaphore_mem>>
      %dma_start3A_765 = tpu.memref_squeeze %dma_start3A_764 : memref<1x!tpu.dma_semaphore, #tpu.memory_space<semaphore_mem>> -> memref<!tpu.dma_semaphore, #tpu.memory_space<semaphore_mem>>
      %dma_start3A_766 = arith.constant 0 : i32
      %dma_start3A_767 = arith.constant 0 : i32
      %dma_start3A_768 = tpu.memref_slice %arg14[%dma_start3A_756, %dma_start3A_766, %dma_start3A_767] : memref<2x8x512xf32, #tpu.memory_space<vmem>> -> memref<1x8x512xf32, #tpu.memory_space<vmem>>
      %dma_start3A_769 = tpu.memref_squeeze %dma_start3A_768 : memref<1x8x512xf32, #tpu.memory_space<vmem>> -> memref<8x512xf32, #tpu.memory_space<vmem>>
      %dma_start3A_770 = arith.constant 0 : i32
      %dma_start3A_771 = tpu.memref_slice %arg3[%add3A_755, %dma_start3A_770] : memref<8192x512xf32, #tpu.memory_space<hbm>> -> memref<8x512xf32, #tpu.memory_space<hbm>>
      tpu.enqueue_dma source(%dma_start3A_771 : memref<8x512xf32, #tpu.memory_space<hbm>>) target(%dma_start3A_769 : memref<8x512xf32, #tpu.memory_space<vmem>>) target_semaphore(%dma_start3A_765 : memref<!tpu.dma_semaphore, #tpu.memory_space<semaphore_mem>>)
      %mul3A_772 = arith.constant 8 : i32
      %mul3A_773 = arith.muli %mul3A_2, %mul3A_772 : i32
      %mul3A_774 = arith.constant 8 : i32
      %mul3A_775 = arith.muli %mul3A_748, %mul3A_774 : i32
      %add3A_776 = arith.addi %mul3A_773, %mul3A_775 : i32
      %dma_wait3A_777 = arith.constant 0 : i32
      %dma_wait3A_778 = arith.constant 0 : i32
      %dma_wait3A_779 = arith.constant 0 : i32
      %dma_wait3A_780 = arith.constant 0 : i32
      %dma_wait3A_781 = tpu.memref_slice %arg14[%dma_wait3A_777, %dma_wait3A_779, %dma_wait3A_780] : memref<2x8x512xf32, #tpu.memory_space<vmem>> -> memref<1x8x512xf32, #tpu.memory_space<vmem>>
      %dma_wait3A_782 = tpu.memref_squeeze %dma_wait3A_781 : memref<1x8x512xf32, #tpu.memory_space<vmem>> -> memref<8x512xf32, #tpu.memory_space<vmem>>
      %dma_wait3A_783 = arith.constant 0 : i32
      %dma_wait3A_784 = tpu.memref_slice %arg3[%add3A_776, %dma_wait3A_783] : memref<8192x512xf32, #tpu.memory_space<hbm>> -> memref<8x512xf32, #tpu.memory_space<hbm>>
      %dma_wait3A_785 = tpu.memref_slice %arg21[%dma_wait3A_778] : memref<2x!tpu.dma_semaphore, #tpu.memory_space<semaphore_mem>> -> memref<1x!tpu.dma_semaphore, #tpu.memory_space<semaphore_mem>>
      %dma_wait3A_786 = tpu.memref_squeeze %dma_wait3A_785 : memref<1x!tpu.dma_semaphore, #tpu.memory_space<semaphore_mem>> -> memref<!tpu.dma_semaphore, #tpu.memory_space<semaphore_mem>>
      %dma_wait3A_787 = arith.constant 0 : i32
      %dma_wait3A_788 = arith.constant 0 : i32
      %dma_wait3A_789 = tpu.memref_slice %arg14[%dma_wait3A_777, %dma_wait3A_787, %dma_wait3A_788] : memref<2x8x512xf32, #tpu.memory_space<vmem>> -> memref<1x8x512xf32, #tpu.memory_space<vmem>>
      %dma_wait3A_790 = tpu.memref_squeeze %dma_wait3A_789 : memref<1x8x512xf32, #tpu.memory_space<vmem>> -> memref<8x512xf32, #tpu.memory_space<vmem>>
      %dma_wait3A_791 = arith.constant 0 : i32
      %dma_wait3A_792 = tpu.memref_slice %arg3[%add3A_776, %dma_wait3A_791] : memref<8192x512xf32, #tpu.memory_space<hbm>> -> memref<8x512xf32, #tpu.memory_space<hbm>>
      tpu.wait_dma2 semaphore(%dma_wait3A_786 : memref<!tpu.dma_semaphore, #tpu.memory_space<semaphore_mem>>) src(%dma_wait3A_792 : memref<8x512xf32, #tpu.memory_space<hbm>>) dst(%dma_wait3A_790 : memref<8x512xf32, #tpu.memory_space<vmem>>)
      %dma_start3A_793 = arith.constant 0 : i32
      %dma_start3A_794 = arith.constant 0 : i32
      %dma_start3A_795 = arith.constant 0 : i32
      %dma_start3A_796 = arith.constant 0 : i32
      %dma_start3A_797 = tpu.memref_slice %arg14[%dma_start3A_793, %dma_start3A_795, %dma_start3A_796] : memref<2x8x512xf32, #tpu.memory_space<vmem>> -> memref<1x8x512xf32, #tpu.memory_space<vmem>>
      %dma_start3A_798 = tpu.memref_squeeze %dma_start3A_797 : memref<1x8x512xf32, #tpu.memory_space<vmem>> -> memref<8x512xf32, #tpu.memory_space<vmem>>
      %dma_start3A_799 = arith.constant 0 : i32
      %dma_start3A_800 = tpu.memref_slice %arg17[%mul3A_748, %dma_start3A_799] : memref<32x8xi32, #tpu.memory_space<vmem>> -> memref<1x8xi32, #tpu.memory_space<vmem>>
      %dma_start3A_801 = tpu.memref_squeeze %dma_start3A_800 : memref<1x8xi32, #tpu.memory_space<vmem>> -> memref<8xi32, #tpu.memory_space<vmem>>
      %dma_start3A_802 = arith.constant 0 : i32
      %dma_start3A_803 = arith.constant 0 : i32
      %dma_start3A_804 = tpu.memref_slice %arg9[%dma_start3A_802, %dma_start3A_803] : memref<92160x512xf32, #tpu.memory_space<hbm>> -> memref<92160x512xf32, #tpu.memory_space<hbm>>
      %dma_start3A_805 = tpu.memref_slice %arg20[%dma_start3A_794] : memref<2x!tpu.dma_semaphore, #tpu.memory_space<semaphore_mem>> -> memref<1x!tpu.dma_semaphore, #tpu.memory_space<semaphore_mem>>
      %dma_start3A_806 = tpu.memref_squeeze %dma_start3A_805 : memref<1x!tpu.dma_semaphore, #tpu.memory_space<semaphore_mem>> -> memref<!tpu.dma_semaphore, #tpu.memory_space<semaphore_mem>>
      tpu.enqueue_indirect_dma source(%dma_start3A_798 : memref<8x512xf32, #tpu.memory_space<vmem>>) target(%dma_start3A_804 : memref<92160x512xf32, #tpu.memory_space<hbm>>) offsets(%dma_start3A_801 : memref<8xi32, #tpu.memory_space<vmem>>) semaphore(%dma_start3A_806 : memref<!tpu.dma_semaphore, #tpu.memory_space<semaphore_mem>>)
      %mul3A_807 = arith.constant 2 : i32
      %mul3A_808 = arith.muli %mul3A_807, %scan3A_746 : i32
      %add3A_809 = arith.constant 1 : i32
      %add3A_810 = arith.addi %mul3A_808, %add3A_809 : i32
      %ge3A_811 = arith.constant 2 : i32
      %ge3A_812 = arith.cmpi sge, %add3A_810, %ge3A_811 : i32
      %convert_element_type3A_813 = arith.extui %ge3A_812 : i1 to i32
      %cond3A_814 = arith.constant 0 : i32
      %cond3A_815 = arith.cmpi ne, %convert_element_type3A_813, %cond3A_814 : i32
      scf.if %cond3A_815 {
        %dma_wait3A_872 = arith.constant 1 : i32
        %dma_wait3A_873 = arith.constant 0 : i32
        %dma_wait3A_874 = arith.constant 1 : i32
        %dma_wait3A_875 = arith.constant 0 : i32
        %dma_wait3A_876 = arith.constant 0 : i32
        %dma_wait3A_877 = tpu.memref_slice %arg14[%dma_wait3A_872, %dma_wait3A_875, %dma_wait3A_876] : memref<2x8x512xf32, #tpu.memory_space<vmem>> -> memref<1x8x512xf32, #tpu.memory_space<vmem>>
        %dma_wait3A_878 = tpu.memref_squeeze %dma_wait3A_877 : memref<1x8x512xf32, #tpu.memory_space<vmem>> -> memref<8x512xf32, #tpu.memory_space<vmem>>
        %dma_wait3A_879 = arith.constant 0 : i32
        %dma_wait3A_880 = tpu.memref_slice %arg17[%dma_wait3A_873, %dma_wait3A_879] : memref<32x8xi32, #tpu.memory_space<vmem>> -> memref<1x8xi32, #tpu.memory_space<vmem>>
        %dma_wait3A_881 = tpu.memref_squeeze %dma_wait3A_880 : memref<1x8xi32, #tpu.memory_space<vmem>> -> memref<8xi32, #tpu.memory_space<vmem>>
        %dma_wait3A_882 = arith.constant 0 : i32
        %dma_wait3A_883 = arith.constant 0 : i32
        %dma_wait3A_884 = tpu.memref_slice %arg9[%dma_wait3A_882, %dma_wait3A_883] : memref<92160x512xf32, #tpu.memory_space<hbm>> -> memref<92160x512xf32, #tpu.memory_space<hbm>>
        %dma_wait3A_885 = tpu.memref_slice %arg20[%dma_wait3A_874] : memref<2x!tpu.dma_semaphore, #tpu.memory_space<semaphore_mem>> -> memref<1x!tpu.dma_semaphore, #tpu.memory_space<semaphore_mem>>
        %dma_wait3A_886 = tpu.memref_squeeze %dma_wait3A_885 : memref<1x!tpu.dma_semaphore, #tpu.memory_space<semaphore_mem>> -> memref<!tpu.dma_semaphore, #tpu.memory_space<semaphore_mem>>
        tpu.wait_indirect_dma semaphore(%dma_wait3A_886 : memref<!tpu.dma_semaphore, #tpu.memory_space<semaphore_mem>>) src(%dma_wait3A_878 : memref<8x512xf32, #tpu.memory_space<vmem>>) dst(%dma_wait3A_884 : memref<92160x512xf32, #tpu.memory_space<hbm>>)
      } else {
      }
      %mul3A_816 = arith.constant 8 : i32
      %mul3A_817 = arith.muli %mul3A_2, %mul3A_816 : i32
      %mul3A_818 = arith.constant 8 : i32
      %mul3A_819 = arith.muli %add3A_810, %mul3A_818 : i32
      %add3A_820 = arith.addi %mul3A_817, %mul3A_819 : i32
      %dma_start3A_821 = arith.constant 1 : i32
      %dma_start3A_822 = arith.constant 1 : i32
      %dma_start3A_823 = arith.constant 0 : i32
      %dma_start3A_824 = arith.constant 0 : i32
      %dma_start3A_825 = tpu.memref_slice %arg14[%dma_start3A_821, %dma_start3A_823, %dma_start3A_824] : memref<2x8x512xf32, #tpu.memory_space<vmem>> -> memref<1x8x512xf32, #tpu.memory_space<vmem>>
      %dma_start3A_826 = tpu.memref_squeeze %dma_start3A_825 : memref<1x8x512xf32, #tpu.memory_space<vmem>> -> memref<8x512xf32, #tpu.memory_space<vmem>>
      %dma_start3A_827 = arith.constant 0 : i32
      %dma_start3A_828 = tpu.memref_slice %arg3[%add3A_820, %dma_start3A_827] : memref<8192x512xf32, #tpu.memory_space<hbm>> -> memref<8x512xf32, #tpu.memory_space<hbm>>
      %dma_start3A_829 = tpu.memref_slice %arg21[%dma_start3A_822] : memref<2x!tpu.dma_semaphore, #tpu.memory_space<semaphore_mem>> -> memref<1x!tpu.dma_semaphore, #tpu.memory_space<semaphore_mem>>
      %dma_start3A_830 = tpu.memref_squeeze %dma_start3A_829 : memref<1x!tpu.dma_semaphore, #tpu.memory_space<semaphore_mem>> -> memref<!tpu.dma_semaphore, #tpu.memory_space<semaphore_mem>>
      %dma_start3A_831 = arith.constant 0 : i32
      %dma_start3A_832 = arith.constant 0 : i32
      %dma_start3A_833 = tpu.memref_slice %arg14[%dma_start3A_821, %dma_start3A_831, %dma_start3A_832] : memref<2x8x512xf32, #tpu.memory_space<vmem>> -> memref<1x8x512xf32, #tpu.memory_space<vmem>>
      %dma_start3A_834 = tpu.memref_squeeze %dma_start3A_833 : memref<1x8x512xf32, #tpu.memory_space<vmem>> -> memref<8x512xf32, #tpu.memory_space<vmem>>
      %dma_start3A_835 = arith.constant 0 : i32
      %dma_start3A_836 = tpu.memref_slice %arg3[%add3A_820, %dma_start3A_835] : memref<8192x512xf32, #tpu.memory_space<hbm>> -> memref<8x512xf32, #tpu.memory_space<hbm>>
      tpu.enqueue_dma source(%dma_start3A_836 : memref<8x512xf32, #tpu.memory_space<hbm>>) target(%dma_start3A_834 : memref<8x512xf32, #tpu.memory_space<vmem>>) target_semaphore(%dma_start3A_830 : memref<!tpu.dma_semaphore, #tpu.memory_space<semaphore_mem>>)
      %mul3A_837 = arith.constant 8 : i32
      %mul3A_838 = arith.muli %mul3A_2, %mul3A_837 : i32
      %mul3A_839 = arith.constant 8 : i32
      %mul3A_840 = arith.muli %add3A_810, %mul3A_839 : i32
      %add3A_841 = arith.addi %mul3A_838, %mul3A_840 : i32
      %dma_wait3A_842 = arith.constant 1 : i32
      %dma_wait3A_843 = arith.constant 1 : i32
      %dma_wait3A_844 = arith.constant 0 : i32
      %dma_wait3A_845 = arith.constant 0 : i32
      %dma_wait3A_846 = tpu.memref_slice %arg14[%dma_wait3A_842, %dma_wait3A_844, %dma_wait3A_845] : memref<2x8x512xf32, #tpu.memory_space<vmem>> -> memref<1x8x512xf32, #tpu.memory_space<vmem>>
      %dma_wait3A_847 = tpu.memref_squeeze %dma_wait3A_846 : memref<1x8x512xf32, #tpu.memory_space<vmem>> -> memref<8x512xf32, #tpu.memory_space<vmem>>
      %dma_wait3A_848 = arith.constant 0 : i32
      %dma_wait3A_849 = tpu.memref_slice %arg3[%add3A_841, %dma_wait3A_848] : memref<8192x512xf32, #tpu.memory_space<hbm>> -> memref<8x512xf32, #tpu.memory_space<hbm>>
      %dma_wait3A_850 = tpu.memref_slice %arg21[%dma_wait3A_843] : memref<2x!tpu.dma_semaphore, #tpu.memory_space<semaphore_mem>> -> memref<1x!tpu.dma_semaphore, #tpu.memory_space<semaphore_mem>>
      %dma_wait3A_851 = tpu.memref_squeeze %dma_wait3A_850 : memref<1x!tpu.dma_semaphore, #tpu.memory_space<semaphore_mem>> -> memref<!tpu.dma_semaphore, #tpu.memory_space<semaphore_mem>>
      %dma_wait3A_852 = arith.constant 0 : i32
      %dma_wait3A_853 = arith.constant 0 : i32
      %dma_wait3A_854 = tpu.memref_slice %arg14[%dma_wait3A_842, %dma_wait3A_852, %dma_wait3A_853] : memref<2x8x512xf32, #tpu.memory_space<vmem>> -> memref<1x8x512xf32, #tpu.memory_space<vmem>>
      %dma_wait3A_855 = tpu.memref_squeeze %dma_wait3A_854 : memref<1x8x512xf32, #tpu.memory_space<vmem>> -> memref<8x512xf32, #tpu.memory_space<vmem>>
      %dma_wait3A_856 = arith.constant 0 : i32
      %dma_wait3A_857 = tpu.memref_slice %arg3[%add3A_841, %dma_wait3A_856] : memref<8192x512xf32, #tpu.memory_space<hbm>> -> memref<8x512xf32, #tpu.memory_space<hbm>>
      tpu.wait_dma2 semaphore(%dma_wait3A_851 : memref<!tpu.dma_semaphore, #tpu.memory_space<semaphore_mem>>) src(%dma_wait3A_857 : memref<8x512xf32, #tpu.memory_space<hbm>>) dst(%dma_wait3A_855 : memref<8x512xf32, #tpu.memory_space<vmem>>)
      %dma_start3A_858 = arith.constant 1 : i32
      %dma_start3A_859 = arith.constant 1 : i32
      %dma_start3A_860 = arith.constant 0 : i32
      %dma_start3A_861 = arith.constant 0 : i32
      %dma_start3A_862 = tpu.memref_slice %arg14[%dma_start3A_858, %dma_start3A_860, %dma_start3A_861] : memref<2x8x512xf32, #tpu.memory_space<vmem>> -> memref<1x8x512xf32, #tpu.memory_space<vmem>>
      %dma_start3A_863 = tpu.memref_squeeze %dma_start3A_862 : memref<1x8x512xf32, #tpu.memory_space<vmem>> -> memref<8x512xf32, #tpu.memory_space<vmem>>
      %dma_start3A_864 = arith.constant 0 : i32
      %dma_start3A_865 = tpu.memref_slice %arg17[%add3A_810, %dma_start3A_864] : memref<32x8xi32, #tpu.memory_space<vmem>> -> memref<1x8xi32, #tpu.memory_space<vmem>>
      %dma_start3A_866 = tpu.memref_squeeze %dma_start3A_865 : memref<1x8xi32, #tpu.memory_space<vmem>> -> memref<8xi32, #tpu.memory_space<vmem>>
      %dma_start3A_867 = arith.constant 0 : i32
      %dma_start3A_868 = arith.constant 0 : i32
      %dma_start3A_869 = tpu.memref_slice %arg9[%dma_start3A_867, %dma_start3A_868] : memref<92160x512xf32, #tpu.memory_space<hbm>> -> memref<92160x512xf32, #tpu.memory_space<hbm>>
      %dma_start3A_870 = tpu.memref_slice %arg20[%dma_start3A_859] : memref<2x!tpu.dma_semaphore, #tpu.memory_space<semaphore_mem>> -> memref<1x!tpu.dma_semaphore, #tpu.memory_space<semaphore_mem>>
      %dma_start3A_871 = tpu.memref_squeeze %dma_start3A_870 : memref<1x!tpu.dma_semaphore, #tpu.memory_space<semaphore_mem>> -> memref<!tpu.dma_semaphore, #tpu.memory_space<semaphore_mem>>
      tpu.enqueue_indirect_dma source(%dma_start3A_863 : memref<8x512xf32, #tpu.memory_space<vmem>>) target(%dma_start3A_869 : memref<92160x512xf32, #tpu.memory_space<hbm>>) offsets(%dma_start3A_866 : memref<8xi32, #tpu.memory_space<vmem>>) semaphore(%dma_start3A_871 : memref<!tpu.dma_semaphore, #tpu.memory_space<semaphore_mem>>)
    }
    %scan3A_551 = arith.constant 16 : i32
    %dma_wait3A_552 = arith.constant 0 : i32
    %dma_wait3A_553 = arith.constant 0 : i32
    %dma_wait3A_554 = arith.constant 0 : i32
    %dma_wait3A_555 = arith.constant 0 : i32
    %dma_wait3A_556 = arith.constant 0 : i32
    %dma_wait3A_557 = tpu.memref_slice %arg14[%dma_wait3A_552, %dma_wait3A_555, %dma_wait3A_556] : memref<2x8x512xf32, #tpu.memory_space<vmem>> -> memref<1x8x512xf32, #tpu.memory_space<vmem>>
    %dma_wait3A_558 = tpu.memref_squeeze %dma_wait3A_557 : memref<1x8x512xf32, #tpu.memory_space<vmem>> -> memref<8x512xf32, #tpu.memory_space<vmem>>
    %dma_wait3A_559 = arith.constant 0 : i32
    %dma_wait3A_560 = tpu.memref_slice %arg17[%dma_wait3A_553, %dma_wait3A_559] : memref<32x8xi32, #tpu.memory_space<vmem>> -> memref<1x8xi32, #tpu.memory_space<vmem>>
    %dma_wait3A_561 = tpu.memref_squeeze %dma_wait3A_560 : memref<1x8xi32, #tpu.memory_space<vmem>> -> memref<8xi32, #tpu.memory_space<vmem>>
    %dma_wait3A_562 = arith.constant 0 : i32
    %dma_wait3A_563 = arith.constant 0 : i32
    %dma_wait3A_564 = tpu.memref_slice %arg9[%dma_wait3A_562, %dma_wait3A_563] : memref<92160x512xf32, #tpu.memory_space<hbm>> -> memref<92160x512xf32, #tpu.memory_space<hbm>>
    %dma_wait3A_565 = tpu.memref_slice %arg20[%dma_wait3A_554] : memref<2x!tpu.dma_semaphore, #tpu.memory_space<semaphore_mem>> -> memref<1x!tpu.dma_semaphore, #tpu.memory_space<semaphore_mem>>
    %dma_wait3A_566 = tpu.memref_squeeze %dma_wait3A_565 : memref<1x!tpu.dma_semaphore, #tpu.memory_space<semaphore_mem>> -> memref<!tpu.dma_semaphore, #tpu.memory_space<semaphore_mem>>
    tpu.wait_indirect_dma semaphore(%dma_wait3A_566 : memref<!tpu.dma_semaphore, #tpu.memory_space<semaphore_mem>>) src(%dma_wait3A_558 : memref<8x512xf32, #tpu.memory_space<vmem>>) dst(%dma_wait3A_564 : memref<92160x512xf32, #tpu.memory_space<hbm>>)
    %dma_wait3A_567 = arith.constant 1 : i32
    %dma_wait3A_568 = arith.constant 0 : i32
    %dma_wait3A_569 = arith.constant 1 : i32
    %dma_wait3A_570 = arith.constant 0 : i32
    %dma_wait3A_571 = arith.constant 0 : i32
    %dma_wait3A_572 = tpu.memref_slice %arg14[%dma_wait3A_567, %dma_wait3A_570, %dma_wait3A_571] : memref<2x8x512xf32, #tpu.memory_space<vmem>> -> memref<1x8x512xf32, #tpu.memory_space<vmem>>
    %dma_wait3A_573 = tpu.memref_squeeze %dma_wait3A_572 : memref<1x8x512xf32, #tpu.memory_space<vmem>> -> memref<8x512xf32, #tpu.memory_space<vmem>>
    %dma_wait3A_574 = arith.constant 0 : i32
    %dma_wait3A_575 = tpu.memref_slice %arg17[%dma_wait3A_568, %dma_wait3A_574] : memref<32x8xi32, #tpu.memory_space<vmem>> -> memref<1x8xi32, #tpu.memory_space<vmem>>
    %dma_wait3A_576 = tpu.memref_squeeze %dma_wait3A_575 : memref<1x8xi32, #tpu.memory_space<vmem>> -> memref<8xi32, #tpu.memory_space<vmem>>
    %dma_wait3A_577 = arith.constant 0 : i32
    %dma_wait3A_578 = arith.constant 0 : i32
    %dma_wait3A_579 = tpu.memref_slice %arg9[%dma_wait3A_577, %dma_wait3A_578] : memref<92160x512xf32, #tpu.memory_space<hbm>> -> memref<92160x512xf32, #tpu.memory_space<hbm>>
    %dma_wait3A_580 = tpu.memref_slice %arg20[%dma_wait3A_569] : memref<2x!tpu.dma_semaphore, #tpu.memory_space<semaphore_mem>> -> memref<1x!tpu.dma_semaphore, #tpu.memory_space<semaphore_mem>>
    %dma_wait3A_581 = tpu.memref_squeeze %dma_wait3A_580 : memref<1x!tpu.dma_semaphore, #tpu.memory_space<semaphore_mem>> -> memref<!tpu.dma_semaphore, #tpu.memory_space<semaphore_mem>>
    tpu.wait_indirect_dma semaphore(%dma_wait3A_581 : memref<!tpu.dma_semaphore, #tpu.memory_space<semaphore_mem>>) src(%dma_wait3A_573 : memref<8x512xf32, #tpu.memory_space<vmem>>) dst(%dma_wait3A_579 : memref<92160x512xf32, #tpu.memory_space<hbm>>)
    "tpu.region"() ({
      %run_scoped3A_746 = tpu.sem_alloc : memref<!tpu.dma_semaphore, #tpu.memory_space<semaphore_mem>>
      %dma_start3A_747 = arith.constant 0 : i32
      %dma_start3A_748 = arith.constant 0 : i32
      %dma_start3A_749 = tpu.memref_slice %arg15[%dma_start3A_747, %dma_start3A_748] : memref<10x32xf32, #tpu.memory_space<vmem>> -> memref<8x32xf32, #tpu.memory_space<vmem>>
      %dma_start3A_750 = arith.constant 0 : i32
      %dma_start3A_751 = tpu.memref_slice %arg5[%dma_start3A_750, %mul3A_2] : memref<8x1024xf32, #tpu.memory_space<hbm>> -> memref<8x32xf32, #tpu.memory_space<hbm>>
      %dma_start3A_752 = arith.constant 0 : i32
      %dma_start3A_753 = arith.constant 0 : i32
      %dma_start3A_754 = tpu.memref_slice %arg15[%dma_start3A_752, %dma_start3A_753] : memref<10x32xf32, #tpu.memory_space<vmem>> -> memref<8x32xf32, #tpu.memory_space<vmem>>
      %dma_start3A_755 = arith.constant 0 : i32
      %dma_start3A_756 = tpu.memref_slice %arg5[%dma_start3A_755, %mul3A_2] : memref<8x1024xf32, #tpu.memory_space<hbm>> -> memref<8x32xf32, #tpu.memory_space<hbm>>
      tpu.enqueue_dma source(%dma_start3A_756 : memref<8x32xf32, #tpu.memory_space<hbm>>) target(%dma_start3A_754 : memref<8x32xf32, #tpu.memory_space<vmem>>) target_semaphore(%run_scoped3A_746 : memref<!tpu.dma_semaphore, #tpu.memory_space<semaphore_mem>>)
      %dma_wait3A_757 = arith.constant 0 : i32
      %dma_wait3A_758 = arith.constant 0 : i32
      %dma_wait3A_759 = tpu.memref_slice %arg15[%dma_wait3A_757, %dma_wait3A_758] : memref<10x32xf32, #tpu.memory_space<vmem>> -> memref<8x32xf32, #tpu.memory_space<vmem>>
      %dma_wait3A_760 = arith.constant 0 : i32
      %dma_wait3A_761 = tpu.memref_slice %arg5[%dma_wait3A_760, %mul3A_2] : memref<8x1024xf32, #tpu.memory_space<hbm>> -> memref<8x32xf32, #tpu.memory_space<hbm>>
      %dma_wait3A_762 = arith.constant 0 : i32
      %dma_wait3A_763 = arith.constant 0 : i32
      %dma_wait3A_764 = tpu.memref_slice %arg15[%dma_wait3A_762, %dma_wait3A_763] : memref<10x32xf32, #tpu.memory_space<vmem>> -> memref<8x32xf32, #tpu.memory_space<vmem>>
      %dma_wait3A_765 = arith.constant 0 : i32
      %dma_wait3A_766 = tpu.memref_slice %arg5[%dma_wait3A_765, %mul3A_2] : memref<8x1024xf32, #tpu.memory_space<hbm>> -> memref<8x32xf32, #tpu.memory_space<hbm>>
      tpu.wait_dma2 semaphore(%run_scoped3A_746 : memref<!tpu.dma_semaphore, #tpu.memory_space<semaphore_mem>>) src(%dma_wait3A_766 : memref<8x32xf32, #tpu.memory_space<hbm>>) dst(%dma_wait3A_764 : memref<8x32xf32, #tpu.memory_space<vmem>>)
      tpu.yield
    }) : () -> ()
    %run_scoped3A = arith.constant 8 : i32
    "tpu.region"() ({
      %run_scoped3A_746 = tpu.sem_alloc : memref<!tpu.dma_semaphore, #tpu.memory_space<semaphore_mem>>
      %dma_start3A_747 = arith.constant 0 : i32
      %dma_start3A_748 = tpu.memref_slice %arg15[%run_scoped3A, %dma_start3A_747] : memref<10x32xf32, #tpu.memory_space<vmem>> -> memref<1x32xf32, #tpu.memory_space<vmem>>
      %dma_start3A_749 = tpu.memref_squeeze %dma_start3A_748 : memref<1x32xf32, #tpu.memory_space<vmem>> -> memref<32xf32, #tpu.memory_space<vmem>>
      %dma_start3A_750 = tpu.memref_slice %arg6[%mul3A_2] : memref<1024xf32, #tpu.memory_space<hbm>> -> memref<32xf32, #tpu.memory_space<hbm>>
      %dma_start3A_751 = arith.constant 0 : i32
      %dma_start3A_752 = tpu.memref_slice %arg15[%run_scoped3A, %dma_start3A_751] : memref<10x32xf32, #tpu.memory_space<vmem>> -> memref<1x32xf32, #tpu.memory_space<vmem>>
      %dma_start3A_753 = tpu.memref_squeeze %dma_start3A_752 : memref<1x32xf32, #tpu.memory_space<vmem>> -> memref<32xf32, #tpu.memory_space<vmem>>
      %dma_start3A_754 = tpu.memref_slice %arg6[%mul3A_2] : memref<1024xf32, #tpu.memory_space<hbm>> -> memref<32xf32, #tpu.memory_space<hbm>>
      tpu.enqueue_dma source(%dma_start3A_754 : memref<32xf32, #tpu.memory_space<hbm>>) target(%dma_start3A_753 : memref<32xf32, #tpu.memory_space<vmem>>) target_semaphore(%run_scoped3A_746 : memref<!tpu.dma_semaphore, #tpu.memory_space<semaphore_mem>>)
      %dma_wait3A_755 = arith.constant 0 : i32
      %dma_wait3A_756 = tpu.memref_slice %arg15[%run_scoped3A, %dma_wait3A_755] : memref<10x32xf32, #tpu.memory_space<vmem>> -> memref<1x32xf32, #tpu.memory_space<vmem>>
      %dma_wait3A_757 = tpu.memref_squeeze %dma_wait3A_756 : memref<1x32xf32, #tpu.memory_space<vmem>> -> memref<32xf32, #tpu.memory_space<vmem>>
      %dma_wait3A_758 = tpu.memref_slice %arg6[%mul3A_2] : memref<1024xf32, #tpu.memory_space<hbm>> -> memref<32xf32, #tpu.memory_space<hbm>>
      %dma_wait3A_759 = arith.constant 0 : i32
      %dma_wait3A_760 = tpu.memref_slice %arg15[%run_scoped3A, %dma_wait3A_759] : memref<10x32xf32, #tpu.memory_space<vmem>> -> memref<1x32xf32, #tpu.memory_space<vmem>>
      %dma_wait3A_761 = tpu.memref_squeeze %dma_wait3A_760 : memref<1x32xf32, #tpu.memory_space<vmem>> -> memref<32xf32, #tpu.memory_space<vmem>>
      %dma_wait3A_762 = tpu.memref_slice %arg6[%mul3A_2] : memref<1024xf32, #tpu.memory_space<hbm>> -> memref<32xf32, #tpu.memory_space<hbm>>
      tpu.wait_dma2 semaphore(%run_scoped3A_746 : memref<!tpu.dma_semaphore, #tpu.memory_space<semaphore_mem>>) src(%dma_wait3A_762 : memref<32xf32, #tpu.memory_space<hbm>>) dst(%dma_wait3A_761 : memref<32xf32, #tpu.memory_space<vmem>>)
      tpu.yield
    }) : () -> ()
    %run_scoped3A_582 = arith.constant 9 : i32
    "tpu.region"() ({
      %run_scoped3A_746 = tpu.sem_alloc : memref<!tpu.dma_semaphore, #tpu.memory_space<semaphore_mem>>
      %dma_start3A_747 = arith.constant 0 : i32
      %dma_start3A_748 = tpu.memref_slice %arg15[%run_scoped3A_582, %dma_start3A_747] : memref<10x32xf32, #tpu.memory_space<vmem>> -> memref<1x32xf32, #tpu.memory_space<vmem>>
      %dma_start3A_749 = tpu.memref_squeeze %dma_start3A_748 : memref<1x32xf32, #tpu.memory_space<vmem>> -> memref<32xf32, #tpu.memory_space<vmem>>
      %dma_start3A_750 = tpu.memref_slice %arg7[%mul3A_2] : memref<1024xf32, #tpu.memory_space<hbm>> -> memref<32xf32, #tpu.memory_space<hbm>>
      %dma_start3A_751 = arith.constant 0 : i32
      %dma_start3A_752 = tpu.memref_slice %arg15[%run_scoped3A_582, %dma_start3A_751] : memref<10x32xf32, #tpu.memory_space<vmem>> -> memref<1x32xf32, #tpu.memory_space<vmem>>
      %dma_start3A_753 = tpu.memref_squeeze %dma_start3A_752 : memref<1x32xf32, #tpu.memory_space<vmem>> -> memref<32xf32, #tpu.memory_space<vmem>>
      %dma_start3A_754 = tpu.memref_slice %arg7[%mul3A_2] : memref<1024xf32, #tpu.memory_space<hbm>> -> memref<32xf32, #tpu.memory_space<hbm>>
      tpu.enqueue_dma source(%dma_start3A_754 : memref<32xf32, #tpu.memory_space<hbm>>) target(%dma_start3A_753 : memref<32xf32, #tpu.memory_space<vmem>>) target_semaphore(%run_scoped3A_746 : memref<!tpu.dma_semaphore, #tpu.memory_space<semaphore_mem>>)
      %dma_wait3A_755 = arith.constant 0 : i32
      %dma_wait3A_756 = tpu.memref_slice %arg15[%run_scoped3A_582, %dma_wait3A_755] : memref<10x32xf32, #tpu.memory_space<vmem>> -> memref<1x32xf32, #tpu.memory_space<vmem>>
      %dma_wait3A_757 = tpu.memref_squeeze %dma_wait3A_756 : memref<1x32xf32, #tpu.memory_space<vmem>> -> memref<32xf32, #tpu.memory_space<vmem>>
      %dma_wait3A_758 = tpu.memref_slice %arg7[%mul3A_2] : memref<1024xf32, #tpu.memory_space<hbm>> -> memref<32xf32, #tpu.memory_space<hbm>>
      %dma_wait3A_759 = arith.constant 0 : i32
      %dma_wait3A_760 = tpu.memref_slice %arg15[%run_scoped3A_582, %dma_wait3A_759] : memref<10x32xf32, #tpu.memory_space<vmem>> -> memref<1x32xf32, #tpu.memory_space<vmem>>
      %dma_wait3A_761 = tpu.memref_squeeze %dma_wait3A_760 : memref<1x32xf32, #tpu.memory_space<vmem>> -> memref<32xf32, #tpu.memory_space<vmem>>
      %dma_wait3A_762 = tpu.memref_slice %arg7[%mul3A_2] : memref<1024xf32, #tpu.memory_space<hbm>> -> memref<32xf32, #tpu.memory_space<hbm>>
      tpu.wait_dma2 semaphore(%run_scoped3A_746 : memref<!tpu.dma_semaphore, #tpu.memory_space<semaphore_mem>>) src(%dma_wait3A_762 : memref<32xf32, #tpu.memory_space<hbm>>) dst(%dma_wait3A_761 : memref<32xf32, #tpu.memory_space<vmem>>)
      tpu.yield
    }) : () -> ()
    %scan3A_583 = arith.constant 0 : i32
    %scan3A_584 = arith.constant 0 : i32
    %scan3A_585 = arith.constant 40 : i32
    %scan3A_586 = arith.addi %scan3A_584, %scan3A_585 : i32
    %scan3A_587 = arith.constant 1 : i32
    scf.for %scan3A_746 = %scan3A_584 to %scan3A_586 step %scan3A_587  : i32 {
      %mul3A_747 = arith.constant 2 : i32
      %mul3A_748 = arith.muli %mul3A_747, %scan3A_746 : i32
      %div3A = arith.constant 8 : i32
      %div3A_749 = arith.divsi %mul3A_748, %div3A : i32
      %rem3A = arith.constant 8 : i32
      %rem3A_750 = arith.remsi %mul3A_748, %rem3A : i32
      %ge3A = arith.constant 2 : i32
      %ge3A_751 = arith.cmpi sge, %mul3A_748, %ge3A : i32
      %convert_element_type3A = arith.extui %ge3A_751 : i1 to i32
      %cond3A = arith.constant 0 : i32
      %cond3A_752 = arith.cmpi ne, %convert_element_type3A, %cond3A : i32
      scf.if %cond3A_752 {
        %dma_wait3A_826 = arith.constant 0 : i32
        %dma_wait3A_827 = arith.constant 0 : i32
        %dma_wait3A_828 = arith.constant 0 : i32
        %dma_wait3A_829 = arith.constant 0 : i32
        %dma_wait3A_830 = tpu.memref_slice %arg13[%dma_wait3A_826, %dma_wait3A_828, %dma_wait3A_829] : memref<2x4x512xf32, #tpu.memory_space<vmem>> -> memref<1x4x512xf32, #tpu.memory_space<vmem>>
        %dma_wait3A_831 = tpu.memref_squeeze %dma_wait3A_830 : memref<1x4x512xf32, #tpu.memory_space<vmem>> -> memref<4x512xf32, #tpu.memory_space<vmem>>
        %dma_wait3A_832 = arith.constant 0 : i32
        %dma_wait3A_833 = arith.constant 0 : i32
        %dma_wait3A_834 = tpu.memref_slice %arg9[%dma_wait3A_832, %dma_wait3A_833] : memref<92160x512xf32, #tpu.memory_space<hbm>> -> memref<4x512xf32, #tpu.memory_space<hbm>>
        %dma_wait3A_835 = tpu.memref_slice %arg22[%dma_wait3A_827] : memref<2x!tpu.dma_semaphore, #tpu.memory_space<semaphore_mem>> -> memref<1x!tpu.dma_semaphore, #tpu.memory_space<semaphore_mem>>
        %dma_wait3A_836 = tpu.memref_squeeze %dma_wait3A_835 : memref<1x!tpu.dma_semaphore, #tpu.memory_space<semaphore_mem>> -> memref<!tpu.dma_semaphore, #tpu.memory_space<semaphore_mem>>
        %dma_wait3A_837 = arith.constant 0 : i32
        %dma_wait3A_838 = arith.constant 0 : i32
        %dma_wait3A_839 = tpu.memref_slice %arg9[%dma_wait3A_837, %dma_wait3A_838] : memref<92160x512xf32, #tpu.memory_space<hbm>> -> memref<4x512xf32, #tpu.memory_space<hbm>>
        %dma_wait3A_840 = arith.constant 0 : i32
        %dma_wait3A_841 = arith.constant 0 : i32
        %dma_wait3A_842 = tpu.memref_slice %arg13[%dma_wait3A_826, %dma_wait3A_840, %dma_wait3A_841] : memref<2x4x512xf32, #tpu.memory_space<vmem>> -> memref<1x4x512xf32, #tpu.memory_space<vmem>>
        %dma_wait3A_843 = tpu.memref_squeeze %dma_wait3A_842 : memref<1x4x512xf32, #tpu.memory_space<vmem>> -> memref<4x512xf32, #tpu.memory_space<vmem>>
        tpu.wait_dma2 semaphore(%dma_wait3A_836 : memref<!tpu.dma_semaphore, #tpu.memory_space<semaphore_mem>>) src(%dma_wait3A_843 : memref<4x512xf32, #tpu.memory_space<vmem>>) dst(%dma_wait3A_839 : memref<4x512xf32, #tpu.memory_space<hbm>>)
      } else {
      }
      %scan3A_753 = arith.constant 0 : i32
      %scan3A_754 = arith.constant 0 : i32
      %scan3A_755 = arith.constant 4 : i32
      %scan3A_756 = arith.addi %scan3A_754, %scan3A_755 : i32
      %scan3A_757 = arith.constant 1 : i32
      scf.for %scan3A_826 = %scan3A_754 to %scan3A_756 step %scan3A_757  : i32 {
        %broadcast_in_dim3A_827 = vector.broadcast %div3A_749 : i32 to vector<16xi32>
        %mul3A_828 = arith.constant 4 : i32
        %mul3A_829 = arith.muli %rem3A_750, %mul3A_828 : i32
        %add3A_830 = arith.addi %mul3A_829, %scan3A_826 : i32
        %broadcast_in_dim3A_831 = vector.broadcast %add3A_830 : i32 to vector<16xi32>
        %gather3A = tpu.vector_load_idx %arg15[%broadcast_in_dim3A_827, %broadcast_in_dim3A_831] : memref<10x32xf32, #tpu.memory_space<vmem>>[vector<16xi32>, vector<16xi32>], vector<16xf32>,
        %swap3A = arith.constant 0 : i32
        %swap3A_832 = arith.index_cast %swap3A : i32 to index
        %swap3A_833 = arith.index_cast %scan3A_826 : i32 to index
        %swap3A_834 = arith.constant 0 : index
        %swap3A_835 = tpu.vector_load %arg13[%swap3A_832, %swap3A_833, %swap3A_834] {strides = array<i32>} : memref<2x4x512xf32, #tpu.memory_space<vmem>>, vector<16xf32>,
        tpu.vector_store %arg13[%swap3A_832, %swap3A_833, %swap3A_834], %gather3A {strides = array<i32>} : memref<2x4x512xf32, #tpu.memory_space<vmem>>, vector<16xf32>,
        %swap3A_836 = arith.constant 0 : i32
        %swap3A_837 = arith.index_cast %swap3A_836 : i32 to index
        %swap3A_838 = arith.index_cast %scan3A_826 : i32 to index
        %swap3A_839 = arith.constant 16 : index
        %swap3A_840 = tpu.vector_load %arg13[%swap3A_837, %swap3A_838, %swap3A_839] {strides = array<i32>} : memref<2x4x512xf32, #tpu.memory_space<vmem>>, vector<16xf32>,
        tpu.vector_store %arg13[%swap3A_837, %swap3A_838, %swap3A_839], %gather3A {strides = array<i32>} : memref<2x4x512xf32, #tpu.memory_space<vmem>>, vector<16xf32>,
        %swap3A_841 = arith.constant 0 : i32
        %swap3A_842 = arith.index_cast %swap3A_841 : i32 to index
        %swap3A_843 = arith.index_cast %scan3A_826 : i32 to index
        %swap3A_844 = arith.constant 32 : index
        %swap3A_845 = tpu.vector_load %arg13[%swap3A_842, %swap3A_843, %swap3A_844] {strides = array<i32>} : memref<2x4x512xf32, #tpu.memory_space<vmem>>, vector<16xf32>,
        tpu.vector_store %arg13[%swap3A_842, %swap3A_843, %swap3A_844], %gather3A {strides = array<i32>} : memref<2x4x512xf32, #tpu.memory_space<vmem>>, vector<16xf32>,
        %swap3A_846 = arith.constant 0 : i32
        %swap3A_847 = arith.index_cast %swap3A_846 : i32 to index
        %swap3A_848 = arith.index_cast %scan3A_826 : i32 to index
        %swap3A_849 = arith.constant 48 : index
        %swap3A_850 = tpu.vector_load %arg13[%swap3A_847, %swap3A_848, %swap3A_849] {strides = array<i32>} : memref<2x4x512xf32, #tpu.memory_space<vmem>>, vector<16xf32>,
        tpu.vector_store %arg13[%swap3A_847, %swap3A_848, %swap3A_849], %gather3A {strides = array<i32>} : memref<2x4x512xf32, #tpu.memory_space<vmem>>, vector<16xf32>,
        %swap3A_851 = arith.constant 0 : i32
        %swap3A_852 = arith.index_cast %swap3A_851 : i32 to index
        %swap3A_853 = arith.index_cast %scan3A_826 : i32 to index
        %swap3A_854 = arith.constant 64 : index
        %swap3A_855 = tpu.vector_load %arg13[%swap3A_852, %swap3A_853, %swap3A_854] {strides = array<i32>} : memref<2x4x512xf32, #tpu.memory_space<vmem>>, vector<16xf32>,
        tpu.vector_store %arg13[%swap3A_852, %swap3A_853, %swap3A_854], %gather3A {strides = array<i32>} : memref<2x4x512xf32, #tpu.memory_space<vmem>>, vector<16xf32>,
        %swap3A_856 = arith.constant 0 : i32
        %swap3A_857 = arith.index_cast %swap3A_856 : i32 to index
        %swap3A_858 = arith.index_cast %scan3A_826 : i32 to index
        %swap3A_859 = arith.constant 80 : index
        %swap3A_860 = tpu.vector_load %arg13[%swap3A_857, %swap3A_858, %swap3A_859] {strides = array<i32>} : memref<2x4x512xf32, #tpu.memory_space<vmem>>, vector<16xf32>,
        tpu.vector_store %arg13[%swap3A_857, %swap3A_858, %swap3A_859], %gather3A {strides = array<i32>} : memref<2x4x512xf32, #tpu.memory_space<vmem>>, vector<16xf32>,
        %swap3A_861 = arith.constant 0 : i32
        %swap3A_862 = arith.index_cast %swap3A_861 : i32 to index
        %swap3A_863 = arith.index_cast %scan3A_826 : i32 to index
        %swap3A_864 = arith.constant 96 : index
        %swap3A_865 = tpu.vector_load %arg13[%swap3A_862, %swap3A_863, %swap3A_864] {strides = array<i32>} : memref<2x4x512xf32, #tpu.memory_space<vmem>>, vector<16xf32>,
        tpu.vector_store %arg13[%swap3A_862, %swap3A_863, %swap3A_864], %gather3A {strides = array<i32>} : memref<2x4x512xf32, #tpu.memory_space<vmem>>, vector<16xf32>,
        %swap3A_866 = arith.constant 0 : i32
        %swap3A_867 = arith.index_cast %swap3A_866 : i32 to index
        %swap3A_868 = arith.index_cast %scan3A_826 : i32 to index
        %swap3A_869 = arith.constant 112 : index
        %swap3A_870 = tpu.vector_load %arg13[%swap3A_867, %swap3A_868, %swap3A_869] {strides = array<i32>} : memref<2x4x512xf32, #tpu.memory_space<vmem>>, vector<16xf32>,
        tpu.vector_store %arg13[%swap3A_867, %swap3A_868, %swap3A_869], %gather3A {strides = array<i32>} : memref<2x4x512xf32, #tpu.memory_space<vmem>>, vector<16xf32>,
        %swap3A_871 = arith.constant 0 : i32
        %swap3A_872 = arith.index_cast %swap3A_871 : i32 to index
        %swap3A_873 = arith.index_cast %scan3A_826 : i32 to index
        %swap3A_874 = arith.constant 128 : index
        %swap3A_875 = tpu.vector_load %arg13[%swap3A_872, %swap3A_873, %swap3A_874] {strides = array<i32>} : memref<2x4x512xf32, #tpu.memory_space<vmem>>, vector<16xf32>,
        tpu.vector_store %arg13[%swap3A_872, %swap3A_873, %swap3A_874], %gather3A {strides = array<i32>} : memref<2x4x512xf32, #tpu.memory_space<vmem>>, vector<16xf32>,
        %swap3A_876 = arith.constant 0 : i32
        %swap3A_877 = arith.index_cast %swap3A_876 : i32 to index
        %swap3A_878 = arith.index_cast %scan3A_826 : i32 to index
        %swap3A_879 = arith.constant 144 : index
        %swap3A_880 = tpu.vector_load %arg13[%swap3A_877, %swap3A_878, %swap3A_879] {strides = array<i32>} : memref<2x4x512xf32, #tpu.memory_space<vmem>>, vector<16xf32>,
        tpu.vector_store %arg13[%swap3A_877, %swap3A_878, %swap3A_879], %gather3A {strides = array<i32>} : memref<2x4x512xf32, #tpu.memory_space<vmem>>, vector<16xf32>,
        %swap3A_881 = arith.constant 0 : i32
        %swap3A_882 = arith.index_cast %swap3A_881 : i32 to index
        %swap3A_883 = arith.index_cast %scan3A_826 : i32 to index
        %swap3A_884 = arith.constant 160 : index
        %swap3A_885 = tpu.vector_load %arg13[%swap3A_882, %swap3A_883, %swap3A_884] {strides = array<i32>} : memref<2x4x512xf32, #tpu.memory_space<vmem>>, vector<16xf32>,
        tpu.vector_store %arg13[%swap3A_882, %swap3A_883, %swap3A_884], %gather3A {strides = array<i32>} : memref<2x4x512xf32, #tpu.memory_space<vmem>>, vector<16xf32>,
        %swap3A_886 = arith.constant 0 : i32
        %swap3A_887 = arith.index_cast %swap3A_886 : i32 to index
        %swap3A_888 = arith.index_cast %scan3A_826 : i32 to index
        %swap3A_889 = arith.constant 176 : index
        %swap3A_890 = tpu.vector_load %arg13[%swap3A_887, %swap3A_888, %swap3A_889] {strides = array<i32>} : memref<2x4x512xf32, #tpu.memory_space<vmem>>, vector<16xf32>,
        tpu.vector_store %arg13[%swap3A_887, %swap3A_888, %swap3A_889], %gather3A {strides = array<i32>} : memref<2x4x512xf32, #tpu.memory_space<vmem>>, vector<16xf32>,
        %swap3A_891 = arith.constant 0 : i32
        %swap3A_892 = arith.index_cast %swap3A_891 : i32 to index
        %swap3A_893 = arith.index_cast %scan3A_826 : i32 to index
        %swap3A_894 = arith.constant 192 : index
        %swap3A_895 = tpu.vector_load %arg13[%swap3A_892, %swap3A_893, %swap3A_894] {strides = array<i32>} : memref<2x4x512xf32, #tpu.memory_space<vmem>>, vector<16xf32>,
        tpu.vector_store %arg13[%swap3A_892, %swap3A_893, %swap3A_894], %gather3A {strides = array<i32>} : memref<2x4x512xf32, #tpu.memory_space<vmem>>, vector<16xf32>,
        %swap3A_896 = arith.constant 0 : i32
        %swap3A_897 = arith.index_cast %swap3A_896 : i32 to index
        %swap3A_898 = arith.index_cast %scan3A_826 : i32 to index
        %swap3A_899 = arith.constant 208 : index
        %swap3A_900 = tpu.vector_load %arg13[%swap3A_897, %swap3A_898, %swap3A_899] {strides = array<i32>} : memref<2x4x512xf32, #tpu.memory_space<vmem>>, vector<16xf32>,
        tpu.vector_store %arg13[%swap3A_897, %swap3A_898, %swap3A_899], %gather3A {strides = array<i32>} : memref<2x4x512xf32, #tpu.memory_space<vmem>>, vector<16xf32>,
        %swap3A_901 = arith.constant 0 : i32
        %swap3A_902 = arith.index_cast %swap3A_901 : i32 to index
        %swap3A_903 = arith.index_cast %scan3A_826 : i32 to index
        %swap3A_904 = arith.constant 224 : index
        %swap3A_905 = tpu.vector_load %arg13[%swap3A_902, %swap3A_903, %swap3A_904] {strides = array<i32>} : memref<2x4x512xf32, #tpu.memory_space<vmem>>, vector<16xf32>,
        tpu.vector_store %arg13[%swap3A_902, %swap3A_903, %swap3A_904], %gather3A {strides = array<i32>} : memref<2x4x512xf32, #tpu.memory_space<vmem>>, vector<16xf32>,
        %swap3A_906 = arith.constant 0 : i32
        %swap3A_907 = arith.index_cast %swap3A_906 : i32 to index
        %swap3A_908 = arith.index_cast %scan3A_826 : i32 to index
        %swap3A_909 = arith.constant 240 : index
        %swap3A_910 = tpu.vector_load %arg13[%swap3A_907, %swap3A_908, %swap3A_909] {strides = array<i32>} : memref<2x4x512xf32, #tpu.memory_space<vmem>>, vector<16xf32>,
        tpu.vector_store %arg13[%swap3A_907, %swap3A_908, %swap3A_909], %gather3A {strides = array<i32>} : memref<2x4x512xf32, #tpu.memory_space<vmem>>, vector<16xf32>,
        %swap3A_911 = arith.constant 0 : i32
        %swap3A_912 = arith.index_cast %swap3A_911 : i32 to index
        %swap3A_913 = arith.index_cast %scan3A_826 : i32 to index
        %swap3A_914 = arith.constant 256 : index
        %swap3A_915 = tpu.vector_load %arg13[%swap3A_912, %swap3A_913, %swap3A_914] {strides = array<i32>} : memref<2x4x512xf32, #tpu.memory_space<vmem>>, vector<16xf32>,
        tpu.vector_store %arg13[%swap3A_912, %swap3A_913, %swap3A_914], %gather3A {strides = array<i32>} : memref<2x4x512xf32, #tpu.memory_space<vmem>>, vector<16xf32>,
        %swap3A_916 = arith.constant 0 : i32
        %swap3A_917 = arith.index_cast %swap3A_916 : i32 to index
        %swap3A_918 = arith.index_cast %scan3A_826 : i32 to index
        %swap3A_919 = arith.constant 272 : index
        %swap3A_920 = tpu.vector_load %arg13[%swap3A_917, %swap3A_918, %swap3A_919] {strides = array<i32>} : memref<2x4x512xf32, #tpu.memory_space<vmem>>, vector<16xf32>,
        tpu.vector_store %arg13[%swap3A_917, %swap3A_918, %swap3A_919], %gather3A {strides = array<i32>} : memref<2x4x512xf32, #tpu.memory_space<vmem>>, vector<16xf32>,
        %swap3A_921 = arith.constant 0 : i32
        %swap3A_922 = arith.index_cast %swap3A_921 : i32 to index
        %swap3A_923 = arith.index_cast %scan3A_826 : i32 to index
        %swap3A_924 = arith.constant 288 : index
        %swap3A_925 = tpu.vector_load %arg13[%swap3A_922, %swap3A_923, %swap3A_924] {strides = array<i32>} : memref<2x4x512xf32, #tpu.memory_space<vmem>>, vector<16xf32>,
        tpu.vector_store %arg13[%swap3A_922, %swap3A_923, %swap3A_924], %gather3A {strides = array<i32>} : memref<2x4x512xf32, #tpu.memory_space<vmem>>, vector<16xf32>,
        %swap3A_926 = arith.constant 0 : i32
        %swap3A_927 = arith.index_cast %swap3A_926 : i32 to index
        %swap3A_928 = arith.index_cast %scan3A_826 : i32 to index
        %swap3A_929 = arith.constant 304 : index
        %swap3A_930 = tpu.vector_load %arg13[%swap3A_927, %swap3A_928, %swap3A_929] {strides = array<i32>} : memref<2x4x512xf32, #tpu.memory_space<vmem>>, vector<16xf32>,
        tpu.vector_store %arg13[%swap3A_927, %swap3A_928, %swap3A_929], %gather3A {strides = array<i32>} : memref<2x4x512xf32, #tpu.memory_space<vmem>>, vector<16xf32>,
        %swap3A_931 = arith.constant 0 : i32
        %swap3A_932 = arith.index_cast %swap3A_931 : i32 to index
        %swap3A_933 = arith.index_cast %scan3A_826 : i32 to index
        %swap3A_934 = arith.constant 320 : index
        %swap3A_935 = tpu.vector_load %arg13[%swap3A_932, %swap3A_933, %swap3A_934] {strides = array<i32>} : memref<2x4x512xf32, #tpu.memory_space<vmem>>, vector<16xf32>,
        tpu.vector_store %arg13[%swap3A_932, %swap3A_933, %swap3A_934], %gather3A {strides = array<i32>} : memref<2x4x512xf32, #tpu.memory_space<vmem>>, vector<16xf32>,
        %swap3A_936 = arith.constant 0 : i32
        %swap3A_937 = arith.index_cast %swap3A_936 : i32 to index
        %swap3A_938 = arith.index_cast %scan3A_826 : i32 to index
        %swap3A_939 = arith.constant 336 : index
        %swap3A_940 = tpu.vector_load %arg13[%swap3A_937, %swap3A_938, %swap3A_939] {strides = array<i32>} : memref<2x4x512xf32, #tpu.memory_space<vmem>>, vector<16xf32>,
        tpu.vector_store %arg13[%swap3A_937, %swap3A_938, %swap3A_939], %gather3A {strides = array<i32>} : memref<2x4x512xf32, #tpu.memory_space<vmem>>, vector<16xf32>,
        %swap3A_941 = arith.constant 0 : i32
        %swap3A_942 = arith.index_cast %swap3A_941 : i32 to index
        %swap3A_943 = arith.index_cast %scan3A_826 : i32 to index
        %swap3A_944 = arith.constant 352 : index
        %swap3A_945 = tpu.vector_load %arg13[%swap3A_942, %swap3A_943, %swap3A_944] {strides = array<i32>} : memref<2x4x512xf32, #tpu.memory_space<vmem>>, vector<16xf32>,
        tpu.vector_store %arg13[%swap3A_942, %swap3A_943, %swap3A_944], %gather3A {strides = array<i32>} : memref<2x4x512xf32, #tpu.memory_space<vmem>>, vector<16xf32>,
        %swap3A_946 = arith.constant 0 : i32
        %swap3A_947 = arith.index_cast %swap3A_946 : i32 to index
        %swap3A_948 = arith.index_cast %scan3A_826 : i32 to index
        %swap3A_949 = arith.constant 368 : index
        %swap3A_950 = tpu.vector_load %arg13[%swap3A_947, %swap3A_948, %swap3A_949] {strides = array<i32>} : memref<2x4x512xf32, #tpu.memory_space<vmem>>, vector<16xf32>,
        tpu.vector_store %arg13[%swap3A_947, %swap3A_948, %swap3A_949], %gather3A {strides = array<i32>} : memref<2x4x512xf32, #tpu.memory_space<vmem>>, vector<16xf32>,
        %swap3A_951 = arith.constant 0 : i32
        %swap3A_952 = arith.index_cast %swap3A_951 : i32 to index
        %swap3A_953 = arith.index_cast %scan3A_826 : i32 to index
        %swap3A_954 = arith.constant 384 : index
        %swap3A_955 = tpu.vector_load %arg13[%swap3A_952, %swap3A_953, %swap3A_954] {strides = array<i32>} : memref<2x4x512xf32, #tpu.memory_space<vmem>>, vector<16xf32>,
        tpu.vector_store %arg13[%swap3A_952, %swap3A_953, %swap3A_954], %gather3A {strides = array<i32>} : memref<2x4x512xf32, #tpu.memory_space<vmem>>, vector<16xf32>,
        %swap3A_956 = arith.constant 0 : i32
        %swap3A_957 = arith.index_cast %swap3A_956 : i32 to index
        %swap3A_958 = arith.index_cast %scan3A_826 : i32 to index
        %swap3A_959 = arith.constant 400 : index
        %swap3A_960 = tpu.vector_load %arg13[%swap3A_957, %swap3A_958, %swap3A_959] {strides = array<i32>} : memref<2x4x512xf32, #tpu.memory_space<vmem>>, vector<16xf32>,
        tpu.vector_store %arg13[%swap3A_957, %swap3A_958, %swap3A_959], %gather3A {strides = array<i32>} : memref<2x4x512xf32, #tpu.memory_space<vmem>>, vector<16xf32>,
        %swap3A_961 = arith.constant 0 : i32
        %swap3A_962 = arith.index_cast %swap3A_961 : i32 to index
        %swap3A_963 = arith.index_cast %scan3A_826 : i32 to index
        %swap3A_964 = arith.constant 416 : index
        %swap3A_965 = tpu.vector_load %arg13[%swap3A_962, %swap3A_963, %swap3A_964] {strides = array<i32>} : memref<2x4x512xf32, #tpu.memory_space<vmem>>, vector<16xf32>,
        tpu.vector_store %arg13[%swap3A_962, %swap3A_963, %swap3A_964], %gather3A {strides = array<i32>} : memref<2x4x512xf32, #tpu.memory_space<vmem>>, vector<16xf32>,
        %swap3A_966 = arith.constant 0 : i32
        %swap3A_967 = arith.index_cast %swap3A_966 : i32 to index
        %swap3A_968 = arith.index_cast %scan3A_826 : i32 to index
        %swap3A_969 = arith.constant 432 : index
        %swap3A_970 = tpu.vector_load %arg13[%swap3A_967, %swap3A_968, %swap3A_969] {strides = array<i32>} : memref<2x4x512xf32, #tpu.memory_space<vmem>>, vector<16xf32>,
        tpu.vector_store %arg13[%swap3A_967, %swap3A_968, %swap3A_969], %gather3A {strides = array<i32>} : memref<2x4x512xf32, #tpu.memory_space<vmem>>, vector<16xf32>,
        %swap3A_971 = arith.constant 0 : i32
        %swap3A_972 = arith.index_cast %swap3A_971 : i32 to index
        %swap3A_973 = arith.index_cast %scan3A_826 : i32 to index
        %swap3A_974 = arith.constant 448 : index
        %swap3A_975 = tpu.vector_load %arg13[%swap3A_972, %swap3A_973, %swap3A_974] {strides = array<i32>} : memref<2x4x512xf32, #tpu.memory_space<vmem>>, vector<16xf32>,
        tpu.vector_store %arg13[%swap3A_972, %swap3A_973, %swap3A_974], %gather3A {strides = array<i32>} : memref<2x4x512xf32, #tpu.memory_space<vmem>>, vector<16xf32>,
        %swap3A_976 = arith.constant 0 : i32
        %swap3A_977 = arith.index_cast %swap3A_976 : i32 to index
        %swap3A_978 = arith.index_cast %scan3A_826 : i32 to index
        %swap3A_979 = arith.constant 464 : index
        %swap3A_980 = tpu.vector_load %arg13[%swap3A_977, %swap3A_978, %swap3A_979] {strides = array<i32>} : memref<2x4x512xf32, #tpu.memory_space<vmem>>, vector<16xf32>,
        tpu.vector_store %arg13[%swap3A_977, %swap3A_978, %swap3A_979], %gather3A {strides = array<i32>} : memref<2x4x512xf32, #tpu.memory_space<vmem>>, vector<16xf32>,
        %swap3A_981 = arith.constant 0 : i32
        %swap3A_982 = arith.index_cast %swap3A_981 : i32 to index
        %swap3A_983 = arith.index_cast %scan3A_826 : i32 to index
        %swap3A_984 = arith.constant 480 : index
        %swap3A_985 = tpu.vector_load %arg13[%swap3A_982, %swap3A_983, %swap3A_984] {strides = array<i32>} : memref<2x4x512xf32, #tpu.memory_space<vmem>>, vector<16xf32>,
        tpu.vector_store %arg13[%swap3A_982, %swap3A_983, %swap3A_984], %gather3A {strides = array<i32>} : memref<2x4x512xf32, #tpu.memory_space<vmem>>, vector<16xf32>,
        %swap3A_986 = arith.constant 0 : i32
        %swap3A_987 = arith.index_cast %swap3A_986 : i32 to index
        %swap3A_988 = arith.index_cast %scan3A_826 : i32 to index
        %swap3A_989 = arith.constant 496 : index
        %swap3A_990 = tpu.vector_load %arg13[%swap3A_987, %swap3A_988, %swap3A_989] {strides = array<i32>} : memref<2x4x512xf32, #tpu.memory_space<vmem>>, vector<16xf32>,
        tpu.vector_store %arg13[%swap3A_987, %swap3A_988, %swap3A_989], %gather3A {strides = array<i32>} : memref<2x4x512xf32, #tpu.memory_space<vmem>>, vector<16xf32>,
      }
      %scan3A_758 = arith.constant 4 : i32
      %add3A_759 = arith.constant 16 : i32
      %add3A_760 = arith.addi %add3A_759, %div3A_749 : i32
      %mul3A_761 = arith.constant 1024 : i32
      %mul3A_762 = arith.muli %add3A_760, %mul3A_761 : i32
      %add3A_763 = arith.addi %mul3A_762, %mul3A_2 : i32
      %mul3A_764 = arith.constant 4 : i32
      %mul3A_765 = arith.muli %rem3A_750, %mul3A_764 : i32
      %add3A_766 = arith.addi %add3A_763, %mul3A_765 : i32
      %dma_start3A_767 = arith.constant 0 : i32
      %dma_start3A_768 = arith.constant 0 : i32
      %dma_start3A_769 = arith.constant 0 : i32
      %dma_start3A_770 = arith.constant 0 : i32
      %dma_start3A_771 = tpu.memref_slice %arg13[%dma_start3A_767, %dma_start3A_769, %dma_start3A_770] : memref<2x4x512xf32, #tpu.memory_space<vmem>> -> memref<1x4x512xf32, #tpu.memory_space<vmem>>
      %dma_start3A_772 = tpu.memref_squeeze %dma_start3A_771 : memref<1x4x512xf32, #tpu.memory_space<vmem>> -> memref<4x512xf32, #tpu.memory_space<vmem>>
      %dma_start3A_773 = arith.constant 0 : i32
      %dma_start3A_774 = tpu.memref_slice %arg9[%add3A_766, %dma_start3A_773] : memref<92160x512xf32, #tpu.memory_space<hbm>> -> memref<4x512xf32, #tpu.memory_space<hbm>>
      %dma_start3A_775 = tpu.memref_slice %arg22[%dma_start3A_768] : memref<2x!tpu.dma_semaphore, #tpu.memory_space<semaphore_mem>> -> memref<1x!tpu.dma_semaphore, #tpu.memory_space<semaphore_mem>>
      %dma_start3A_776 = tpu.memref_squeeze %dma_start3A_775 : memref<1x!tpu.dma_semaphore, #tpu.memory_space<semaphore_mem>> -> memref<!tpu.dma_semaphore, #tpu.memory_space<semaphore_mem>>
      %dma_start3A_777 = arith.constant 0 : i32
      %dma_start3A_778 = tpu.memref_slice %arg9[%add3A_766, %dma_start3A_777] : memref<92160x512xf32, #tpu.memory_space<hbm>> -> memref<4x512xf32, #tpu.memory_space<hbm>>
      %dma_start3A_779 = arith.constant 0 : i32
      %dma_start3A_780 = arith.constant 0 : i32
      %dma_start3A_781 = tpu.memref_slice %arg13[%dma_start3A_767, %dma_start3A_779, %dma_start3A_780] : memref<2x4x512xf32, #tpu.memory_space<vmem>> -> memref<1x4x512xf32, #tpu.memory_space<vmem>>
      %dma_start3A_782 = tpu.memref_squeeze %dma_start3A_781 : memref<1x4x512xf32, #tpu.memory_space<vmem>> -> memref<4x512xf32, #tpu.memory_space<vmem>>
      tpu.enqueue_dma source(%dma_start3A_782 : memref<4x512xf32, #tpu.memory_space<vmem>>) target(%dma_start3A_778 : memref<4x512xf32, #tpu.memory_space<hbm>>) target_semaphore(%dma_start3A_776 : memref<!tpu.dma_semaphore, #tpu.memory_space<semaphore_mem>>)
      %mul3A_783 = arith.constant 2 : i32
      %mul3A_784 = arith.muli %mul3A_783, %scan3A_746 : i32
      %add3A_785 = arith.constant 1 : i32
      %add3A_786 = arith.addi %mul3A_784, %add3A_785 : i32
      %div3A_787 = arith.constant 8 : i32
      %div3A_788 = arith.divsi %add3A_786, %div3A_787 : i32
      %rem3A_789 = arith.constant 8 : i32
      %rem3A_790 = arith.remsi %add3A_786, %rem3A_789 : i32
      %ge3A_791 = arith.constant 2 : i32
      %ge3A_792 = arith.cmpi sge, %add3A_786, %ge3A_791 : i32
      %convert_element_type3A_793 = arith.extui %ge3A_792 : i1 to i32
      %cond3A_794 = arith.constant 0 : i32
      %cond3A_795 = arith.cmpi ne, %convert_element_type3A_793, %cond3A_794 : i32
      scf.if %cond3A_795 {
        %dma_wait3A_826 = arith.constant 1 : i32
        %dma_wait3A_827 = arith.constant 1 : i32
        %dma_wait3A_828 = arith.constant 0 : i32
        %dma_wait3A_829 = arith.constant 0 : i32
        %dma_wait3A_830 = tpu.memref_slice %arg13[%dma_wait3A_826, %dma_wait3A_828, %dma_wait3A_829] : memref<2x4x512xf32, #tpu.memory_space<vmem>> -> memref<1x4x512xf32, #tpu.memory_space<vmem>>
        %dma_wait3A_831 = tpu.memref_squeeze %dma_wait3A_830 : memref<1x4x512xf32, #tpu.memory_space<vmem>> -> memref<4x512xf32, #tpu.memory_space<vmem>>
        %dma_wait3A_832 = arith.constant 0 : i32
        %dma_wait3A_833 = arith.constant 0 : i32
        %dma_wait3A_834 = tpu.memref_slice %arg9[%dma_wait3A_832, %dma_wait3A_833] : memref<92160x512xf32, #tpu.memory_space<hbm>> -> memref<4x512xf32, #tpu.memory_space<hbm>>
        %dma_wait3A_835 = tpu.memref_slice %arg22[%dma_wait3A_827] : memref<2x!tpu.dma_semaphore, #tpu.memory_space<semaphore_mem>> -> memref<1x!tpu.dma_semaphore, #tpu.memory_space<semaphore_mem>>
        %dma_wait3A_836 = tpu.memref_squeeze %dma_wait3A_835 : memref<1x!tpu.dma_semaphore, #tpu.memory_space<semaphore_mem>> -> memref<!tpu.dma_semaphore, #tpu.memory_space<semaphore_mem>>
        %dma_wait3A_837 = arith.constant 0 : i32
        %dma_wait3A_838 = arith.constant 0 : i32
        %dma_wait3A_839 = tpu.memref_slice %arg9[%dma_wait3A_837, %dma_wait3A_838] : memref<92160x512xf32, #tpu.memory_space<hbm>> -> memref<4x512xf32, #tpu.memory_space<hbm>>
        %dma_wait3A_840 = arith.constant 0 : i32
        %dma_wait3A_841 = arith.constant 0 : i32
        %dma_wait3A_842 = tpu.memref_slice %arg13[%dma_wait3A_826, %dma_wait3A_840, %dma_wait3A_841] : memref<2x4x512xf32, #tpu.memory_space<vmem>> -> memref<1x4x512xf32, #tpu.memory_space<vmem>>
        %dma_wait3A_843 = tpu.memref_squeeze %dma_wait3A_842 : memref<1x4x512xf32, #tpu.memory_space<vmem>> -> memref<4x512xf32, #tpu.memory_space<vmem>>
        tpu.wait_dma2 semaphore(%dma_wait3A_836 : memref<!tpu.dma_semaphore, #tpu.memory_space<semaphore_mem>>) src(%dma_wait3A_843 : memref<4x512xf32, #tpu.memory_space<vmem>>) dst(%dma_wait3A_839 : memref<4x512xf32, #tpu.memory_space<hbm>>)
      } else {
      }
      %scan3A_796 = arith.constant 0 : i32
      %scan3A_797 = arith.constant 0 : i32
      %scan3A_798 = arith.constant 4 : i32
      %scan3A_799 = arith.addi %scan3A_797, %scan3A_798 : i32
      %scan3A_800 = arith.constant 1 : i32
      scf.for %scan3A_826 = %scan3A_797 to %scan3A_799 step %scan3A_800  : i32 {
        %broadcast_in_dim3A_827 = vector.broadcast %div3A_788 : i32 to vector<16xi32>
        %mul3A_828 = arith.constant 4 : i32
        %mul3A_829 = arith.muli %rem3A_790, %mul3A_828 : i32
        %add3A_830 = arith.addi %mul3A_829, %scan3A_826 : i32
        %broadcast_in_dim3A_831 = vector.broadcast %add3A_830 : i32 to vector<16xi32>
        %gather3A = tpu.vector_load_idx %arg15[%broadcast_in_dim3A_827, %broadcast_in_dim3A_831] : memref<10x32xf32, #tpu.memory_space<vmem>>[vector<16xi32>, vector<16xi32>], vector<16xf32>,
        %swap3A = arith.constant 1 : i32
        %swap3A_832 = arith.index_cast %swap3A : i32 to index
        %swap3A_833 = arith.index_cast %scan3A_826 : i32 to index
        %swap3A_834 = arith.constant 0 : index
        %swap3A_835 = tpu.vector_load %arg13[%swap3A_832, %swap3A_833, %swap3A_834] {strides = array<i32>} : memref<2x4x512xf32, #tpu.memory_space<vmem>>, vector<16xf32>,
        tpu.vector_store %arg13[%swap3A_832, %swap3A_833, %swap3A_834], %gather3A {strides = array<i32>} : memref<2x4x512xf32, #tpu.memory_space<vmem>>, vector<16xf32>,
        %swap3A_836 = arith.constant 1 : i32
        %swap3A_837 = arith.index_cast %swap3A_836 : i32 to index
        %swap3A_838 = arith.index_cast %scan3A_826 : i32 to index
        %swap3A_839 = arith.constant 16 : index
        %swap3A_840 = tpu.vector_load %arg13[%swap3A_837, %swap3A_838, %swap3A_839] {strides = array<i32>} : memref<2x4x512xf32, #tpu.memory_space<vmem>>, vector<16xf32>,
        tpu.vector_store %arg13[%swap3A_837, %swap3A_838, %swap3A_839], %gather3A {strides = array<i32>} : memref<2x4x512xf32, #tpu.memory_space<vmem>>, vector<16xf32>,
        %swap3A_841 = arith.constant 1 : i32
        %swap3A_842 = arith.index_cast %swap3A_841 : i32 to index
        %swap3A_843 = arith.index_cast %scan3A_826 : i32 to index
        %swap3A_844 = arith.constant 32 : index
        %swap3A_845 = tpu.vector_load %arg13[%swap3A_842, %swap3A_843, %swap3A_844] {strides = array<i32>} : memref<2x4x512xf32, #tpu.memory_space<vmem>>, vector<16xf32>,
        tpu.vector_store %arg13[%swap3A_842, %swap3A_843, %swap3A_844], %gather3A {strides = array<i32>} : memref<2x4x512xf32, #tpu.memory_space<vmem>>, vector<16xf32>,
        %swap3A_846 = arith.constant 1 : i32
        %swap3A_847 = arith.index_cast %swap3A_846 : i32 to index
        %swap3A_848 = arith.index_cast %scan3A_826 : i32 to index
        %swap3A_849 = arith.constant 48 : index
        %swap3A_850 = tpu.vector_load %arg13[%swap3A_847, %swap3A_848, %swap3A_849] {strides = array<i32>} : memref<2x4x512xf32, #tpu.memory_space<vmem>>, vector<16xf32>,
        tpu.vector_store %arg13[%swap3A_847, %swap3A_848, %swap3A_849], %gather3A {strides = array<i32>} : memref<2x4x512xf32, #tpu.memory_space<vmem>>, vector<16xf32>,
        %swap3A_851 = arith.constant 1 : i32
        %swap3A_852 = arith.index_cast %swap3A_851 : i32 to index
        %swap3A_853 = arith.index_cast %scan3A_826 : i32 to index
        %swap3A_854 = arith.constant 64 : index
        %swap3A_855 = tpu.vector_load %arg13[%swap3A_852, %swap3A_853, %swap3A_854] {strides = array<i32>} : memref<2x4x512xf32, #tpu.memory_space<vmem>>, vector<16xf32>,
        tpu.vector_store %arg13[%swap3A_852, %swap3A_853, %swap3A_854], %gather3A {strides = array<i32>} : memref<2x4x512xf32, #tpu.memory_space<vmem>>, vector<16xf32>,
        %swap3A_856 = arith.constant 1 : i32
        %swap3A_857 = arith.index_cast %swap3A_856 : i32 to index
        %swap3A_858 = arith.index_cast %scan3A_826 : i32 to index
        %swap3A_859 = arith.constant 80 : index
        %swap3A_860 = tpu.vector_load %arg13[%swap3A_857, %swap3A_858, %swap3A_859] {strides = array<i32>} : memref<2x4x512xf32, #tpu.memory_space<vmem>>, vector<16xf32>,
        tpu.vector_store %arg13[%swap3A_857, %swap3A_858, %swap3A_859], %gather3A {strides = array<i32>} : memref<2x4x512xf32, #tpu.memory_space<vmem>>, vector<16xf32>,
        %swap3A_861 = arith.constant 1 : i32
        %swap3A_862 = arith.index_cast %swap3A_861 : i32 to index
        %swap3A_863 = arith.index_cast %scan3A_826 : i32 to index
        %swap3A_864 = arith.constant 96 : index
        %swap3A_865 = tpu.vector_load %arg13[%swap3A_862, %swap3A_863, %swap3A_864] {strides = array<i32>} : memref<2x4x512xf32, #tpu.memory_space<vmem>>, vector<16xf32>,
        tpu.vector_store %arg13[%swap3A_862, %swap3A_863, %swap3A_864], %gather3A {strides = array<i32>} : memref<2x4x512xf32, #tpu.memory_space<vmem>>, vector<16xf32>,
        %swap3A_866 = arith.constant 1 : i32
        %swap3A_867 = arith.index_cast %swap3A_866 : i32 to index
        %swap3A_868 = arith.index_cast %scan3A_826 : i32 to index
        %swap3A_869 = arith.constant 112 : index
        %swap3A_870 = tpu.vector_load %arg13[%swap3A_867, %swap3A_868, %swap3A_869] {strides = array<i32>} : memref<2x4x512xf32, #tpu.memory_space<vmem>>, vector<16xf32>,
        tpu.vector_store %arg13[%swap3A_867, %swap3A_868, %swap3A_869], %gather3A {strides = array<i32>} : memref<2x4x512xf32, #tpu.memory_space<vmem>>, vector<16xf32>,
        %swap3A_871 = arith.constant 1 : i32
        %swap3A_872 = arith.index_cast %swap3A_871 : i32 to index
        %swap3A_873 = arith.index_cast %scan3A_826 : i32 to index
        %swap3A_874 = arith.constant 128 : index
        %swap3A_875 = tpu.vector_load %arg13[%swap3A_872, %swap3A_873, %swap3A_874] {strides = array<i32>} : memref<2x4x512xf32, #tpu.memory_space<vmem>>, vector<16xf32>,
        tpu.vector_store %arg13[%swap3A_872, %swap3A_873, %swap3A_874], %gather3A {strides = array<i32>} : memref<2x4x512xf32, #tpu.memory_space<vmem>>, vector<16xf32>,
        %swap3A_876 = arith.constant 1 : i32
        %swap3A_877 = arith.index_cast %swap3A_876 : i32 to index
        %swap3A_878 = arith.index_cast %scan3A_826 : i32 to index
        %swap3A_879 = arith.constant 144 : index
        %swap3A_880 = tpu.vector_load %arg13[%swap3A_877, %swap3A_878, %swap3A_879] {strides = array<i32>} : memref<2x4x512xf32, #tpu.memory_space<vmem>>, vector<16xf32>,
        tpu.vector_store %arg13[%swap3A_877, %swap3A_878, %swap3A_879], %gather3A {strides = array<i32>} : memref<2x4x512xf32, #tpu.memory_space<vmem>>, vector<16xf32>,
        %swap3A_881 = arith.constant 1 : i32
        %swap3A_882 = arith.index_cast %swap3A_881 : i32 to index
        %swap3A_883 = arith.index_cast %scan3A_826 : i32 to index
        %swap3A_884 = arith.constant 160 : index
        %swap3A_885 = tpu.vector_load %arg13[%swap3A_882, %swap3A_883, %swap3A_884] {strides = array<i32>} : memref<2x4x512xf32, #tpu.memory_space<vmem>>, vector<16xf32>,
        tpu.vector_store %arg13[%swap3A_882, %swap3A_883, %swap3A_884], %gather3A {strides = array<i32>} : memref<2x4x512xf32, #tpu.memory_space<vmem>>, vector<16xf32>,
        %swap3A_886 = arith.constant 1 : i32
        %swap3A_887 = arith.index_cast %swap3A_886 : i32 to index
        %swap3A_888 = arith.index_cast %scan3A_826 : i32 to index
        %swap3A_889 = arith.constant 176 : index
        %swap3A_890 = tpu.vector_load %arg13[%swap3A_887, %swap3A_888, %swap3A_889] {strides = array<i32>} : memref<2x4x512xf32, #tpu.memory_space<vmem>>, vector<16xf32>,
        tpu.vector_store %arg13[%swap3A_887, %swap3A_888, %swap3A_889], %gather3A {strides = array<i32>} : memref<2x4x512xf32, #tpu.memory_space<vmem>>, vector<16xf32>,
        %swap3A_891 = arith.constant 1 : i32
        %swap3A_892 = arith.index_cast %swap3A_891 : i32 to index
        %swap3A_893 = arith.index_cast %scan3A_826 : i32 to index
        %swap3A_894 = arith.constant 192 : index
        %swap3A_895 = tpu.vector_load %arg13[%swap3A_892, %swap3A_893, %swap3A_894] {strides = array<i32>} : memref<2x4x512xf32, #tpu.memory_space<vmem>>, vector<16xf32>,
        tpu.vector_store %arg13[%swap3A_892, %swap3A_893, %swap3A_894], %gather3A {strides = array<i32>} : memref<2x4x512xf32, #tpu.memory_space<vmem>>, vector<16xf32>,
        %swap3A_896 = arith.constant 1 : i32
        %swap3A_897 = arith.index_cast %swap3A_896 : i32 to index
        %swap3A_898 = arith.index_cast %scan3A_826 : i32 to index
        %swap3A_899 = arith.constant 208 : index
        %swap3A_900 = tpu.vector_load %arg13[%swap3A_897, %swap3A_898, %swap3A_899] {strides = array<i32>} : memref<2x4x512xf32, #tpu.memory_space<vmem>>, vector<16xf32>,
        tpu.vector_store %arg13[%swap3A_897, %swap3A_898, %swap3A_899], %gather3A {strides = array<i32>} : memref<2x4x512xf32, #tpu.memory_space<vmem>>, vector<16xf32>,
        %swap3A_901 = arith.constant 1 : i32
        %swap3A_902 = arith.index_cast %swap3A_901 : i32 to index
        %swap3A_903 = arith.index_cast %scan3A_826 : i32 to index
        %swap3A_904 = arith.constant 224 : index
        %swap3A_905 = tpu.vector_load %arg13[%swap3A_902, %swap3A_903, %swap3A_904] {strides = array<i32>} : memref<2x4x512xf32, #tpu.memory_space<vmem>>, vector<16xf32>,
        tpu.vector_store %arg13[%swap3A_902, %swap3A_903, %swap3A_904], %gather3A {strides = array<i32>} : memref<2x4x512xf32, #tpu.memory_space<vmem>>, vector<16xf32>,
        %swap3A_906 = arith.constant 1 : i32
        %swap3A_907 = arith.index_cast %swap3A_906 : i32 to index
        %swap3A_908 = arith.index_cast %scan3A_826 : i32 to index
        %swap3A_909 = arith.constant 240 : index
        %swap3A_910 = tpu.vector_load %arg13[%swap3A_907, %swap3A_908, %swap3A_909] {strides = array<i32>} : memref<2x4x512xf32, #tpu.memory_space<vmem>>, vector<16xf32>,
        tpu.vector_store %arg13[%swap3A_907, %swap3A_908, %swap3A_909], %gather3A {strides = array<i32>} : memref<2x4x512xf32, #tpu.memory_space<vmem>>, vector<16xf32>,
        %swap3A_911 = arith.constant 1 : i32
        %swap3A_912 = arith.index_cast %swap3A_911 : i32 to index
        %swap3A_913 = arith.index_cast %scan3A_826 : i32 to index
        %swap3A_914 = arith.constant 256 : index
        %swap3A_915 = tpu.vector_load %arg13[%swap3A_912, %swap3A_913, %swap3A_914] {strides = array<i32>} : memref<2x4x512xf32, #tpu.memory_space<vmem>>, vector<16xf32>,
        tpu.vector_store %arg13[%swap3A_912, %swap3A_913, %swap3A_914], %gather3A {strides = array<i32>} : memref<2x4x512xf32, #tpu.memory_space<vmem>>, vector<16xf32>,
        %swap3A_916 = arith.constant 1 : i32
        %swap3A_917 = arith.index_cast %swap3A_916 : i32 to index
        %swap3A_918 = arith.index_cast %scan3A_826 : i32 to index
        %swap3A_919 = arith.constant 272 : index
        %swap3A_920 = tpu.vector_load %arg13[%swap3A_917, %swap3A_918, %swap3A_919] {strides = array<i32>} : memref<2x4x512xf32, #tpu.memory_space<vmem>>, vector<16xf32>,
        tpu.vector_store %arg13[%swap3A_917, %swap3A_918, %swap3A_919], %gather3A {strides = array<i32>} : memref<2x4x512xf32, #tpu.memory_space<vmem>>, vector<16xf32>,
        %swap3A_921 = arith.constant 1 : i32
        %swap3A_922 = arith.index_cast %swap3A_921 : i32 to index
        %swap3A_923 = arith.index_cast %scan3A_826 : i32 to index
        %swap3A_924 = arith.constant 288 : index
        %swap3A_925 = tpu.vector_load %arg13[%swap3A_922, %swap3A_923, %swap3A_924] {strides = array<i32>} : memref<2x4x512xf32, #tpu.memory_space<vmem>>, vector<16xf32>,
        tpu.vector_store %arg13[%swap3A_922, %swap3A_923, %swap3A_924], %gather3A {strides = array<i32>} : memref<2x4x512xf32, #tpu.memory_space<vmem>>, vector<16xf32>,
        %swap3A_926 = arith.constant 1 : i32
        %swap3A_927 = arith.index_cast %swap3A_926 : i32 to index
        %swap3A_928 = arith.index_cast %scan3A_826 : i32 to index
        %swap3A_929 = arith.constant 304 : index
        %swap3A_930 = tpu.vector_load %arg13[%swap3A_927, %swap3A_928, %swap3A_929] {strides = array<i32>} : memref<2x4x512xf32, #tpu.memory_space<vmem>>, vector<16xf32>,
        tpu.vector_store %arg13[%swap3A_927, %swap3A_928, %swap3A_929], %gather3A {strides = array<i32>} : memref<2x4x512xf32, #tpu.memory_space<vmem>>, vector<16xf32>,
        %swap3A_931 = arith.constant 1 : i32
        %swap3A_932 = arith.index_cast %swap3A_931 : i32 to index
        %swap3A_933 = arith.index_cast %scan3A_826 : i32 to index
        %swap3A_934 = arith.constant 320 : index
        %swap3A_935 = tpu.vector_load %arg13[%swap3A_932, %swap3A_933, %swap3A_934] {strides = array<i32>} : memref<2x4x512xf32, #tpu.memory_space<vmem>>, vector<16xf32>,
        tpu.vector_store %arg13[%swap3A_932, %swap3A_933, %swap3A_934], %gather3A {strides = array<i32>} : memref<2x4x512xf32, #tpu.memory_space<vmem>>, vector<16xf32>,
        %swap3A_936 = arith.constant 1 : i32
        %swap3A_937 = arith.index_cast %swap3A_936 : i32 to index
        %swap3A_938 = arith.index_cast %scan3A_826 : i32 to index
        %swap3A_939 = arith.constant 336 : index
        %swap3A_940 = tpu.vector_load %arg13[%swap3A_937, %swap3A_938, %swap3A_939] {strides = array<i32>} : memref<2x4x512xf32, #tpu.memory_space<vmem>>, vector<16xf32>,
        tpu.vector_store %arg13[%swap3A_937, %swap3A_938, %swap3A_939], %gather3A {strides = array<i32>} : memref<2x4x512xf32, #tpu.memory_space<vmem>>, vector<16xf32>,
        %swap3A_941 = arith.constant 1 : i32
        %swap3A_942 = arith.index_cast %swap3A_941 : i32 to index
        %swap3A_943 = arith.index_cast %scan3A_826 : i32 to index
        %swap3A_944 = arith.constant 352 : index
        %swap3A_945 = tpu.vector_load %arg13[%swap3A_942, %swap3A_943, %swap3A_944] {strides = array<i32>} : memref<2x4x512xf32, #tpu.memory_space<vmem>>, vector<16xf32>,
        tpu.vector_store %arg13[%swap3A_942, %swap3A_943, %swap3A_944], %gather3A {strides = array<i32>} : memref<2x4x512xf32, #tpu.memory_space<vmem>>, vector<16xf32>,
        %swap3A_946 = arith.constant 1 : i32
        %swap3A_947 = arith.index_cast %swap3A_946 : i32 to index
        %swap3A_948 = arith.index_cast %scan3A_826 : i32 to index
        %swap3A_949 = arith.constant 368 : index
        %swap3A_950 = tpu.vector_load %arg13[%swap3A_947, %swap3A_948, %swap3A_949] {strides = array<i32>} : memref<2x4x512xf32, #tpu.memory_space<vmem>>, vector<16xf32>,
        tpu.vector_store %arg13[%swap3A_947, %swap3A_948, %swap3A_949], %gather3A {strides = array<i32>} : memref<2x4x512xf32, #tpu.memory_space<vmem>>, vector<16xf32>,
        %swap3A_951 = arith.constant 1 : i32
        %swap3A_952 = arith.index_cast %swap3A_951 : i32 to index
        %swap3A_953 = arith.index_cast %scan3A_826 : i32 to index
        %swap3A_954 = arith.constant 384 : index
        %swap3A_955 = tpu.vector_load %arg13[%swap3A_952, %swap3A_953, %swap3A_954] {strides = array<i32>} : memref<2x4x512xf32, #tpu.memory_space<vmem>>, vector<16xf32>,
        tpu.vector_store %arg13[%swap3A_952, %swap3A_953, %swap3A_954], %gather3A {strides = array<i32>} : memref<2x4x512xf32, #tpu.memory_space<vmem>>, vector<16xf32>,
        %swap3A_956 = arith.constant 1 : i32
        %swap3A_957 = arith.index_cast %swap3A_956 : i32 to index
        %swap3A_958 = arith.index_cast %scan3A_826 : i32 to index
        %swap3A_959 = arith.constant 400 : index
        %swap3A_960 = tpu.vector_load %arg13[%swap3A_957, %swap3A_958, %swap3A_959] {strides = array<i32>} : memref<2x4x512xf32, #tpu.memory_space<vmem>>, vector<16xf32>,
        tpu.vector_store %arg13[%swap3A_957, %swap3A_958, %swap3A_959], %gather3A {strides = array<i32>} : memref<2x4x512xf32, #tpu.memory_space<vmem>>, vector<16xf32>,
        %swap3A_961 = arith.constant 1 : i32
        %swap3A_962 = arith.index_cast %swap3A_961 : i32 to index
        %swap3A_963 = arith.index_cast %scan3A_826 : i32 to index
        %swap3A_964 = arith.constant 416 : index
        %swap3A_965 = tpu.vector_load %arg13[%swap3A_962, %swap3A_963, %swap3A_964] {strides = array<i32>} : memref<2x4x512xf32, #tpu.memory_space<vmem>>, vector<16xf32>,
        tpu.vector_store %arg13[%swap3A_962, %swap3A_963, %swap3A_964], %gather3A {strides = array<i32>} : memref<2x4x512xf32, #tpu.memory_space<vmem>>, vector<16xf32>,
        %swap3A_966 = arith.constant 1 : i32
        %swap3A_967 = arith.index_cast %swap3A_966 : i32 to index
        %swap3A_968 = arith.index_cast %scan3A_826 : i32 to index
        %swap3A_969 = arith.constant 432 : index
        %swap3A_970 = tpu.vector_load %arg13[%swap3A_967, %swap3A_968, %swap3A_969] {strides = array<i32>} : memref<2x4x512xf32, #tpu.memory_space<vmem>>, vector<16xf32>,
        tpu.vector_store %arg13[%swap3A_967, %swap3A_968, %swap3A_969], %gather3A {strides = array<i32>} : memref<2x4x512xf32, #tpu.memory_space<vmem>>, vector<16xf32>,
        %swap3A_971 = arith.constant 1 : i32
        %swap3A_972 = arith.index_cast %swap3A_971 : i32 to index
        %swap3A_973 = arith.index_cast %scan3A_826 : i32 to index
        %swap3A_974 = arith.constant 448 : index
        %swap3A_975 = tpu.vector_load %arg13[%swap3A_972, %swap3A_973, %swap3A_974] {strides = array<i32>} : memref<2x4x512xf32, #tpu.memory_space<vmem>>, vector<16xf32>,
        tpu.vector_store %arg13[%swap3A_972, %swap3A_973, %swap3A_974], %gather3A {strides = array<i32>} : memref<2x4x512xf32, #tpu.memory_space<vmem>>, vector<16xf32>,
        %swap3A_976 = arith.constant 1 : i32
        %swap3A_977 = arith.index_cast %swap3A_976 : i32 to index
        %swap3A_978 = arith.index_cast %scan3A_826 : i32 to index
        %swap3A_979 = arith.constant 464 : index
        %swap3A_980 = tpu.vector_load %arg13[%swap3A_977, %swap3A_978, %swap3A_979] {strides = array<i32>} : memref<2x4x512xf32, #tpu.memory_space<vmem>>, vector<16xf32>,
        tpu.vector_store %arg13[%swap3A_977, %swap3A_978, %swap3A_979], %gather3A {strides = array<i32>} : memref<2x4x512xf32, #tpu.memory_space<vmem>>, vector<16xf32>,
        %swap3A_981 = arith.constant 1 : i32
        %swap3A_982 = arith.index_cast %swap3A_981 : i32 to index
        %swap3A_983 = arith.index_cast %scan3A_826 : i32 to index
        %swap3A_984 = arith.constant 480 : index
        %swap3A_985 = tpu.vector_load %arg13[%swap3A_982, %swap3A_983, %swap3A_984] {strides = array<i32>} : memref<2x4x512xf32, #tpu.memory_space<vmem>>, vector<16xf32>,
        tpu.vector_store %arg13[%swap3A_982, %swap3A_983, %swap3A_984], %gather3A {strides = array<i32>} : memref<2x4x512xf32, #tpu.memory_space<vmem>>, vector<16xf32>,
        %swap3A_986 = arith.constant 1 : i32
        %swap3A_987 = arith.index_cast %swap3A_986 : i32 to index
        %swap3A_988 = arith.index_cast %scan3A_826 : i32 to index
        %swap3A_989 = arith.constant 496 : index
        %swap3A_990 = tpu.vector_load %arg13[%swap3A_987, %swap3A_988, %swap3A_989] {strides = array<i32>} : memref<2x4x512xf32, #tpu.memory_space<vmem>>, vector<16xf32>,
        tpu.vector_store %arg13[%swap3A_987, %swap3A_988, %swap3A_989], %gather3A {strides = array<i32>} : memref<2x4x512xf32, #tpu.memory_space<vmem>>, vector<16xf32>,
      }
      %scan3A_801 = arith.constant 4 : i32
      %add3A_802 = arith.constant 16 : i32
      %add3A_803 = arith.addi %add3A_802, %div3A_788 : i32
      %mul3A_804 = arith.constant 1024 : i32
      %mul3A_805 = arith.muli %add3A_803, %mul3A_804 : i32
      %add3A_806 = arith.addi %mul3A_805, %mul3A_2 : i32
      %mul3A_807 = arith.constant 4 : i32
      %mul3A_808 = arith.muli %rem3A_790, %mul3A_807 : i32
      %add3A_809 = arith.addi %add3A_806, %mul3A_808 : i32
      %dma_start3A_810 = arith.constant 1 : i32
      %dma_start3A_811 = arith.constant 1 : i32
      %dma_start3A_812 = arith.constant 0 : i32
      %dma_start3A_813 = arith.constant 0 : i32
      %dma_start3A_814 = tpu.memref_slice %arg13[%dma_start3A_810, %dma_start3A_812, %dma_start3A_813] : memref<2x4x512xf32, #tpu.memory_space<vmem>> -> memref<1x4x512xf32, #tpu.memory_space<vmem>>
      %dma_start3A_815 = tpu.memref_squeeze %dma_start3A_814 : memref<1x4x512xf32, #tpu.memory_space<vmem>> -> memref<4x512xf32, #tpu.memory_space<vmem>>
      %dma_start3A_816 = arith.constant 0 : i32
      %dma_start3A_817 = tpu.memref_slice %arg9[%add3A_809, %dma_start3A_816] : memref<92160x512xf32, #tpu.memory_space<hbm>> -> memref<4x512xf32, #tpu.memory_space<hbm>>
      %dma_start3A_818 = tpu.memref_slice %arg22[%dma_start3A_811] : memref<2x!tpu.dma_semaphore, #tpu.memory_space<semaphore_mem>> -> memref<1x!tpu.dma_semaphore, #tpu.memory_space<semaphore_mem>>
      %dma_start3A_819 = tpu.memref_squeeze %dma_start3A_818 : memref<1x!tpu.dma_semaphore, #tpu.memory_space<semaphore_mem>> -> memref<!tpu.dma_semaphore, #tpu.memory_space<semaphore_mem>>
      %dma_start3A_820 = arith.constant 0 : i32
      %dma_start3A_821 = tpu.memref_slice %arg9[%add3A_809, %dma_start3A_820] : memref<92160x512xf32, #tpu.memory_space<hbm>> -> memref<4x512xf32, #tpu.memory_space<hbm>>
      %dma_start3A_822 = arith.constant 0 : i32
      %dma_start3A_823 = arith.constant 0 : i32
      %dma_start3A_824 = tpu.memref_slice %arg13[%dma_start3A_810, %dma_start3A_822, %dma_start3A_823] : memref<2x4x512xf32, #tpu.memory_space<vmem>> -> memref<1x4x512xf32, #tpu.memory_space<vmem>>
      %dma_start3A_825 = tpu.memref_squeeze %dma_start3A_824 : memref<1x4x512xf32, #tpu.memory_space<vmem>> -> memref<4x512xf32, #tpu.memory_space<vmem>>
      tpu.enqueue_dma source(%dma_start3A_825 : memref<4x512xf32, #tpu.memory_space<vmem>>) target(%dma_start3A_821 : memref<4x512xf32, #tpu.memory_space<hbm>>) target_semaphore(%dma_start3A_819 : memref<!tpu.dma_semaphore, #tpu.memory_space<semaphore_mem>>)
    }
    %scan3A_588 = arith.constant 40 : i32
    %mul3A_589 = arith.constant 2 : i32
    %mul3A_590 = arith.muli %mul3A_589, %add3A : i32
    %add3A_591 = arith.constant 26 : i32
    %add3A_592 = arith.addi %add3A_591, %mul3A_590 : i32
    "tpu.region"() ({
      %run_scoped3A_746 = tpu.sem_alloc : memref<!tpu.dma_semaphore, #tpu.memory_space<semaphore_mem>>
      %dma_start3A_747 = arith.constant 0 : i32
      %dma_start3A_748 = tpu.memref_slice %arg10[%dma_start3A_747] : memref<99000xf32, #tpu.memory_space<vmem>> -> memref<99000xf32, #tpu.memory_space<vmem>>
      %dma_start3A_749 = arith.constant 360 : i32
      %dma_start3A_750 = tpu.memref_slice %arg8[%mul3A_590, %dma_start3A_749] : memref<64x100000xf32, #tpu.memory_space<hbm>> -> memref<1x99000xf32, #tpu.memory_space<hbm>>
      %dma_start3A_751 = tpu.memref_squeeze %dma_start3A_750 : memref<1x99000xf32, #tpu.memory_space<hbm>> -> memref<99000xf32, #tpu.memory_space<hbm>>
      %dma_start3A_752 = arith.constant 0 : i32
      %dma_start3A_753 = tpu.memref_slice %arg10[%dma_start3A_752] : memref<99000xf32, #tpu.memory_space<vmem>> -> memref<99000xf32, #tpu.memory_space<vmem>>
      %dma_start3A_754 = arith.constant 360 : i32
      %dma_start3A_755 = tpu.memref_slice %arg8[%mul3A_590, %dma_start3A_754] : memref<64x100000xf32, #tpu.memory_space<hbm>> -> memref<1x99000xf32, #tpu.memory_space<hbm>>
      %dma_start3A_756 = tpu.memref_squeeze %dma_start3A_755 : memref<1x99000xf32, #tpu.memory_space<hbm>> -> memref<99000xf32, #tpu.memory_space<hbm>>
      tpu.enqueue_dma source(%dma_start3A_756 : memref<99000xf32, #tpu.memory_space<hbm>>) target(%dma_start3A_753 : memref<99000xf32, #tpu.memory_space<vmem>>) target_semaphore(%run_scoped3A_746 : memref<!tpu.dma_semaphore, #tpu.memory_space<semaphore_mem>>)
      %dma_wait3A_757 = arith.constant 0 : i32
      %dma_wait3A_758 = tpu.memref_slice %arg10[%dma_wait3A_757] : memref<99000xf32, #tpu.memory_space<vmem>> -> memref<99000xf32, #tpu.memory_space<vmem>>
      %dma_wait3A_759 = arith.constant 360 : i32
      %dma_wait3A_760 = tpu.memref_slice %arg8[%mul3A_590, %dma_wait3A_759] : memref<64x100000xf32, #tpu.memory_space<hbm>> -> memref<1x99000xf32, #tpu.memory_space<hbm>>
      %dma_wait3A_761 = tpu.memref_squeeze %dma_wait3A_760 : memref<1x99000xf32, #tpu.memory_space<hbm>> -> memref<99000xf32, #tpu.memory_space<hbm>>
      %dma_wait3A_762 = arith.constant 0 : i32
      %dma_wait3A_763 = tpu.memref_slice %arg10[%dma_wait3A_762] : memref<99000xf32, #tpu.memory_space<vmem>> -> memref<99000xf32, #tpu.memory_space<vmem>>
      %dma_wait3A_764 = arith.constant 360 : i32
      %dma_wait3A_765 = tpu.memref_slice %arg8[%mul3A_590, %dma_wait3A_764] : memref<64x100000xf32, #tpu.memory_space<hbm>> -> memref<1x99000xf32, #tpu.memory_space<hbm>>
      %dma_wait3A_766 = tpu.memref_squeeze %dma_wait3A_765 : memref<1x99000xf32, #tpu.memory_space<hbm>> -> memref<99000xf32, #tpu.memory_space<hbm>>
      tpu.wait_dma2 semaphore(%run_scoped3A_746 : memref<!tpu.dma_semaphore, #tpu.memory_space<semaphore_mem>>) src(%dma_wait3A_766 : memref<99000xf32, #tpu.memory_space<hbm>>) dst(%dma_wait3A_763 : memref<99000xf32, #tpu.memory_space<vmem>>)
      tpu.yield
    }) : () -> ()
    %dma_start3A = arith.constant 0 : i32
    %dma_start3A_593 = arith.constant 0 : i32
    %dma_start3A_594 = arith.constant 0 : i32
    %dma_start3A_595 = tpu.memref_slice %arg11[%dma_start3A, %dma_start3A_594] : memref<2x4096xi32, #tpu.memory_space<vmem>> -> memref<1x4096xi32, #tpu.memory_space<vmem>>
    %dma_start3A_596 = tpu.memref_squeeze %dma_start3A_595 : memref<1x4096xi32, #tpu.memory_space<vmem>> -> memref<4096xi32, #tpu.memory_space<vmem>>
    %dma_start3A_597 = arith.constant 0 : i32
    %dma_start3A_598 = tpu.memref_slice %arg4[%dma_start3A_597] : memref<524288xi32, #tpu.memory_space<hbm>> -> memref<4096xi32, #tpu.memory_space<hbm>>
    %dma_start3A_599 = tpu.memref_slice %arg18[%dma_start3A_593] : memref<2x!tpu.dma_semaphore, #tpu.memory_space<semaphore_mem>> -> memref<1x!tpu.dma_semaphore, #tpu.memory_space<semaphore_mem>>
    %dma_start3A_600 = tpu.memref_squeeze %dma_start3A_599 : memref<1x!tpu.dma_semaphore, #tpu.memory_space<semaphore_mem>> -> memref<!tpu.dma_semaphore, #tpu.memory_space<semaphore_mem>>
    %dma_start3A_601 = arith.constant 0 : i32
    %dma_start3A_602 = tpu.memref_slice %arg11[%dma_start3A, %dma_start3A_601] : memref<2x4096xi32, #tpu.memory_space<vmem>> -> memref<1x4096xi32, #tpu.memory_space<vmem>>
    %dma_start3A_603 = tpu.memref_squeeze %dma_start3A_602 : memref<1x4096xi32, #tpu.memory_space<vmem>> -> memref<4096xi32, #tpu.memory_space<vmem>>
    %dma_start3A_604 = arith.constant 0 : i32
    %dma_start3A_605 = tpu.memref_slice %arg4[%dma_start3A_604] : memref<524288xi32, #tpu.memory_space<hbm>> -> memref<4096xi32, #tpu.memory_space<hbm>>
    tpu.enqueue_dma source(%dma_start3A_605 : memref<4096xi32, #tpu.memory_space<hbm>>) target(%dma_start3A_603 : memref<4096xi32, #tpu.memory_space<vmem>>) target_semaphore(%dma_start3A_600 : memref<!tpu.dma_semaphore, #tpu.memory_space<semaphore_mem>>)
    %scan3A_606 = arith.constant 0 : i32
    %scan3A_607 = arith.constant 0 : i32
    %scan3A_608 = arith.constant 64 : i32
    %scan3A_609 = arith.addi %scan3A_607, %scan3A_608 : i32
    %scan3A_610 = arith.constant 1 : i32
    scf.for %scan3A_746 = %scan3A_607 to %scan3A_609 step %scan3A_610  : i32 {
      %mul3A_747 = arith.constant 2 : i32
      %mul3A_748 = arith.muli %mul3A_747, %scan3A_746 : i32
      %add3A_749 = arith.constant 1 : i32
      %add3A_750 = arith.addi %mul3A_748, %add3A_749 : i32
      %mul3A_751 = arith.constant 4096 : i32
      %mul3A_752 = arith.muli %add3A_750, %mul3A_751 : i32
      %dma_start3A_753 = arith.constant 1 : i32
      %dma_start3A_754 = arith.constant 1 : i32
      %dma_start3A_755 = arith.constant 0 : i32
      %dma_start3A_756 = tpu.memref_slice %arg11[%dma_start3A_753, %dma_start3A_755] : memref<2x4096xi32, #tpu.memory_space<vmem>> -> memref<1x4096xi32, #tpu.memory_space<vmem>>
      %dma_start3A_757 = tpu.memref_squeeze %dma_start3A_756 : memref<1x4096xi32, #tpu.memory_space<vmem>> -> memref<4096xi32, #tpu.memory_space<vmem>>
      %dma_start3A_758 = tpu.memref_slice %arg4[%mul3A_752] : memref<524288xi32, #tpu.memory_space<hbm>> -> memref<4096xi32, #tpu.memory_space<hbm>>
      %dma_start3A_759 = tpu.memref_slice %arg18[%dma_start3A_754] : memref<2x!tpu.dma_semaphore, #tpu.memory_space<semaphore_mem>> -> memref<1x!tpu.dma_semaphore, #tpu.memory_space<semaphore_mem>>
      %dma_start3A_760 = tpu.memref_squeeze %dma_start3A_759 : memref<1x!tpu.dma_semaphore, #tpu.memory_space<semaphore_mem>> -> memref<!tpu.dma_semaphore, #tpu.memory_space<semaphore_mem>>
      %dma_start3A_761 = arith.constant 0 : i32
      %dma_start3A_762 = tpu.memref_slice %arg11[%dma_start3A_753, %dma_start3A_761] : memref<2x4096xi32, #tpu.memory_space<vmem>> -> memref<1x4096xi32, #tpu.memory_space<vmem>>
      %dma_start3A_763 = tpu.memref_squeeze %dma_start3A_762 : memref<1x4096xi32, #tpu.memory_space<vmem>> -> memref<4096xi32, #tpu.memory_space<vmem>>
      %dma_start3A_764 = tpu.memref_slice %arg4[%mul3A_752] : memref<524288xi32, #tpu.memory_space<hbm>> -> memref<4096xi32, #tpu.memory_space<hbm>>
      tpu.enqueue_dma source(%dma_start3A_764 : memref<4096xi32, #tpu.memory_space<hbm>>) target(%dma_start3A_763 : memref<4096xi32, #tpu.memory_space<vmem>>) target_semaphore(%dma_start3A_760 : memref<!tpu.dma_semaphore, #tpu.memory_space<semaphore_mem>>)
      %mul3A_765 = arith.constant 4096 : i32
      %mul3A_766 = arith.muli %mul3A_748, %mul3A_765 : i32
      %dma_wait3A_767 = arith.constant 0 : i32
      %dma_wait3A_768 = arith.constant 0 : i32
      %dma_wait3A_769 = arith.constant 0 : i32
      %dma_wait3A_770 = tpu.memref_slice %arg11[%dma_wait3A_767, %dma_wait3A_769] : memref<2x4096xi32, #tpu.memory_space<vmem>> -> memref<1x4096xi32, #tpu.memory_space<vmem>>
      %dma_wait3A_771 = tpu.memref_squeeze %dma_wait3A_770 : memref<1x4096xi32, #tpu.memory_space<vmem>> -> memref<4096xi32, #tpu.memory_space<vmem>>
      %dma_wait3A_772 = tpu.memref_slice %arg4[%mul3A_766] : memref<524288xi32, #tpu.memory_space<hbm>> -> memref<4096xi32, #tpu.memory_space<hbm>>
      %dma_wait3A_773 = tpu.memref_slice %arg18[%dma_wait3A_768] : memref<2x!tpu.dma_semaphore, #tpu.memory_space<semaphore_mem>> -> memref<1x!tpu.dma_semaphore, #tpu.memory_space<semaphore_mem>>
      %dma_wait3A_774 = tpu.memref_squeeze %dma_wait3A_773 : memref<1x!tpu.dma_semaphore, #tpu.memory_space<semaphore_mem>> -> memref<!tpu.dma_semaphore, #tpu.memory_space<semaphore_mem>>
      %dma_wait3A_775 = arith.constant 0 : i32
      %dma_wait3A_776 = tpu.memref_slice %arg11[%dma_wait3A_767, %dma_wait3A_775] : memref<2x4096xi32, #tpu.memory_space<vmem>> -> memref<1x4096xi32, #tpu.memory_space<vmem>>
      %dma_wait3A_777 = tpu.memref_squeeze %dma_wait3A_776 : memref<1x4096xi32, #tpu.memory_space<vmem>> -> memref<4096xi32, #tpu.memory_space<vmem>>
      %dma_wait3A_778 = tpu.memref_slice %arg4[%mul3A_766] : memref<524288xi32, #tpu.memory_space<hbm>> -> memref<4096xi32, #tpu.memory_space<hbm>>
      tpu.wait_dma2 semaphore(%dma_wait3A_774 : memref<!tpu.dma_semaphore, #tpu.memory_space<semaphore_mem>>) src(%dma_wait3A_778 : memref<4096xi32, #tpu.memory_space<hbm>>) dst(%dma_wait3A_777 : memref<4096xi32, #tpu.memory_space<vmem>>)
      %ge3A = arith.constant 2 : i32
      %ge3A_779 = arith.cmpi sge, %mul3A_748, %ge3A : i32
      %convert_element_type3A = arith.extui %ge3A_779 : i1 to i32
      %cond3A = arith.constant 0 : i32
      %cond3A_780 = arith.cmpi ne, %convert_element_type3A, %cond3A : i32
      scf.if %cond3A_780 {
        %dma_wait3A_866 = arith.constant 0 : i32
        %dma_wait3A_867 = arith.constant 0 : i32
        %dma_wait3A_868 = arith.constant 0 : i32
        %dma_wait3A_869 = arith.constant 0 : i32
        %dma_wait3A_870 = tpu.memref_slice %arg12[%dma_wait3A_866, %dma_wait3A_868, %dma_wait3A_869] : memref<2x8x512xf32, #tpu.memory_space<vmem>> -> memref<1x8x512xf32, #tpu.memory_space<vmem>>
        %dma_wait3A_871 = tpu.memref_squeeze %dma_wait3A_870 : memref<1x8x512xf32, #tpu.memory_space<vmem>> -> memref<8x512xf32, #tpu.memory_space<vmem>>
        %dma_wait3A_872 = arith.constant 0 : i32
        %dma_wait3A_873 = arith.constant 0 : i32
        %dma_wait3A_874 = tpu.memref_slice %arg9[%dma_wait3A_872, %dma_wait3A_873] : memref<92160x512xf32, #tpu.memory_space<hbm>> -> memref<8x512xf32, #tpu.memory_space<hbm>>
        %dma_wait3A_875 = tpu.memref_slice %arg19[%dma_wait3A_867] : memref<2x!tpu.dma_semaphore, #tpu.memory_space<semaphore_mem>> -> memref<1x!tpu.dma_semaphore, #tpu.memory_space<semaphore_mem>>
        %dma_wait3A_876 = tpu.memref_squeeze %dma_wait3A_875 : memref<1x!tpu.dma_semaphore, #tpu.memory_space<semaphore_mem>> -> memref<!tpu.dma_semaphore, #tpu.memory_space<semaphore_mem>>
        %dma_wait3A_877 = arith.constant 0 : i32
        %dma_wait3A_878 = arith.constant 0 : i32
        %dma_wait3A_879 = tpu.memref_slice %arg9[%dma_wait3A_877, %dma_wait3A_878] : memref<92160x512xf32, #tpu.memory_space<hbm>> -> memref<8x512xf32, #tpu.memory_space<hbm>>
        %dma_wait3A_880 = arith.constant 0 : i32
        %dma_wait3A_881 = arith.constant 0 : i32
        %dma_wait3A_882 = tpu.memref_slice %arg12[%dma_wait3A_866, %dma_wait3A_880, %dma_wait3A_881] : memref<2x8x512xf32, #tpu.memory_space<vmem>> -> memref<1x8x512xf32, #tpu.memory_space<vmem>>
        %dma_wait3A_883 = tpu.memref_squeeze %dma_wait3A_882 : memref<1x8x512xf32, #tpu.memory_space<vmem>> -> memref<8x512xf32, #tpu.memory_space<vmem>>
        tpu.wait_dma2 semaphore(%dma_wait3A_876 : memref<!tpu.dma_semaphore, #tpu.memory_space<semaphore_mem>>) src(%dma_wait3A_883 : memref<8x512xf32, #tpu.memory_space<vmem>>) dst(%dma_wait3A_879 : memref<8x512xf32, #tpu.memory_space<hbm>>)
      } else {
      }
      %scan3A_781 = arith.constant 0 : i32
      %scan3A_782 = arith.constant 0 : i32
      %scan3A_783 = arith.constant 8 : i32
      %scan3A_784 = arith.addi %scan3A_782, %scan3A_783 : i32
      %scan3A_785 = arith.constant 1 : i32
      scf.for %scan3A_866 = %scan3A_782 to %scan3A_784 step %scan3A_785  : i32 {
        %mul3A_867 = arith.constant 512 : i32
        %mul3A_868 = arith.muli %scan3A_866, %mul3A_867 : i32
        %add3A_869 = arith.constant 0 : i32
        %add3A_870 = arith.addi %mul3A_868, %add3A_869 : i32
        %get3A = arith.constant 0 : i32
        %get3A_871 = arith.index_cast %get3A : i32 to index
        %get3A_872 = arith.index_cast %add3A_870 : i32 to index
        %get3A_873 = tpu.vector_load %arg11[%get3A_871, %get3A_872] {strides = array<i32>} : memref<2x4096xi32, #tpu.memory_space<vmem>>, vector<16xi32>,
        %gather3A = tpu.vector_load_idx %arg10[%get3A_873] : memref<99000xf32, #tpu.memory_space<vmem>>[vector<16xi32>], vector<16xf32>,
        %swap3A = arith.constant 0 : i32
        %swap3A_874 = arith.index_cast %swap3A : i32 to index
        %swap3A_875 = arith.index_cast %scan3A_866 : i32 to index
        %swap3A_876 = arith.constant 0 : index
        %swap3A_877 = tpu.vector_load %arg12[%swap3A_874, %swap3A_875, %swap3A_876] {strides = array<i32>} : memref<2x8x512xf32, #tpu.memory_space<vmem>>, vector<16xf32>,
        tpu.vector_store %arg12[%swap3A_874, %swap3A_875, %swap3A_876], %gather3A {strides = array<i32>} : memref<2x8x512xf32, #tpu.memory_space<vmem>>, vector<16xf32>,
        %add3A_878 = arith.constant 16 : i32
        %add3A_879 = arith.addi %mul3A_868, %add3A_878 : i32
        %get3A_880 = arith.constant 0 : i32
        %get3A_881 = arith.index_cast %get3A_880 : i32 to index
        %get3A_882 = arith.index_cast %add3A_879 : i32 to index
        %get3A_883 = tpu.vector_load %arg11[%get3A_881, %get3A_882] {strides = array<i32>} : memref<2x4096xi32, #tpu.memory_space<vmem>>, vector<16xi32>,
        %gather3A_884 = tpu.vector_load_idx %arg10[%get3A_883] : memref<99000xf32, #tpu.memory_space<vmem>>[vector<16xi32>], vector<16xf32>,
        %swap3A_885 = arith.constant 0 : i32
        %swap3A_886 = arith.index_cast %swap3A_885 : i32 to index
        %swap3A_887 = arith.index_cast %scan3A_866 : i32 to index
        %swap3A_888 = arith.constant 16 : index
        %swap3A_889 = tpu.vector_load %arg12[%swap3A_886, %swap3A_887, %swap3A_888] {strides = array<i32>} : memref<2x8x512xf32, #tpu.memory_space<vmem>>, vector<16xf32>,
        tpu.vector_store %arg12[%swap3A_886, %swap3A_887, %swap3A_888], %gather3A_884 {strides = array<i32>} : memref<2x8x512xf32, #tpu.memory_space<vmem>>, vector<16xf32>,
        %add3A_890 = arith.constant 32 : i32
        %add3A_891 = arith.addi %mul3A_868, %add3A_890 : i32
        %get3A_892 = arith.constant 0 : i32
        %get3A_893 = arith.index_cast %get3A_892 : i32 to index
        %get3A_894 = arith.index_cast %add3A_891 : i32 to index
        %get3A_895 = tpu.vector_load %arg11[%get3A_893, %get3A_894] {strides = array<i32>} : memref<2x4096xi32, #tpu.memory_space<vmem>>, vector<16xi32>,
        %gather3A_896 = tpu.vector_load_idx %arg10[%get3A_895] : memref<99000xf32, #tpu.memory_space<vmem>>[vector<16xi32>], vector<16xf32>,
        %swap3A_897 = arith.constant 0 : i32
        %swap3A_898 = arith.index_cast %swap3A_897 : i32 to index
        %swap3A_899 = arith.index_cast %scan3A_866 : i32 to index
        %swap3A_900 = arith.constant 32 : index
        %swap3A_901 = tpu.vector_load %arg12[%swap3A_898, %swap3A_899, %swap3A_900] {strides = array<i32>} : memref<2x8x512xf32, #tpu.memory_space<vmem>>, vector<16xf32>,
        tpu.vector_store %arg12[%swap3A_898, %swap3A_899, %swap3A_900], %gather3A_896 {strides = array<i32>} : memref<2x8x512xf32, #tpu.memory_space<vmem>>, vector<16xf32>,
        %add3A_902 = arith.constant 48 : i32
        %add3A_903 = arith.addi %mul3A_868, %add3A_902 : i32
        %get3A_904 = arith.constant 0 : i32
        %get3A_905 = arith.index_cast %get3A_904 : i32 to index
        %get3A_906 = arith.index_cast %add3A_903 : i32 to index
        %get3A_907 = tpu.vector_load %arg11[%get3A_905, %get3A_906] {strides = array<i32>} : memref<2x4096xi32, #tpu.memory_space<vmem>>, vector<16xi32>,
        %gather3A_908 = tpu.vector_load_idx %arg10[%get3A_907] : memref<99000xf32, #tpu.memory_space<vmem>>[vector<16xi32>], vector<16xf32>,
        %swap3A_909 = arith.constant 0 : i32
        %swap3A_910 = arith.index_cast %swap3A_909 : i32 to index
        %swap3A_911 = arith.index_cast %scan3A_866 : i32 to index
        %swap3A_912 = arith.constant 48 : index
        %swap3A_913 = tpu.vector_load %arg12[%swap3A_910, %swap3A_911, %swap3A_912] {strides = array<i32>} : memref<2x8x512xf32, #tpu.memory_space<vmem>>, vector<16xf32>,
        tpu.vector_store %arg12[%swap3A_910, %swap3A_911, %swap3A_912], %gather3A_908 {strides = array<i32>} : memref<2x8x512xf32, #tpu.memory_space<vmem>>, vector<16xf32>,
        %add3A_914 = arith.constant 64 : i32
        %add3A_915 = arith.addi %mul3A_868, %add3A_914 : i32
        %get3A_916 = arith.constant 0 : i32
        %get3A_917 = arith.index_cast %get3A_916 : i32 to index
        %get3A_918 = arith.index_cast %add3A_915 : i32 to index
        %get3A_919 = tpu.vector_load %arg11[%get3A_917, %get3A_918] {strides = array<i32>} : memref<2x4096xi32, #tpu.memory_space<vmem>>, vector<16xi32>,
        %gather3A_920 = tpu.vector_load_idx %arg10[%get3A_919] : memref<99000xf32, #tpu.memory_space<vmem>>[vector<16xi32>], vector<16xf32>,
        %swap3A_921 = arith.constant 0 : i32
        %swap3A_922 = arith.index_cast %swap3A_921 : i32 to index
        %swap3A_923 = arith.index_cast %scan3A_866 : i32 to index
        %swap3A_924 = arith.constant 64 : index
        %swap3A_925 = tpu.vector_load %arg12[%swap3A_922, %swap3A_923, %swap3A_924] {strides = array<i32>} : memref<2x8x512xf32, #tpu.memory_space<vmem>>, vector<16xf32>,
        tpu.vector_store %arg12[%swap3A_922, %swap3A_923, %swap3A_924], %gather3A_920 {strides = array<i32>} : memref<2x8x512xf32, #tpu.memory_space<vmem>>, vector<16xf32>,
        %add3A_926 = arith.constant 80 : i32
        %add3A_927 = arith.addi %mul3A_868, %add3A_926 : i32
        %get3A_928 = arith.constant 0 : i32
        %get3A_929 = arith.index_cast %get3A_928 : i32 to index
        %get3A_930 = arith.index_cast %add3A_927 : i32 to index
        %get3A_931 = tpu.vector_load %arg11[%get3A_929, %get3A_930] {strides = array<i32>} : memref<2x4096xi32, #tpu.memory_space<vmem>>, vector<16xi32>,
        %gather3A_932 = tpu.vector_load_idx %arg10[%get3A_931] : memref<99000xf32, #tpu.memory_space<vmem>>[vector<16xi32>], vector<16xf32>,
        %swap3A_933 = arith.constant 0 : i32
        %swap3A_934 = arith.index_cast %swap3A_933 : i32 to index
        %swap3A_935 = arith.index_cast %scan3A_866 : i32 to index
        %swap3A_936 = arith.constant 80 : index
        %swap3A_937 = tpu.vector_load %arg12[%swap3A_934, %swap3A_935, %swap3A_936] {strides = array<i32>} : memref<2x8x512xf32, #tpu.memory_space<vmem>>, vector<16xf32>,
        tpu.vector_store %arg12[%swap3A_934, %swap3A_935, %swap3A_936], %gather3A_932 {strides = array<i32>} : memref<2x8x512xf32, #tpu.memory_space<vmem>>, vector<16xf32>,
        %add3A_938 = arith.constant 96 : i32
        %add3A_939 = arith.addi %mul3A_868, %add3A_938 : i32
        %get3A_940 = arith.constant 0 : i32
        %get3A_941 = arith.index_cast %get3A_940 : i32 to index
        %get3A_942 = arith.index_cast %add3A_939 : i32 to index
        %get3A_943 = tpu.vector_load %arg11[%get3A_941, %get3A_942] {strides = array<i32>} : memref<2x4096xi32, #tpu.memory_space<vmem>>, vector<16xi32>,
        %gather3A_944 = tpu.vector_load_idx %arg10[%get3A_943] : memref<99000xf32, #tpu.memory_space<vmem>>[vector<16xi32>], vector<16xf32>,
        %swap3A_945 = arith.constant 0 : i32
        %swap3A_946 = arith.index_cast %swap3A_945 : i32 to index
        %swap3A_947 = arith.index_cast %scan3A_866 : i32 to index
        %swap3A_948 = arith.constant 96 : index
        %swap3A_949 = tpu.vector_load %arg12[%swap3A_946, %swap3A_947, %swap3A_948] {strides = array<i32>} : memref<2x8x512xf32, #tpu.memory_space<vmem>>, vector<16xf32>,
        tpu.vector_store %arg12[%swap3A_946, %swap3A_947, %swap3A_948], %gather3A_944 {strides = array<i32>} : memref<2x8x512xf32, #tpu.memory_space<vmem>>, vector<16xf32>,
        %add3A_950 = arith.constant 112 : i32
        %add3A_951 = arith.addi %mul3A_868, %add3A_950 : i32
        %get3A_952 = arith.constant 0 : i32
        %get3A_953 = arith.index_cast %get3A_952 : i32 to index
        %get3A_954 = arith.index_cast %add3A_951 : i32 to index
        %get3A_955 = tpu.vector_load %arg11[%get3A_953, %get3A_954] {strides = array<i32>} : memref<2x4096xi32, #tpu.memory_space<vmem>>, vector<16xi32>,
        %gather3A_956 = tpu.vector_load_idx %arg10[%get3A_955] : memref<99000xf32, #tpu.memory_space<vmem>>[vector<16xi32>], vector<16xf32>,
        %swap3A_957 = arith.constant 0 : i32
        %swap3A_958 = arith.index_cast %swap3A_957 : i32 to index
        %swap3A_959 = arith.index_cast %scan3A_866 : i32 to index
        %swap3A_960 = arith.constant 112 : index
        %swap3A_961 = tpu.vector_load %arg12[%swap3A_958, %swap3A_959, %swap3A_960] {strides = array<i32>} : memref<2x8x512xf32, #tpu.memory_space<vmem>>, vector<16xf32>,
        tpu.vector_store %arg12[%swap3A_958, %swap3A_959, %swap3A_960], %gather3A_956 {strides = array<i32>} : memref<2x8x512xf32, #tpu.memory_space<vmem>>, vector<16xf32>,
        %add3A_962 = arith.constant 128 : i32
        %add3A_963 = arith.addi %mul3A_868, %add3A_962 : i32
        %get3A_964 = arith.constant 0 : i32
        %get3A_965 = arith.index_cast %get3A_964 : i32 to index
        %get3A_966 = arith.index_cast %add3A_963 : i32 to index
        %get3A_967 = tpu.vector_load %arg11[%get3A_965, %get3A_966] {strides = array<i32>} : memref<2x4096xi32, #tpu.memory_space<vmem>>, vector<16xi32>,
        %gather3A_968 = tpu.vector_load_idx %arg10[%get3A_967] : memref<99000xf32, #tpu.memory_space<vmem>>[vector<16xi32>], vector<16xf32>,
        %swap3A_969 = arith.constant 0 : i32
        %swap3A_970 = arith.index_cast %swap3A_969 : i32 to index
        %swap3A_971 = arith.index_cast %scan3A_866 : i32 to index
        %swap3A_972 = arith.constant 128 : index
        %swap3A_973 = tpu.vector_load %arg12[%swap3A_970, %swap3A_971, %swap3A_972] {strides = array<i32>} : memref<2x8x512xf32, #tpu.memory_space<vmem>>, vector<16xf32>,
        tpu.vector_store %arg12[%swap3A_970, %swap3A_971, %swap3A_972], %gather3A_968 {strides = array<i32>} : memref<2x8x512xf32, #tpu.memory_space<vmem>>, vector<16xf32>,
        %add3A_974 = arith.constant 144 : i32
        %add3A_975 = arith.addi %mul3A_868, %add3A_974 : i32
        %get3A_976 = arith.constant 0 : i32
        %get3A_977 = arith.index_cast %get3A_976 : i32 to index
        %get3A_978 = arith.index_cast %add3A_975 : i32 to index
        %get3A_979 = tpu.vector_load %arg11[%get3A_977, %get3A_978] {strides = array<i32>} : memref<2x4096xi32, #tpu.memory_space<vmem>>, vector<16xi32>,
        %gather3A_980 = tpu.vector_load_idx %arg10[%get3A_979] : memref<99000xf32, #tpu.memory_space<vmem>>[vector<16xi32>], vector<16xf32>,
        %swap3A_981 = arith.constant 0 : i32
        %swap3A_982 = arith.index_cast %swap3A_981 : i32 to index
        %swap3A_983 = arith.index_cast %scan3A_866 : i32 to index
        %swap3A_984 = arith.constant 144 : index
        %swap3A_985 = tpu.vector_load %arg12[%swap3A_982, %swap3A_983, %swap3A_984] {strides = array<i32>} : memref<2x8x512xf32, #tpu.memory_space<vmem>>, vector<16xf32>,
        tpu.vector_store %arg12[%swap3A_982, %swap3A_983, %swap3A_984], %gather3A_980 {strides = array<i32>} : memref<2x8x512xf32, #tpu.memory_space<vmem>>, vector<16xf32>,
        %add3A_986 = arith.constant 160 : i32
        %add3A_987 = arith.addi %mul3A_868, %add3A_986 : i32
        %get3A_988 = arith.constant 0 : i32
        %get3A_989 = arith.index_cast %get3A_988 : i32 to index
        %get3A_990 = arith.index_cast %add3A_987 : i32 to index
        %get3A_991 = tpu.vector_load %arg11[%get3A_989, %get3A_990] {strides = array<i32>} : memref<2x4096xi32, #tpu.memory_space<vmem>>, vector<16xi32>,
        %gather3A_992 = tpu.vector_load_idx %arg10[%get3A_991] : memref<99000xf32, #tpu.memory_space<vmem>>[vector<16xi32>], vector<16xf32>,
        %swap3A_993 = arith.constant 0 : i32
        %swap3A_994 = arith.index_cast %swap3A_993 : i32 to index
        %swap3A_995 = arith.index_cast %scan3A_866 : i32 to index
        %swap3A_996 = arith.constant 160 : index
        %swap3A_997 = tpu.vector_load %arg12[%swap3A_994, %swap3A_995, %swap3A_996] {strides = array<i32>} : memref<2x8x512xf32, #tpu.memory_space<vmem>>, vector<16xf32>,
        tpu.vector_store %arg12[%swap3A_994, %swap3A_995, %swap3A_996], %gather3A_992 {strides = array<i32>} : memref<2x8x512xf32, #tpu.memory_space<vmem>>, vector<16xf32>,
        %add3A_998 = arith.constant 176 : i32
        %add3A_999 = arith.addi %mul3A_868, %add3A_998 : i32
        %get3A_1000 = arith.constant 0 : i32
        %get3A_1001 = arith.index_cast %get3A_1000 : i32 to index
        %get3A_1002 = arith.index_cast %add3A_999 : i32 to index
        %get3A_1003 = tpu.vector_load %arg11[%get3A_1001, %get3A_1002] {strides = array<i32>} : memref<2x4096xi32, #tpu.memory_space<vmem>>, vector<16xi32>,
        %gather3A_1004 = tpu.vector_load_idx %arg10[%get3A_1003] : memref<99000xf32, #tpu.memory_space<vmem>>[vector<16xi32>], vector<16xf32>,
        %swap3A_1005 = arith.constant 0 : i32
        %swap3A_1006 = arith.index_cast %swap3A_1005 : i32 to index
        %swap3A_1007 = arith.index_cast %scan3A_866 : i32 to index
        %swap3A_1008 = arith.constant 176 : index
        %swap3A_1009 = tpu.vector_load %arg12[%swap3A_1006, %swap3A_1007, %swap3A_1008] {strides = array<i32>} : memref<2x8x512xf32, #tpu.memory_space<vmem>>, vector<16xf32>,
        tpu.vector_store %arg12[%swap3A_1006, %swap3A_1007, %swap3A_1008], %gather3A_1004 {strides = array<i32>} : memref<2x8x512xf32, #tpu.memory_space<vmem>>, vector<16xf32>,
        %add3A_1010 = arith.constant 192 : i32
        %add3A_1011 = arith.addi %mul3A_868, %add3A_1010 : i32
        %get3A_1012 = arith.constant 0 : i32
        %get3A_1013 = arith.index_cast %get3A_1012 : i32 to index
        %get3A_1014 = arith.index_cast %add3A_1011 : i32 to index
        %get3A_1015 = tpu.vector_load %arg11[%get3A_1013, %get3A_1014] {strides = array<i32>} : memref<2x4096xi32, #tpu.memory_space<vmem>>, vector<16xi32>,
        %gather3A_1016 = tpu.vector_load_idx %arg10[%get3A_1015] : memref<99000xf32, #tpu.memory_space<vmem>>[vector<16xi32>], vector<16xf32>,
        %swap3A_1017 = arith.constant 0 : i32
        %swap3A_1018 = arith.index_cast %swap3A_1017 : i32 to index
        %swap3A_1019 = arith.index_cast %scan3A_866 : i32 to index
        %swap3A_1020 = arith.constant 192 : index
        %swap3A_1021 = tpu.vector_load %arg12[%swap3A_1018, %swap3A_1019, %swap3A_1020] {strides = array<i32>} : memref<2x8x512xf32, #tpu.memory_space<vmem>>, vector<16xf32>,
        tpu.vector_store %arg12[%swap3A_1018, %swap3A_1019, %swap3A_1020], %gather3A_1016 {strides = array<i32>} : memref<2x8x512xf32, #tpu.memory_space<vmem>>, vector<16xf32>,
        %add3A_1022 = arith.constant 208 : i32
        %add3A_1023 = arith.addi %mul3A_868, %add3A_1022 : i32
        %get3A_1024 = arith.constant 0 : i32
        %get3A_1025 = arith.index_cast %get3A_1024 : i32 to index
        %get3A_1026 = arith.index_cast %add3A_1023 : i32 to index
        %get3A_1027 = tpu.vector_load %arg11[%get3A_1025, %get3A_1026] {strides = array<i32>} : memref<2x4096xi32, #tpu.memory_space<vmem>>, vector<16xi32>,
        %gather3A_1028 = tpu.vector_load_idx %arg10[%get3A_1027] : memref<99000xf32, #tpu.memory_space<vmem>>[vector<16xi32>], vector<16xf32>,
        %swap3A_1029 = arith.constant 0 : i32
        %swap3A_1030 = arith.index_cast %swap3A_1029 : i32 to index
        %swap3A_1031 = arith.index_cast %scan3A_866 : i32 to index
        %swap3A_1032 = arith.constant 208 : index
        %swap3A_1033 = tpu.vector_load %arg12[%swap3A_1030, %swap3A_1031, %swap3A_1032] {strides = array<i32>} : memref<2x8x512xf32, #tpu.memory_space<vmem>>, vector<16xf32>,
        tpu.vector_store %arg12[%swap3A_1030, %swap3A_1031, %swap3A_1032], %gather3A_1028 {strides = array<i32>} : memref<2x8x512xf32, #tpu.memory_space<vmem>>, vector<16xf32>,
        %add3A_1034 = arith.constant 224 : i32
        %add3A_1035 = arith.addi %mul3A_868, %add3A_1034 : i32
        %get3A_1036 = arith.constant 0 : i32
        %get3A_1037 = arith.index_cast %get3A_1036 : i32 to index
        %get3A_1038 = arith.index_cast %add3A_1035 : i32 to index
        %get3A_1039 = tpu.vector_load %arg11[%get3A_1037, %get3A_1038] {strides = array<i32>} : memref<2x4096xi32, #tpu.memory_space<vmem>>, vector<16xi32>,
        %gather3A_1040 = tpu.vector_load_idx %arg10[%get3A_1039] : memref<99000xf32, #tpu.memory_space<vmem>>[vector<16xi32>], vector<16xf32>,
        %swap3A_1041 = arith.constant 0 : i32
        %swap3A_1042 = arith.index_cast %swap3A_1041 : i32 to index
        %swap3A_1043 = arith.index_cast %scan3A_866 : i32 to index
        %swap3A_1044 = arith.constant 224 : index
        %swap3A_1045 = tpu.vector_load %arg12[%swap3A_1042, %swap3A_1043, %swap3A_1044] {strides = array<i32>} : memref<2x8x512xf32, #tpu.memory_space<vmem>>, vector<16xf32>,
        tpu.vector_store %arg12[%swap3A_1042, %swap3A_1043, %swap3A_1044], %gather3A_1040 {strides = array<i32>} : memref<2x8x512xf32, #tpu.memory_space<vmem>>, vector<16xf32>,
        %add3A_1046 = arith.constant 240 : i32
        %add3A_1047 = arith.addi %mul3A_868, %add3A_1046 : i32
        %get3A_1048 = arith.constant 0 : i32
        %get3A_1049 = arith.index_cast %get3A_1048 : i32 to index
        %get3A_1050 = arith.index_cast %add3A_1047 : i32 to index
        %get3A_1051 = tpu.vector_load %arg11[%get3A_1049, %get3A_1050] {strides = array<i32>} : memref<2x4096xi32, #tpu.memory_space<vmem>>, vector<16xi32>,
        %gather3A_1052 = tpu.vector_load_idx %arg10[%get3A_1051] : memref<99000xf32, #tpu.memory_space<vmem>>[vector<16xi32>], vector<16xf32>,
        %swap3A_1053 = arith.constant 0 : i32
        %swap3A_1054 = arith.index_cast %swap3A_1053 : i32 to index
        %swap3A_1055 = arith.index_cast %scan3A_866 : i32 to index
        %swap3A_1056 = arith.constant 240 : index
        %swap3A_1057 = tpu.vector_load %arg12[%swap3A_1054, %swap3A_1055, %swap3A_1056] {strides = array<i32>} : memref<2x8x512xf32, #tpu.memory_space<vmem>>, vector<16xf32>,
        tpu.vector_store %arg12[%swap3A_1054, %swap3A_1055, %swap3A_1056], %gather3A_1052 {strides = array<i32>} : memref<2x8x512xf32, #tpu.memory_space<vmem>>, vector<16xf32>,
        %add3A_1058 = arith.constant 256 : i32
        %add3A_1059 = arith.addi %mul3A_868, %add3A_1058 : i32
        %get3A_1060 = arith.constant 0 : i32
        %get3A_1061 = arith.index_cast %get3A_1060 : i32 to index
        %get3A_1062 = arith.index_cast %add3A_1059 : i32 to index
        %get3A_1063 = tpu.vector_load %arg11[%get3A_1061, %get3A_1062] {strides = array<i32>} : memref<2x4096xi32, #tpu.memory_space<vmem>>, vector<16xi32>,
        %gather3A_1064 = tpu.vector_load_idx %arg10[%get3A_1063] : memref<99000xf32, #tpu.memory_space<vmem>>[vector<16xi32>], vector<16xf32>,
        %swap3A_1065 = arith.constant 0 : i32
        %swap3A_1066 = arith.index_cast %swap3A_1065 : i32 to index
        %swap3A_1067 = arith.index_cast %scan3A_866 : i32 to index
        %swap3A_1068 = arith.constant 256 : index
        %swap3A_1069 = tpu.vector_load %arg12[%swap3A_1066, %swap3A_1067, %swap3A_1068] {strides = array<i32>} : memref<2x8x512xf32, #tpu.memory_space<vmem>>, vector<16xf32>,
        tpu.vector_store %arg12[%swap3A_1066, %swap3A_1067, %swap3A_1068], %gather3A_1064 {strides = array<i32>} : memref<2x8x512xf32, #tpu.memory_space<vmem>>, vector<16xf32>,
        %add3A_1070 = arith.constant 272 : i32
        %add3A_1071 = arith.addi %mul3A_868, %add3A_1070 : i32
        %get3A_1072 = arith.constant 0 : i32
        %get3A_1073 = arith.index_cast %get3A_1072 : i32 to index
        %get3A_1074 = arith.index_cast %add3A_1071 : i32 to index
        %get3A_1075 = tpu.vector_load %arg11[%get3A_1073, %get3A_1074] {strides = array<i32>} : memref<2x4096xi32, #tpu.memory_space<vmem>>, vector<16xi32>,
        %gather3A_1076 = tpu.vector_load_idx %arg10[%get3A_1075] : memref<99000xf32, #tpu.memory_space<vmem>>[vector<16xi32>], vector<16xf32>,
        %swap3A_1077 = arith.constant 0 : i32
        %swap3A_1078 = arith.index_cast %swap3A_1077 : i32 to index
        %swap3A_1079 = arith.index_cast %scan3A_866 : i32 to index
        %swap3A_1080 = arith.constant 272 : index
        %swap3A_1081 = tpu.vector_load %arg12[%swap3A_1078, %swap3A_1079, %swap3A_1080] {strides = array<i32>} : memref<2x8x512xf32, #tpu.memory_space<vmem>>, vector<16xf32>,
        tpu.vector_store %arg12[%swap3A_1078, %swap3A_1079, %swap3A_1080], %gather3A_1076 {strides = array<i32>} : memref<2x8x512xf32, #tpu.memory_space<vmem>>, vector<16xf32>,
        %add3A_1082 = arith.constant 288 : i32
        %add3A_1083 = arith.addi %mul3A_868, %add3A_1082 : i32
        %get3A_1084 = arith.constant 0 : i32
        %get3A_1085 = arith.index_cast %get3A_1084 : i32 to index
        %get3A_1086 = arith.index_cast %add3A_1083 : i32 to index
        %get3A_1087 = tpu.vector_load %arg11[%get3A_1085, %get3A_1086] {strides = array<i32>} : memref<2x4096xi32, #tpu.memory_space<vmem>>, vector<16xi32>,
        %gather3A_1088 = tpu.vector_load_idx %arg10[%get3A_1087] : memref<99000xf32, #tpu.memory_space<vmem>>[vector<16xi32>], vector<16xf32>,
        %swap3A_1089 = arith.constant 0 : i32
        %swap3A_1090 = arith.index_cast %swap3A_1089 : i32 to index
        %swap3A_1091 = arith.index_cast %scan3A_866 : i32 to index
        %swap3A_1092 = arith.constant 288 : index
        %swap3A_1093 = tpu.vector_load %arg12[%swap3A_1090, %swap3A_1091, %swap3A_1092] {strides = array<i32>} : memref<2x8x512xf32, #tpu.memory_space<vmem>>, vector<16xf32>,
        tpu.vector_store %arg12[%swap3A_1090, %swap3A_1091, %swap3A_1092], %gather3A_1088 {strides = array<i32>} : memref<2x8x512xf32, #tpu.memory_space<vmem>>, vector<16xf32>,
        %add3A_1094 = arith.constant 304 : i32
        %add3A_1095 = arith.addi %mul3A_868, %add3A_1094 : i32
        %get3A_1096 = arith.constant 0 : i32
        %get3A_1097 = arith.index_cast %get3A_1096 : i32 to index
        %get3A_1098 = arith.index_cast %add3A_1095 : i32 to index
        %get3A_1099 = tpu.vector_load %arg11[%get3A_1097, %get3A_1098] {strides = array<i32>} : memref<2x4096xi32, #tpu.memory_space<vmem>>, vector<16xi32>,
        %gather3A_1100 = tpu.vector_load_idx %arg10[%get3A_1099] : memref<99000xf32, #tpu.memory_space<vmem>>[vector<16xi32>], vector<16xf32>,
        %swap3A_1101 = arith.constant 0 : i32
        %swap3A_1102 = arith.index_cast %swap3A_1101 : i32 to index
        %swap3A_1103 = arith.index_cast %scan3A_866 : i32 to index
        %swap3A_1104 = arith.constant 304 : index
        %swap3A_1105 = tpu.vector_load %arg12[%swap3A_1102, %swap3A_1103, %swap3A_1104] {strides = array<i32>} : memref<2x8x512xf32, #tpu.memory_space<vmem>>, vector<16xf32>,
        tpu.vector_store %arg12[%swap3A_1102, %swap3A_1103, %swap3A_1104], %gather3A_1100 {strides = array<i32>} : memref<2x8x512xf32, #tpu.memory_space<vmem>>, vector<16xf32>,
        %add3A_1106 = arith.constant 320 : i32
        %add3A_1107 = arith.addi %mul3A_868, %add3A_1106 : i32
        %get3A_1108 = arith.constant 0 : i32
        %get3A_1109 = arith.index_cast %get3A_1108 : i32 to index
        %get3A_1110 = arith.index_cast %add3A_1107 : i32 to index
        %get3A_1111 = tpu.vector_load %arg11[%get3A_1109, %get3A_1110] {strides = array<i32>} : memref<2x4096xi32, #tpu.memory_space<vmem>>, vector<16xi32>,
        %gather3A_1112 = tpu.vector_load_idx %arg10[%get3A_1111] : memref<99000xf32, #tpu.memory_space<vmem>>[vector<16xi32>], vector<16xf32>,
        %swap3A_1113 = arith.constant 0 : i32
        %swap3A_1114 = arith.index_cast %swap3A_1113 : i32 to index
        %swap3A_1115 = arith.index_cast %scan3A_866 : i32 to index
        %swap3A_1116 = arith.constant 320 : index
        %swap3A_1117 = tpu.vector_load %arg12[%swap3A_1114, %swap3A_1115, %swap3A_1116] {strides = array<i32>} : memref<2x8x512xf32, #tpu.memory_space<vmem>>, vector<16xf32>,
        tpu.vector_store %arg12[%swap3A_1114, %swap3A_1115, %swap3A_1116], %gather3A_1112 {strides = array<i32>} : memref<2x8x512xf32, #tpu.memory_space<vmem>>, vector<16xf32>,
        %add3A_1118 = arith.constant 336 : i32
        %add3A_1119 = arith.addi %mul3A_868, %add3A_1118 : i32
        %get3A_1120 = arith.constant 0 : i32
        %get3A_1121 = arith.index_cast %get3A_1120 : i32 to index
        %get3A_1122 = arith.index_cast %add3A_1119 : i32 to index
        %get3A_1123 = tpu.vector_load %arg11[%get3A_1121, %get3A_1122] {strides = array<i32>} : memref<2x4096xi32, #tpu.memory_space<vmem>>, vector<16xi32>,
        %gather3A_1124 = tpu.vector_load_idx %arg10[%get3A_1123] : memref<99000xf32, #tpu.memory_space<vmem>>[vector<16xi32>], vector<16xf32>,
        %swap3A_1125 = arith.constant 0 : i32
        %swap3A_1126 = arith.index_cast %swap3A_1125 : i32 to index
        %swap3A_1127 = arith.index_cast %scan3A_866 : i32 to index
        %swap3A_1128 = arith.constant 336 : index
        %swap3A_1129 = tpu.vector_load %arg12[%swap3A_1126, %swap3A_1127, %swap3A_1128] {strides = array<i32>} : memref<2x8x512xf32, #tpu.memory_space<vmem>>, vector<16xf32>,
        tpu.vector_store %arg12[%swap3A_1126, %swap3A_1127, %swap3A_1128], %gather3A_1124 {strides = array<i32>} : memref<2x8x512xf32, #tpu.memory_space<vmem>>, vector<16xf32>,
        %add3A_1130 = arith.constant 352 : i32
        %add3A_1131 = arith.addi %mul3A_868, %add3A_1130 : i32
        %get3A_1132 = arith.constant 0 : i32
        %get3A_1133 = arith.index_cast %get3A_1132 : i32 to index
        %get3A_1134 = arith.index_cast %add3A_1131 : i32 to index
        %get3A_1135 = tpu.vector_load %arg11[%get3A_1133, %get3A_1134] {strides = array<i32>} : memref<2x4096xi32, #tpu.memory_space<vmem>>, vector<16xi32>,
        %gather3A_1136 = tpu.vector_load_idx %arg10[%get3A_1135] : memref<99000xf32, #tpu.memory_space<vmem>>[vector<16xi32>], vector<16xf32>,
        %swap3A_1137 = arith.constant 0 : i32
        %swap3A_1138 = arith.index_cast %swap3A_1137 : i32 to index
        %swap3A_1139 = arith.index_cast %scan3A_866 : i32 to index
        %swap3A_1140 = arith.constant 352 : index
        %swap3A_1141 = tpu.vector_load %arg12[%swap3A_1138, %swap3A_1139, %swap3A_1140] {strides = array<i32>} : memref<2x8x512xf32, #tpu.memory_space<vmem>>, vector<16xf32>,
        tpu.vector_store %arg12[%swap3A_1138, %swap3A_1139, %swap3A_1140], %gather3A_1136 {strides = array<i32>} : memref<2x8x512xf32, #tpu.memory_space<vmem>>, vector<16xf32>,
        %add3A_1142 = arith.constant 368 : i32
        %add3A_1143 = arith.addi %mul3A_868, %add3A_1142 : i32
        %get3A_1144 = arith.constant 0 : i32
        %get3A_1145 = arith.index_cast %get3A_1144 : i32 to index
        %get3A_1146 = arith.index_cast %add3A_1143 : i32 to index
        %get3A_1147 = tpu.vector_load %arg11[%get3A_1145, %get3A_1146] {strides = array<i32>} : memref<2x4096xi32, #tpu.memory_space<vmem>>, vector<16xi32>,
        %gather3A_1148 = tpu.vector_load_idx %arg10[%get3A_1147] : memref<99000xf32, #tpu.memory_space<vmem>>[vector<16xi32>], vector<16xf32>,
        %swap3A_1149 = arith.constant 0 : i32
        %swap3A_1150 = arith.index_cast %swap3A_1149 : i32 to index
        %swap3A_1151 = arith.index_cast %scan3A_866 : i32 to index
        %swap3A_1152 = arith.constant 368 : index
        %swap3A_1153 = tpu.vector_load %arg12[%swap3A_1150, %swap3A_1151, %swap3A_1152] {strides = array<i32>} : memref<2x8x512xf32, #tpu.memory_space<vmem>>, vector<16xf32>,
        tpu.vector_store %arg12[%swap3A_1150, %swap3A_1151, %swap3A_1152], %gather3A_1148 {strides = array<i32>} : memref<2x8x512xf32, #tpu.memory_space<vmem>>, vector<16xf32>,
        %add3A_1154 = arith.constant 384 : i32
        %add3A_1155 = arith.addi %mul3A_868, %add3A_1154 : i32
        %get3A_1156 = arith.constant 0 : i32
        %get3A_1157 = arith.index_cast %get3A_1156 : i32 to index
        %get3A_1158 = arith.index_cast %add3A_1155 : i32 to index
        %get3A_1159 = tpu.vector_load %arg11[%get3A_1157, %get3A_1158] {strides = array<i32>} : memref<2x4096xi32, #tpu.memory_space<vmem>>, vector<16xi32>,
        %gather3A_1160 = tpu.vector_load_idx %arg10[%get3A_1159] : memref<99000xf32, #tpu.memory_space<vmem>>[vector<16xi32>], vector<16xf32>,
        %swap3A_1161 = arith.constant 0 : i32
        %swap3A_1162 = arith.index_cast %swap3A_1161 : i32 to index
        %swap3A_1163 = arith.index_cast %scan3A_866 : i32 to index
        %swap3A_1164 = arith.constant 384 : index
        %swap3A_1165 = tpu.vector_load %arg12[%swap3A_1162, %swap3A_1163, %swap3A_1164] {strides = array<i32>} : memref<2x8x512xf32, #tpu.memory_space<vmem>>, vector<16xf32>,
        tpu.vector_store %arg12[%swap3A_1162, %swap3A_1163, %swap3A_1164], %gather3A_1160 {strides = array<i32>} : memref<2x8x512xf32, #tpu.memory_space<vmem>>, vector<16xf32>,
        %add3A_1166 = arith.constant 400 : i32
        %add3A_1167 = arith.addi %mul3A_868, %add3A_1166 : i32
        %get3A_1168 = arith.constant 0 : i32
        %get3A_1169 = arith.index_cast %get3A_1168 : i32 to index
        %get3A_1170 = arith.index_cast %add3A_1167 : i32 to index
        %get3A_1171 = tpu.vector_load %arg11[%get3A_1169, %get3A_1170] {strides = array<i32>} : memref<2x4096xi32, #tpu.memory_space<vmem>>, vector<16xi32>,
        %gather3A_1172 = tpu.vector_load_idx %arg10[%get3A_1171] : memref<99000xf32, #tpu.memory_space<vmem>>[vector<16xi32>], vector<16xf32>,
        %swap3A_1173 = arith.constant 0 : i32
        %swap3A_1174 = arith.index_cast %swap3A_1173 : i32 to index
        %swap3A_1175 = arith.index_cast %scan3A_866 : i32 to index
        %swap3A_1176 = arith.constant 400 : index
        %swap3A_1177 = tpu.vector_load %arg12[%swap3A_1174, %swap3A_1175, %swap3A_1176] {strides = array<i32>} : memref<2x8x512xf32, #tpu.memory_space<vmem>>, vector<16xf32>,
        tpu.vector_store %arg12[%swap3A_1174, %swap3A_1175, %swap3A_1176], %gather3A_1172 {strides = array<i32>} : memref<2x8x512xf32, #tpu.memory_space<vmem>>, vector<16xf32>,
        %add3A_1178 = arith.constant 416 : i32
        %add3A_1179 = arith.addi %mul3A_868, %add3A_1178 : i32
        %get3A_1180 = arith.constant 0 : i32
        %get3A_1181 = arith.index_cast %get3A_1180 : i32 to index
        %get3A_1182 = arith.index_cast %add3A_1179 : i32 to index
        %get3A_1183 = tpu.vector_load %arg11[%get3A_1181, %get3A_1182] {strides = array<i32>} : memref<2x4096xi32, #tpu.memory_space<vmem>>, vector<16xi32>,
        %gather3A_1184 = tpu.vector_load_idx %arg10[%get3A_1183] : memref<99000xf32, #tpu.memory_space<vmem>>[vector<16xi32>], vector<16xf32>,
        %swap3A_1185 = arith.constant 0 : i32
        %swap3A_1186 = arith.index_cast %swap3A_1185 : i32 to index
        %swap3A_1187 = arith.index_cast %scan3A_866 : i32 to index
        %swap3A_1188 = arith.constant 416 : index
        %swap3A_1189 = tpu.vector_load %arg12[%swap3A_1186, %swap3A_1187, %swap3A_1188] {strides = array<i32>} : memref<2x8x512xf32, #tpu.memory_space<vmem>>, vector<16xf32>,
        tpu.vector_store %arg12[%swap3A_1186, %swap3A_1187, %swap3A_1188], %gather3A_1184 {strides = array<i32>} : memref<2x8x512xf32, #tpu.memory_space<vmem>>, vector<16xf32>,
        %add3A_1190 = arith.constant 432 : i32
        %add3A_1191 = arith.addi %mul3A_868, %add3A_1190 : i32
        %get3A_1192 = arith.constant 0 : i32
        %get3A_1193 = arith.index_cast %get3A_1192 : i32 to index
        %get3A_1194 = arith.index_cast %add3A_1191 : i32 to index
        %get3A_1195 = tpu.vector_load %arg11[%get3A_1193, %get3A_1194] {strides = array<i32>} : memref<2x4096xi32, #tpu.memory_space<vmem>>, vector<16xi32>,
        %gather3A_1196 = tpu.vector_load_idx %arg10[%get3A_1195] : memref<99000xf32, #tpu.memory_space<vmem>>[vector<16xi32>], vector<16xf32>,
        %swap3A_1197 = arith.constant 0 : i32
        %swap3A_1198 = arith.index_cast %swap3A_1197 : i32 to index
        %swap3A_1199 = arith.index_cast %scan3A_866 : i32 to index
        %swap3A_1200 = arith.constant 432 : index
        %swap3A_1201 = tpu.vector_load %arg12[%swap3A_1198, %swap3A_1199, %swap3A_1200] {strides = array<i32>} : memref<2x8x512xf32, #tpu.memory_space<vmem>>, vector<16xf32>,
        tpu.vector_store %arg12[%swap3A_1198, %swap3A_1199, %swap3A_1200], %gather3A_1196 {strides = array<i32>} : memref<2x8x512xf32, #tpu.memory_space<vmem>>, vector<16xf32>,
        %add3A_1202 = arith.constant 448 : i32
        %add3A_1203 = arith.addi %mul3A_868, %add3A_1202 : i32
        %get3A_1204 = arith.constant 0 : i32
        %get3A_1205 = arith.index_cast %get3A_1204 : i32 to index
        %get3A_1206 = arith.index_cast %add3A_1203 : i32 to index
        %get3A_1207 = tpu.vector_load %arg11[%get3A_1205, %get3A_1206] {strides = array<i32>} : memref<2x4096xi32, #tpu.memory_space<vmem>>, vector<16xi32>,
        %gather3A_1208 = tpu.vector_load_idx %arg10[%get3A_1207] : memref<99000xf32, #tpu.memory_space<vmem>>[vector<16xi32>], vector<16xf32>,
        %swap3A_1209 = arith.constant 0 : i32
        %swap3A_1210 = arith.index_cast %swap3A_1209 : i32 to index
        %swap3A_1211 = arith.index_cast %scan3A_866 : i32 to index
        %swap3A_1212 = arith.constant 448 : index
        %swap3A_1213 = tpu.vector_load %arg12[%swap3A_1210, %swap3A_1211, %swap3A_1212] {strides = array<i32>} : memref<2x8x512xf32, #tpu.memory_space<vmem>>, vector<16xf32>,
        tpu.vector_store %arg12[%swap3A_1210, %swap3A_1211, %swap3A_1212], %gather3A_1208 {strides = array<i32>} : memref<2x8x512xf32, #tpu.memory_space<vmem>>, vector<16xf32>,
        %add3A_1214 = arith.constant 464 : i32
        %add3A_1215 = arith.addi %mul3A_868, %add3A_1214 : i32
        %get3A_1216 = arith.constant 0 : i32
        %get3A_1217 = arith.index_cast %get3A_1216 : i32 to index
        %get3A_1218 = arith.index_cast %add3A_1215 : i32 to index
        %get3A_1219 = tpu.vector_load %arg11[%get3A_1217, %get3A_1218] {strides = array<i32>} : memref<2x4096xi32, #tpu.memory_space<vmem>>, vector<16xi32>,
        %gather3A_1220 = tpu.vector_load_idx %arg10[%get3A_1219] : memref<99000xf32, #tpu.memory_space<vmem>>[vector<16xi32>], vector<16xf32>,
        %swap3A_1221 = arith.constant 0 : i32
        %swap3A_1222 = arith.index_cast %swap3A_1221 : i32 to index
        %swap3A_1223 = arith.index_cast %scan3A_866 : i32 to index
        %swap3A_1224 = arith.constant 464 : index
        %swap3A_1225 = tpu.vector_load %arg12[%swap3A_1222, %swap3A_1223, %swap3A_1224] {strides = array<i32>} : memref<2x8x512xf32, #tpu.memory_space<vmem>>, vector<16xf32>,
        tpu.vector_store %arg12[%swap3A_1222, %swap3A_1223, %swap3A_1224], %gather3A_1220 {strides = array<i32>} : memref<2x8x512xf32, #tpu.memory_space<vmem>>, vector<16xf32>,
        %add3A_1226 = arith.constant 480 : i32
        %add3A_1227 = arith.addi %mul3A_868, %add3A_1226 : i32
        %get3A_1228 = arith.constant 0 : i32
        %get3A_1229 = arith.index_cast %get3A_1228 : i32 to index
        %get3A_1230 = arith.index_cast %add3A_1227 : i32 to index
        %get3A_1231 = tpu.vector_load %arg11[%get3A_1229, %get3A_1230] {strides = array<i32>} : memref<2x4096xi32, #tpu.memory_space<vmem>>, vector<16xi32>,
        %gather3A_1232 = tpu.vector_load_idx %arg10[%get3A_1231] : memref<99000xf32, #tpu.memory_space<vmem>>[vector<16xi32>], vector<16xf32>,
        %swap3A_1233 = arith.constant 0 : i32
        %swap3A_1234 = arith.index_cast %swap3A_1233 : i32 to index
        %swap3A_1235 = arith.index_cast %scan3A_866 : i32 to index
        %swap3A_1236 = arith.constant 480 : index
        %swap3A_1237 = tpu.vector_load %arg12[%swap3A_1234, %swap3A_1235, %swap3A_1236] {strides = array<i32>} : memref<2x8x512xf32, #tpu.memory_space<vmem>>, vector<16xf32>,
        tpu.vector_store %arg12[%swap3A_1234, %swap3A_1235, %swap3A_1236], %gather3A_1232 {strides = array<i32>} : memref<2x8x512xf32, #tpu.memory_space<vmem>>, vector<16xf32>,
        %add3A_1238 = arith.constant 496 : i32
        %add3A_1239 = arith.addi %mul3A_868, %add3A_1238 : i32
        %get3A_1240 = arith.constant 0 : i32
        %get3A_1241 = arith.index_cast %get3A_1240 : i32 to index
        %get3A_1242 = arith.index_cast %add3A_1239 : i32 to index
        %get3A_1243 = tpu.vector_load %arg11[%get3A_1241, %get3A_1242] {strides = array<i32>} : memref<2x4096xi32, #tpu.memory_space<vmem>>, vector<16xi32>,
        %gather3A_1244 = tpu.vector_load_idx %arg10[%get3A_1243] : memref<99000xf32, #tpu.memory_space<vmem>>[vector<16xi32>], vector<16xf32>,
        %swap3A_1245 = arith.constant 0 : i32
        %swap3A_1246 = arith.index_cast %swap3A_1245 : i32 to index
        %swap3A_1247 = arith.index_cast %scan3A_866 : i32 to index
        %swap3A_1248 = arith.constant 496 : index
        %swap3A_1249 = tpu.vector_load %arg12[%swap3A_1246, %swap3A_1247, %swap3A_1248] {strides = array<i32>} : memref<2x8x512xf32, #tpu.memory_space<vmem>>, vector<16xf32>,
        tpu.vector_store %arg12[%swap3A_1246, %swap3A_1247, %swap3A_1248], %gather3A_1244 {strides = array<i32>} : memref<2x8x512xf32, #tpu.memory_space<vmem>>, vector<16xf32>,
      }
      %scan3A_786 = arith.constant 8 : i32
      %mul3A_787 = arith.constant 1024 : i32
      %mul3A_788 = arith.muli %add3A_592, %mul3A_787 : i32
      %mul3A_789 = arith.constant 8 : i32
      %mul3A_790 = arith.muli %mul3A_748, %mul3A_789 : i32
      %add3A_791 = arith.addi %mul3A_788, %mul3A_790 : i32
      %dma_start3A_792 = arith.constant 0 : i32
      %dma_start3A_793 = arith.constant 0 : i32
      %dma_start3A_794 = arith.constant 0 : i32
      %dma_start3A_795 = arith.constant 0 : i32
      %dma_start3A_796 = tpu.memref_slice %arg12[%dma_start3A_792, %dma_start3A_794, %dma_start3A_795] : memref<2x8x512xf32, #tpu.memory_space<vmem>> -> memref<1x8x512xf32, #tpu.memory_space<vmem>>
      %dma_start3A_797 = tpu.memref_squeeze %dma_start3A_796 : memref<1x8x512xf32, #tpu.memory_space<vmem>> -> memref<8x512xf32, #tpu.memory_space<vmem>>
      %dma_start3A_798 = arith.constant 0 : i32
      %dma_start3A_799 = tpu.memref_slice %arg9[%add3A_791, %dma_start3A_798] : memref<92160x512xf32, #tpu.memory_space<hbm>> -> memref<8x512xf32, #tpu.memory_space<hbm>>
      %dma_start3A_800 = tpu.memref_slice %arg19[%dma_start3A_793] : memref<2x!tpu.dma_semaphore, #tpu.memory_space<semaphore_mem>> -> memref<1x!tpu.dma_semaphore, #tpu.memory_space<semaphore_mem>>
      %dma_start3A_801 = tpu.memref_squeeze %dma_start3A_800 : memref<1x!tpu.dma_semaphore, #tpu.memory_space<semaphore_mem>> -> memref<!tpu.dma_semaphore, #tpu.memory_space<semaphore_mem>>
      %dma_start3A_802 = arith.constant 0 : i32
      %dma_start3A_803 = tpu.memref_slice %arg9[%add3A_791, %dma_start3A_802] : memref<92160x512xf32, #tpu.memory_space<hbm>> -> memref<8x512xf32, #tpu.memory_space<hbm>>
      %dma_start3A_804 = arith.constant 0 : i32
      %dma_start3A_805 = arith.constant 0 : i32
      %dma_start3A_806 = tpu.memref_slice %arg12[%dma_start3A_792, %dma_start3A_804, %dma_start3A_805] : memref<2x8x512xf32, #tpu.memory_space<vmem>> -> memref<1x8x512xf32, #tpu.memory_space<vmem>>
      %dma_start3A_807 = tpu.memref_squeeze %dma_start3A_806 : memref<1x8x512xf32, #tpu.memory_space<vmem>> -> memref<8x512xf32, #tpu.memory_space<vmem>>
      tpu.enqueue_dma source(%dma_start3A_807 : memref<8x512xf32, #tpu.memory_space<vmem>>) target(%dma_start3A_803 : memref<8x512xf32, #tpu.memory_space<hbm>>) target_semaphore(%dma_start3A_801 : memref<!tpu.dma_semaphore, #tpu.memory_space<semaphore_mem>>)
      %add3A_808 = arith.constant 2 : i32
      %add3A_809 = arith.addi %mul3A_748, %add3A_808 : i32
      %lt3A = arith.constant 128 : i32
      %lt3A_810 = arith.cmpi slt, %add3A_809, %lt3A : i32
      %convert_element_type3A_811 = arith.extui %lt3A_810 : i1 to i32
      %cond3A_812 = arith.constant 0 : i32
      %cond3A_813 = arith.cmpi ne, %convert_element_type3A_811, %cond3A_812 : i32
      scf.if %cond3A_813 {
        %add3A_866 = arith.constant 2 : i32
        %add3A_867 = arith.addi %mul3A_748, %add3A_866 : i32
        %mul3A_868 = arith.constant 4096 : i32
        %mul3A_869 = arith.muli %add3A_867, %mul3A_868 : i32
        %dma_start3A_870 = arith.constant 0 : i32
        %dma_start3A_871 = arith.constant 0 : i32
        %dma_start3A_872 = arith.constant 0 : i32
        %dma_start3A_873 = tpu.memref_slice %arg11[%dma_start3A_870, %dma_start3A_872] : memref<2x4096xi32, #tpu.memory_space<vmem>> -> memref<1x4096xi32, #tpu.memory_space<vmem>>
        %dma_start3A_874 = tpu.memref_squeeze %dma_start3A_873 : memref<1x4096xi32, #tpu.memory_space<vmem>> -> memref<4096xi32, #tpu.memory_space<vmem>>
        %dma_start3A_875 = tpu.memref_slice %arg4[%mul3A_869] : memref<524288xi32, #tpu.memory_space<hbm>> -> memref<4096xi32, #tpu.memory_space<hbm>>
        %dma_start3A_876 = tpu.memref_slice %arg18[%dma_start3A_871] : memref<2x!tpu.dma_semaphore, #tpu.memory_space<semaphore_mem>> -> memref<1x!tpu.dma_semaphore, #tpu.memory_space<semaphore_mem>>
        %dma_start3A_877 = tpu.memref_squeeze %dma_start3A_876 : memref<1x!tpu.dma_semaphore, #tpu.memory_space<semaphore_mem>> -> memref<!tpu.dma_semaphore, #tpu.memory_space<semaphore_mem>>
        %dma_start3A_878 = arith.constant 0 : i32
        %dma_start3A_879 = tpu.memref_slice %arg11[%dma_start3A_870, %dma_start3A_878] : memref<2x4096xi32, #tpu.memory_space<vmem>> -> memref<1x4096xi32, #tpu.memory_space<vmem>>
        %dma_start3A_880 = tpu.memref_squeeze %dma_start3A_879 : memref<1x4096xi32, #tpu.memory_space<vmem>> -> memref<4096xi32, #tpu.memory_space<vmem>>
        %dma_start3A_881 = tpu.memref_slice %arg4[%mul3A_869] : memref<524288xi32, #tpu.memory_space<hbm>> -> memref<4096xi32, #tpu.memory_space<hbm>>
        tpu.enqueue_dma source(%dma_start3A_881 : memref<4096xi32, #tpu.memory_space<hbm>>) target(%dma_start3A_880 : memref<4096xi32, #tpu.memory_space<vmem>>) target_semaphore(%dma_start3A_877 : memref<!tpu.dma_semaphore, #tpu.memory_space<semaphore_mem>>)
      } else {
      }
      %add3A_814 = arith.constant 1 : i32
      %add3A_815 = arith.addi %mul3A_748, %add3A_814 : i32
      %mul3A_816 = arith.constant 4096 : i32
      %mul3A_817 = arith.muli %add3A_815, %mul3A_816 : i32
      %dma_wait3A_818 = arith.constant 1 : i32
      %dma_wait3A_819 = arith.constant 1 : i32
      %dma_wait3A_820 = arith.constant 0 : i32
      %dma_wait3A_821 = tpu.memref_slice %arg11[%dma_wait3A_818, %dma_wait3A_820] : memref<2x4096xi32, #tpu.memory_space<vmem>> -> memref<1x4096xi32, #tpu.memory_space<vmem>>
      %dma_wait3A_822 = tpu.memref_squeeze %dma_wait3A_821 : memref<1x4096xi32, #tpu.memory_space<vmem>> -> memref<4096xi32, #tpu.memory_space<vmem>>
      %dma_wait3A_823 = tpu.memref_slice %arg4[%mul3A_817] : memref<524288xi32, #tpu.memory_space<hbm>> -> memref<4096xi32, #tpu.memory_space<hbm>>
      %dma_wait3A_824 = tpu.memref_slice %arg18[%dma_wait3A_819] : memref<2x!tpu.dma_semaphore, #tpu.memory_space<semaphore_mem>> -> memref<1x!tpu.dma_semaphore, #tpu.memory_space<semaphore_mem>>
      %dma_wait3A_825 = tpu.memref_squeeze %dma_wait3A_824 : memref<1x!tpu.dma_semaphore, #tpu.memory_space<semaphore_mem>> -> memref<!tpu.dma_semaphore, #tpu.memory_space<semaphore_mem>>
      %dma_wait3A_826 = arith.constant 0 : i32
      %dma_wait3A_827 = tpu.memref_slice %arg11[%dma_wait3A_818, %dma_wait3A_826] : memref<2x4096xi32, #tpu.memory_space<vmem>> -> memref<1x4096xi32, #tpu.memory_space<vmem>>
      %dma_wait3A_828 = tpu.memref_squeeze %dma_wait3A_827 : memref<1x4096xi32, #tpu.memory_space<vmem>> -> memref<4096xi32, #tpu.memory_space<vmem>>
      %dma_wait3A_829 = tpu.memref_slice %arg4[%mul3A_817] : memref<524288xi32, #tpu.memory_space<hbm>> -> memref<4096xi32, #tpu.memory_space<hbm>>
      tpu.wait_dma2 semaphore(%dma_wait3A_825 : memref<!tpu.dma_semaphore, #tpu.memory_space<semaphore_mem>>) src(%dma_wait3A_829 : memref<4096xi32, #tpu.memory_space<hbm>>) dst(%dma_wait3A_828 : memref<4096xi32, #tpu.memory_space<vmem>>)
      %add3A_830 = arith.constant 1 : i32
      %add3A_831 = arith.addi %mul3A_748, %add3A_830 : i32
      %ge3A_832 = arith.constant 2 : i32
      %ge3A_833 = arith.cmpi sge, %add3A_831, %ge3A_832 : i32
      %convert_element_type3A_834 = arith.extui %ge3A_833 : i1 to i32
      %cond3A_835 = arith.constant 0 : i32
      %cond3A_836 = arith.cmpi ne, %convert_element_type3A_834, %cond3A_835 : i32
      scf.if %cond3A_836 {
        %dma_wait3A_866 = arith.constant 1 : i32
        %dma_wait3A_867 = arith.constant 1 : i32
        %dma_wait3A_868 = arith.constant 0 : i32
        %dma_wait3A_869 = arith.constant 0 : i32
        %dma_wait3A_870 = tpu.memref_slice %arg12[%dma_wait3A_866, %dma_wait3A_868, %dma_wait3A_869] : memref<2x8x512xf32, #tpu.memory_space<vmem>> -> memref<1x8x512xf32, #tpu.memory_space<vmem>>
        %dma_wait3A_871 = tpu.memref_squeeze %dma_wait3A_870 : memref<1x8x512xf32, #tpu.memory_space<vmem>> -> memref<8x512xf32, #tpu.memory_space<vmem>>
        %dma_wait3A_872 = arith.constant 0 : i32
        %dma_wait3A_873 = arith.constant 0 : i32
        %dma_wait3A_874 = tpu.memref_slice %arg9[%dma_wait3A_872, %dma_wait3A_873] : memref<92160x512xf32, #tpu.memory_space<hbm>> -> memref<8x512xf32, #tpu.memory_space<hbm>>
        %dma_wait3A_875 = tpu.memref_slice %arg19[%dma_wait3A_867] : memref<2x!tpu.dma_semaphore, #tpu.memory_space<semaphore_mem>> -> memref<1x!tpu.dma_semaphore, #tpu.memory_space<semaphore_mem>>
        %dma_wait3A_876 = tpu.memref_squeeze %dma_wait3A_875 : memref<1x!tpu.dma_semaphore, #tpu.memory_space<semaphore_mem>> -> memref<!tpu.dma_semaphore, #tpu.memory_space<semaphore_mem>>
        %dma_wait3A_877 = arith.constant 0 : i32
        %dma_wait3A_878 = arith.constant 0 : i32
        %dma_wait3A_879 = tpu.memref_slice %arg9[%dma_wait3A_877, %dma_wait3A_878] : memref<92160x512xf32, #tpu.memory_space<hbm>> -> memref<8x512xf32, #tpu.memory_space<hbm>>
        %dma_wait3A_880 = arith.constant 0 : i32
        %dma_wait3A_881 = arith.constant 0 : i32
        %dma_wait3A_882 = tpu.memref_slice %arg12[%dma_wait3A_866, %dma_wait3A_880, %dma_wait3A_881] : memref<2x8x512xf32, #tpu.memory_space<vmem>> -> memref<1x8x512xf32, #tpu.memory_space<vmem>>
        %dma_wait3A_883 = tpu.memref_squeeze %dma_wait3A_882 : memref<1x8x512xf32, #tpu.memory_space<vmem>> -> memref<8x512xf32, #tpu.memory_space<vmem>>
        tpu.wait_dma2 semaphore(%dma_wait3A_876 : memref<!tpu.dma_semaphore, #tpu.memory_space<semaphore_mem>>) src(%dma_wait3A_883 : memref<8x512xf32, #tpu.memory_space<vmem>>) dst(%dma_wait3A_879 : memref<8x512xf32, #tpu.memory_space<hbm>>)
      } else {
      }
      %scan3A_837 = arith.constant 0 : i32
      %scan3A_838 = arith.constant 0 : i32
      %scan3A_839 = arith.constant 8 : i32
      %scan3A_840 = arith.addi %scan3A_838, %scan3A_839 : i32
      %scan3A_841 = arith.constant 1 : i32
      scf.for %scan3A_866 = %scan3A_838 to %scan3A_840 step %scan3A_841  : i32 {
        %mul3A_867 = arith.constant 512 : i32
        %mul3A_868 = arith.muli %scan3A_866, %mul3A_867 : i32
        %add3A_869 = arith.constant 0 : i32
        %add3A_870 = arith.addi %mul3A_868, %add3A_869 : i32
        %get3A = arith.constant 1 : i32
        %get3A_871 = arith.index_cast %get3A : i32 to index
        %get3A_872 = arith.index_cast %add3A_870 : i32 to index
        %get3A_873 = tpu.vector_load %arg11[%get3A_871, %get3A_872] {strides = array<i32>} : memref<2x4096xi32, #tpu.memory_space<vmem>>, vector<16xi32>,
        %gather3A = tpu.vector_load_idx %arg10[%get3A_873] : memref<99000xf32, #tpu.memory_space<vmem>>[vector<16xi32>], vector<16xf32>,
        %swap3A = arith.constant 1 : i32
        %swap3A_874 = arith.index_cast %swap3A : i32 to index
        %swap3A_875 = arith.index_cast %scan3A_866 : i32 to index
        %swap3A_876 = arith.constant 0 : index
        %swap3A_877 = tpu.vector_load %arg12[%swap3A_874, %swap3A_875, %swap3A_876] {strides = array<i32>} : memref<2x8x512xf32, #tpu.memory_space<vmem>>, vector<16xf32>,
        tpu.vector_store %arg12[%swap3A_874, %swap3A_875, %swap3A_876], %gather3A {strides = array<i32>} : memref<2x8x512xf32, #tpu.memory_space<vmem>>, vector<16xf32>,
        %add3A_878 = arith.constant 16 : i32
        %add3A_879 = arith.addi %mul3A_868, %add3A_878 : i32
        %get3A_880 = arith.constant 1 : i32
        %get3A_881 = arith.index_cast %get3A_880 : i32 to index
        %get3A_882 = arith.index_cast %add3A_879 : i32 to index
        %get3A_883 = tpu.vector_load %arg11[%get3A_881, %get3A_882] {strides = array<i32>} : memref<2x4096xi32, #tpu.memory_space<vmem>>, vector<16xi32>,
        %gather3A_884 = tpu.vector_load_idx %arg10[%get3A_883] : memref<99000xf32, #tpu.memory_space<vmem>>[vector<16xi32>], vector<16xf32>,
        %swap3A_885 = arith.constant 1 : i32
        %swap3A_886 = arith.index_cast %swap3A_885 : i32 to index
        %swap3A_887 = arith.index_cast %scan3A_866 : i32 to index
        %swap3A_888 = arith.constant 16 : index
        %swap3A_889 = tpu.vector_load %arg12[%swap3A_886, %swap3A_887, %swap3A_888] {strides = array<i32>} : memref<2x8x512xf32, #tpu.memory_space<vmem>>, vector<16xf32>,
        tpu.vector_store %arg12[%swap3A_886, %swap3A_887, %swap3A_888], %gather3A_884 {strides = array<i32>} : memref<2x8x512xf32, #tpu.memory_space<vmem>>, vector<16xf32>,
        %add3A_890 = arith.constant 32 : i32
        %add3A_891 = arith.addi %mul3A_868, %add3A_890 : i32
        %get3A_892 = arith.constant 1 : i32
        %get3A_893 = arith.index_cast %get3A_892 : i32 to index
        %get3A_894 = arith.index_cast %add3A_891 : i32 to index
        %get3A_895 = tpu.vector_load %arg11[%get3A_893, %get3A_894] {strides = array<i32>} : memref<2x4096xi32, #tpu.memory_space<vmem>>, vector<16xi32>,
        %gather3A_896 = tpu.vector_load_idx %arg10[%get3A_895] : memref<99000xf32, #tpu.memory_space<vmem>>[vector<16xi32>], vector<16xf32>,
        %swap3A_897 = arith.constant 1 : i32
        %swap3A_898 = arith.index_cast %swap3A_897 : i32 to index
        %swap3A_899 = arith.index_cast %scan3A_866 : i32 to index
        %swap3A_900 = arith.constant 32 : index
        %swap3A_901 = tpu.vector_load %arg12[%swap3A_898, %swap3A_899, %swap3A_900] {strides = array<i32>} : memref<2x8x512xf32, #tpu.memory_space<vmem>>, vector<16xf32>,
        tpu.vector_store %arg12[%swap3A_898, %swap3A_899, %swap3A_900], %gather3A_896 {strides = array<i32>} : memref<2x8x512xf32, #tpu.memory_space<vmem>>, vector<16xf32>,
        %add3A_902 = arith.constant 48 : i32
        %add3A_903 = arith.addi %mul3A_868, %add3A_902 : i32
        %get3A_904 = arith.constant 1 : i32
        %get3A_905 = arith.index_cast %get3A_904 : i32 to index
        %get3A_906 = arith.index_cast %add3A_903 : i32 to index
        %get3A_907 = tpu.vector_load %arg11[%get3A_905, %get3A_906] {strides = array<i32>} : memref<2x4096xi32, #tpu.memory_space<vmem>>, vector<16xi32>,
        %gather3A_908 = tpu.vector_load_idx %arg10[%get3A_907] : memref<99000xf32, #tpu.memory_space<vmem>>[vector<16xi32>], vector<16xf32>,
        %swap3A_909 = arith.constant 1 : i32
        %swap3A_910 = arith.index_cast %swap3A_909 : i32 to index
        %swap3A_911 = arith.index_cast %scan3A_866 : i32 to index
        %swap3A_912 = arith.constant 48 : index
        %swap3A_913 = tpu.vector_load %arg12[%swap3A_910, %swap3A_911, %swap3A_912] {strides = array<i32>} : memref<2x8x512xf32, #tpu.memory_space<vmem>>, vector<16xf32>,
        tpu.vector_store %arg12[%swap3A_910, %swap3A_911, %swap3A_912], %gather3A_908 {strides = array<i32>} : memref<2x8x512xf32, #tpu.memory_space<vmem>>, vector<16xf32>,
        %add3A_914 = arith.constant 64 : i32
        %add3A_915 = arith.addi %mul3A_868, %add3A_914 : i32
        %get3A_916 = arith.constant 1 : i32
        %get3A_917 = arith.index_cast %get3A_916 : i32 to index
        %get3A_918 = arith.index_cast %add3A_915 : i32 to index
        %get3A_919 = tpu.vector_load %arg11[%get3A_917, %get3A_918] {strides = array<i32>} : memref<2x4096xi32, #tpu.memory_space<vmem>>, vector<16xi32>,
        %gather3A_920 = tpu.vector_load_idx %arg10[%get3A_919] : memref<99000xf32, #tpu.memory_space<vmem>>[vector<16xi32>], vector<16xf32>,
        %swap3A_921 = arith.constant 1 : i32
        %swap3A_922 = arith.index_cast %swap3A_921 : i32 to index
        %swap3A_923 = arith.index_cast %scan3A_866 : i32 to index
        %swap3A_924 = arith.constant 64 : index
        %swap3A_925 = tpu.vector_load %arg12[%swap3A_922, %swap3A_923, %swap3A_924] {strides = array<i32>} : memref<2x8x512xf32, #tpu.memory_space<vmem>>, vector<16xf32>,
        tpu.vector_store %arg12[%swap3A_922, %swap3A_923, %swap3A_924], %gather3A_920 {strides = array<i32>} : memref<2x8x512xf32, #tpu.memory_space<vmem>>, vector<16xf32>,
        %add3A_926 = arith.constant 80 : i32
        %add3A_927 = arith.addi %mul3A_868, %add3A_926 : i32
        %get3A_928 = arith.constant 1 : i32
        %get3A_929 = arith.index_cast %get3A_928 : i32 to index
        %get3A_930 = arith.index_cast %add3A_927 : i32 to index
        %get3A_931 = tpu.vector_load %arg11[%get3A_929, %get3A_930] {strides = array<i32>} : memref<2x4096xi32, #tpu.memory_space<vmem>>, vector<16xi32>,
        %gather3A_932 = tpu.vector_load_idx %arg10[%get3A_931] : memref<99000xf32, #tpu.memory_space<vmem>>[vector<16xi32>], vector<16xf32>,
        %swap3A_933 = arith.constant 1 : i32
        %swap3A_934 = arith.index_cast %swap3A_933 : i32 to index
        %swap3A_935 = arith.index_cast %scan3A_866 : i32 to index
        %swap3A_936 = arith.constant 80 : index
        %swap3A_937 = tpu.vector_load %arg12[%swap3A_934, %swap3A_935, %swap3A_936] {strides = array<i32>} : memref<2x8x512xf32, #tpu.memory_space<vmem>>, vector<16xf32>,
        tpu.vector_store %arg12[%swap3A_934, %swap3A_935, %swap3A_936], %gather3A_932 {strides = array<i32>} : memref<2x8x512xf32, #tpu.memory_space<vmem>>, vector<16xf32>,
        %add3A_938 = arith.constant 96 : i32
        %add3A_939 = arith.addi %mul3A_868, %add3A_938 : i32
        %get3A_940 = arith.constant 1 : i32
        %get3A_941 = arith.index_cast %get3A_940 : i32 to index
        %get3A_942 = arith.index_cast %add3A_939 : i32 to index
        %get3A_943 = tpu.vector_load %arg11[%get3A_941, %get3A_942] {strides = array<i32>} : memref<2x4096xi32, #tpu.memory_space<vmem>>, vector<16xi32>,
        %gather3A_944 = tpu.vector_load_idx %arg10[%get3A_943] : memref<99000xf32, #tpu.memory_space<vmem>>[vector<16xi32>], vector<16xf32>,
        %swap3A_945 = arith.constant 1 : i32
        %swap3A_946 = arith.index_cast %swap3A_945 : i32 to index
        %swap3A_947 = arith.index_cast %scan3A_866 : i32 to index
        %swap3A_948 = arith.constant 96 : index
        %swap3A_949 = tpu.vector_load %arg12[%swap3A_946, %swap3A_947, %swap3A_948] {strides = array<i32>} : memref<2x8x512xf32, #tpu.memory_space<vmem>>, vector<16xf32>,
        tpu.vector_store %arg12[%swap3A_946, %swap3A_947, %swap3A_948], %gather3A_944 {strides = array<i32>} : memref<2x8x512xf32, #tpu.memory_space<vmem>>, vector<16xf32>,
        %add3A_950 = arith.constant 112 : i32
        %add3A_951 = arith.addi %mul3A_868, %add3A_950 : i32
        %get3A_952 = arith.constant 1 : i32
        %get3A_953 = arith.index_cast %get3A_952 : i32 to index
        %get3A_954 = arith.index_cast %add3A_951 : i32 to index
        %get3A_955 = tpu.vector_load %arg11[%get3A_953, %get3A_954] {strides = array<i32>} : memref<2x4096xi32, #tpu.memory_space<vmem>>, vector<16xi32>,
        %gather3A_956 = tpu.vector_load_idx %arg10[%get3A_955] : memref<99000xf32, #tpu.memory_space<vmem>>[vector<16xi32>], vector<16xf32>,
        %swap3A_957 = arith.constant 1 : i32
        %swap3A_958 = arith.index_cast %swap3A_957 : i32 to index
        %swap3A_959 = arith.index_cast %scan3A_866 : i32 to index
        %swap3A_960 = arith.constant 112 : index
        %swap3A_961 = tpu.vector_load %arg12[%swap3A_958, %swap3A_959, %swap3A_960] {strides = array<i32>} : memref<2x8x512xf32, #tpu.memory_space<vmem>>, vector<16xf32>,
        tpu.vector_store %arg12[%swap3A_958, %swap3A_959, %swap3A_960], %gather3A_956 {strides = array<i32>} : memref<2x8x512xf32, #tpu.memory_space<vmem>>, vector<16xf32>,
        %add3A_962 = arith.constant 128 : i32
        %add3A_963 = arith.addi %mul3A_868, %add3A_962 : i32
        %get3A_964 = arith.constant 1 : i32
        %get3A_965 = arith.index_cast %get3A_964 : i32 to index
        %get3A_966 = arith.index_cast %add3A_963 : i32 to index
        %get3A_967 = tpu.vector_load %arg11[%get3A_965, %get3A_966] {strides = array<i32>} : memref<2x4096xi32, #tpu.memory_space<vmem>>, vector<16xi32>,
        %gather3A_968 = tpu.vector_load_idx %arg10[%get3A_967] : memref<99000xf32, #tpu.memory_space<vmem>>[vector<16xi32>], vector<16xf32>,
        %swap3A_969 = arith.constant 1 : i32
        %swap3A_970 = arith.index_cast %swap3A_969 : i32 to index
        %swap3A_971 = arith.index_cast %scan3A_866 : i32 to index
        %swap3A_972 = arith.constant 128 : index
        %swap3A_973 = tpu.vector_load %arg12[%swap3A_970, %swap3A_971, %swap3A_972] {strides = array<i32>} : memref<2x8x512xf32, #tpu.memory_space<vmem>>, vector<16xf32>,
        tpu.vector_store %arg12[%swap3A_970, %swap3A_971, %swap3A_972], %gather3A_968 {strides = array<i32>} : memref<2x8x512xf32, #tpu.memory_space<vmem>>, vector<16xf32>,
        %add3A_974 = arith.constant 144 : i32
        %add3A_975 = arith.addi %mul3A_868, %add3A_974 : i32
        %get3A_976 = arith.constant 1 : i32
        %get3A_977 = arith.index_cast %get3A_976 : i32 to index
        %get3A_978 = arith.index_cast %add3A_975 : i32 to index
        %get3A_979 = tpu.vector_load %arg11[%get3A_977, %get3A_978] {strides = array<i32>} : memref<2x4096xi32, #tpu.memory_space<vmem>>, vector<16xi32>,
        %gather3A_980 = tpu.vector_load_idx %arg10[%get3A_979] : memref<99000xf32, #tpu.memory_space<vmem>>[vector<16xi32>], vector<16xf32>,
        %swap3A_981 = arith.constant 1 : i32
        %swap3A_982 = arith.index_cast %swap3A_981 : i32 to index
        %swap3A_983 = arith.index_cast %scan3A_866 : i32 to index
        %swap3A_984 = arith.constant 144 : index
        %swap3A_985 = tpu.vector_load %arg12[%swap3A_982, %swap3A_983, %swap3A_984] {strides = array<i32>} : memref<2x8x512xf32, #tpu.memory_space<vmem>>, vector<16xf32>,
        tpu.vector_store %arg12[%swap3A_982, %swap3A_983, %swap3A_984], %gather3A_980 {strides = array<i32>} : memref<2x8x512xf32, #tpu.memory_space<vmem>>, vector<16xf32>,
        %add3A_986 = arith.constant 160 : i32
        %add3A_987 = arith.addi %mul3A_868, %add3A_986 : i32
        %get3A_988 = arith.constant 1 : i32
        %get3A_989 = arith.index_cast %get3A_988 : i32 to index
        %get3A_990 = arith.index_cast %add3A_987 : i32 to index
        %get3A_991 = tpu.vector_load %arg11[%get3A_989, %get3A_990] {strides = array<i32>} : memref<2x4096xi32, #tpu.memory_space<vmem>>, vector<16xi32>,
        %gather3A_992 = tpu.vector_load_idx %arg10[%get3A_991] : memref<99000xf32, #tpu.memory_space<vmem>>[vector<16xi32>], vector<16xf32>,
        %swap3A_993 = arith.constant 1 : i32
        %swap3A_994 = arith.index_cast %swap3A_993 : i32 to index
        %swap3A_995 = arith.index_cast %scan3A_866 : i32 to index
        %swap3A_996 = arith.constant 160 : index
        %swap3A_997 = tpu.vector_load %arg12[%swap3A_994, %swap3A_995, %swap3A_996] {strides = array<i32>} : memref<2x8x512xf32, #tpu.memory_space<vmem>>, vector<16xf32>,
        tpu.vector_store %arg12[%swap3A_994, %swap3A_995, %swap3A_996], %gather3A_992 {strides = array<i32>} : memref<2x8x512xf32, #tpu.memory_space<vmem>>, vector<16xf32>,
        %add3A_998 = arith.constant 176 : i32
        %add3A_999 = arith.addi %mul3A_868, %add3A_998 : i32
        %get3A_1000 = arith.constant 1 : i32
        %get3A_1001 = arith.index_cast %get3A_1000 : i32 to index
        %get3A_1002 = arith.index_cast %add3A_999 : i32 to index
        %get3A_1003 = tpu.vector_load %arg11[%get3A_1001, %get3A_1002] {strides = array<i32>} : memref<2x4096xi32, #tpu.memory_space<vmem>>, vector<16xi32>,
        %gather3A_1004 = tpu.vector_load_idx %arg10[%get3A_1003] : memref<99000xf32, #tpu.memory_space<vmem>>[vector<16xi32>], vector<16xf32>,
        %swap3A_1005 = arith.constant 1 : i32
        %swap3A_1006 = arith.index_cast %swap3A_1005 : i32 to index
        %swap3A_1007 = arith.index_cast %scan3A_866 : i32 to index
        %swap3A_1008 = arith.constant 176 : index
        %swap3A_1009 = tpu.vector_load %arg12[%swap3A_1006, %swap3A_1007, %swap3A_1008] {strides = array<i32>} : memref<2x8x512xf32, #tpu.memory_space<vmem>>, vector<16xf32>,
        tpu.vector_store %arg12[%swap3A_1006, %swap3A_1007, %swap3A_1008], %gather3A_1004 {strides = array<i32>} : memref<2x8x512xf32, #tpu.memory_space<vmem>>, vector<16xf32>,
        %add3A_1010 = arith.constant 192 : i32
        %add3A_1011 = arith.addi %mul3A_868, %add3A_1010 : i32
        %get3A_1012 = arith.constant 1 : i32
        %get3A_1013 = arith.index_cast %get3A_1012 : i32 to index
        %get3A_1014 = arith.index_cast %add3A_1011 : i32 to index
        %get3A_1015 = tpu.vector_load %arg11[%get3A_1013, %get3A_1014] {strides = array<i32>} : memref<2x4096xi32, #tpu.memory_space<vmem>>, vector<16xi32>,
        %gather3A_1016 = tpu.vector_load_idx %arg10[%get3A_1015] : memref<99000xf32, #tpu.memory_space<vmem>>[vector<16xi32>], vector<16xf32>,
        %swap3A_1017 = arith.constant 1 : i32
        %swap3A_1018 = arith.index_cast %swap3A_1017 : i32 to index
        %swap3A_1019 = arith.index_cast %scan3A_866 : i32 to index
        %swap3A_1020 = arith.constant 192 : index
        %swap3A_1021 = tpu.vector_load %arg12[%swap3A_1018, %swap3A_1019, %swap3A_1020] {strides = array<i32>} : memref<2x8x512xf32, #tpu.memory_space<vmem>>, vector<16xf32>,
        tpu.vector_store %arg12[%swap3A_1018, %swap3A_1019, %swap3A_1020], %gather3A_1016 {strides = array<i32>} : memref<2x8x512xf32, #tpu.memory_space<vmem>>, vector<16xf32>,
        %add3A_1022 = arith.constant 208 : i32
        %add3A_1023 = arith.addi %mul3A_868, %add3A_1022 : i32
        %get3A_1024 = arith.constant 1 : i32
        %get3A_1025 = arith.index_cast %get3A_1024 : i32 to index
        %get3A_1026 = arith.index_cast %add3A_1023 : i32 to index
        %get3A_1027 = tpu.vector_load %arg11[%get3A_1025, %get3A_1026] {strides = array<i32>} : memref<2x4096xi32, #tpu.memory_space<vmem>>, vector<16xi32>,
        %gather3A_1028 = tpu.vector_load_idx %arg10[%get3A_1027] : memref<99000xf32, #tpu.memory_space<vmem>>[vector<16xi32>], vector<16xf32>,
        %swap3A_1029 = arith.constant 1 : i32
        %swap3A_1030 = arith.index_cast %swap3A_1029 : i32 to index
        %swap3A_1031 = arith.index_cast %scan3A_866 : i32 to index
        %swap3A_1032 = arith.constant 208 : index
        %swap3A_1033 = tpu.vector_load %arg12[%swap3A_1030, %swap3A_1031, %swap3A_1032] {strides = array<i32>} : memref<2x8x512xf32, #tpu.memory_space<vmem>>, vector<16xf32>,
        tpu.vector_store %arg12[%swap3A_1030, %swap3A_1031, %swap3A_1032], %gather3A_1028 {strides = array<i32>} : memref<2x8x512xf32, #tpu.memory_space<vmem>>, vector<16xf32>,
        %add3A_1034 = arith.constant 224 : i32
        %add3A_1035 = arith.addi %mul3A_868, %add3A_1034 : i32
        %get3A_1036 = arith.constant 1 : i32
        %get3A_1037 = arith.index_cast %get3A_1036 : i32 to index
        %get3A_1038 = arith.index_cast %add3A_1035 : i32 to index
        %get3A_1039 = tpu.vector_load %arg11[%get3A_1037, %get3A_1038] {strides = array<i32>} : memref<2x4096xi32, #tpu.memory_space<vmem>>, vector<16xi32>,
        %gather3A_1040 = tpu.vector_load_idx %arg10[%get3A_1039] : memref<99000xf32, #tpu.memory_space<vmem>>[vector<16xi32>], vector<16xf32>,
        %swap3A_1041 = arith.constant 1 : i32
        %swap3A_1042 = arith.index_cast %swap3A_1041 : i32 to index
        %swap3A_1043 = arith.index_cast %scan3A_866 : i32 to index
        %swap3A_1044 = arith.constant 224 : index
        %swap3A_1045 = tpu.vector_load %arg12[%swap3A_1042, %swap3A_1043, %swap3A_1044] {strides = array<i32>} : memref<2x8x512xf32, #tpu.memory_space<vmem>>, vector<16xf32>,
        tpu.vector_store %arg12[%swap3A_1042, %swap3A_1043, %swap3A_1044], %gather3A_1040 {strides = array<i32>} : memref<2x8x512xf32, #tpu.memory_space<vmem>>, vector<16xf32>,
        %add3A_1046 = arith.constant 240 : i32
        %add3A_1047 = arith.addi %mul3A_868, %add3A_1046 : i32
        %get3A_1048 = arith.constant 1 : i32
        %get3A_1049 = arith.index_cast %get3A_1048 : i32 to index
        %get3A_1050 = arith.index_cast %add3A_1047 : i32 to index
        %get3A_1051 = tpu.vector_load %arg11[%get3A_1049, %get3A_1050] {strides = array<i32>} : memref<2x4096xi32, #tpu.memory_space<vmem>>, vector<16xi32>,
        %gather3A_1052 = tpu.vector_load_idx %arg10[%get3A_1051] : memref<99000xf32, #tpu.memory_space<vmem>>[vector<16xi32>], vector<16xf32>,
        %swap3A_1053 = arith.constant 1 : i32
        %swap3A_1054 = arith.index_cast %swap3A_1053 : i32 to index
        %swap3A_1055 = arith.index_cast %scan3A_866 : i32 to index
        %swap3A_1056 = arith.constant 240 : index
        %swap3A_1057 = tpu.vector_load %arg12[%swap3A_1054, %swap3A_1055, %swap3A_1056] {strides = array<i32>} : memref<2x8x512xf32, #tpu.memory_space<vmem>>, vector<16xf32>,
        tpu.vector_store %arg12[%swap3A_1054, %swap3A_1055, %swap3A_1056], %gather3A_1052 {strides = array<i32>} : memref<2x8x512xf32, #tpu.memory_space<vmem>>, vector<16xf32>,
        %add3A_1058 = arith.constant 256 : i32
        %add3A_1059 = arith.addi %mul3A_868, %add3A_1058 : i32
        %get3A_1060 = arith.constant 1 : i32
        %get3A_1061 = arith.index_cast %get3A_1060 : i32 to index
        %get3A_1062 = arith.index_cast %add3A_1059 : i32 to index
        %get3A_1063 = tpu.vector_load %arg11[%get3A_1061, %get3A_1062] {strides = array<i32>} : memref<2x4096xi32, #tpu.memory_space<vmem>>, vector<16xi32>,
        %gather3A_1064 = tpu.vector_load_idx %arg10[%get3A_1063] : memref<99000xf32, #tpu.memory_space<vmem>>[vector<16xi32>], vector<16xf32>,
        %swap3A_1065 = arith.constant 1 : i32
        %swap3A_1066 = arith.index_cast %swap3A_1065 : i32 to index
        %swap3A_1067 = arith.index_cast %scan3A_866 : i32 to index
        %swap3A_1068 = arith.constant 256 : index
        %swap3A_1069 = tpu.vector_load %arg12[%swap3A_1066, %swap3A_1067, %swap3A_1068] {strides = array<i32>} : memref<2x8x512xf32, #tpu.memory_space<vmem>>, vector<16xf32>,
        tpu.vector_store %arg12[%swap3A_1066, %swap3A_1067, %swap3A_1068], %gather3A_1064 {strides = array<i32>} : memref<2x8x512xf32, #tpu.memory_space<vmem>>, vector<16xf32>,
        %add3A_1070 = arith.constant 272 : i32
        %add3A_1071 = arith.addi %mul3A_868, %add3A_1070 : i32
        %get3A_1072 = arith.constant 1 : i32
        %get3A_1073 = arith.index_cast %get3A_1072 : i32 to index
        %get3A_1074 = arith.index_cast %add3A_1071 : i32 to index
        %get3A_1075 = tpu.vector_load %arg11[%get3A_1073, %get3A_1074] {strides = array<i32>} : memref<2x4096xi32, #tpu.memory_space<vmem>>, vector<16xi32>,
        %gather3A_1076 = tpu.vector_load_idx %arg10[%get3A_1075] : memref<99000xf32, #tpu.memory_space<vmem>>[vector<16xi32>], vector<16xf32>,
        %swap3A_1077 = arith.constant 1 : i32
        %swap3A_1078 = arith.index_cast %swap3A_1077 : i32 to index
        %swap3A_1079 = arith.index_cast %scan3A_866 : i32 to index
        %swap3A_1080 = arith.constant 272 : index
        %swap3A_1081 = tpu.vector_load %arg12[%swap3A_1078, %swap3A_1079, %swap3A_1080] {strides = array<i32>} : memref<2x8x512xf32, #tpu.memory_space<vmem>>, vector<16xf32>,
        tpu.vector_store %arg12[%swap3A_1078, %swap3A_1079, %swap3A_1080], %gather3A_1076 {strides = array<i32>} : memref<2x8x512xf32, #tpu.memory_space<vmem>>, vector<16xf32>,
        %add3A_1082 = arith.constant 288 : i32
        %add3A_1083 = arith.addi %mul3A_868, %add3A_1082 : i32
        %get3A_1084 = arith.constant 1 : i32
        %get3A_1085 = arith.index_cast %get3A_1084 : i32 to index
        %get3A_1086 = arith.index_cast %add3A_1083 : i32 to index
        %get3A_1087 = tpu.vector_load %arg11[%get3A_1085, %get3A_1086] {strides = array<i32>} : memref<2x4096xi32, #tpu.memory_space<vmem>>, vector<16xi32>,
        %gather3A_1088 = tpu.vector_load_idx %arg10[%get3A_1087] : memref<99000xf32, #tpu.memory_space<vmem>>[vector<16xi32>], vector<16xf32>,
        %swap3A_1089 = arith.constant 1 : i32
        %swap3A_1090 = arith.index_cast %swap3A_1089 : i32 to index
        %swap3A_1091 = arith.index_cast %scan3A_866 : i32 to index
        %swap3A_1092 = arith.constant 288 : index
        %swap3A_1093 = tpu.vector_load %arg12[%swap3A_1090, %swap3A_1091, %swap3A_1092] {strides = array<i32>} : memref<2x8x512xf32, #tpu.memory_space<vmem>>, vector<16xf32>,
        tpu.vector_store %arg12[%swap3A_1090, %swap3A_1091, %swap3A_1092], %gather3A_1088 {strides = array<i32>} : memref<2x8x512xf32, #tpu.memory_space<vmem>>, vector<16xf32>,
        %add3A_1094 = arith.constant 304 : i32
        %add3A_1095 = arith.addi %mul3A_868, %add3A_1094 : i32
        %get3A_1096 = arith.constant 1 : i32
        %get3A_1097 = arith.index_cast %get3A_1096 : i32 to index
        %get3A_1098 = arith.index_cast %add3A_1095 : i32 to index
        %get3A_1099 = tpu.vector_load %arg11[%get3A_1097, %get3A_1098] {strides = array<i32>} : memref<2x4096xi32, #tpu.memory_space<vmem>>, vector<16xi32>,
        %gather3A_1100 = tpu.vector_load_idx %arg10[%get3A_1099] : memref<99000xf32, #tpu.memory_space<vmem>>[vector<16xi32>], vector<16xf32>,
        %swap3A_1101 = arith.constant 1 : i32
        %swap3A_1102 = arith.index_cast %swap3A_1101 : i32 to index
        %swap3A_1103 = arith.index_cast %scan3A_866 : i32 to index
        %swap3A_1104 = arith.constant 304 : index
        %swap3A_1105 = tpu.vector_load %arg12[%swap3A_1102, %swap3A_1103, %swap3A_1104] {strides = array<i32>} : memref<2x8x512xf32, #tpu.memory_space<vmem>>, vector<16xf32>,
        tpu.vector_store %arg12[%swap3A_1102, %swap3A_1103, %swap3A_1104], %gather3A_1100 {strides = array<i32>} : memref<2x8x512xf32, #tpu.memory_space<vmem>>, vector<16xf32>,
        %add3A_1106 = arith.constant 320 : i32
        %add3A_1107 = arith.addi %mul3A_868, %add3A_1106 : i32
        %get3A_1108 = arith.constant 1 : i32
        %get3A_1109 = arith.index_cast %get3A_1108 : i32 to index
        %get3A_1110 = arith.index_cast %add3A_1107 : i32 to index
        %get3A_1111 = tpu.vector_load %arg11[%get3A_1109, %get3A_1110] {strides = array<i32>} : memref<2x4096xi32, #tpu.memory_space<vmem>>, vector<16xi32>,
        %gather3A_1112 = tpu.vector_load_idx %arg10[%get3A_1111] : memref<99000xf32, #tpu.memory_space<vmem>>[vector<16xi32>], vector<16xf32>,
        %swap3A_1113 = arith.constant 1 : i32
        %swap3A_1114 = arith.index_cast %swap3A_1113 : i32 to index
        %swap3A_1115 = arith.index_cast %scan3A_866 : i32 to index
        %swap3A_1116 = arith.constant 320 : index
        %swap3A_1117 = tpu.vector_load %arg12[%swap3A_1114, %swap3A_1115, %swap3A_1116] {strides = array<i32>} : memref<2x8x512xf32, #tpu.memory_space<vmem>>, vector<16xf32>,
        tpu.vector_store %arg12[%swap3A_1114, %swap3A_1115, %swap3A_1116], %gather3A_1112 {strides = array<i32>} : memref<2x8x512xf32, #tpu.memory_space<vmem>>, vector<16xf32>,
        %add3A_1118 = arith.constant 336 : i32
        %add3A_1119 = arith.addi %mul3A_868, %add3A_1118 : i32
        %get3A_1120 = arith.constant 1 : i32
        %get3A_1121 = arith.index_cast %get3A_1120 : i32 to index
        %get3A_1122 = arith.index_cast %add3A_1119 : i32 to index
        %get3A_1123 = tpu.vector_load %arg11[%get3A_1121, %get3A_1122] {strides = array<i32>} : memref<2x4096xi32, #tpu.memory_space<vmem>>, vector<16xi32>,
        %gather3A_1124 = tpu.vector_load_idx %arg10[%get3A_1123] : memref<99000xf32, #tpu.memory_space<vmem>>[vector<16xi32>], vector<16xf32>,
        %swap3A_1125 = arith.constant 1 : i32
        %swap3A_1126 = arith.index_cast %swap3A_1125 : i32 to index
        %swap3A_1127 = arith.index_cast %scan3A_866 : i32 to index
        %swap3A_1128 = arith.constant 336 : index
        %swap3A_1129 = tpu.vector_load %arg12[%swap3A_1126, %swap3A_1127, %swap3A_1128] {strides = array<i32>} : memref<2x8x512xf32, #tpu.memory_space<vmem>>, vector<16xf32>,
        tpu.vector_store %arg12[%swap3A_1126, %swap3A_1127, %swap3A_1128], %gather3A_1124 {strides = array<i32>} : memref<2x8x512xf32, #tpu.memory_space<vmem>>, vector<16xf32>,
        %add3A_1130 = arith.constant 352 : i32
        %add3A_1131 = arith.addi %mul3A_868, %add3A_1130 : i32
        %get3A_1132 = arith.constant 1 : i32
        %get3A_1133 = arith.index_cast %get3A_1132 : i32 to index
        %get3A_1134 = arith.index_cast %add3A_1131 : i32 to index
        %get3A_1135 = tpu.vector_load %arg11[%get3A_1133, %get3A_1134] {strides = array<i32>} : memref<2x4096xi32, #tpu.memory_space<vmem>>, vector<16xi32>,
        %gather3A_1136 = tpu.vector_load_idx %arg10[%get3A_1135] : memref<99000xf32, #tpu.memory_space<vmem>>[vector<16xi32>], vector<16xf32>,
        %swap3A_1137 = arith.constant 1 : i32
        %swap3A_1138 = arith.index_cast %swap3A_1137 : i32 to index
        %swap3A_1139 = arith.index_cast %scan3A_866 : i32 to index
        %swap3A_1140 = arith.constant 352 : index
        %swap3A_1141 = tpu.vector_load %arg12[%swap3A_1138, %swap3A_1139, %swap3A_1140] {strides = array<i32>} : memref<2x8x512xf32, #tpu.memory_space<vmem>>, vector<16xf32>,
        tpu.vector_store %arg12[%swap3A_1138, %swap3A_1139, %swap3A_1140], %gather3A_1136 {strides = array<i32>} : memref<2x8x512xf32, #tpu.memory_space<vmem>>, vector<16xf32>,
        %add3A_1142 = arith.constant 368 : i32
        %add3A_1143 = arith.addi %mul3A_868, %add3A_1142 : i32
        %get3A_1144 = arith.constant 1 : i32
        %get3A_1145 = arith.index_cast %get3A_1144 : i32 to index
        %get3A_1146 = arith.index_cast %add3A_1143 : i32 to index
        %get3A_1147 = tpu.vector_load %arg11[%get3A_1145, %get3A_1146] {strides = array<i32>} : memref<2x4096xi32, #tpu.memory_space<vmem>>, vector<16xi32>,
        %gather3A_1148 = tpu.vector_load_idx %arg10[%get3A_1147] : memref<99000xf32, #tpu.memory_space<vmem>>[vector<16xi32>], vector<16xf32>,
        %swap3A_1149 = arith.constant 1 : i32
        %swap3A_1150 = arith.index_cast %swap3A_1149 : i32 to index
        %swap3A_1151 = arith.index_cast %scan3A_866 : i32 to index
        %swap3A_1152 = arith.constant 368 : index
        %swap3A_1153 = tpu.vector_load %arg12[%swap3A_1150, %swap3A_1151, %swap3A_1152] {strides = array<i32>} : memref<2x8x512xf32, #tpu.memory_space<vmem>>, vector<16xf32>,
        tpu.vector_store %arg12[%swap3A_1150, %swap3A_1151, %swap3A_1152], %gather3A_1148 {strides = array<i32>} : memref<2x8x512xf32, #tpu.memory_space<vmem>>, vector<16xf32>,
        %add3A_1154 = arith.constant 384 : i32
        %add3A_1155 = arith.addi %mul3A_868, %add3A_1154 : i32
        %get3A_1156 = arith.constant 1 : i32
        %get3A_1157 = arith.index_cast %get3A_1156 : i32 to index
        %get3A_1158 = arith.index_cast %add3A_1155 : i32 to index
        %get3A_1159 = tpu.vector_load %arg11[%get3A_1157, %get3A_1158] {strides = array<i32>} : memref<2x4096xi32, #tpu.memory_space<vmem>>, vector<16xi32>,
        %gather3A_1160 = tpu.vector_load_idx %arg10[%get3A_1159] : memref<99000xf32, #tpu.memory_space<vmem>>[vector<16xi32>], vector<16xf32>,
        %swap3A_1161 = arith.constant 1 : i32
        %swap3A_1162 = arith.index_cast %swap3A_1161 : i32 to index
        %swap3A_1163 = arith.index_cast %scan3A_866 : i32 to index
        %swap3A_1164 = arith.constant 384 : index
        %swap3A_1165 = tpu.vector_load %arg12[%swap3A_1162, %swap3A_1163, %swap3A_1164] {strides = array<i32>} : memref<2x8x512xf32, #tpu.memory_space<vmem>>, vector<16xf32>,
        tpu.vector_store %arg12[%swap3A_1162, %swap3A_1163, %swap3A_1164], %gather3A_1160 {strides = array<i32>} : memref<2x8x512xf32, #tpu.memory_space<vmem>>, vector<16xf32>,
        %add3A_1166 = arith.constant 400 : i32
        %add3A_1167 = arith.addi %mul3A_868, %add3A_1166 : i32
        %get3A_1168 = arith.constant 1 : i32
        %get3A_1169 = arith.index_cast %get3A_1168 : i32 to index
        %get3A_1170 = arith.index_cast %add3A_1167 : i32 to index
        %get3A_1171 = tpu.vector_load %arg11[%get3A_1169, %get3A_1170] {strides = array<i32>} : memref<2x4096xi32, #tpu.memory_space<vmem>>, vector<16xi32>,
        %gather3A_1172 = tpu.vector_load_idx %arg10[%get3A_1171] : memref<99000xf32, #tpu.memory_space<vmem>>[vector<16xi32>], vector<16xf32>,
        %swap3A_1173 = arith.constant 1 : i32
        %swap3A_1174 = arith.index_cast %swap3A_1173 : i32 to index
        %swap3A_1175 = arith.index_cast %scan3A_866 : i32 to index
        %swap3A_1176 = arith.constant 400 : index
        %swap3A_1177 = tpu.vector_load %arg12[%swap3A_1174, %swap3A_1175, %swap3A_1176] {strides = array<i32>} : memref<2x8x512xf32, #tpu.memory_space<vmem>>, vector<16xf32>,
        tpu.vector_store %arg12[%swap3A_1174, %swap3A_1175, %swap3A_1176], %gather3A_1172 {strides = array<i32>} : memref<2x8x512xf32, #tpu.memory_space<vmem>>, vector<16xf32>,
        %add3A_1178 = arith.constant 416 : i32
        %add3A_1179 = arith.addi %mul3A_868, %add3A_1178 : i32
        %get3A_1180 = arith.constant 1 : i32
        %get3A_1181 = arith.index_cast %get3A_1180 : i32 to index
        %get3A_1182 = arith.index_cast %add3A_1179 : i32 to index
        %get3A_1183 = tpu.vector_load %arg11[%get3A_1181, %get3A_1182] {strides = array<i32>} : memref<2x4096xi32, #tpu.memory_space<vmem>>, vector<16xi32>,
        %gather3A_1184 = tpu.vector_load_idx %arg10[%get3A_1183] : memref<99000xf32, #tpu.memory_space<vmem>>[vector<16xi32>], vector<16xf32>,
        %swap3A_1185 = arith.constant 1 : i32
        %swap3A_1186 = arith.index_cast %swap3A_1185 : i32 to index
        %swap3A_1187 = arith.index_cast %scan3A_866 : i32 to index
        %swap3A_1188 = arith.constant 416 : index
        %swap3A_1189 = tpu.vector_load %arg12[%swap3A_1186, %swap3A_1187, %swap3A_1188] {strides = array<i32>} : memref<2x8x512xf32, #tpu.memory_space<vmem>>, vector<16xf32>,
        tpu.vector_store %arg12[%swap3A_1186, %swap3A_1187, %swap3A_1188], %gather3A_1184 {strides = array<i32>} : memref<2x8x512xf32, #tpu.memory_space<vmem>>, vector<16xf32>,
        %add3A_1190 = arith.constant 432 : i32
        %add3A_1191 = arith.addi %mul3A_868, %add3A_1190 : i32
        %get3A_1192 = arith.constant 1 : i32
        %get3A_1193 = arith.index_cast %get3A_1192 : i32 to index
        %get3A_1194 = arith.index_cast %add3A_1191 : i32 to index
        %get3A_1195 = tpu.vector_load %arg11[%get3A_1193, %get3A_1194] {strides = array<i32>} : memref<2x4096xi32, #tpu.memory_space<vmem>>, vector<16xi32>,
        %gather3A_1196 = tpu.vector_load_idx %arg10[%get3A_1195] : memref<99000xf32, #tpu.memory_space<vmem>>[vector<16xi32>], vector<16xf32>,
        %swap3A_1197 = arith.constant 1 : i32
        %swap3A_1198 = arith.index_cast %swap3A_1197 : i32 to index
        %swap3A_1199 = arith.index_cast %scan3A_866 : i32 to index
        %swap3A_1200 = arith.constant 432 : index
        %swap3A_1201 = tpu.vector_load %arg12[%swap3A_1198, %swap3A_1199, %swap3A_1200] {strides = array<i32>} : memref<2x8x512xf32, #tpu.memory_space<vmem>>, vector<16xf32>,
        tpu.vector_store %arg12[%swap3A_1198, %swap3A_1199, %swap3A_1200], %gather3A_1196 {strides = array<i32>} : memref<2x8x512xf32, #tpu.memory_space<vmem>>, vector<16xf32>,
        %add3A_1202 = arith.constant 448 : i32
        %add3A_1203 = arith.addi %mul3A_868, %add3A_1202 : i32
        %get3A_1204 = arith.constant 1 : i32
        %get3A_1205 = arith.index_cast %get3A_1204 : i32 to index
        %get3A_1206 = arith.index_cast %add3A_1203 : i32 to index
        %get3A_1207 = tpu.vector_load %arg11[%get3A_1205, %get3A_1206] {strides = array<i32>} : memref<2x4096xi32, #tpu.memory_space<vmem>>, vector<16xi32>,
        %gather3A_1208 = tpu.vector_load_idx %arg10[%get3A_1207] : memref<99000xf32, #tpu.memory_space<vmem>>[vector<16xi32>], vector<16xf32>,
        %swap3A_1209 = arith.constant 1 : i32
        %swap3A_1210 = arith.index_cast %swap3A_1209 : i32 to index
        %swap3A_1211 = arith.index_cast %scan3A_866 : i32 to index
        %swap3A_1212 = arith.constant 448 : index
        %swap3A_1213 = tpu.vector_load %arg12[%swap3A_1210, %swap3A_1211, %swap3A_1212] {strides = array<i32>} : memref<2x8x512xf32, #tpu.memory_space<vmem>>, vector<16xf32>,
        tpu.vector_store %arg12[%swap3A_1210, %swap3A_1211, %swap3A_1212], %gather3A_1208 {strides = array<i32>} : memref<2x8x512xf32, #tpu.memory_space<vmem>>, vector<16xf32>,
        %add3A_1214 = arith.constant 464 : i32
        %add3A_1215 = arith.addi %mul3A_868, %add3A_1214 : i32
        %get3A_1216 = arith.constant 1 : i32
        %get3A_1217 = arith.index_cast %get3A_1216 : i32 to index
        %get3A_1218 = arith.index_cast %add3A_1215 : i32 to index
        %get3A_1219 = tpu.vector_load %arg11[%get3A_1217, %get3A_1218] {strides = array<i32>} : memref<2x4096xi32, #tpu.memory_space<vmem>>, vector<16xi32>,
        %gather3A_1220 = tpu.vector_load_idx %arg10[%get3A_1219] : memref<99000xf32, #tpu.memory_space<vmem>>[vector<16xi32>], vector<16xf32>,
        %swap3A_1221 = arith.constant 1 : i32
        %swap3A_1222 = arith.index_cast %swap3A_1221 : i32 to index
        %swap3A_1223 = arith.index_cast %scan3A_866 : i32 to index
        %swap3A_1224 = arith.constant 464 : index
        %swap3A_1225 = tpu.vector_load %arg12[%swap3A_1222, %swap3A_1223, %swap3A_1224] {strides = array<i32>} : memref<2x8x512xf32, #tpu.memory_space<vmem>>, vector<16xf32>,
        tpu.vector_store %arg12[%swap3A_1222, %swap3A_1223, %swap3A_1224], %gather3A_1220 {strides = array<i32>} : memref<2x8x512xf32, #tpu.memory_space<vmem>>, vector<16xf32>,
        %add3A_1226 = arith.constant 480 : i32
        %add3A_1227 = arith.addi %mul3A_868, %add3A_1226 : i32
        %get3A_1228 = arith.constant 1 : i32
        %get3A_1229 = arith.index_cast %get3A_1228 : i32 to index
        %get3A_1230 = arith.index_cast %add3A_1227 : i32 to index
        %get3A_1231 = tpu.vector_load %arg11[%get3A_1229, %get3A_1230] {strides = array<i32>} : memref<2x4096xi32, #tpu.memory_space<vmem>>, vector<16xi32>,
        %gather3A_1232 = tpu.vector_load_idx %arg10[%get3A_1231] : memref<99000xf32, #tpu.memory_space<vmem>>[vector<16xi32>], vector<16xf32>,
        %swap3A_1233 = arith.constant 1 : i32
        %swap3A_1234 = arith.index_cast %swap3A_1233 : i32 to index
        %swap3A_1235 = arith.index_cast %scan3A_866 : i32 to index
        %swap3A_1236 = arith.constant 480 : index
        %swap3A_1237 = tpu.vector_load %arg12[%swap3A_1234, %swap3A_1235, %swap3A_1236] {strides = array<i32>} : memref<2x8x512xf32, #tpu.memory_space<vmem>>, vector<16xf32>,
        tpu.vector_store %arg12[%swap3A_1234, %swap3A_1235, %swap3A_1236], %gather3A_1232 {strides = array<i32>} : memref<2x8x512xf32, #tpu.memory_space<vmem>>, vector<16xf32>,
        %add3A_1238 = arith.constant 496 : i32
        %add3A_1239 = arith.addi %mul3A_868, %add3A_1238 : i32
        %get3A_1240 = arith.constant 1 : i32
        %get3A_1241 = arith.index_cast %get3A_1240 : i32 to index
        %get3A_1242 = arith.index_cast %add3A_1239 : i32 to index
        %get3A_1243 = tpu.vector_load %arg11[%get3A_1241, %get3A_1242] {strides = array<i32>} : memref<2x4096xi32, #tpu.memory_space<vmem>>, vector<16xi32>,
        %gather3A_1244 = tpu.vector_load_idx %arg10[%get3A_1243] : memref<99000xf32, #tpu.memory_space<vmem>>[vector<16xi32>], vector<16xf32>,
        %swap3A_1245 = arith.constant 1 : i32
        %swap3A_1246 = arith.index_cast %swap3A_1245 : i32 to index
        %swap3A_1247 = arith.index_cast %scan3A_866 : i32 to index
        %swap3A_1248 = arith.constant 496 : index
        %swap3A_1249 = tpu.vector_load %arg12[%swap3A_1246, %swap3A_1247, %swap3A_1248] {strides = array<i32>} : memref<2x8x512xf32, #tpu.memory_space<vmem>>, vector<16xf32>,
        tpu.vector_store %arg12[%swap3A_1246, %swap3A_1247, %swap3A_1248], %gather3A_1244 {strides = array<i32>} : memref<2x8x512xf32, #tpu.memory_space<vmem>>, vector<16xf32>,
      }
      %scan3A_842 = arith.constant 8 : i32
      %add3A_843 = arith.constant 1 : i32
      %add3A_844 = arith.addi %mul3A_748, %add3A_843 : i32
      %mul3A_845 = arith.constant 1024 : i32
      %mul3A_846 = arith.muli %add3A_592, %mul3A_845 : i32
      %mul3A_847 = arith.constant 8 : i32
      %mul3A_848 = arith.muli %add3A_844, %mul3A_847 : i32
      %add3A_849 = arith.addi %mul3A_846, %mul3A_848 : i32
      %dma_start3A_850 = arith.constant 1 : i32
      %dma_start3A_851 = arith.constant 1 : i32
      %dma_start3A_852 = arith.constant 0 : i32
      %dma_start3A_853 = arith.constant 0 : i32
      %dma_start3A_854 = tpu.memref_slice %arg12[%dma_start3A_850, %dma_start3A_852, %dma_start3A_853] : memref<2x8x512xf32, #tpu.memory_space<vmem>> -> memref<1x8x512xf32, #tpu.memory_space<vmem>>
      %dma_start3A_855 = tpu.memref_squeeze %dma_start3A_854 : memref<1x8x512xf32, #tpu.memory_space<vmem>> -> memref<8x512xf32, #tpu.memory_space<vmem>>
      %dma_start3A_856 = arith.constant 0 : i32
      %dma_start3A_857 = tpu.memref_slice %arg9[%add3A_849, %dma_start3A_856] : memref<92160x512xf32, #tpu.memory_space<hbm>> -> memref<8x512xf32, #tpu.memory_space<hbm>>
      %dma_start3A_858 = tpu.memref_slice %arg19[%dma_start3A_851] : memref<2x!tpu.dma_semaphore, #tpu.memory_space<semaphore_mem>> -> memref<1x!tpu.dma_semaphore, #tpu.memory_space<semaphore_mem>>
      %dma_start3A_859 = tpu.memref_squeeze %dma_start3A_858 : memref<1x!tpu.dma_semaphore, #tpu.memory_space<semaphore_mem>> -> memref<!tpu.dma_semaphore, #tpu.memory_space<semaphore_mem>>
      %dma_start3A_860 = arith.constant 0 : i32
      %dma_start3A_861 = tpu.memref_slice %arg9[%add3A_849, %dma_start3A_860] : memref<92160x512xf32, #tpu.memory_space<hbm>> -> memref<8x512xf32, #tpu.memory_space<hbm>>
      %dma_start3A_862 = arith.constant 0 : i32
      %dma_start3A_863 = arith.constant 0 : i32
      %dma_start3A_864 = tpu.memref_slice %arg12[%dma_start3A_850, %dma_start3A_862, %dma_start3A_863] : memref<2x8x512xf32, #tpu.memory_space<vmem>> -> memref<1x8x512xf32, #tpu.memory_space<vmem>>
      %dma_start3A_865 = tpu.memref_squeeze %dma_start3A_864 : memref<1x8x512xf32, #tpu.memory_space<vmem>> -> memref<8x512xf32, #tpu.memory_space<vmem>>
      tpu.enqueue_dma source(%dma_start3A_865 : memref<8x512xf32, #tpu.memory_space<vmem>>) target(%dma_start3A_861 : memref<8x512xf32, #tpu.memory_space<hbm>>) target_semaphore(%dma_start3A_859 : memref<!tpu.dma_semaphore, #tpu.memory_space<semaphore_mem>>)
    }
    %scan3A_611 = arith.constant 64 : i32
    %dma_wait3A_612 = arith.constant 0 : i32
    %dma_wait3A_613 = arith.constant 0 : i32
    %dma_wait3A_614 = arith.constant 0 : i32
    %dma_wait3A_615 = arith.constant 0 : i32
    %dma_wait3A_616 = tpu.memref_slice %arg12[%dma_wait3A_612, %dma_wait3A_614, %dma_wait3A_615] : memref<2x8x512xf32, #tpu.memory_space<vmem>> -> memref<1x8x512xf32, #tpu.memory_space<vmem>>
    %dma_wait3A_617 = tpu.memref_squeeze %dma_wait3A_616 : memref<1x8x512xf32, #tpu.memory_space<vmem>> -> memref<8x512xf32, #tpu.memory_space<vmem>>
    %dma_wait3A_618 = arith.constant 0 : i32
    %dma_wait3A_619 = arith.constant 0 : i32
    %dma_wait3A_620 = tpu.memref_slice %arg9[%dma_wait3A_618, %dma_wait3A_619] : memref<92160x512xf32, #tpu.memory_space<hbm>> -> memref<8x512xf32, #tpu.memory_space<hbm>>
    %dma_wait3A_621 = tpu.memref_slice %arg19[%dma_wait3A_613] : memref<2x!tpu.dma_semaphore, #tpu.memory_space<semaphore_mem>> -> memref<1x!tpu.dma_semaphore, #tpu.memory_space<semaphore_mem>>
    %dma_wait3A_622 = tpu.memref_squeeze %dma_wait3A_621 : memref<1x!tpu.dma_semaphore, #tpu.memory_space<semaphore_mem>> -> memref<!tpu.dma_semaphore, #tpu.memory_space<semaphore_mem>>
    %dma_wait3A_623 = arith.constant 0 : i32
    %dma_wait3A_624 = arith.constant 0 : i32
    %dma_wait3A_625 = tpu.memref_slice %arg9[%dma_wait3A_623, %dma_wait3A_624] : memref<92160x512xf32, #tpu.memory_space<hbm>> -> memref<8x512xf32, #tpu.memory_space<hbm>>
    %dma_wait3A_626 = arith.constant 0 : i32
    %dma_wait3A_627 = arith.constant 0 : i32
    %dma_wait3A_628 = tpu.memref_slice %arg12[%dma_wait3A_612, %dma_wait3A_626, %dma_wait3A_627] : memref<2x8x512xf32, #tpu.memory_space<vmem>> -> memref<1x8x512xf32, #tpu.memory_space<vmem>>
    %dma_wait3A_629 = tpu.memref_squeeze %dma_wait3A_628 : memref<1x8x512xf32, #tpu.memory_space<vmem>> -> memref<8x512xf32, #tpu.memory_space<vmem>>
    tpu.wait_dma2 semaphore(%dma_wait3A_622 : memref<!tpu.dma_semaphore, #tpu.memory_space<semaphore_mem>>) src(%dma_wait3A_629 : memref<8x512xf32, #tpu.memory_space<vmem>>) dst(%dma_wait3A_625 : memref<8x512xf32, #tpu.memory_space<hbm>>)
    %dma_wait3A_630 = arith.constant 1 : i32
    %dma_wait3A_631 = arith.constant 1 : i32
    %dma_wait3A_632 = arith.constant 0 : i32
    %dma_wait3A_633 = arith.constant 0 : i32
    %dma_wait3A_634 = tpu.memref_slice %arg12[%dma_wait3A_630, %dma_wait3A_632, %dma_wait3A_633] : memref<2x8x512xf32, #tpu.memory_space<vmem>> -> memref<1x8x512xf32, #tpu.memory_space<vmem>>
    %dma_wait3A_635 = tpu.memref_squeeze %dma_wait3A_634 : memref<1x8x512xf32, #tpu.memory_space<vmem>> -> memref<8x512xf32, #tpu.memory_space<vmem>>
    %dma_wait3A_636 = arith.constant 0 : i32
    %dma_wait3A_637 = arith.constant 0 : i32
    %dma_wait3A_638 = tpu.memref_slice %arg9[%dma_wait3A_636, %dma_wait3A_637] : memref<92160x512xf32, #tpu.memory_space<hbm>> -> memref<8x512xf32, #tpu.memory_space<hbm>>
    %dma_wait3A_639 = tpu.memref_slice %arg19[%dma_wait3A_631] : memref<2x!tpu.dma_semaphore, #tpu.memory_space<semaphore_mem>> -> memref<1x!tpu.dma_semaphore, #tpu.memory_space<semaphore_mem>>
    %dma_wait3A_640 = tpu.memref_squeeze %dma_wait3A_639 : memref<1x!tpu.dma_semaphore, #tpu.memory_space<semaphore_mem>> -> memref<!tpu.dma_semaphore, #tpu.memory_space<semaphore_mem>>
    %dma_wait3A_641 = arith.constant 0 : i32
    %dma_wait3A_642 = arith.constant 0 : i32
    %dma_wait3A_643 = tpu.memref_slice %arg9[%dma_wait3A_641, %dma_wait3A_642] : memref<92160x512xf32, #tpu.memory_space<hbm>> -> memref<8x512xf32, #tpu.memory_space<hbm>>
    %dma_wait3A_644 = arith.constant 0 : i32
    %dma_wait3A_645 = arith.constant 0 : i32
    %dma_wait3A_646 = tpu.memref_slice %arg12[%dma_wait3A_630, %dma_wait3A_644, %dma_wait3A_645] : memref<2x8x512xf32, #tpu.memory_space<vmem>> -> memref<1x8x512xf32, #tpu.memory_space<vmem>>
    %dma_wait3A_647 = tpu.memref_squeeze %dma_wait3A_646 : memref<1x8x512xf32, #tpu.memory_space<vmem>> -> memref<8x512xf32, #tpu.memory_space<vmem>>
    tpu.wait_dma2 semaphore(%dma_wait3A_640 : memref<!tpu.dma_semaphore, #tpu.memory_space<semaphore_mem>>) src(%dma_wait3A_647 : memref<8x512xf32, #tpu.memory_space<vmem>>) dst(%dma_wait3A_643 : memref<8x512xf32, #tpu.memory_space<hbm>>)
    %add3A_648 = arith.constant 1 : i32
    %add3A_649 = arith.addi %mul3A_590, %add3A_648 : i32
    %add3A_650 = arith.constant 26 : i32
    %add3A_651 = arith.addi %add3A_650, %mul3A_590 : i32
    %add3A_652 = arith.constant 1 : i32
    %add3A_653 = arith.addi %add3A_651, %add3A_652 : i32
    "tpu.region"() ({
      %run_scoped3A_746 = tpu.sem_alloc : memref<!tpu.dma_semaphore, #tpu.memory_space<semaphore_mem>>
      %dma_start3A_747 = arith.constant 0 : i32
      %dma_start3A_748 = tpu.memref_slice %arg10[%dma_start3A_747] : memref<99000xf32, #tpu.memory_space<vmem>> -> memref<99000xf32, #tpu.memory_space<vmem>>
      %dma_start3A_749 = arith.constant 360 : i32
      %dma_start3A_750 = tpu.memref_slice %arg8[%add3A_649, %dma_start3A_749] : memref<64x100000xf32, #tpu.memory_space<hbm>> -> memref<1x99000xf32, #tpu.memory_space<hbm>>
      %dma_start3A_751 = tpu.memref_squeeze %dma_start3A_750 : memref<1x99000xf32, #tpu.memory_space<hbm>> -> memref<99000xf32, #tpu.memory_space<hbm>>
      %dma_start3A_752 = arith.constant 0 : i32
      %dma_start3A_753 = tpu.memref_slice %arg10[%dma_start3A_752] : memref<99000xf32, #tpu.memory_space<vmem>> -> memref<99000xf32, #tpu.memory_space<vmem>>
      %dma_start3A_754 = arith.constant 360 : i32
      %dma_start3A_755 = tpu.memref_slice %arg8[%add3A_649, %dma_start3A_754] : memref<64x100000xf32, #tpu.memory_space<hbm>> -> memref<1x99000xf32, #tpu.memory_space<hbm>>
      %dma_start3A_756 = tpu.memref_squeeze %dma_start3A_755 : memref<1x99000xf32, #tpu.memory_space<hbm>> -> memref<99000xf32, #tpu.memory_space<hbm>>
      tpu.enqueue_dma source(%dma_start3A_756 : memref<99000xf32, #tpu.memory_space<hbm>>) target(%dma_start3A_753 : memref<99000xf32, #tpu.memory_space<vmem>>) target_semaphore(%run_scoped3A_746 : memref<!tpu.dma_semaphore, #tpu.memory_space<semaphore_mem>>)
      %dma_wait3A_757 = arith.constant 0 : i32
      %dma_wait3A_758 = tpu.memref_slice %arg10[%dma_wait3A_757] : memref<99000xf32, #tpu.memory_space<vmem>> -> memref<99000xf32, #tpu.memory_space<vmem>>
      %dma_wait3A_759 = arith.constant 360 : i32
      %dma_wait3A_760 = tpu.memref_slice %arg8[%add3A_649, %dma_wait3A_759] : memref<64x100000xf32, #tpu.memory_space<hbm>> -> memref<1x99000xf32, #tpu.memory_space<hbm>>
      %dma_wait3A_761 = tpu.memref_squeeze %dma_wait3A_760 : memref<1x99000xf32, #tpu.memory_space<hbm>> -> memref<99000xf32, #tpu.memory_space<hbm>>
      %dma_wait3A_762 = arith.constant 0 : i32
      %dma_wait3A_763 = tpu.memref_slice %arg10[%dma_wait3A_762] : memref<99000xf32, #tpu.memory_space<vmem>> -> memref<99000xf32, #tpu.memory_space<vmem>>
      %dma_wait3A_764 = arith.constant 360 : i32
      %dma_wait3A_765 = tpu.memref_slice %arg8[%add3A_649, %dma_wait3A_764] : memref<64x100000xf32, #tpu.memory_space<hbm>> -> memref<1x99000xf32, #tpu.memory_space<hbm>>
      %dma_wait3A_766 = tpu.memref_squeeze %dma_wait3A_765 : memref<1x99000xf32, #tpu.memory_space<hbm>> -> memref<99000xf32, #tpu.memory_space<hbm>>
      tpu.wait_dma2 semaphore(%run_scoped3A_746 : memref<!tpu.dma_semaphore, #tpu.memory_space<semaphore_mem>>) src(%dma_wait3A_766 : memref<99000xf32, #tpu.memory_space<hbm>>) dst(%dma_wait3A_763 : memref<99000xf32, #tpu.memory_space<vmem>>)
      tpu.yield
    }) : () -> ()
    %dma_start3A_654 = arith.constant 0 : i32
    %dma_start3A_655 = arith.constant 0 : i32
    %dma_start3A_656 = arith.constant 0 : i32
    %dma_start3A_657 = tpu.memref_slice %arg11[%dma_start3A_654, %dma_start3A_656] : memref<2x4096xi32, #tpu.memory_space<vmem>> -> memref<1x4096xi32, #tpu.memory_space<vmem>>
    %dma_start3A_658 = tpu.memref_squeeze %dma_start3A_657 : memref<1x4096xi32, #tpu.memory_space<vmem>> -> memref<4096xi32, #tpu.memory_space<vmem>>
    %dma_start3A_659 = arith.constant 0 : i32
    %dma_start3A_660 = tpu.memref_slice %arg4[%dma_start3A_659] : memref<524288xi32, #tpu.memory_space<hbm>> -> memref<4096xi32, #tpu.memory_space<hbm>>
    %dma_start3A_661 = tpu.memref_slice %arg18[%dma_start3A_655] : memref<2x!tpu.dma_semaphore, #tpu.memory_space<semaphore_mem>> -> memref<1x!tpu.dma_semaphore, #tpu.memory_space<semaphore_mem>>
    %dma_start3A_662 = tpu.memref_squeeze %dma_start3A_661 : memref<1x!tpu.dma_semaphore, #tpu.memory_space<semaphore_mem>> -> memref<!tpu.dma_semaphore, #tpu.memory_space<semaphore_mem>>
    %dma_start3A_663 = arith.constant 0 : i32
    %dma_start3A_664 = tpu.memref_slice %arg11[%dma_start3A_654, %dma_start3A_663] : memref<2x4096xi32, #tpu.memory_space<vmem>> -> memref<1x4096xi32, #tpu.memory_space<vmem>>
    %dma_start3A_665 = tpu.memref_squeeze %dma_start3A_664 : memref<1x4096xi32, #tpu.memory_space<vmem>> -> memref<4096xi32, #tpu.memory_space<vmem>>
    %dma_start3A_666 = arith.constant 0 : i32
    %dma_start3A_667 = tpu.memref_slice %arg4[%dma_start3A_666] : memref<524288xi32, #tpu.memory_space<hbm>> -> memref<4096xi32, #tpu.memory_space<hbm>>
    tpu.enqueue_dma source(%dma_start3A_667 : memref<4096xi32, #tpu.memory_space<hbm>>) target(%dma_start3A_665 : memref<4096xi32, #tpu.memory_space<vmem>>) target_semaphore(%dma_start3A_662 : memref<!tpu.dma_semaphore, #tpu.memory_space<semaphore_mem>>)
    %scan3A_668 = arith.constant 0 : i32
    %scan3A_669 = arith.constant 0 : i32
    %scan3A_670 = arith.constant 64 : i32
    %scan3A_671 = arith.addi %scan3A_669, %scan3A_670 : i32
    %scan3A_672 = arith.constant 1 : i32
    scf.for %scan3A_746 = %scan3A_669 to %scan3A_671 step %scan3A_672  : i32 {
      %mul3A_747 = arith.constant 2 : i32
      %mul3A_748 = arith.muli %mul3A_747, %scan3A_746 : i32
      %add3A_749 = arith.constant 1 : i32
      %add3A_750 = arith.addi %mul3A_748, %add3A_749 : i32
      %mul3A_751 = arith.constant 4096 : i32
      %mul3A_752 = arith.muli %add3A_750, %mul3A_751 : i32
      %dma_start3A_753 = arith.constant 1 : i32
      %dma_start3A_754 = arith.constant 1 : i32
      %dma_start3A_755 = arith.constant 0 : i32
      %dma_start3A_756 = tpu.memref_slice %arg11[%dma_start3A_753, %dma_start3A_755] : memref<2x4096xi32, #tpu.memory_space<vmem>> -> memref<1x4096xi32, #tpu.memory_space<vmem>>
      %dma_start3A_757 = tpu.memref_squeeze %dma_start3A_756 : memref<1x4096xi32, #tpu.memory_space<vmem>> -> memref<4096xi32, #tpu.memory_space<vmem>>
      %dma_start3A_758 = tpu.memref_slice %arg4[%mul3A_752] : memref<524288xi32, #tpu.memory_space<hbm>> -> memref<4096xi32, #tpu.memory_space<hbm>>
      %dma_start3A_759 = tpu.memref_slice %arg18[%dma_start3A_754] : memref<2x!tpu.dma_semaphore, #tpu.memory_space<semaphore_mem>> -> memref<1x!tpu.dma_semaphore, #tpu.memory_space<semaphore_mem>>
      %dma_start3A_760 = tpu.memref_squeeze %dma_start3A_759 : memref<1x!tpu.dma_semaphore, #tpu.memory_space<semaphore_mem>> -> memref<!tpu.dma_semaphore, #tpu.memory_space<semaphore_mem>>
      %dma_start3A_761 = arith.constant 0 : i32
      %dma_start3A_762 = tpu.memref_slice %arg11[%dma_start3A_753, %dma_start3A_761] : memref<2x4096xi32, #tpu.memory_space<vmem>> -> memref<1x4096xi32, #tpu.memory_space<vmem>>
      %dma_start3A_763 = tpu.memref_squeeze %dma_start3A_762 : memref<1x4096xi32, #tpu.memory_space<vmem>> -> memref<4096xi32, #tpu.memory_space<vmem>>
      %dma_start3A_764 = tpu.memref_slice %arg4[%mul3A_752] : memref<524288xi32, #tpu.memory_space<hbm>> -> memref<4096xi32, #tpu.memory_space<hbm>>
      tpu.enqueue_dma source(%dma_start3A_764 : memref<4096xi32, #tpu.memory_space<hbm>>) target(%dma_start3A_763 : memref<4096xi32, #tpu.memory_space<vmem>>) target_semaphore(%dma_start3A_760 : memref<!tpu.dma_semaphore, #tpu.memory_space<semaphore_mem>>)
      %mul3A_765 = arith.constant 4096 : i32
      %mul3A_766 = arith.muli %mul3A_748, %mul3A_765 : i32
      %dma_wait3A_767 = arith.constant 0 : i32
      %dma_wait3A_768 = arith.constant 0 : i32
      %dma_wait3A_769 = arith.constant 0 : i32
      %dma_wait3A_770 = tpu.memref_slice %arg11[%dma_wait3A_767, %dma_wait3A_769] : memref<2x4096xi32, #tpu.memory_space<vmem>> -> memref<1x4096xi32, #tpu.memory_space<vmem>>
      %dma_wait3A_771 = tpu.memref_squeeze %dma_wait3A_770 : memref<1x4096xi32, #tpu.memory_space<vmem>> -> memref<4096xi32, #tpu.memory_space<vmem>>
      %dma_wait3A_772 = tpu.memref_slice %arg4[%mul3A_766] : memref<524288xi32, #tpu.memory_space<hbm>> -> memref<4096xi32, #tpu.memory_space<hbm>>
      %dma_wait3A_773 = tpu.memref_slice %arg18[%dma_wait3A_768] : memref<2x!tpu.dma_semaphore, #tpu.memory_space<semaphore_mem>> -> memref<1x!tpu.dma_semaphore, #tpu.memory_space<semaphore_mem>>
      %dma_wait3A_774 = tpu.memref_squeeze %dma_wait3A_773 : memref<1x!tpu.dma_semaphore, #tpu.memory_space<semaphore_mem>> -> memref<!tpu.dma_semaphore, #tpu.memory_space<semaphore_mem>>
      %dma_wait3A_775 = arith.constant 0 : i32
      %dma_wait3A_776 = tpu.memref_slice %arg11[%dma_wait3A_767, %dma_wait3A_775] : memref<2x4096xi32, #tpu.memory_space<vmem>> -> memref<1x4096xi32, #tpu.memory_space<vmem>>
      %dma_wait3A_777 = tpu.memref_squeeze %dma_wait3A_776 : memref<1x4096xi32, #tpu.memory_space<vmem>> -> memref<4096xi32, #tpu.memory_space<vmem>>
      %dma_wait3A_778 = tpu.memref_slice %arg4[%mul3A_766] : memref<524288xi32, #tpu.memory_space<hbm>> -> memref<4096xi32, #tpu.memory_space<hbm>>
      tpu.wait_dma2 semaphore(%dma_wait3A_774 : memref<!tpu.dma_semaphore, #tpu.memory_space<semaphore_mem>>) src(%dma_wait3A_778 : memref<4096xi32, #tpu.memory_space<hbm>>) dst(%dma_wait3A_777 : memref<4096xi32, #tpu.memory_space<vmem>>)
      %ge3A = arith.constant 2 : i32
      %ge3A_779 = arith.cmpi sge, %mul3A_748, %ge3A : i32
      %convert_element_type3A = arith.extui %ge3A_779 : i1 to i32
      %cond3A = arith.constant 0 : i32
      %cond3A_780 = arith.cmpi ne, %convert_element_type3A, %cond3A : i32
      scf.if %cond3A_780 {
        %dma_wait3A_866 = arith.constant 0 : i32
        %dma_wait3A_867 = arith.constant 0 : i32
        %dma_wait3A_868 = arith.constant 0 : i32
        %dma_wait3A_869 = arith.constant 0 : i32
        %dma_wait3A_870 = tpu.memref_slice %arg12[%dma_wait3A_866, %dma_wait3A_868, %dma_wait3A_869] : memref<2x8x512xf32, #tpu.memory_space<vmem>> -> memref<1x8x512xf32, #tpu.memory_space<vmem>>
        %dma_wait3A_871 = tpu.memref_squeeze %dma_wait3A_870 : memref<1x8x512xf32, #tpu.memory_space<vmem>> -> memref<8x512xf32, #tpu.memory_space<vmem>>
        %dma_wait3A_872 = arith.constant 0 : i32
        %dma_wait3A_873 = arith.constant 0 : i32
        %dma_wait3A_874 = tpu.memref_slice %arg9[%dma_wait3A_872, %dma_wait3A_873] : memref<92160x512xf32, #tpu.memory_space<hbm>> -> memref<8x512xf32, #tpu.memory_space<hbm>>
        %dma_wait3A_875 = tpu.memref_slice %arg19[%dma_wait3A_867] : memref<2x!tpu.dma_semaphore, #tpu.memory_space<semaphore_mem>> -> memref<1x!tpu.dma_semaphore, #tpu.memory_space<semaphore_mem>>
        %dma_wait3A_876 = tpu.memref_squeeze %dma_wait3A_875 : memref<1x!tpu.dma_semaphore, #tpu.memory_space<semaphore_mem>> -> memref<!tpu.dma_semaphore, #tpu.memory_space<semaphore_mem>>
        %dma_wait3A_877 = arith.constant 0 : i32
        %dma_wait3A_878 = arith.constant 0 : i32
        %dma_wait3A_879 = tpu.memref_slice %arg9[%dma_wait3A_877, %dma_wait3A_878] : memref<92160x512xf32, #tpu.memory_space<hbm>> -> memref<8x512xf32, #tpu.memory_space<hbm>>
        %dma_wait3A_880 = arith.constant 0 : i32
        %dma_wait3A_881 = arith.constant 0 : i32
        %dma_wait3A_882 = tpu.memref_slice %arg12[%dma_wait3A_866, %dma_wait3A_880, %dma_wait3A_881] : memref<2x8x512xf32, #tpu.memory_space<vmem>> -> memref<1x8x512xf32, #tpu.memory_space<vmem>>
        %dma_wait3A_883 = tpu.memref_squeeze %dma_wait3A_882 : memref<1x8x512xf32, #tpu.memory_space<vmem>> -> memref<8x512xf32, #tpu.memory_space<vmem>>
        tpu.wait_dma2 semaphore(%dma_wait3A_876 : memref<!tpu.dma_semaphore, #tpu.memory_space<semaphore_mem>>) src(%dma_wait3A_883 : memref<8x512xf32, #tpu.memory_space<vmem>>) dst(%dma_wait3A_879 : memref<8x512xf32, #tpu.memory_space<hbm>>)
      } else {
      }
      %scan3A_781 = arith.constant 0 : i32
      %scan3A_782 = arith.constant 0 : i32
      %scan3A_783 = arith.constant 8 : i32
      %scan3A_784 = arith.addi %scan3A_782, %scan3A_783 : i32
      %scan3A_785 = arith.constant 1 : i32
      scf.for %scan3A_866 = %scan3A_782 to %scan3A_784 step %scan3A_785  : i32 {
        %mul3A_867 = arith.constant 512 : i32
        %mul3A_868 = arith.muli %scan3A_866, %mul3A_867 : i32
        %add3A_869 = arith.constant 0 : i32
        %add3A_870 = arith.addi %mul3A_868, %add3A_869 : i32
        %get3A = arith.constant 0 : i32
        %get3A_871 = arith.index_cast %get3A : i32 to index
        %get3A_872 = arith.index_cast %add3A_870 : i32 to index
        %get3A_873 = tpu.vector_load %arg11[%get3A_871, %get3A_872] {strides = array<i32>} : memref<2x4096xi32, #tpu.memory_space<vmem>>, vector<16xi32>,
        %gather3A = tpu.vector_load_idx %arg10[%get3A_873] : memref<99000xf32, #tpu.memory_space<vmem>>[vector<16xi32>], vector<16xf32>,
        %swap3A = arith.constant 0 : i32
        %swap3A_874 = arith.index_cast %swap3A : i32 to index
        %swap3A_875 = arith.index_cast %scan3A_866 : i32 to index
        %swap3A_876 = arith.constant 0 : index
        %swap3A_877 = tpu.vector_load %arg12[%swap3A_874, %swap3A_875, %swap3A_876] {strides = array<i32>} : memref<2x8x512xf32, #tpu.memory_space<vmem>>, vector<16xf32>,
        tpu.vector_store %arg12[%swap3A_874, %swap3A_875, %swap3A_876], %gather3A {strides = array<i32>} : memref<2x8x512xf32, #tpu.memory_space<vmem>>, vector<16xf32>,
        %add3A_878 = arith.constant 16 : i32
        %add3A_879 = arith.addi %mul3A_868, %add3A_878 : i32
        %get3A_880 = arith.constant 0 : i32
        %get3A_881 = arith.index_cast %get3A_880 : i32 to index
        %get3A_882 = arith.index_cast %add3A_879 : i32 to index
        %get3A_883 = tpu.vector_load %arg11[%get3A_881, %get3A_882] {strides = array<i32>} : memref<2x4096xi32, #tpu.memory_space<vmem>>, vector<16xi32>,
        %gather3A_884 = tpu.vector_load_idx %arg10[%get3A_883] : memref<99000xf32, #tpu.memory_space<vmem>>[vector<16xi32>], vector<16xf32>,
        %swap3A_885 = arith.constant 0 : i32
        %swap3A_886 = arith.index_cast %swap3A_885 : i32 to index
        %swap3A_887 = arith.index_cast %scan3A_866 : i32 to index
        %swap3A_888 = arith.constant 16 : index
        %swap3A_889 = tpu.vector_load %arg12[%swap3A_886, %swap3A_887, %swap3A_888] {strides = array<i32>} : memref<2x8x512xf32, #tpu.memory_space<vmem>>, vector<16xf32>,
        tpu.vector_store %arg12[%swap3A_886, %swap3A_887, %swap3A_888], %gather3A_884 {strides = array<i32>} : memref<2x8x512xf32, #tpu.memory_space<vmem>>, vector<16xf32>,
        %add3A_890 = arith.constant 32 : i32
        %add3A_891 = arith.addi %mul3A_868, %add3A_890 : i32
        %get3A_892 = arith.constant 0 : i32
        %get3A_893 = arith.index_cast %get3A_892 : i32 to index
        %get3A_894 = arith.index_cast %add3A_891 : i32 to index
        %get3A_895 = tpu.vector_load %arg11[%get3A_893, %get3A_894] {strides = array<i32>} : memref<2x4096xi32, #tpu.memory_space<vmem>>, vector<16xi32>,
        %gather3A_896 = tpu.vector_load_idx %arg10[%get3A_895] : memref<99000xf32, #tpu.memory_space<vmem>>[vector<16xi32>], vector<16xf32>,
        %swap3A_897 = arith.constant 0 : i32
        %swap3A_898 = arith.index_cast %swap3A_897 : i32 to index
        %swap3A_899 = arith.index_cast %scan3A_866 : i32 to index
        %swap3A_900 = arith.constant 32 : index
        %swap3A_901 = tpu.vector_load %arg12[%swap3A_898, %swap3A_899, %swap3A_900] {strides = array<i32>} : memref<2x8x512xf32, #tpu.memory_space<vmem>>, vector<16xf32>,
        tpu.vector_store %arg12[%swap3A_898, %swap3A_899, %swap3A_900], %gather3A_896 {strides = array<i32>} : memref<2x8x512xf32, #tpu.memory_space<vmem>>, vector<16xf32>,
        %add3A_902 = arith.constant 48 : i32
        %add3A_903 = arith.addi %mul3A_868, %add3A_902 : i32
        %get3A_904 = arith.constant 0 : i32
        %get3A_905 = arith.index_cast %get3A_904 : i32 to index
        %get3A_906 = arith.index_cast %add3A_903 : i32 to index
        %get3A_907 = tpu.vector_load %arg11[%get3A_905, %get3A_906] {strides = array<i32>} : memref<2x4096xi32, #tpu.memory_space<vmem>>, vector<16xi32>,
        %gather3A_908 = tpu.vector_load_idx %arg10[%get3A_907] : memref<99000xf32, #tpu.memory_space<vmem>>[vector<16xi32>], vector<16xf32>,
        %swap3A_909 = arith.constant 0 : i32
        %swap3A_910 = arith.index_cast %swap3A_909 : i32 to index
        %swap3A_911 = arith.index_cast %scan3A_866 : i32 to index
        %swap3A_912 = arith.constant 48 : index
        %swap3A_913 = tpu.vector_load %arg12[%swap3A_910, %swap3A_911, %swap3A_912] {strides = array<i32>} : memref<2x8x512xf32, #tpu.memory_space<vmem>>, vector<16xf32>,
        tpu.vector_store %arg12[%swap3A_910, %swap3A_911, %swap3A_912], %gather3A_908 {strides = array<i32>} : memref<2x8x512xf32, #tpu.memory_space<vmem>>, vector<16xf32>,
        %add3A_914 = arith.constant 64 : i32
        %add3A_915 = arith.addi %mul3A_868, %add3A_914 : i32
        %get3A_916 = arith.constant 0 : i32
        %get3A_917 = arith.index_cast %get3A_916 : i32 to index
        %get3A_918 = arith.index_cast %add3A_915 : i32 to index
        %get3A_919 = tpu.vector_load %arg11[%get3A_917, %get3A_918] {strides = array<i32>} : memref<2x4096xi32, #tpu.memory_space<vmem>>, vector<16xi32>,
        %gather3A_920 = tpu.vector_load_idx %arg10[%get3A_919] : memref<99000xf32, #tpu.memory_space<vmem>>[vector<16xi32>], vector<16xf32>,
        %swap3A_921 = arith.constant 0 : i32
        %swap3A_922 = arith.index_cast %swap3A_921 : i32 to index
        %swap3A_923 = arith.index_cast %scan3A_866 : i32 to index
        %swap3A_924 = arith.constant 64 : index
        %swap3A_925 = tpu.vector_load %arg12[%swap3A_922, %swap3A_923, %swap3A_924] {strides = array<i32>} : memref<2x8x512xf32, #tpu.memory_space<vmem>>, vector<16xf32>,
        tpu.vector_store %arg12[%swap3A_922, %swap3A_923, %swap3A_924], %gather3A_920 {strides = array<i32>} : memref<2x8x512xf32, #tpu.memory_space<vmem>>, vector<16xf32>,
        %add3A_926 = arith.constant 80 : i32
        %add3A_927 = arith.addi %mul3A_868, %add3A_926 : i32
        %get3A_928 = arith.constant 0 : i32
        %get3A_929 = arith.index_cast %get3A_928 : i32 to index
        %get3A_930 = arith.index_cast %add3A_927 : i32 to index
        %get3A_931 = tpu.vector_load %arg11[%get3A_929, %get3A_930] {strides = array<i32>} : memref<2x4096xi32, #tpu.memory_space<vmem>>, vector<16xi32>,
        %gather3A_932 = tpu.vector_load_idx %arg10[%get3A_931] : memref<99000xf32, #tpu.memory_space<vmem>>[vector<16xi32>], vector<16xf32>,
        %swap3A_933 = arith.constant 0 : i32
        %swap3A_934 = arith.index_cast %swap3A_933 : i32 to index
        %swap3A_935 = arith.index_cast %scan3A_866 : i32 to index
        %swap3A_936 = arith.constant 80 : index
        %swap3A_937 = tpu.vector_load %arg12[%swap3A_934, %swap3A_935, %swap3A_936] {strides = array<i32>} : memref<2x8x512xf32, #tpu.memory_space<vmem>>, vector<16xf32>,
        tpu.vector_store %arg12[%swap3A_934, %swap3A_935, %swap3A_936], %gather3A_932 {strides = array<i32>} : memref<2x8x512xf32, #tpu.memory_space<vmem>>, vector<16xf32>,
        %add3A_938 = arith.constant 96 : i32
        %add3A_939 = arith.addi %mul3A_868, %add3A_938 : i32
        %get3A_940 = arith.constant 0 : i32
        %get3A_941 = arith.index_cast %get3A_940 : i32 to index
        %get3A_942 = arith.index_cast %add3A_939 : i32 to index
        %get3A_943 = tpu.vector_load %arg11[%get3A_941, %get3A_942] {strides = array<i32>} : memref<2x4096xi32, #tpu.memory_space<vmem>>, vector<16xi32>,
        %gather3A_944 = tpu.vector_load_idx %arg10[%get3A_943] : memref<99000xf32, #tpu.memory_space<vmem>>[vector<16xi32>], vector<16xf32>,
        %swap3A_945 = arith.constant 0 : i32
        %swap3A_946 = arith.index_cast %swap3A_945 : i32 to index
        %swap3A_947 = arith.index_cast %scan3A_866 : i32 to index
        %swap3A_948 = arith.constant 96 : index
        %swap3A_949 = tpu.vector_load %arg12[%swap3A_946, %swap3A_947, %swap3A_948] {strides = array<i32>} : memref<2x8x512xf32, #tpu.memory_space<vmem>>, vector<16xf32>,
        tpu.vector_store %arg12[%swap3A_946, %swap3A_947, %swap3A_948], %gather3A_944 {strides = array<i32>} : memref<2x8x512xf32, #tpu.memory_space<vmem>>, vector<16xf32>,
        %add3A_950 = arith.constant 112 : i32
        %add3A_951 = arith.addi %mul3A_868, %add3A_950 : i32
        %get3A_952 = arith.constant 0 : i32
        %get3A_953 = arith.index_cast %get3A_952 : i32 to index
        %get3A_954 = arith.index_cast %add3A_951 : i32 to index
        %get3A_955 = tpu.vector_load %arg11[%get3A_953, %get3A_954] {strides = array<i32>} : memref<2x4096xi32, #tpu.memory_space<vmem>>, vector<16xi32>,
        %gather3A_956 = tpu.vector_load_idx %arg10[%get3A_955] : memref<99000xf32, #tpu.memory_space<vmem>>[vector<16xi32>], vector<16xf32>,
        %swap3A_957 = arith.constant 0 : i32
        %swap3A_958 = arith.index_cast %swap3A_957 : i32 to index
        %swap3A_959 = arith.index_cast %scan3A_866 : i32 to index
        %swap3A_960 = arith.constant 112 : index
        %swap3A_961 = tpu.vector_load %arg12[%swap3A_958, %swap3A_959, %swap3A_960] {strides = array<i32>} : memref<2x8x512xf32, #tpu.memory_space<vmem>>, vector<16xf32>,
        tpu.vector_store %arg12[%swap3A_958, %swap3A_959, %swap3A_960], %gather3A_956 {strides = array<i32>} : memref<2x8x512xf32, #tpu.memory_space<vmem>>, vector<16xf32>,
        %add3A_962 = arith.constant 128 : i32
        %add3A_963 = arith.addi %mul3A_868, %add3A_962 : i32
        %get3A_964 = arith.constant 0 : i32
        %get3A_965 = arith.index_cast %get3A_964 : i32 to index
        %get3A_966 = arith.index_cast %add3A_963 : i32 to index
        %get3A_967 = tpu.vector_load %arg11[%get3A_965, %get3A_966] {strides = array<i32>} : memref<2x4096xi32, #tpu.memory_space<vmem>>, vector<16xi32>,
        %gather3A_968 = tpu.vector_load_idx %arg10[%get3A_967] : memref<99000xf32, #tpu.memory_space<vmem>>[vector<16xi32>], vector<16xf32>,
        %swap3A_969 = arith.constant 0 : i32
        %swap3A_970 = arith.index_cast %swap3A_969 : i32 to index
        %swap3A_971 = arith.index_cast %scan3A_866 : i32 to index
        %swap3A_972 = arith.constant 128 : index
        %swap3A_973 = tpu.vector_load %arg12[%swap3A_970, %swap3A_971, %swap3A_972] {strides = array<i32>} : memref<2x8x512xf32, #tpu.memory_space<vmem>>, vector<16xf32>,
        tpu.vector_store %arg12[%swap3A_970, %swap3A_971, %swap3A_972], %gather3A_968 {strides = array<i32>} : memref<2x8x512xf32, #tpu.memory_space<vmem>>, vector<16xf32>,
        %add3A_974 = arith.constant 144 : i32
        %add3A_975 = arith.addi %mul3A_868, %add3A_974 : i32
        %get3A_976 = arith.constant 0 : i32
        %get3A_977 = arith.index_cast %get3A_976 : i32 to index
        %get3A_978 = arith.index_cast %add3A_975 : i32 to index
        %get3A_979 = tpu.vector_load %arg11[%get3A_977, %get3A_978] {strides = array<i32>} : memref<2x4096xi32, #tpu.memory_space<vmem>>, vector<16xi32>,
        %gather3A_980 = tpu.vector_load_idx %arg10[%get3A_979] : memref<99000xf32, #tpu.memory_space<vmem>>[vector<16xi32>], vector<16xf32>,
        %swap3A_981 = arith.constant 0 : i32
        %swap3A_982 = arith.index_cast %swap3A_981 : i32 to index
        %swap3A_983 = arith.index_cast %scan3A_866 : i32 to index
        %swap3A_984 = arith.constant 144 : index
        %swap3A_985 = tpu.vector_load %arg12[%swap3A_982, %swap3A_983, %swap3A_984] {strides = array<i32>} : memref<2x8x512xf32, #tpu.memory_space<vmem>>, vector<16xf32>,
        tpu.vector_store %arg12[%swap3A_982, %swap3A_983, %swap3A_984], %gather3A_980 {strides = array<i32>} : memref<2x8x512xf32, #tpu.memory_space<vmem>>, vector<16xf32>,
        %add3A_986 = arith.constant 160 : i32
        %add3A_987 = arith.addi %mul3A_868, %add3A_986 : i32
        %get3A_988 = arith.constant 0 : i32
        %get3A_989 = arith.index_cast %get3A_988 : i32 to index
        %get3A_990 = arith.index_cast %add3A_987 : i32 to index
        %get3A_991 = tpu.vector_load %arg11[%get3A_989, %get3A_990] {strides = array<i32>} : memref<2x4096xi32, #tpu.memory_space<vmem>>, vector<16xi32>,
        %gather3A_992 = tpu.vector_load_idx %arg10[%get3A_991] : memref<99000xf32, #tpu.memory_space<vmem>>[vector<16xi32>], vector<16xf32>,
        %swap3A_993 = arith.constant 0 : i32
        %swap3A_994 = arith.index_cast %swap3A_993 : i32 to index
        %swap3A_995 = arith.index_cast %scan3A_866 : i32 to index
        %swap3A_996 = arith.constant 160 : index
        %swap3A_997 = tpu.vector_load %arg12[%swap3A_994, %swap3A_995, %swap3A_996] {strides = array<i32>} : memref<2x8x512xf32, #tpu.memory_space<vmem>>, vector<16xf32>,
        tpu.vector_store %arg12[%swap3A_994, %swap3A_995, %swap3A_996], %gather3A_992 {strides = array<i32>} : memref<2x8x512xf32, #tpu.memory_space<vmem>>, vector<16xf32>,
        %add3A_998 = arith.constant 176 : i32
        %add3A_999 = arith.addi %mul3A_868, %add3A_998 : i32
        %get3A_1000 = arith.constant 0 : i32
        %get3A_1001 = arith.index_cast %get3A_1000 : i32 to index
        %get3A_1002 = arith.index_cast %add3A_999 : i32 to index
        %get3A_1003 = tpu.vector_load %arg11[%get3A_1001, %get3A_1002] {strides = array<i32>} : memref<2x4096xi32, #tpu.memory_space<vmem>>, vector<16xi32>,
        %gather3A_1004 = tpu.vector_load_idx %arg10[%get3A_1003] : memref<99000xf32, #tpu.memory_space<vmem>>[vector<16xi32>], vector<16xf32>,
        %swap3A_1005 = arith.constant 0 : i32
        %swap3A_1006 = arith.index_cast %swap3A_1005 : i32 to index
        %swap3A_1007 = arith.index_cast %scan3A_866 : i32 to index
        %swap3A_1008 = arith.constant 176 : index
        %swap3A_1009 = tpu.vector_load %arg12[%swap3A_1006, %swap3A_1007, %swap3A_1008] {strides = array<i32>} : memref<2x8x512xf32, #tpu.memory_space<vmem>>, vector<16xf32>,
        tpu.vector_store %arg12[%swap3A_1006, %swap3A_1007, %swap3A_1008], %gather3A_1004 {strides = array<i32>} : memref<2x8x512xf32, #tpu.memory_space<vmem>>, vector<16xf32>,
        %add3A_1010 = arith.constant 192 : i32
        %add3A_1011 = arith.addi %mul3A_868, %add3A_1010 : i32
        %get3A_1012 = arith.constant 0 : i32
        %get3A_1013 = arith.index_cast %get3A_1012 : i32 to index
        %get3A_1014 = arith.index_cast %add3A_1011 : i32 to index
        %get3A_1015 = tpu.vector_load %arg11[%get3A_1013, %get3A_1014] {strides = array<i32>} : memref<2x4096xi32, #tpu.memory_space<vmem>>, vector<16xi32>,
        %gather3A_1016 = tpu.vector_load_idx %arg10[%get3A_1015] : memref<99000xf32, #tpu.memory_space<vmem>>[vector<16xi32>], vector<16xf32>,
        %swap3A_1017 = arith.constant 0 : i32
        %swap3A_1018 = arith.index_cast %swap3A_1017 : i32 to index
        %swap3A_1019 = arith.index_cast %scan3A_866 : i32 to index
        %swap3A_1020 = arith.constant 192 : index
        %swap3A_1021 = tpu.vector_load %arg12[%swap3A_1018, %swap3A_1019, %swap3A_1020] {strides = array<i32>} : memref<2x8x512xf32, #tpu.memory_space<vmem>>, vector<16xf32>,
        tpu.vector_store %arg12[%swap3A_1018, %swap3A_1019, %swap3A_1020], %gather3A_1016 {strides = array<i32>} : memref<2x8x512xf32, #tpu.memory_space<vmem>>, vector<16xf32>,
        %add3A_1022 = arith.constant 208 : i32
        %add3A_1023 = arith.addi %mul3A_868, %add3A_1022 : i32
        %get3A_1024 = arith.constant 0 : i32
        %get3A_1025 = arith.index_cast %get3A_1024 : i32 to index
        %get3A_1026 = arith.index_cast %add3A_1023 : i32 to index
        %get3A_1027 = tpu.vector_load %arg11[%get3A_1025, %get3A_1026] {strides = array<i32>} : memref<2x4096xi32, #tpu.memory_space<vmem>>, vector<16xi32>,
        %gather3A_1028 = tpu.vector_load_idx %arg10[%get3A_1027] : memref<99000xf32, #tpu.memory_space<vmem>>[vector<16xi32>], vector<16xf32>,
        %swap3A_1029 = arith.constant 0 : i32
        %swap3A_1030 = arith.index_cast %swap3A_1029 : i32 to index
        %swap3A_1031 = arith.index_cast %scan3A_866 : i32 to index
        %swap3A_1032 = arith.constant 208 : index
        %swap3A_1033 = tpu.vector_load %arg12[%swap3A_1030, %swap3A_1031, %swap3A_1032] {strides = array<i32>} : memref<2x8x512xf32, #tpu.memory_space<vmem>>, vector<16xf32>,
        tpu.vector_store %arg12[%swap3A_1030, %swap3A_1031, %swap3A_1032], %gather3A_1028 {strides = array<i32>} : memref<2x8x512xf32, #tpu.memory_space<vmem>>, vector<16xf32>,
        %add3A_1034 = arith.constant 224 : i32
        %add3A_1035 = arith.addi %mul3A_868, %add3A_1034 : i32
        %get3A_1036 = arith.constant 0 : i32
        %get3A_1037 = arith.index_cast %get3A_1036 : i32 to index
        %get3A_1038 = arith.index_cast %add3A_1035 : i32 to index
        %get3A_1039 = tpu.vector_load %arg11[%get3A_1037, %get3A_1038] {strides = array<i32>} : memref<2x4096xi32, #tpu.memory_space<vmem>>, vector<16xi32>,
        %gather3A_1040 = tpu.vector_load_idx %arg10[%get3A_1039] : memref<99000xf32, #tpu.memory_space<vmem>>[vector<16xi32>], vector<16xf32>,
        %swap3A_1041 = arith.constant 0 : i32
        %swap3A_1042 = arith.index_cast %swap3A_1041 : i32 to index
        %swap3A_1043 = arith.index_cast %scan3A_866 : i32 to index
        %swap3A_1044 = arith.constant 224 : index
        %swap3A_1045 = tpu.vector_load %arg12[%swap3A_1042, %swap3A_1043, %swap3A_1044] {strides = array<i32>} : memref<2x8x512xf32, #tpu.memory_space<vmem>>, vector<16xf32>,
        tpu.vector_store %arg12[%swap3A_1042, %swap3A_1043, %swap3A_1044], %gather3A_1040 {strides = array<i32>} : memref<2x8x512xf32, #tpu.memory_space<vmem>>, vector<16xf32>,
        %add3A_1046 = arith.constant 240 : i32
        %add3A_1047 = arith.addi %mul3A_868, %add3A_1046 : i32
        %get3A_1048 = arith.constant 0 : i32
        %get3A_1049 = arith.index_cast %get3A_1048 : i32 to index
        %get3A_1050 = arith.index_cast %add3A_1047 : i32 to index
        %get3A_1051 = tpu.vector_load %arg11[%get3A_1049, %get3A_1050] {strides = array<i32>} : memref<2x4096xi32, #tpu.memory_space<vmem>>, vector<16xi32>,
        %gather3A_1052 = tpu.vector_load_idx %arg10[%get3A_1051] : memref<99000xf32, #tpu.memory_space<vmem>>[vector<16xi32>], vector<16xf32>,
        %swap3A_1053 = arith.constant 0 : i32
        %swap3A_1054 = arith.index_cast %swap3A_1053 : i32 to index
        %swap3A_1055 = arith.index_cast %scan3A_866 : i32 to index
        %swap3A_1056 = arith.constant 240 : index
        %swap3A_1057 = tpu.vector_load %arg12[%swap3A_1054, %swap3A_1055, %swap3A_1056] {strides = array<i32>} : memref<2x8x512xf32, #tpu.memory_space<vmem>>, vector<16xf32>,
        tpu.vector_store %arg12[%swap3A_1054, %swap3A_1055, %swap3A_1056], %gather3A_1052 {strides = array<i32>} : memref<2x8x512xf32, #tpu.memory_space<vmem>>, vector<16xf32>,
        %add3A_1058 = arith.constant 256 : i32
        %add3A_1059 = arith.addi %mul3A_868, %add3A_1058 : i32
        %get3A_1060 = arith.constant 0 : i32
        %get3A_1061 = arith.index_cast %get3A_1060 : i32 to index
        %get3A_1062 = arith.index_cast %add3A_1059 : i32 to index
        %get3A_1063 = tpu.vector_load %arg11[%get3A_1061, %get3A_1062] {strides = array<i32>} : memref<2x4096xi32, #tpu.memory_space<vmem>>, vector<16xi32>,
        %gather3A_1064 = tpu.vector_load_idx %arg10[%get3A_1063] : memref<99000xf32, #tpu.memory_space<vmem>>[vector<16xi32>], vector<16xf32>,
        %swap3A_1065 = arith.constant 0 : i32
        %swap3A_1066 = arith.index_cast %swap3A_1065 : i32 to index
        %swap3A_1067 = arith.index_cast %scan3A_866 : i32 to index
        %swap3A_1068 = arith.constant 256 : index
        %swap3A_1069 = tpu.vector_load %arg12[%swap3A_1066, %swap3A_1067, %swap3A_1068] {strides = array<i32>} : memref<2x8x512xf32, #tpu.memory_space<vmem>>, vector<16xf32>,
        tpu.vector_store %arg12[%swap3A_1066, %swap3A_1067, %swap3A_1068], %gather3A_1064 {strides = array<i32>} : memref<2x8x512xf32, #tpu.memory_space<vmem>>, vector<16xf32>,
        %add3A_1070 = arith.constant 272 : i32
        %add3A_1071 = arith.addi %mul3A_868, %add3A_1070 : i32
        %get3A_1072 = arith.constant 0 : i32
        %get3A_1073 = arith.index_cast %get3A_1072 : i32 to index
        %get3A_1074 = arith.index_cast %add3A_1071 : i32 to index
        %get3A_1075 = tpu.vector_load %arg11[%get3A_1073, %get3A_1074] {strides = array<i32>} : memref<2x4096xi32, #tpu.memory_space<vmem>>, vector<16xi32>,
        %gather3A_1076 = tpu.vector_load_idx %arg10[%get3A_1075] : memref<99000xf32, #tpu.memory_space<vmem>>[vector<16xi32>], vector<16xf32>,
        %swap3A_1077 = arith.constant 0 : i32
        %swap3A_1078 = arith.index_cast %swap3A_1077 : i32 to index
        %swap3A_1079 = arith.index_cast %scan3A_866 : i32 to index
        %swap3A_1080 = arith.constant 272 : index
        %swap3A_1081 = tpu.vector_load %arg12[%swap3A_1078, %swap3A_1079, %swap3A_1080] {strides = array<i32>} : memref<2x8x512xf32, #tpu.memory_space<vmem>>, vector<16xf32>,
        tpu.vector_store %arg12[%swap3A_1078, %swap3A_1079, %swap3A_1080], %gather3A_1076 {strides = array<i32>} : memref<2x8x512xf32, #tpu.memory_space<vmem>>, vector<16xf32>,
        %add3A_1082 = arith.constant 288 : i32
        %add3A_1083 = arith.addi %mul3A_868, %add3A_1082 : i32
        %get3A_1084 = arith.constant 0 : i32
        %get3A_1085 = arith.index_cast %get3A_1084 : i32 to index
        %get3A_1086 = arith.index_cast %add3A_1083 : i32 to index
        %get3A_1087 = tpu.vector_load %arg11[%get3A_1085, %get3A_1086] {strides = array<i32>} : memref<2x4096xi32, #tpu.memory_space<vmem>>, vector<16xi32>,
        %gather3A_1088 = tpu.vector_load_idx %arg10[%get3A_1087] : memref<99000xf32, #tpu.memory_space<vmem>>[vector<16xi32>], vector<16xf32>,
        %swap3A_1089 = arith.constant 0 : i32
        %swap3A_1090 = arith.index_cast %swap3A_1089 : i32 to index
        %swap3A_1091 = arith.index_cast %scan3A_866 : i32 to index
        %swap3A_1092 = arith.constant 288 : index
        %swap3A_1093 = tpu.vector_load %arg12[%swap3A_1090, %swap3A_1091, %swap3A_1092] {strides = array<i32>} : memref<2x8x512xf32, #tpu.memory_space<vmem>>, vector<16xf32>,
        tpu.vector_store %arg12[%swap3A_1090, %swap3A_1091, %swap3A_1092], %gather3A_1088 {strides = array<i32>} : memref<2x8x512xf32, #tpu.memory_space<vmem>>, vector<16xf32>,
        %add3A_1094 = arith.constant 304 : i32
        %add3A_1095 = arith.addi %mul3A_868, %add3A_1094 : i32
        %get3A_1096 = arith.constant 0 : i32
        %get3A_1097 = arith.index_cast %get3A_1096 : i32 to index
        %get3A_1098 = arith.index_cast %add3A_1095 : i32 to index
        %get3A_1099 = tpu.vector_load %arg11[%get3A_1097, %get3A_1098] {strides = array<i32>} : memref<2x4096xi32, #tpu.memory_space<vmem>>, vector<16xi32>,
        %gather3A_1100 = tpu.vector_load_idx %arg10[%get3A_1099] : memref<99000xf32, #tpu.memory_space<vmem>>[vector<16xi32>], vector<16xf32>,
        %swap3A_1101 = arith.constant 0 : i32
        %swap3A_1102 = arith.index_cast %swap3A_1101 : i32 to index
        %swap3A_1103 = arith.index_cast %scan3A_866 : i32 to index
        %swap3A_1104 = arith.constant 304 : index
        %swap3A_1105 = tpu.vector_load %arg12[%swap3A_1102, %swap3A_1103, %swap3A_1104] {strides = array<i32>} : memref<2x8x512xf32, #tpu.memory_space<vmem>>, vector<16xf32>,
        tpu.vector_store %arg12[%swap3A_1102, %swap3A_1103, %swap3A_1104], %gather3A_1100 {strides = array<i32>} : memref<2x8x512xf32, #tpu.memory_space<vmem>>, vector<16xf32>,
        %add3A_1106 = arith.constant 320 : i32
        %add3A_1107 = arith.addi %mul3A_868, %add3A_1106 : i32
        %get3A_1108 = arith.constant 0 : i32
        %get3A_1109 = arith.index_cast %get3A_1108 : i32 to index
        %get3A_1110 = arith.index_cast %add3A_1107 : i32 to index
        %get3A_1111 = tpu.vector_load %arg11[%get3A_1109, %get3A_1110] {strides = array<i32>} : memref<2x4096xi32, #tpu.memory_space<vmem>>, vector<16xi32>,
        %gather3A_1112 = tpu.vector_load_idx %arg10[%get3A_1111] : memref<99000xf32, #tpu.memory_space<vmem>>[vector<16xi32>], vector<16xf32>,
        %swap3A_1113 = arith.constant 0 : i32
        %swap3A_1114 = arith.index_cast %swap3A_1113 : i32 to index
        %swap3A_1115 = arith.index_cast %scan3A_866 : i32 to index
        %swap3A_1116 = arith.constant 320 : index
        %swap3A_1117 = tpu.vector_load %arg12[%swap3A_1114, %swap3A_1115, %swap3A_1116] {strides = array<i32>} : memref<2x8x512xf32, #tpu.memory_space<vmem>>, vector<16xf32>,
        tpu.vector_store %arg12[%swap3A_1114, %swap3A_1115, %swap3A_1116], %gather3A_1112 {strides = array<i32>} : memref<2x8x512xf32, #tpu.memory_space<vmem>>, vector<16xf32>,
        %add3A_1118 = arith.constant 336 : i32
        %add3A_1119 = arith.addi %mul3A_868, %add3A_1118 : i32
        %get3A_1120 = arith.constant 0 : i32
        %get3A_1121 = arith.index_cast %get3A_1120 : i32 to index
        %get3A_1122 = arith.index_cast %add3A_1119 : i32 to index
        %get3A_1123 = tpu.vector_load %arg11[%get3A_1121, %get3A_1122] {strides = array<i32>} : memref<2x4096xi32, #tpu.memory_space<vmem>>, vector<16xi32>,
        %gather3A_1124 = tpu.vector_load_idx %arg10[%get3A_1123] : memref<99000xf32, #tpu.memory_space<vmem>>[vector<16xi32>], vector<16xf32>,
        %swap3A_1125 = arith.constant 0 : i32
        %swap3A_1126 = arith.index_cast %swap3A_1125 : i32 to index
        %swap3A_1127 = arith.index_cast %scan3A_866 : i32 to index
        %swap3A_1128 = arith.constant 336 : index
        %swap3A_1129 = tpu.vector_load %arg12[%swap3A_1126, %swap3A_1127, %swap3A_1128] {strides = array<i32>} : memref<2x8x512xf32, #tpu.memory_space<vmem>>, vector<16xf32>,
        tpu.vector_store %arg12[%swap3A_1126, %swap3A_1127, %swap3A_1128], %gather3A_1124 {strides = array<i32>} : memref<2x8x512xf32, #tpu.memory_space<vmem>>, vector<16xf32>,
        %add3A_1130 = arith.constant 352 : i32
        %add3A_1131 = arith.addi %mul3A_868, %add3A_1130 : i32
        %get3A_1132 = arith.constant 0 : i32
        %get3A_1133 = arith.index_cast %get3A_1132 : i32 to index
        %get3A_1134 = arith.index_cast %add3A_1131 : i32 to index
        %get3A_1135 = tpu.vector_load %arg11[%get3A_1133, %get3A_1134] {strides = array<i32>} : memref<2x4096xi32, #tpu.memory_space<vmem>>, vector<16xi32>,
        %gather3A_1136 = tpu.vector_load_idx %arg10[%get3A_1135] : memref<99000xf32, #tpu.memory_space<vmem>>[vector<16xi32>], vector<16xf32>,
        %swap3A_1137 = arith.constant 0 : i32
        %swap3A_1138 = arith.index_cast %swap3A_1137 : i32 to index
        %swap3A_1139 = arith.index_cast %scan3A_866 : i32 to index
        %swap3A_1140 = arith.constant 352 : index
        %swap3A_1141 = tpu.vector_load %arg12[%swap3A_1138, %swap3A_1139, %swap3A_1140] {strides = array<i32>} : memref<2x8x512xf32, #tpu.memory_space<vmem>>, vector<16xf32>,
        tpu.vector_store %arg12[%swap3A_1138, %swap3A_1139, %swap3A_1140], %gather3A_1136 {strides = array<i32>} : memref<2x8x512xf32, #tpu.memory_space<vmem>>, vector<16xf32>,
        %add3A_1142 = arith.constant 368 : i32
        %add3A_1143 = arith.addi %mul3A_868, %add3A_1142 : i32
        %get3A_1144 = arith.constant 0 : i32
        %get3A_1145 = arith.index_cast %get3A_1144 : i32 to index
        %get3A_1146 = arith.index_cast %add3A_1143 : i32 to index
        %get3A_1147 = tpu.vector_load %arg11[%get3A_1145, %get3A_1146] {strides = array<i32>} : memref<2x4096xi32, #tpu.memory_space<vmem>>, vector<16xi32>,
        %gather3A_1148 = tpu.vector_load_idx %arg10[%get3A_1147] : memref<99000xf32, #tpu.memory_space<vmem>>[vector<16xi32>], vector<16xf32>,
        %swap3A_1149 = arith.constant 0 : i32
        %swap3A_1150 = arith.index_cast %swap3A_1149 : i32 to index
        %swap3A_1151 = arith.index_cast %scan3A_866 : i32 to index
        %swap3A_1152 = arith.constant 368 : index
        %swap3A_1153 = tpu.vector_load %arg12[%swap3A_1150, %swap3A_1151, %swap3A_1152] {strides = array<i32>} : memref<2x8x512xf32, #tpu.memory_space<vmem>>, vector<16xf32>,
        tpu.vector_store %arg12[%swap3A_1150, %swap3A_1151, %swap3A_1152], %gather3A_1148 {strides = array<i32>} : memref<2x8x512xf32, #tpu.memory_space<vmem>>, vector<16xf32>,
        %add3A_1154 = arith.constant 384 : i32
        %add3A_1155 = arith.addi %mul3A_868, %add3A_1154 : i32
        %get3A_1156 = arith.constant 0 : i32
        %get3A_1157 = arith.index_cast %get3A_1156 : i32 to index
        %get3A_1158 = arith.index_cast %add3A_1155 : i32 to index
        %get3A_1159 = tpu.vector_load %arg11[%get3A_1157, %get3A_1158] {strides = array<i32>} : memref<2x4096xi32, #tpu.memory_space<vmem>>, vector<16xi32>,
        %gather3A_1160 = tpu.vector_load_idx %arg10[%get3A_1159] : memref<99000xf32, #tpu.memory_space<vmem>>[vector<16xi32>], vector<16xf32>,
        %swap3A_1161 = arith.constant 0 : i32
        %swap3A_1162 = arith.index_cast %swap3A_1161 : i32 to index
        %swap3A_1163 = arith.index_cast %scan3A_866 : i32 to index
        %swap3A_1164 = arith.constant 384 : index
        %swap3A_1165 = tpu.vector_load %arg12[%swap3A_1162, %swap3A_1163, %swap3A_1164] {strides = array<i32>} : memref<2x8x512xf32, #tpu.memory_space<vmem>>, vector<16xf32>,
        tpu.vector_store %arg12[%swap3A_1162, %swap3A_1163, %swap3A_1164], %gather3A_1160 {strides = array<i32>} : memref<2x8x512xf32, #tpu.memory_space<vmem>>, vector<16xf32>,
        %add3A_1166 = arith.constant 400 : i32
        %add3A_1167 = arith.addi %mul3A_868, %add3A_1166 : i32
        %get3A_1168 = arith.constant 0 : i32
        %get3A_1169 = arith.index_cast %get3A_1168 : i32 to index
        %get3A_1170 = arith.index_cast %add3A_1167 : i32 to index
        %get3A_1171 = tpu.vector_load %arg11[%get3A_1169, %get3A_1170] {strides = array<i32>} : memref<2x4096xi32, #tpu.memory_space<vmem>>, vector<16xi32>,
        %gather3A_1172 = tpu.vector_load_idx %arg10[%get3A_1171] : memref<99000xf32, #tpu.memory_space<vmem>>[vector<16xi32>], vector<16xf32>,
        %swap3A_1173 = arith.constant 0 : i32
        %swap3A_1174 = arith.index_cast %swap3A_1173 : i32 to index
        %swap3A_1175 = arith.index_cast %scan3A_866 : i32 to index
        %swap3A_1176 = arith.constant 400 : index
        %swap3A_1177 = tpu.vector_load %arg12[%swap3A_1174, %swap3A_1175, %swap3A_1176] {strides = array<i32>} : memref<2x8x512xf32, #tpu.memory_space<vmem>>, vector<16xf32>,
        tpu.vector_store %arg12[%swap3A_1174, %swap3A_1175, %swap3A_1176], %gather3A_1172 {strides = array<i32>} : memref<2x8x512xf32, #tpu.memory_space<vmem>>, vector<16xf32>,
        %add3A_1178 = arith.constant 416 : i32
        %add3A_1179 = arith.addi %mul3A_868, %add3A_1178 : i32
        %get3A_1180 = arith.constant 0 : i32
        %get3A_1181 = arith.index_cast %get3A_1180 : i32 to index
        %get3A_1182 = arith.index_cast %add3A_1179 : i32 to index
        %get3A_1183 = tpu.vector_load %arg11[%get3A_1181, %get3A_1182] {strides = array<i32>} : memref<2x4096xi32, #tpu.memory_space<vmem>>, vector<16xi32>,
        %gather3A_1184 = tpu.vector_load_idx %arg10[%get3A_1183] : memref<99000xf32, #tpu.memory_space<vmem>>[vector<16xi32>], vector<16xf32>,
        %swap3A_1185 = arith.constant 0 : i32
        %swap3A_1186 = arith.index_cast %swap3A_1185 : i32 to index
        %swap3A_1187 = arith.index_cast %scan3A_866 : i32 to index
        %swap3A_1188 = arith.constant 416 : index
        %swap3A_1189 = tpu.vector_load %arg12[%swap3A_1186, %swap3A_1187, %swap3A_1188] {strides = array<i32>} : memref<2x8x512xf32, #tpu.memory_space<vmem>>, vector<16xf32>,
        tpu.vector_store %arg12[%swap3A_1186, %swap3A_1187, %swap3A_1188], %gather3A_1184 {strides = array<i32>} : memref<2x8x512xf32, #tpu.memory_space<vmem>>, vector<16xf32>,
        %add3A_1190 = arith.constant 432 : i32
        %add3A_1191 = arith.addi %mul3A_868, %add3A_1190 : i32
        %get3A_1192 = arith.constant 0 : i32
        %get3A_1193 = arith.index_cast %get3A_1192 : i32 to index
        %get3A_1194 = arith.index_cast %add3A_1191 : i32 to index
        %get3A_1195 = tpu.vector_load %arg11[%get3A_1193, %get3A_1194] {strides = array<i32>} : memref<2x4096xi32, #tpu.memory_space<vmem>>, vector<16xi32>,
        %gather3A_1196 = tpu.vector_load_idx %arg10[%get3A_1195] : memref<99000xf32, #tpu.memory_space<vmem>>[vector<16xi32>], vector<16xf32>,
        %swap3A_1197 = arith.constant 0 : i32
        %swap3A_1198 = arith.index_cast %swap3A_1197 : i32 to index
        %swap3A_1199 = arith.index_cast %scan3A_866 : i32 to index
        %swap3A_1200 = arith.constant 432 : index
        %swap3A_1201 = tpu.vector_load %arg12[%swap3A_1198, %swap3A_1199, %swap3A_1200] {strides = array<i32>} : memref<2x8x512xf32, #tpu.memory_space<vmem>>, vector<16xf32>,
        tpu.vector_store %arg12[%swap3A_1198, %swap3A_1199, %swap3A_1200], %gather3A_1196 {strides = array<i32>} : memref<2x8x512xf32, #tpu.memory_space<vmem>>, vector<16xf32>,
        %add3A_1202 = arith.constant 448 : i32
        %add3A_1203 = arith.addi %mul3A_868, %add3A_1202 : i32
        %get3A_1204 = arith.constant 0 : i32
        %get3A_1205 = arith.index_cast %get3A_1204 : i32 to index
        %get3A_1206 = arith.index_cast %add3A_1203 : i32 to index
        %get3A_1207 = tpu.vector_load %arg11[%get3A_1205, %get3A_1206] {strides = array<i32>} : memref<2x4096xi32, #tpu.memory_space<vmem>>, vector<16xi32>,
        %gather3A_1208 = tpu.vector_load_idx %arg10[%get3A_1207] : memref<99000xf32, #tpu.memory_space<vmem>>[vector<16xi32>], vector<16xf32>,
        %swap3A_1209 = arith.constant 0 : i32
        %swap3A_1210 = arith.index_cast %swap3A_1209 : i32 to index
        %swap3A_1211 = arith.index_cast %scan3A_866 : i32 to index
        %swap3A_1212 = arith.constant 448 : index
        %swap3A_1213 = tpu.vector_load %arg12[%swap3A_1210, %swap3A_1211, %swap3A_1212] {strides = array<i32>} : memref<2x8x512xf32, #tpu.memory_space<vmem>>, vector<16xf32>,
        tpu.vector_store %arg12[%swap3A_1210, %swap3A_1211, %swap3A_1212], %gather3A_1208 {strides = array<i32>} : memref<2x8x512xf32, #tpu.memory_space<vmem>>, vector<16xf32>,
        %add3A_1214 = arith.constant 464 : i32
        %add3A_1215 = arith.addi %mul3A_868, %add3A_1214 : i32
        %get3A_1216 = arith.constant 0 : i32
        %get3A_1217 = arith.index_cast %get3A_1216 : i32 to index
        %get3A_1218 = arith.index_cast %add3A_1215 : i32 to index
        %get3A_1219 = tpu.vector_load %arg11[%get3A_1217, %get3A_1218] {strides = array<i32>} : memref<2x4096xi32, #tpu.memory_space<vmem>>, vector<16xi32>,
        %gather3A_1220 = tpu.vector_load_idx %arg10[%get3A_1219] : memref<99000xf32, #tpu.memory_space<vmem>>[vector<16xi32>], vector<16xf32>,
        %swap3A_1221 = arith.constant 0 : i32
        %swap3A_1222 = arith.index_cast %swap3A_1221 : i32 to index
        %swap3A_1223 = arith.index_cast %scan3A_866 : i32 to index
        %swap3A_1224 = arith.constant 464 : index
        %swap3A_1225 = tpu.vector_load %arg12[%swap3A_1222, %swap3A_1223, %swap3A_1224] {strides = array<i32>} : memref<2x8x512xf32, #tpu.memory_space<vmem>>, vector<16xf32>,
        tpu.vector_store %arg12[%swap3A_1222, %swap3A_1223, %swap3A_1224], %gather3A_1220 {strides = array<i32>} : memref<2x8x512xf32, #tpu.memory_space<vmem>>, vector<16xf32>,
        %add3A_1226 = arith.constant 480 : i32
        %add3A_1227 = arith.addi %mul3A_868, %add3A_1226 : i32
        %get3A_1228 = arith.constant 0 : i32
        %get3A_1229 = arith.index_cast %get3A_1228 : i32 to index
        %get3A_1230 = arith.index_cast %add3A_1227 : i32 to index
        %get3A_1231 = tpu.vector_load %arg11[%get3A_1229, %get3A_1230] {strides = array<i32>} : memref<2x4096xi32, #tpu.memory_space<vmem>>, vector<16xi32>,
        %gather3A_1232 = tpu.vector_load_idx %arg10[%get3A_1231] : memref<99000xf32, #tpu.memory_space<vmem>>[vector<16xi32>], vector<16xf32>,
        %swap3A_1233 = arith.constant 0 : i32
        %swap3A_1234 = arith.index_cast %swap3A_1233 : i32 to index
        %swap3A_1235 = arith.index_cast %scan3A_866 : i32 to index
        %swap3A_1236 = arith.constant 480 : index
        %swap3A_1237 = tpu.vector_load %arg12[%swap3A_1234, %swap3A_1235, %swap3A_1236] {strides = array<i32>} : memref<2x8x512xf32, #tpu.memory_space<vmem>>, vector<16xf32>,
        tpu.vector_store %arg12[%swap3A_1234, %swap3A_1235, %swap3A_1236], %gather3A_1232 {strides = array<i32>} : memref<2x8x512xf32, #tpu.memory_space<vmem>>, vector<16xf32>,
        %add3A_1238 = arith.constant 496 : i32
        %add3A_1239 = arith.addi %mul3A_868, %add3A_1238 : i32
        %get3A_1240 = arith.constant 0 : i32
        %get3A_1241 = arith.index_cast %get3A_1240 : i32 to index
        %get3A_1242 = arith.index_cast %add3A_1239 : i32 to index
        %get3A_1243 = tpu.vector_load %arg11[%get3A_1241, %get3A_1242] {strides = array<i32>} : memref<2x4096xi32, #tpu.memory_space<vmem>>, vector<16xi32>,
        %gather3A_1244 = tpu.vector_load_idx %arg10[%get3A_1243] : memref<99000xf32, #tpu.memory_space<vmem>>[vector<16xi32>], vector<16xf32>,
        %swap3A_1245 = arith.constant 0 : i32
        %swap3A_1246 = arith.index_cast %swap3A_1245 : i32 to index
        %swap3A_1247 = arith.index_cast %scan3A_866 : i32 to index
        %swap3A_1248 = arith.constant 496 : index
        %swap3A_1249 = tpu.vector_load %arg12[%swap3A_1246, %swap3A_1247, %swap3A_1248] {strides = array<i32>} : memref<2x8x512xf32, #tpu.memory_space<vmem>>, vector<16xf32>,
        tpu.vector_store %arg12[%swap3A_1246, %swap3A_1247, %swap3A_1248], %gather3A_1244 {strides = array<i32>} : memref<2x8x512xf32, #tpu.memory_space<vmem>>, vector<16xf32>,
      }
      %scan3A_786 = arith.constant 8 : i32
      %mul3A_787 = arith.constant 1024 : i32
      %mul3A_788 = arith.muli %add3A_653, %mul3A_787 : i32
      %mul3A_789 = arith.constant 8 : i32
      %mul3A_790 = arith.muli %mul3A_748, %mul3A_789 : i32
      %add3A_791 = arith.addi %mul3A_788, %mul3A_790 : i32
      %dma_start3A_792 = arith.constant 0 : i32
      %dma_start3A_793 = arith.constant 0 : i32
      %dma_start3A_794 = arith.constant 0 : i32
      %dma_start3A_795 = arith.constant 0 : i32
      %dma_start3A_796 = tpu.memref_slice %arg12[%dma_start3A_792, %dma_start3A_794, %dma_start3A_795] : memref<2x8x512xf32, #tpu.memory_space<vmem>> -> memref<1x8x512xf32, #tpu.memory_space<vmem>>
      %dma_start3A_797 = tpu.memref_squeeze %dma_start3A_796 : memref<1x8x512xf32, #tpu.memory_space<vmem>> -> memref<8x512xf32, #tpu.memory_space<vmem>>
      %dma_start3A_798 = arith.constant 0 : i32
      %dma_start3A_799 = tpu.memref_slice %arg9[%add3A_791, %dma_start3A_798] : memref<92160x512xf32, #tpu.memory_space<hbm>> -> memref<8x512xf32, #tpu.memory_space<hbm>>
      %dma_start3A_800 = tpu.memref_slice %arg19[%dma_start3A_793] : memref<2x!tpu.dma_semaphore, #tpu.memory_space<semaphore_mem>> -> memref<1x!tpu.dma_semaphore, #tpu.memory_space<semaphore_mem>>
      %dma_start3A_801 = tpu.memref_squeeze %dma_start3A_800 : memref<1x!tpu.dma_semaphore, #tpu.memory_space<semaphore_mem>> -> memref<!tpu.dma_semaphore, #tpu.memory_space<semaphore_mem>>
      %dma_start3A_802 = arith.constant 0 : i32
      %dma_start3A_803 = tpu.memref_slice %arg9[%add3A_791, %dma_start3A_802] : memref<92160x512xf32, #tpu.memory_space<hbm>> -> memref<8x512xf32, #tpu.memory_space<hbm>>
      %dma_start3A_804 = arith.constant 0 : i32
      %dma_start3A_805 = arith.constant 0 : i32
      %dma_start3A_806 = tpu.memref_slice %arg12[%dma_start3A_792, %dma_start3A_804, %dma_start3A_805] : memref<2x8x512xf32, #tpu.memory_space<vmem>> -> memref<1x8x512xf32, #tpu.memory_space<vmem>>
      %dma_start3A_807 = tpu.memref_squeeze %dma_start3A_806 : memref<1x8x512xf32, #tpu.memory_space<vmem>> -> memref<8x512xf32, #tpu.memory_space<vmem>>
      tpu.enqueue_dma source(%dma_start3A_807 : memref<8x512xf32, #tpu.memory_space<vmem>>) target(%dma_start3A_803 : memref<8x512xf32, #tpu.memory_space<hbm>>) target_semaphore(%dma_start3A_801 : memref<!tpu.dma_semaphore, #tpu.memory_space<semaphore_mem>>)
      %add3A_808 = arith.constant 2 : i32
      %add3A_809 = arith.addi %mul3A_748, %add3A_808 : i32
      %lt3A = arith.constant 128 : i32
      %lt3A_810 = arith.cmpi slt, %add3A_809, %lt3A : i32
      %convert_element_type3A_811 = arith.extui %lt3A_810 : i1 to i32
      %cond3A_812 = arith.constant 0 : i32
      %cond3A_813 = arith.cmpi ne, %convert_element_type3A_811, %cond3A_812 : i32
      scf.if %cond3A_813 {
        %add3A_866 = arith.constant 2 : i32
        %add3A_867 = arith.addi %mul3A_748, %add3A_866 : i32
        %mul3A_868 = arith.constant 4096 : i32
        %mul3A_869 = arith.muli %add3A_867, %mul3A_868 : i32
        %dma_start3A_870 = arith.constant 0 : i32
        %dma_start3A_871 = arith.constant 0 : i32
        %dma_start3A_872 = arith.constant 0 : i32
        %dma_start3A_873 = tpu.memref_slice %arg11[%dma_start3A_870, %dma_start3A_872] : memref<2x4096xi32, #tpu.memory_space<vmem>> -> memref<1x4096xi32, #tpu.memory_space<vmem>>
        %dma_start3A_874 = tpu.memref_squeeze %dma_start3A_873 : memref<1x4096xi32, #tpu.memory_space<vmem>> -> memref<4096xi32, #tpu.memory_space<vmem>>
        %dma_start3A_875 = tpu.memref_slice %arg4[%mul3A_869] : memref<524288xi32, #tpu.memory_space<hbm>> -> memref<4096xi32, #tpu.memory_space<hbm>>
        %dma_start3A_876 = tpu.memref_slice %arg18[%dma_start3A_871] : memref<2x!tpu.dma_semaphore, #tpu.memory_space<semaphore_mem>> -> memref<1x!tpu.dma_semaphore, #tpu.memory_space<semaphore_mem>>
        %dma_start3A_877 = tpu.memref_squeeze %dma_start3A_876 : memref<1x!tpu.dma_semaphore, #tpu.memory_space<semaphore_mem>> -> memref<!tpu.dma_semaphore, #tpu.memory_space<semaphore_mem>>
        %dma_start3A_878 = arith.constant 0 : i32
        %dma_start3A_879 = tpu.memref_slice %arg11[%dma_start3A_870, %dma_start3A_878] : memref<2x4096xi32, #tpu.memory_space<vmem>> -> memref<1x4096xi32, #tpu.memory_space<vmem>>
        %dma_start3A_880 = tpu.memref_squeeze %dma_start3A_879 : memref<1x4096xi32, #tpu.memory_space<vmem>> -> memref<4096xi32, #tpu.memory_space<vmem>>
        %dma_start3A_881 = tpu.memref_slice %arg4[%mul3A_869] : memref<524288xi32, #tpu.memory_space<hbm>> -> memref<4096xi32, #tpu.memory_space<hbm>>
        tpu.enqueue_dma source(%dma_start3A_881 : memref<4096xi32, #tpu.memory_space<hbm>>) target(%dma_start3A_880 : memref<4096xi32, #tpu.memory_space<vmem>>) target_semaphore(%dma_start3A_877 : memref<!tpu.dma_semaphore, #tpu.memory_space<semaphore_mem>>)
      } else {
      }
      %add3A_814 = arith.constant 1 : i32
      %add3A_815 = arith.addi %mul3A_748, %add3A_814 : i32
      %mul3A_816 = arith.constant 4096 : i32
      %mul3A_817 = arith.muli %add3A_815, %mul3A_816 : i32
      %dma_wait3A_818 = arith.constant 1 : i32
      %dma_wait3A_819 = arith.constant 1 : i32
      %dma_wait3A_820 = arith.constant 0 : i32
      %dma_wait3A_821 = tpu.memref_slice %arg11[%dma_wait3A_818, %dma_wait3A_820] : memref<2x4096xi32, #tpu.memory_space<vmem>> -> memref<1x4096xi32, #tpu.memory_space<vmem>>
      %dma_wait3A_822 = tpu.memref_squeeze %dma_wait3A_821 : memref<1x4096xi32, #tpu.memory_space<vmem>> -> memref<4096xi32, #tpu.memory_space<vmem>>
      %dma_wait3A_823 = tpu.memref_slice %arg4[%mul3A_817] : memref<524288xi32, #tpu.memory_space<hbm>> -> memref<4096xi32, #tpu.memory_space<hbm>>
      %dma_wait3A_824 = tpu.memref_slice %arg18[%dma_wait3A_819] : memref<2x!tpu.dma_semaphore, #tpu.memory_space<semaphore_mem>> -> memref<1x!tpu.dma_semaphore, #tpu.memory_space<semaphore_mem>>
      %dma_wait3A_825 = tpu.memref_squeeze %dma_wait3A_824 : memref<1x!tpu.dma_semaphore, #tpu.memory_space<semaphore_mem>> -> memref<!tpu.dma_semaphore, #tpu.memory_space<semaphore_mem>>
      %dma_wait3A_826 = arith.constant 0 : i32
      %dma_wait3A_827 = tpu.memref_slice %arg11[%dma_wait3A_818, %dma_wait3A_826] : memref<2x4096xi32, #tpu.memory_space<vmem>> -> memref<1x4096xi32, #tpu.memory_space<vmem>>
      %dma_wait3A_828 = tpu.memref_squeeze %dma_wait3A_827 : memref<1x4096xi32, #tpu.memory_space<vmem>> -> memref<4096xi32, #tpu.memory_space<vmem>>
      %dma_wait3A_829 = tpu.memref_slice %arg4[%mul3A_817] : memref<524288xi32, #tpu.memory_space<hbm>> -> memref<4096xi32, #tpu.memory_space<hbm>>
      tpu.wait_dma2 semaphore(%dma_wait3A_825 : memref<!tpu.dma_semaphore, #tpu.memory_space<semaphore_mem>>) src(%dma_wait3A_829 : memref<4096xi32, #tpu.memory_space<hbm>>) dst(%dma_wait3A_828 : memref<4096xi32, #tpu.memory_space<vmem>>)
      %add3A_830 = arith.constant 1 : i32
      %add3A_831 = arith.addi %mul3A_748, %add3A_830 : i32
      %ge3A_832 = arith.constant 2 : i32
      %ge3A_833 = arith.cmpi sge, %add3A_831, %ge3A_832 : i32
      %convert_element_type3A_834 = arith.extui %ge3A_833 : i1 to i32
      %cond3A_835 = arith.constant 0 : i32
      %cond3A_836 = arith.cmpi ne, %convert_element_type3A_834, %cond3A_835 : i32
      scf.if %cond3A_836 {
        %dma_wait3A_866 = arith.constant 1 : i32
        %dma_wait3A_867 = arith.constant 1 : i32
        %dma_wait3A_868 = arith.constant 0 : i32
        %dma_wait3A_869 = arith.constant 0 : i32
        %dma_wait3A_870 = tpu.memref_slice %arg12[%dma_wait3A_866, %dma_wait3A_868, %dma_wait3A_869] : memref<2x8x512xf32, #tpu.memory_space<vmem>> -> memref<1x8x512xf32, #tpu.memory_space<vmem>>
        %dma_wait3A_871 = tpu.memref_squeeze %dma_wait3A_870 : memref<1x8x512xf32, #tpu.memory_space<vmem>> -> memref<8x512xf32, #tpu.memory_space<vmem>>
        %dma_wait3A_872 = arith.constant 0 : i32
        %dma_wait3A_873 = arith.constant 0 : i32
        %dma_wait3A_874 = tpu.memref_slice %arg9[%dma_wait3A_872, %dma_wait3A_873] : memref<92160x512xf32, #tpu.memory_space<hbm>> -> memref<8x512xf32, #tpu.memory_space<hbm>>
        %dma_wait3A_875 = tpu.memref_slice %arg19[%dma_wait3A_867] : memref<2x!tpu.dma_semaphore, #tpu.memory_space<semaphore_mem>> -> memref<1x!tpu.dma_semaphore, #tpu.memory_space<semaphore_mem>>
        %dma_wait3A_876 = tpu.memref_squeeze %dma_wait3A_875 : memref<1x!tpu.dma_semaphore, #tpu.memory_space<semaphore_mem>> -> memref<!tpu.dma_semaphore, #tpu.memory_space<semaphore_mem>>
        %dma_wait3A_877 = arith.constant 0 : i32
        %dma_wait3A_878 = arith.constant 0 : i32
        %dma_wait3A_879 = tpu.memref_slice %arg9[%dma_wait3A_877, %dma_wait3A_878] : memref<92160x512xf32, #tpu.memory_space<hbm>> -> memref<8x512xf32, #tpu.memory_space<hbm>>
        %dma_wait3A_880 = arith.constant 0 : i32
        %dma_wait3A_881 = arith.constant 0 : i32
        %dma_wait3A_882 = tpu.memref_slice %arg12[%dma_wait3A_866, %dma_wait3A_880, %dma_wait3A_881] : memref<2x8x512xf32, #tpu.memory_space<vmem>> -> memref<1x8x512xf32, #tpu.memory_space<vmem>>
        %dma_wait3A_883 = tpu.memref_squeeze %dma_wait3A_882 : memref<1x8x512xf32, #tpu.memory_space<vmem>> -> memref<8x512xf32, #tpu.memory_space<vmem>>
        tpu.wait_dma2 semaphore(%dma_wait3A_876 : memref<!tpu.dma_semaphore, #tpu.memory_space<semaphore_mem>>) src(%dma_wait3A_883 : memref<8x512xf32, #tpu.memory_space<vmem>>) dst(%dma_wait3A_879 : memref<8x512xf32, #tpu.memory_space<hbm>>)
      } else {
      }
      %scan3A_837 = arith.constant 0 : i32
      %scan3A_838 = arith.constant 0 : i32
      %scan3A_839 = arith.constant 8 : i32
      %scan3A_840 = arith.addi %scan3A_838, %scan3A_839 : i32
      %scan3A_841 = arith.constant 1 : i32
      scf.for %scan3A_866 = %scan3A_838 to %scan3A_840 step %scan3A_841  : i32 {
        %mul3A_867 = arith.constant 512 : i32
        %mul3A_868 = arith.muli %scan3A_866, %mul3A_867 : i32
        %add3A_869 = arith.constant 0 : i32
        %add3A_870 = arith.addi %mul3A_868, %add3A_869 : i32
        %get3A = arith.constant 1 : i32
        %get3A_871 = arith.index_cast %get3A : i32 to index
        %get3A_872 = arith.index_cast %add3A_870 : i32 to index
        %get3A_873 = tpu.vector_load %arg11[%get3A_871, %get3A_872] {strides = array<i32>} : memref<2x4096xi32, #tpu.memory_space<vmem>>, vector<16xi32>,
        %gather3A = tpu.vector_load_idx %arg10[%get3A_873] : memref<99000xf32, #tpu.memory_space<vmem>>[vector<16xi32>], vector<16xf32>,
        %swap3A = arith.constant 1 : i32
        %swap3A_874 = arith.index_cast %swap3A : i32 to index
        %swap3A_875 = arith.index_cast %scan3A_866 : i32 to index
        %swap3A_876 = arith.constant 0 : index
        %swap3A_877 = tpu.vector_load %arg12[%swap3A_874, %swap3A_875, %swap3A_876] {strides = array<i32>} : memref<2x8x512xf32, #tpu.memory_space<vmem>>, vector<16xf32>,
        tpu.vector_store %arg12[%swap3A_874, %swap3A_875, %swap3A_876], %gather3A {strides = array<i32>} : memref<2x8x512xf32, #tpu.memory_space<vmem>>, vector<16xf32>,
        %add3A_878 = arith.constant 16 : i32
        %add3A_879 = arith.addi %mul3A_868, %add3A_878 : i32
        %get3A_880 = arith.constant 1 : i32
        %get3A_881 = arith.index_cast %get3A_880 : i32 to index
        %get3A_882 = arith.index_cast %add3A_879 : i32 to index
        %get3A_883 = tpu.vector_load %arg11[%get3A_881, %get3A_882] {strides = array<i32>} : memref<2x4096xi32, #tpu.memory_space<vmem>>, vector<16xi32>,
        %gather3A_884 = tpu.vector_load_idx %arg10[%get3A_883] : memref<99000xf32, #tpu.memory_space<vmem>>[vector<16xi32>], vector<16xf32>,
        %swap3A_885 = arith.constant 1 : i32
        %swap3A_886 = arith.index_cast %swap3A_885 : i32 to index
        %swap3A_887 = arith.index_cast %scan3A_866 : i32 to index
        %swap3A_888 = arith.constant 16 : index
        %swap3A_889 = tpu.vector_load %arg12[%swap3A_886, %swap3A_887, %swap3A_888] {strides = array<i32>} : memref<2x8x512xf32, #tpu.memory_space<vmem>>, vector<16xf32>,
        tpu.vector_store %arg12[%swap3A_886, %swap3A_887, %swap3A_888], %gather3A_884 {strides = array<i32>} : memref<2x8x512xf32, #tpu.memory_space<vmem>>, vector<16xf32>,
        %add3A_890 = arith.constant 32 : i32
        %add3A_891 = arith.addi %mul3A_868, %add3A_890 : i32
        %get3A_892 = arith.constant 1 : i32
        %get3A_893 = arith.index_cast %get3A_892 : i32 to index
        %get3A_894 = arith.index_cast %add3A_891 : i32 to index
        %get3A_895 = tpu.vector_load %arg11[%get3A_893, %get3A_894] {strides = array<i32>} : memref<2x4096xi32, #tpu.memory_space<vmem>>, vector<16xi32>,
        %gather3A_896 = tpu.vector_load_idx %arg10[%get3A_895] : memref<99000xf32, #tpu.memory_space<vmem>>[vector<16xi32>], vector<16xf32>,
        %swap3A_897 = arith.constant 1 : i32
        %swap3A_898 = arith.index_cast %swap3A_897 : i32 to index
        %swap3A_899 = arith.index_cast %scan3A_866 : i32 to index
        %swap3A_900 = arith.constant 32 : index
        %swap3A_901 = tpu.vector_load %arg12[%swap3A_898, %swap3A_899, %swap3A_900] {strides = array<i32>} : memref<2x8x512xf32, #tpu.memory_space<vmem>>, vector<16xf32>,
        tpu.vector_store %arg12[%swap3A_898, %swap3A_899, %swap3A_900], %gather3A_896 {strides = array<i32>} : memref<2x8x512xf32, #tpu.memory_space<vmem>>, vector<16xf32>,
        %add3A_902 = arith.constant 48 : i32
        %add3A_903 = arith.addi %mul3A_868, %add3A_902 : i32
        %get3A_904 = arith.constant 1 : i32
        %get3A_905 = arith.index_cast %get3A_904 : i32 to index
        %get3A_906 = arith.index_cast %add3A_903 : i32 to index
        %get3A_907 = tpu.vector_load %arg11[%get3A_905, %get3A_906] {strides = array<i32>} : memref<2x4096xi32, #tpu.memory_space<vmem>>, vector<16xi32>,
        %gather3A_908 = tpu.vector_load_idx %arg10[%get3A_907] : memref<99000xf32, #tpu.memory_space<vmem>>[vector<16xi32>], vector<16xf32>,
        %swap3A_909 = arith.constant 1 : i32
        %swap3A_910 = arith.index_cast %swap3A_909 : i32 to index
        %swap3A_911 = arith.index_cast %scan3A_866 : i32 to index
        %swap3A_912 = arith.constant 48 : index
        %swap3A_913 = tpu.vector_load %arg12[%swap3A_910, %swap3A_911, %swap3A_912] {strides = array<i32>} : memref<2x8x512xf32, #tpu.memory_space<vmem>>, vector<16xf32>,
        tpu.vector_store %arg12[%swap3A_910, %swap3A_911, %swap3A_912], %gather3A_908 {strides = array<i32>} : memref<2x8x512xf32, #tpu.memory_space<vmem>>, vector<16xf32>,
        %add3A_914 = arith.constant 64 : i32
        %add3A_915 = arith.addi %mul3A_868, %add3A_914 : i32
        %get3A_916 = arith.constant 1 : i32
        %get3A_917 = arith.index_cast %get3A_916 : i32 to index
        %get3A_918 = arith.index_cast %add3A_915 : i32 to index
        %get3A_919 = tpu.vector_load %arg11[%get3A_917, %get3A_918] {strides = array<i32>} : memref<2x4096xi32, #tpu.memory_space<vmem>>, vector<16xi32>,
        %gather3A_920 = tpu.vector_load_idx %arg10[%get3A_919] : memref<99000xf32, #tpu.memory_space<vmem>>[vector<16xi32>], vector<16xf32>,
        %swap3A_921 = arith.constant 1 : i32
        %swap3A_922 = arith.index_cast %swap3A_921 : i32 to index
        %swap3A_923 = arith.index_cast %scan3A_866 : i32 to index
        %swap3A_924 = arith.constant 64 : index
        %swap3A_925 = tpu.vector_load %arg12[%swap3A_922, %swap3A_923, %swap3A_924] {strides = array<i32>} : memref<2x8x512xf32, #tpu.memory_space<vmem>>, vector<16xf32>,
        tpu.vector_store %arg12[%swap3A_922, %swap3A_923, %swap3A_924], %gather3A_920 {strides = array<i32>} : memref<2x8x512xf32, #tpu.memory_space<vmem>>, vector<16xf32>,
        %add3A_926 = arith.constant 80 : i32
        %add3A_927 = arith.addi %mul3A_868, %add3A_926 : i32
        %get3A_928 = arith.constant 1 : i32
        %get3A_929 = arith.index_cast %get3A_928 : i32 to index
        %get3A_930 = arith.index_cast %add3A_927 : i32 to index
        %get3A_931 = tpu.vector_load %arg11[%get3A_929, %get3A_930] {strides = array<i32>} : memref<2x4096xi32, #tpu.memory_space<vmem>>, vector<16xi32>,
        %gather3A_932 = tpu.vector_load_idx %arg10[%get3A_931] : memref<99000xf32, #tpu.memory_space<vmem>>[vector<16xi32>], vector<16xf32>,
        %swap3A_933 = arith.constant 1 : i32
        %swap3A_934 = arith.index_cast %swap3A_933 : i32 to index
        %swap3A_935 = arith.index_cast %scan3A_866 : i32 to index
        %swap3A_936 = arith.constant 80 : index
        %swap3A_937 = tpu.vector_load %arg12[%swap3A_934, %swap3A_935, %swap3A_936] {strides = array<i32>} : memref<2x8x512xf32, #tpu.memory_space<vmem>>, vector<16xf32>,
        tpu.vector_store %arg12[%swap3A_934, %swap3A_935, %swap3A_936], %gather3A_932 {strides = array<i32>} : memref<2x8x512xf32, #tpu.memory_space<vmem>>, vector<16xf32>,
        %add3A_938 = arith.constant 96 : i32
        %add3A_939 = arith.addi %mul3A_868, %add3A_938 : i32
        %get3A_940 = arith.constant 1 : i32
        %get3A_941 = arith.index_cast %get3A_940 : i32 to index
        %get3A_942 = arith.index_cast %add3A_939 : i32 to index
        %get3A_943 = tpu.vector_load %arg11[%get3A_941, %get3A_942] {strides = array<i32>} : memref<2x4096xi32, #tpu.memory_space<vmem>>, vector<16xi32>,
        %gather3A_944 = tpu.vector_load_idx %arg10[%get3A_943] : memref<99000xf32, #tpu.memory_space<vmem>>[vector<16xi32>], vector<16xf32>,
        %swap3A_945 = arith.constant 1 : i32
        %swap3A_946 = arith.index_cast %swap3A_945 : i32 to index
        %swap3A_947 = arith.index_cast %scan3A_866 : i32 to index
        %swap3A_948 = arith.constant 96 : index
        %swap3A_949 = tpu.vector_load %arg12[%swap3A_946, %swap3A_947, %swap3A_948] {strides = array<i32>} : memref<2x8x512xf32, #tpu.memory_space<vmem>>, vector<16xf32>,
        tpu.vector_store %arg12[%swap3A_946, %swap3A_947, %swap3A_948], %gather3A_944 {strides = array<i32>} : memref<2x8x512xf32, #tpu.memory_space<vmem>>, vector<16xf32>,
        %add3A_950 = arith.constant 112 : i32
        %add3A_951 = arith.addi %mul3A_868, %add3A_950 : i32
        %get3A_952 = arith.constant 1 : i32
        %get3A_953 = arith.index_cast %get3A_952 : i32 to index
        %get3A_954 = arith.index_cast %add3A_951 : i32 to index
        %get3A_955 = tpu.vector_load %arg11[%get3A_953, %get3A_954] {strides = array<i32>} : memref<2x4096xi32, #tpu.memory_space<vmem>>, vector<16xi32>,
        %gather3A_956 = tpu.vector_load_idx %arg10[%get3A_955] : memref<99000xf32, #tpu.memory_space<vmem>>[vector<16xi32>], vector<16xf32>,
        %swap3A_957 = arith.constant 1 : i32
        %swap3A_958 = arith.index_cast %swap3A_957 : i32 to index
        %swap3A_959 = arith.index_cast %scan3A_866 : i32 to index
        %swap3A_960 = arith.constant 112 : index
        %swap3A_961 = tpu.vector_load %arg12[%swap3A_958, %swap3A_959, %swap3A_960] {strides = array<i32>} : memref<2x8x512xf32, #tpu.memory_space<vmem>>, vector<16xf32>,
        tpu.vector_store %arg12[%swap3A_958, %swap3A_959, %swap3A_960], %gather3A_956 {strides = array<i32>} : memref<2x8x512xf32, #tpu.memory_space<vmem>>, vector<16xf32>,
        %add3A_962 = arith.constant 128 : i32
        %add3A_963 = arith.addi %mul3A_868, %add3A_962 : i32
        %get3A_964 = arith.constant 1 : i32
        %get3A_965 = arith.index_cast %get3A_964 : i32 to index
        %get3A_966 = arith.index_cast %add3A_963 : i32 to index
        %get3A_967 = tpu.vector_load %arg11[%get3A_965, %get3A_966] {strides = array<i32>} : memref<2x4096xi32, #tpu.memory_space<vmem>>, vector<16xi32>,
        %gather3A_968 = tpu.vector_load_idx %arg10[%get3A_967] : memref<99000xf32, #tpu.memory_space<vmem>>[vector<16xi32>], vector<16xf32>,
        %swap3A_969 = arith.constant 1 : i32
        %swap3A_970 = arith.index_cast %swap3A_969 : i32 to index
        %swap3A_971 = arith.index_cast %scan3A_866 : i32 to index
        %swap3A_972 = arith.constant 128 : index
        %swap3A_973 = tpu.vector_load %arg12[%swap3A_970, %swap3A_971, %swap3A_972] {strides = array<i32>} : memref<2x8x512xf32, #tpu.memory_space<vmem>>, vector<16xf32>,
        tpu.vector_store %arg12[%swap3A_970, %swap3A_971, %swap3A_972], %gather3A_968 {strides = array<i32>} : memref<2x8x512xf32, #tpu.memory_space<vmem>>, vector<16xf32>,
        %add3A_974 = arith.constant 144 : i32
        %add3A_975 = arith.addi %mul3A_868, %add3A_974 : i32
        %get3A_976 = arith.constant 1 : i32
        %get3A_977 = arith.index_cast %get3A_976 : i32 to index
        %get3A_978 = arith.index_cast %add3A_975 : i32 to index
        %get3A_979 = tpu.vector_load %arg11[%get3A_977, %get3A_978] {strides = array<i32>} : memref<2x4096xi32, #tpu.memory_space<vmem>>, vector<16xi32>,
        %gather3A_980 = tpu.vector_load_idx %arg10[%get3A_979] : memref<99000xf32, #tpu.memory_space<vmem>>[vector<16xi32>], vector<16xf32>,
        %swap3A_981 = arith.constant 1 : i32
        %swap3A_982 = arith.index_cast %swap3A_981 : i32 to index
        %swap3A_983 = arith.index_cast %scan3A_866 : i32 to index
        %swap3A_984 = arith.constant 144 : index
        %swap3A_985 = tpu.vector_load %arg12[%swap3A_982, %swap3A_983, %swap3A_984] {strides = array<i32>} : memref<2x8x512xf32, #tpu.memory_space<vmem>>, vector<16xf32>,
        tpu.vector_store %arg12[%swap3A_982, %swap3A_983, %swap3A_984], %gather3A_980 {strides = array<i32>} : memref<2x8x512xf32, #tpu.memory_space<vmem>>, vector<16xf32>,
        %add3A_986 = arith.constant 160 : i32
        %add3A_987 = arith.addi %mul3A_868, %add3A_986 : i32
        %get3A_988 = arith.constant 1 : i32
        %get3A_989 = arith.index_cast %get3A_988 : i32 to index
        %get3A_990 = arith.index_cast %add3A_987 : i32 to index
        %get3A_991 = tpu.vector_load %arg11[%get3A_989, %get3A_990] {strides = array<i32>} : memref<2x4096xi32, #tpu.memory_space<vmem>>, vector<16xi32>,
        %gather3A_992 = tpu.vector_load_idx %arg10[%get3A_991] : memref<99000xf32, #tpu.memory_space<vmem>>[vector<16xi32>], vector<16xf32>,
        %swap3A_993 = arith.constant 1 : i32
        %swap3A_994 = arith.index_cast %swap3A_993 : i32 to index
        %swap3A_995 = arith.index_cast %scan3A_866 : i32 to index
        %swap3A_996 = arith.constant 160 : index
        %swap3A_997 = tpu.vector_load %arg12[%swap3A_994, %swap3A_995, %swap3A_996] {strides = array<i32>} : memref<2x8x512xf32, #tpu.memory_space<vmem>>, vector<16xf32>,
        tpu.vector_store %arg12[%swap3A_994, %swap3A_995, %swap3A_996], %gather3A_992 {strides = array<i32>} : memref<2x8x512xf32, #tpu.memory_space<vmem>>, vector<16xf32>,
        %add3A_998 = arith.constant 176 : i32
        %add3A_999 = arith.addi %mul3A_868, %add3A_998 : i32
        %get3A_1000 = arith.constant 1 : i32
        %get3A_1001 = arith.index_cast %get3A_1000 : i32 to index
        %get3A_1002 = arith.index_cast %add3A_999 : i32 to index
        %get3A_1003 = tpu.vector_load %arg11[%get3A_1001, %get3A_1002] {strides = array<i32>} : memref<2x4096xi32, #tpu.memory_space<vmem>>, vector<16xi32>,
        %gather3A_1004 = tpu.vector_load_idx %arg10[%get3A_1003] : memref<99000xf32, #tpu.memory_space<vmem>>[vector<16xi32>], vector<16xf32>,
        %swap3A_1005 = arith.constant 1 : i32
        %swap3A_1006 = arith.index_cast %swap3A_1005 : i32 to index
        %swap3A_1007 = arith.index_cast %scan3A_866 : i32 to index
        %swap3A_1008 = arith.constant 176 : index
        %swap3A_1009 = tpu.vector_load %arg12[%swap3A_1006, %swap3A_1007, %swap3A_1008] {strides = array<i32>} : memref<2x8x512xf32, #tpu.memory_space<vmem>>, vector<16xf32>,
        tpu.vector_store %arg12[%swap3A_1006, %swap3A_1007, %swap3A_1008], %gather3A_1004 {strides = array<i32>} : memref<2x8x512xf32, #tpu.memory_space<vmem>>, vector<16xf32>,
        %add3A_1010 = arith.constant 192 : i32
        %add3A_1011 = arith.addi %mul3A_868, %add3A_1010 : i32
        %get3A_1012 = arith.constant 1 : i32
        %get3A_1013 = arith.index_cast %get3A_1012 : i32 to index
        %get3A_1014 = arith.index_cast %add3A_1011 : i32 to index
        %get3A_1015 = tpu.vector_load %arg11[%get3A_1013, %get3A_1014] {strides = array<i32>} : memref<2x4096xi32, #tpu.memory_space<vmem>>, vector<16xi32>,
        %gather3A_1016 = tpu.vector_load_idx %arg10[%get3A_1015] : memref<99000xf32, #tpu.memory_space<vmem>>[vector<16xi32>], vector<16xf32>,
        %swap3A_1017 = arith.constant 1 : i32
        %swap3A_1018 = arith.index_cast %swap3A_1017 : i32 to index
        %swap3A_1019 = arith.index_cast %scan3A_866 : i32 to index
        %swap3A_1020 = arith.constant 192 : index
        %swap3A_1021 = tpu.vector_load %arg12[%swap3A_1018, %swap3A_1019, %swap3A_1020] {strides = array<i32>} : memref<2x8x512xf32, #tpu.memory_space<vmem>>, vector<16xf32>,
        tpu.vector_store %arg12[%swap3A_1018, %swap3A_1019, %swap3A_1020], %gather3A_1016 {strides = array<i32>} : memref<2x8x512xf32, #tpu.memory_space<vmem>>, vector<16xf32>,
        %add3A_1022 = arith.constant 208 : i32
        %add3A_1023 = arith.addi %mul3A_868, %add3A_1022 : i32
        %get3A_1024 = arith.constant 1 : i32
        %get3A_1025 = arith.index_cast %get3A_1024 : i32 to index
        %get3A_1026 = arith.index_cast %add3A_1023 : i32 to index
        %get3A_1027 = tpu.vector_load %arg11[%get3A_1025, %get3A_1026] {strides = array<i32>} : memref<2x4096xi32, #tpu.memory_space<vmem>>, vector<16xi32>,
        %gather3A_1028 = tpu.vector_load_idx %arg10[%get3A_1027] : memref<99000xf32, #tpu.memory_space<vmem>>[vector<16xi32>], vector<16xf32>,
        %swap3A_1029 = arith.constant 1 : i32
        %swap3A_1030 = arith.index_cast %swap3A_1029 : i32 to index
        %swap3A_1031 = arith.index_cast %scan3A_866 : i32 to index
        %swap3A_1032 = arith.constant 208 : index
        %swap3A_1033 = tpu.vector_load %arg12[%swap3A_1030, %swap3A_1031, %swap3A_1032] {strides = array<i32>} : memref<2x8x512xf32, #tpu.memory_space<vmem>>, vector<16xf32>,
        tpu.vector_store %arg12[%swap3A_1030, %swap3A_1031, %swap3A_1032], %gather3A_1028 {strides = array<i32>} : memref<2x8x512xf32, #tpu.memory_space<vmem>>, vector<16xf32>,
        %add3A_1034 = arith.constant 224 : i32
        %add3A_1035 = arith.addi %mul3A_868, %add3A_1034 : i32
        %get3A_1036 = arith.constant 1 : i32
        %get3A_1037 = arith.index_cast %get3A_1036 : i32 to index
        %get3A_1038 = arith.index_cast %add3A_1035 : i32 to index
        %get3A_1039 = tpu.vector_load %arg11[%get3A_1037, %get3A_1038] {strides = array<i32>} : memref<2x4096xi32, #tpu.memory_space<vmem>>, vector<16xi32>,
        %gather3A_1040 = tpu.vector_load_idx %arg10[%get3A_1039] : memref<99000xf32, #tpu.memory_space<vmem>>[vector<16xi32>], vector<16xf32>,
        %swap3A_1041 = arith.constant 1 : i32
        %swap3A_1042 = arith.index_cast %swap3A_1041 : i32 to index
        %swap3A_1043 = arith.index_cast %scan3A_866 : i32 to index
        %swap3A_1044 = arith.constant 224 : index
        %swap3A_1045 = tpu.vector_load %arg12[%swap3A_1042, %swap3A_1043, %swap3A_1044] {strides = array<i32>} : memref<2x8x512xf32, #tpu.memory_space<vmem>>, vector<16xf32>,
        tpu.vector_store %arg12[%swap3A_1042, %swap3A_1043, %swap3A_1044], %gather3A_1040 {strides = array<i32>} : memref<2x8x512xf32, #tpu.memory_space<vmem>>, vector<16xf32>,
        %add3A_1046 = arith.constant 240 : i32
        %add3A_1047 = arith.addi %mul3A_868, %add3A_1046 : i32
        %get3A_1048 = arith.constant 1 : i32
        %get3A_1049 = arith.index_cast %get3A_1048 : i32 to index
        %get3A_1050 = arith.index_cast %add3A_1047 : i32 to index
        %get3A_1051 = tpu.vector_load %arg11[%get3A_1049, %get3A_1050] {strides = array<i32>} : memref<2x4096xi32, #tpu.memory_space<vmem>>, vector<16xi32>,
        %gather3A_1052 = tpu.vector_load_idx %arg10[%get3A_1051] : memref<99000xf32, #tpu.memory_space<vmem>>[vector<16xi32>], vector<16xf32>,
        %swap3A_1053 = arith.constant 1 : i32
        %swap3A_1054 = arith.index_cast %swap3A_1053 : i32 to index
        %swap3A_1055 = arith.index_cast %scan3A_866 : i32 to index
        %swap3A_1056 = arith.constant 240 : index
        %swap3A_1057 = tpu.vector_load %arg12[%swap3A_1054, %swap3A_1055, %swap3A_1056] {strides = array<i32>} : memref<2x8x512xf32, #tpu.memory_space<vmem>>, vector<16xf32>,
        tpu.vector_store %arg12[%swap3A_1054, %swap3A_1055, %swap3A_1056], %gather3A_1052 {strides = array<i32>} : memref<2x8x512xf32, #tpu.memory_space<vmem>>, vector<16xf32>,
        %add3A_1058 = arith.constant 256 : i32
        %add3A_1059 = arith.addi %mul3A_868, %add3A_1058 : i32
        %get3A_1060 = arith.constant 1 : i32
        %get3A_1061 = arith.index_cast %get3A_1060 : i32 to index
        %get3A_1062 = arith.index_cast %add3A_1059 : i32 to index
        %get3A_1063 = tpu.vector_load %arg11[%get3A_1061, %get3A_1062] {strides = array<i32>} : memref<2x4096xi32, #tpu.memory_space<vmem>>, vector<16xi32>,
        %gather3A_1064 = tpu.vector_load_idx %arg10[%get3A_1063] : memref<99000xf32, #tpu.memory_space<vmem>>[vector<16xi32>], vector<16xf32>,
        %swap3A_1065 = arith.constant 1 : i32
        %swap3A_1066 = arith.index_cast %swap3A_1065 : i32 to index
        %swap3A_1067 = arith.index_cast %scan3A_866 : i32 to index
        %swap3A_1068 = arith.constant 256 : index
        %swap3A_1069 = tpu.vector_load %arg12[%swap3A_1066, %swap3A_1067, %swap3A_1068] {strides = array<i32>} : memref<2x8x512xf32, #tpu.memory_space<vmem>>, vector<16xf32>,
        tpu.vector_store %arg12[%swap3A_1066, %swap3A_1067, %swap3A_1068], %gather3A_1064 {strides = array<i32>} : memref<2x8x512xf32, #tpu.memory_space<vmem>>, vector<16xf32>,
        %add3A_1070 = arith.constant 272 : i32
        %add3A_1071 = arith.addi %mul3A_868, %add3A_1070 : i32
        %get3A_1072 = arith.constant 1 : i32
        %get3A_1073 = arith.index_cast %get3A_1072 : i32 to index
        %get3A_1074 = arith.index_cast %add3A_1071 : i32 to index
        %get3A_1075 = tpu.vector_load %arg11[%get3A_1073, %get3A_1074] {strides = array<i32>} : memref<2x4096xi32, #tpu.memory_space<vmem>>, vector<16xi32>,
        %gather3A_1076 = tpu.vector_load_idx %arg10[%get3A_1075] : memref<99000xf32, #tpu.memory_space<vmem>>[vector<16xi32>], vector<16xf32>,
        %swap3A_1077 = arith.constant 1 : i32
        %swap3A_1078 = arith.index_cast %swap3A_1077 : i32 to index
        %swap3A_1079 = arith.index_cast %scan3A_866 : i32 to index
        %swap3A_1080 = arith.constant 272 : index
        %swap3A_1081 = tpu.vector_load %arg12[%swap3A_1078, %swap3A_1079, %swap3A_1080] {strides = array<i32>} : memref<2x8x512xf32, #tpu.memory_space<vmem>>, vector<16xf32>,
        tpu.vector_store %arg12[%swap3A_1078, %swap3A_1079, %swap3A_1080], %gather3A_1076 {strides = array<i32>} : memref<2x8x512xf32, #tpu.memory_space<vmem>>, vector<16xf32>,
        %add3A_1082 = arith.constant 288 : i32
        %add3A_1083 = arith.addi %mul3A_868, %add3A_1082 : i32
        %get3A_1084 = arith.constant 1 : i32
        %get3A_1085 = arith.index_cast %get3A_1084 : i32 to index
        %get3A_1086 = arith.index_cast %add3A_1083 : i32 to index
        %get3A_1087 = tpu.vector_load %arg11[%get3A_1085, %get3A_1086] {strides = array<i32>} : memref<2x4096xi32, #tpu.memory_space<vmem>>, vector<16xi32>,
        %gather3A_1088 = tpu.vector_load_idx %arg10[%get3A_1087] : memref<99000xf32, #tpu.memory_space<vmem>>[vector<16xi32>], vector<16xf32>,
        %swap3A_1089 = arith.constant 1 : i32
        %swap3A_1090 = arith.index_cast %swap3A_1089 : i32 to index
        %swap3A_1091 = arith.index_cast %scan3A_866 : i32 to index
        %swap3A_1092 = arith.constant 288 : index
        %swap3A_1093 = tpu.vector_load %arg12[%swap3A_1090, %swap3A_1091, %swap3A_1092] {strides = array<i32>} : memref<2x8x512xf32, #tpu.memory_space<vmem>>, vector<16xf32>,
        tpu.vector_store %arg12[%swap3A_1090, %swap3A_1091, %swap3A_1092], %gather3A_1088 {strides = array<i32>} : memref<2x8x512xf32, #tpu.memory_space<vmem>>, vector<16xf32>,
        %add3A_1094 = arith.constant 304 : i32
        %add3A_1095 = arith.addi %mul3A_868, %add3A_1094 : i32
        %get3A_1096 = arith.constant 1 : i32
        %get3A_1097 = arith.index_cast %get3A_1096 : i32 to index
        %get3A_1098 = arith.index_cast %add3A_1095 : i32 to index
        %get3A_1099 = tpu.vector_load %arg11[%get3A_1097, %get3A_1098] {strides = array<i32>} : memref<2x4096xi32, #tpu.memory_space<vmem>>, vector<16xi32>,
        %gather3A_1100 = tpu.vector_load_idx %arg10[%get3A_1099] : memref<99000xf32, #tpu.memory_space<vmem>>[vector<16xi32>], vector<16xf32>,
        %swap3A_1101 = arith.constant 1 : i32
        %swap3A_1102 = arith.index_cast %swap3A_1101 : i32 to index
        %swap3A_1103 = arith.index_cast %scan3A_866 : i32 to index
        %swap3A_1104 = arith.constant 304 : index
        %swap3A_1105 = tpu.vector_load %arg12[%swap3A_1102, %swap3A_1103, %swap3A_1104] {strides = array<i32>} : memref<2x8x512xf32, #tpu.memory_space<vmem>>, vector<16xf32>,
        tpu.vector_store %arg12[%swap3A_1102, %swap3A_1103, %swap3A_1104], %gather3A_1100 {strides = array<i32>} : memref<2x8x512xf32, #tpu.memory_space<vmem>>, vector<16xf32>,
        %add3A_1106 = arith.constant 320 : i32
        %add3A_1107 = arith.addi %mul3A_868, %add3A_1106 : i32
        %get3A_1108 = arith.constant 1 : i32
        %get3A_1109 = arith.index_cast %get3A_1108 : i32 to index
        %get3A_1110 = arith.index_cast %add3A_1107 : i32 to index
        %get3A_1111 = tpu.vector_load %arg11[%get3A_1109, %get3A_1110] {strides = array<i32>} : memref<2x4096xi32, #tpu.memory_space<vmem>>, vector<16xi32>,
        %gather3A_1112 = tpu.vector_load_idx %arg10[%get3A_1111] : memref<99000xf32, #tpu.memory_space<vmem>>[vector<16xi32>], vector<16xf32>,
        %swap3A_1113 = arith.constant 1 : i32
        %swap3A_1114 = arith.index_cast %swap3A_1113 : i32 to index
        %swap3A_1115 = arith.index_cast %scan3A_866 : i32 to index
        %swap3A_1116 = arith.constant 320 : index
        %swap3A_1117 = tpu.vector_load %arg12[%swap3A_1114, %swap3A_1115, %swap3A_1116] {strides = array<i32>} : memref<2x8x512xf32, #tpu.memory_space<vmem>>, vector<16xf32>,
        tpu.vector_store %arg12[%swap3A_1114, %swap3A_1115, %swap3A_1116], %gather3A_1112 {strides = array<i32>} : memref<2x8x512xf32, #tpu.memory_space<vmem>>, vector<16xf32>,
        %add3A_1118 = arith.constant 336 : i32
        %add3A_1119 = arith.addi %mul3A_868, %add3A_1118 : i32
        %get3A_1120 = arith.constant 1 : i32
        %get3A_1121 = arith.index_cast %get3A_1120 : i32 to index
        %get3A_1122 = arith.index_cast %add3A_1119 : i32 to index
        %get3A_1123 = tpu.vector_load %arg11[%get3A_1121, %get3A_1122] {strides = array<i32>} : memref<2x4096xi32, #tpu.memory_space<vmem>>, vector<16xi32>,
        %gather3A_1124 = tpu.vector_load_idx %arg10[%get3A_1123] : memref<99000xf32, #tpu.memory_space<vmem>>[vector<16xi32>], vector<16xf32>,
        %swap3A_1125 = arith.constant 1 : i32
        %swap3A_1126 = arith.index_cast %swap3A_1125 : i32 to index
        %swap3A_1127 = arith.index_cast %scan3A_866 : i32 to index
        %swap3A_1128 = arith.constant 336 : index
        %swap3A_1129 = tpu.vector_load %arg12[%swap3A_1126, %swap3A_1127, %swap3A_1128] {strides = array<i32>} : memref<2x8x512xf32, #tpu.memory_space<vmem>>, vector<16xf32>,
        tpu.vector_store %arg12[%swap3A_1126, %swap3A_1127, %swap3A_1128], %gather3A_1124 {strides = array<i32>} : memref<2x8x512xf32, #tpu.memory_space<vmem>>, vector<16xf32>,
        %add3A_1130 = arith.constant 352 : i32
        %add3A_1131 = arith.addi %mul3A_868, %add3A_1130 : i32
        %get3A_1132 = arith.constant 1 : i32
        %get3A_1133 = arith.index_cast %get3A_1132 : i32 to index
        %get3A_1134 = arith.index_cast %add3A_1131 : i32 to index
        %get3A_1135 = tpu.vector_load %arg11[%get3A_1133, %get3A_1134] {strides = array<i32>} : memref<2x4096xi32, #tpu.memory_space<vmem>>, vector<16xi32>,
        %gather3A_1136 = tpu.vector_load_idx %arg10[%get3A_1135] : memref<99000xf32, #tpu.memory_space<vmem>>[vector<16xi32>], vector<16xf32>,
        %swap3A_1137 = arith.constant 1 : i32
        %swap3A_1138 = arith.index_cast %swap3A_1137 : i32 to index
        %swap3A_1139 = arith.index_cast %scan3A_866 : i32 to index
        %swap3A_1140 = arith.constant 352 : index
        %swap3A_1141 = tpu.vector_load %arg12[%swap3A_1138, %swap3A_1139, %swap3A_1140] {strides = array<i32>} : memref<2x8x512xf32, #tpu.memory_space<vmem>>, vector<16xf32>,
        tpu.vector_store %arg12[%swap3A_1138, %swap3A_1139, %swap3A_1140], %gather3A_1136 {strides = array<i32>} : memref<2x8x512xf32, #tpu.memory_space<vmem>>, vector<16xf32>,
        %add3A_1142 = arith.constant 368 : i32
        %add3A_1143 = arith.addi %mul3A_868, %add3A_1142 : i32
        %get3A_1144 = arith.constant 1 : i32
        %get3A_1145 = arith.index_cast %get3A_1144 : i32 to index
        %get3A_1146 = arith.index_cast %add3A_1143 : i32 to index
        %get3A_1147 = tpu.vector_load %arg11[%get3A_1145, %get3A_1146] {strides = array<i32>} : memref<2x4096xi32, #tpu.memory_space<vmem>>, vector<16xi32>,
        %gather3A_1148 = tpu.vector_load_idx %arg10[%get3A_1147] : memref<99000xf32, #tpu.memory_space<vmem>>[vector<16xi32>], vector<16xf32>,
        %swap3A_1149 = arith.constant 1 : i32
        %swap3A_1150 = arith.index_cast %swap3A_1149 : i32 to index
        %swap3A_1151 = arith.index_cast %scan3A_866 : i32 to index
        %swap3A_1152 = arith.constant 368 : index
        %swap3A_1153 = tpu.vector_load %arg12[%swap3A_1150, %swap3A_1151, %swap3A_1152] {strides = array<i32>} : memref<2x8x512xf32, #tpu.memory_space<vmem>>, vector<16xf32>,
        tpu.vector_store %arg12[%swap3A_1150, %swap3A_1151, %swap3A_1152], %gather3A_1148 {strides = array<i32>} : memref<2x8x512xf32, #tpu.memory_space<vmem>>, vector<16xf32>,
        %add3A_1154 = arith.constant 384 : i32
        %add3A_1155 = arith.addi %mul3A_868, %add3A_1154 : i32
        %get3A_1156 = arith.constant 1 : i32
        %get3A_1157 = arith.index_cast %get3A_1156 : i32 to index
        %get3A_1158 = arith.index_cast %add3A_1155 : i32 to index
        %get3A_1159 = tpu.vector_load %arg11[%get3A_1157, %get3A_1158] {strides = array<i32>} : memref<2x4096xi32, #tpu.memory_space<vmem>>, vector<16xi32>,
        %gather3A_1160 = tpu.vector_load_idx %arg10[%get3A_1159] : memref<99000xf32, #tpu.memory_space<vmem>>[vector<16xi32>], vector<16xf32>,
        %swap3A_1161 = arith.constant 1 : i32
        %swap3A_1162 = arith.index_cast %swap3A_1161 : i32 to index
        %swap3A_1163 = arith.index_cast %scan3A_866 : i32 to index
        %swap3A_1164 = arith.constant 384 : index
        %swap3A_1165 = tpu.vector_load %arg12[%swap3A_1162, %swap3A_1163, %swap3A_1164] {strides = array<i32>} : memref<2x8x512xf32, #tpu.memory_space<vmem>>, vector<16xf32>,
        tpu.vector_store %arg12[%swap3A_1162, %swap3A_1163, %swap3A_1164], %gather3A_1160 {strides = array<i32>} : memref<2x8x512xf32, #tpu.memory_space<vmem>>, vector<16xf32>,
        %add3A_1166 = arith.constant 400 : i32
        %add3A_1167 = arith.addi %mul3A_868, %add3A_1166 : i32
        %get3A_1168 = arith.constant 1 : i32
        %get3A_1169 = arith.index_cast %get3A_1168 : i32 to index
        %get3A_1170 = arith.index_cast %add3A_1167 : i32 to index
        %get3A_1171 = tpu.vector_load %arg11[%get3A_1169, %get3A_1170] {strides = array<i32>} : memref<2x4096xi32, #tpu.memory_space<vmem>>, vector<16xi32>,
        %gather3A_1172 = tpu.vector_load_idx %arg10[%get3A_1171] : memref<99000xf32, #tpu.memory_space<vmem>>[vector<16xi32>], vector<16xf32>,
        %swap3A_1173 = arith.constant 1 : i32
        %swap3A_1174 = arith.index_cast %swap3A_1173 : i32 to index
        %swap3A_1175 = arith.index_cast %scan3A_866 : i32 to index
        %swap3A_1176 = arith.constant 400 : index
        %swap3A_1177 = tpu.vector_load %arg12[%swap3A_1174, %swap3A_1175, %swap3A_1176] {strides = array<i32>} : memref<2x8x512xf32, #tpu.memory_space<vmem>>, vector<16xf32>,
        tpu.vector_store %arg12[%swap3A_1174, %swap3A_1175, %swap3A_1176], %gather3A_1172 {strides = array<i32>} : memref<2x8x512xf32, #tpu.memory_space<vmem>>, vector<16xf32>,
        %add3A_1178 = arith.constant 416 : i32
        %add3A_1179 = arith.addi %mul3A_868, %add3A_1178 : i32
        %get3A_1180 = arith.constant 1 : i32
        %get3A_1181 = arith.index_cast %get3A_1180 : i32 to index
        %get3A_1182 = arith.index_cast %add3A_1179 : i32 to index
        %get3A_1183 = tpu.vector_load %arg11[%get3A_1181, %get3A_1182] {strides = array<i32>} : memref<2x4096xi32, #tpu.memory_space<vmem>>, vector<16xi32>,
        %gather3A_1184 = tpu.vector_load_idx %arg10[%get3A_1183] : memref<99000xf32, #tpu.memory_space<vmem>>[vector<16xi32>], vector<16xf32>,
        %swap3A_1185 = arith.constant 1 : i32
        %swap3A_1186 = arith.index_cast %swap3A_1185 : i32 to index
        %swap3A_1187 = arith.index_cast %scan3A_866 : i32 to index
        %swap3A_1188 = arith.constant 416 : index
        %swap3A_1189 = tpu.vector_load %arg12[%swap3A_1186, %swap3A_1187, %swap3A_1188] {strides = array<i32>} : memref<2x8x512xf32, #tpu.memory_space<vmem>>, vector<16xf32>,
        tpu.vector_store %arg12[%swap3A_1186, %swap3A_1187, %swap3A_1188], %gather3A_1184 {strides = array<i32>} : memref<2x8x512xf32, #tpu.memory_space<vmem>>, vector<16xf32>,
        %add3A_1190 = arith.constant 432 : i32
        %add3A_1191 = arith.addi %mul3A_868, %add3A_1190 : i32
        %get3A_1192 = arith.constant 1 : i32
        %get3A_1193 = arith.index_cast %get3A_1192 : i32 to index
        %get3A_1194 = arith.index_cast %add3A_1191 : i32 to index
        %get3A_1195 = tpu.vector_load %arg11[%get3A_1193, %get3A_1194] {strides = array<i32>} : memref<2x4096xi32, #tpu.memory_space<vmem>>, vector<16xi32>,
        %gather3A_1196 = tpu.vector_load_idx %arg10[%get3A_1195] : memref<99000xf32, #tpu.memory_space<vmem>>[vector<16xi32>], vector<16xf32>,
        %swap3A_1197 = arith.constant 1 : i32
        %swap3A_1198 = arith.index_cast %swap3A_1197 : i32 to index
        %swap3A_1199 = arith.index_cast %scan3A_866 : i32 to index
        %swap3A_1200 = arith.constant 432 : index
        %swap3A_1201 = tpu.vector_load %arg12[%swap3A_1198, %swap3A_1199, %swap3A_1200] {strides = array<i32>} : memref<2x8x512xf32, #tpu.memory_space<vmem>>, vector<16xf32>,
        tpu.vector_store %arg12[%swap3A_1198, %swap3A_1199, %swap3A_1200], %gather3A_1196 {strides = array<i32>} : memref<2x8x512xf32, #tpu.memory_space<vmem>>, vector<16xf32>,
        %add3A_1202 = arith.constant 448 : i32
        %add3A_1203 = arith.addi %mul3A_868, %add3A_1202 : i32
        %get3A_1204 = arith.constant 1 : i32
        %get3A_1205 = arith.index_cast %get3A_1204 : i32 to index
        %get3A_1206 = arith.index_cast %add3A_1203 : i32 to index
        %get3A_1207 = tpu.vector_load %arg11[%get3A_1205, %get3A_1206] {strides = array<i32>} : memref<2x4096xi32, #tpu.memory_space<vmem>>, vector<16xi32>,
        %gather3A_1208 = tpu.vector_load_idx %arg10[%get3A_1207] : memref<99000xf32, #tpu.memory_space<vmem>>[vector<16xi32>], vector<16xf32>,
        %swap3A_1209 = arith.constant 1 : i32
        %swap3A_1210 = arith.index_cast %swap3A_1209 : i32 to index
        %swap3A_1211 = arith.index_cast %scan3A_866 : i32 to index
        %swap3A_1212 = arith.constant 448 : index
        %swap3A_1213 = tpu.vector_load %arg12[%swap3A_1210, %swap3A_1211, %swap3A_1212] {strides = array<i32>} : memref<2x8x512xf32, #tpu.memory_space<vmem>>, vector<16xf32>,
        tpu.vector_store %arg12[%swap3A_1210, %swap3A_1211, %swap3A_1212], %gather3A_1208 {strides = array<i32>} : memref<2x8x512xf32, #tpu.memory_space<vmem>>, vector<16xf32>,
        %add3A_1214 = arith.constant 464 : i32
        %add3A_1215 = arith.addi %mul3A_868, %add3A_1214 : i32
        %get3A_1216 = arith.constant 1 : i32
        %get3A_1217 = arith.index_cast %get3A_1216 : i32 to index
        %get3A_1218 = arith.index_cast %add3A_1215 : i32 to index
        %get3A_1219 = tpu.vector_load %arg11[%get3A_1217, %get3A_1218] {strides = array<i32>} : memref<2x4096xi32, #tpu.memory_space<vmem>>, vector<16xi32>,
        %gather3A_1220 = tpu.vector_load_idx %arg10[%get3A_1219] : memref<99000xf32, #tpu.memory_space<vmem>>[vector<16xi32>], vector<16xf32>,
        %swap3A_1221 = arith.constant 1 : i32
        %swap3A_1222 = arith.index_cast %swap3A_1221 : i32 to index
        %swap3A_1223 = arith.index_cast %scan3A_866 : i32 to index
        %swap3A_1224 = arith.constant 464 : index
        %swap3A_1225 = tpu.vector_load %arg12[%swap3A_1222, %swap3A_1223, %swap3A_1224] {strides = array<i32>} : memref<2x8x512xf32, #tpu.memory_space<vmem>>, vector<16xf32>,
        tpu.vector_store %arg12[%swap3A_1222, %swap3A_1223, %swap3A_1224], %gather3A_1220 {strides = array<i32>} : memref<2x8x512xf32, #tpu.memory_space<vmem>>, vector<16xf32>,
        %add3A_1226 = arith.constant 480 : i32
        %add3A_1227 = arith.addi %mul3A_868, %add3A_1226 : i32
        %get3A_1228 = arith.constant 1 : i32
        %get3A_1229 = arith.index_cast %get3A_1228 : i32 to index
        %get3A_1230 = arith.index_cast %add3A_1227 : i32 to index
        %get3A_1231 = tpu.vector_load %arg11[%get3A_1229, %get3A_1230] {strides = array<i32>} : memref<2x4096xi32, #tpu.memory_space<vmem>>, vector<16xi32>,
        %gather3A_1232 = tpu.vector_load_idx %arg10[%get3A_1231] : memref<99000xf32, #tpu.memory_space<vmem>>[vector<16xi32>], vector<16xf32>,
        %swap3A_1233 = arith.constant 1 : i32
        %swap3A_1234 = arith.index_cast %swap3A_1233 : i32 to index
        %swap3A_1235 = arith.index_cast %scan3A_866 : i32 to index
        %swap3A_1236 = arith.constant 480 : index
        %swap3A_1237 = tpu.vector_load %arg12[%swap3A_1234, %swap3A_1235, %swap3A_1236] {strides = array<i32>} : memref<2x8x512xf32, #tpu.memory_space<vmem>>, vector<16xf32>,
        tpu.vector_store %arg12[%swap3A_1234, %swap3A_1235, %swap3A_1236], %gather3A_1232 {strides = array<i32>} : memref<2x8x512xf32, #tpu.memory_space<vmem>>, vector<16xf32>,
        %add3A_1238 = arith.constant 496 : i32
        %add3A_1239 = arith.addi %mul3A_868, %add3A_1238 : i32
        %get3A_1240 = arith.constant 1 : i32
        %get3A_1241 = arith.index_cast %get3A_1240 : i32 to index
        %get3A_1242 = arith.index_cast %add3A_1239 : i32 to index
        %get3A_1243 = tpu.vector_load %arg11[%get3A_1241, %get3A_1242] {strides = array<i32>} : memref<2x4096xi32, #tpu.memory_space<vmem>>, vector<16xi32>,
        %gather3A_1244 = tpu.vector_load_idx %arg10[%get3A_1243] : memref<99000xf32, #tpu.memory_space<vmem>>[vector<16xi32>], vector<16xf32>,
        %swap3A_1245 = arith.constant 1 : i32
        %swap3A_1246 = arith.index_cast %swap3A_1245 : i32 to index
        %swap3A_1247 = arith.index_cast %scan3A_866 : i32 to index
        %swap3A_1248 = arith.constant 496 : index
        %swap3A_1249 = tpu.vector_load %arg12[%swap3A_1246, %swap3A_1247, %swap3A_1248] {strides = array<i32>} : memref<2x8x512xf32, #tpu.memory_space<vmem>>, vector<16xf32>,
        tpu.vector_store %arg12[%swap3A_1246, %swap3A_1247, %swap3A_1248], %gather3A_1244 {strides = array<i32>} : memref<2x8x512xf32, #tpu.memory_space<vmem>>, vector<16xf32>,
      }
      %scan3A_842 = arith.constant 8 : i32
      %add3A_843 = arith.constant 1 : i32
      %add3A_844 = arith.addi %mul3A_748, %add3A_843 : i32
      %mul3A_845 = arith.constant 1024 : i32
      %mul3A_846 = arith.muli %add3A_653, %mul3A_845 : i32
      %mul3A_847 = arith.constant 8 : i32
      %mul3A_848 = arith.muli %add3A_844, %mul3A_847 : i32
      %add3A_849 = arith.addi %mul3A_846, %mul3A_848 : i32
      %dma_start3A_850 = arith.constant 1 : i32
      %dma_start3A_851 = arith.constant 1 : i32
      %dma_start3A_852 = arith.constant 0 : i32
      %dma_start3A_853 = arith.constant 0 : i32
      %dma_start3A_854 = tpu.memref_slice %arg12[%dma_start3A_850, %dma_start3A_852, %dma_start3A_853] : memref<2x8x512xf32, #tpu.memory_space<vmem>> -> memref<1x8x512xf32, #tpu.memory_space<vmem>>
      %dma_start3A_855 = tpu.memref_squeeze %dma_start3A_854 : memref<1x8x512xf32, #tpu.memory_space<vmem>> -> memref<8x512xf32, #tpu.memory_space<vmem>>
      %dma_start3A_856 = arith.constant 0 : i32
      %dma_start3A_857 = tpu.memref_slice %arg9[%add3A_849, %dma_start3A_856] : memref<92160x512xf32, #tpu.memory_space<hbm>> -> memref<8x512xf32, #tpu.memory_space<hbm>>
      %dma_start3A_858 = tpu.memref_slice %arg19[%dma_start3A_851] : memref<2x!tpu.dma_semaphore, #tpu.memory_space<semaphore_mem>> -> memref<1x!tpu.dma_semaphore, #tpu.memory_space<semaphore_mem>>
      %dma_start3A_859 = tpu.memref_squeeze %dma_start3A_858 : memref<1x!tpu.dma_semaphore, #tpu.memory_space<semaphore_mem>> -> memref<!tpu.dma_semaphore, #tpu.memory_space<semaphore_mem>>
      %dma_start3A_860 = arith.constant 0 : i32
      %dma_start3A_861 = tpu.memref_slice %arg9[%add3A_849, %dma_start3A_860] : memref<92160x512xf32, #tpu.memory_space<hbm>> -> memref<8x512xf32, #tpu.memory_space<hbm>>
      %dma_start3A_862 = arith.constant 0 : i32
      %dma_start3A_863 = arith.constant 0 : i32
      %dma_start3A_864 = tpu.memref_slice %arg12[%dma_start3A_850, %dma_start3A_862, %dma_start3A_863] : memref<2x8x512xf32, #tpu.memory_space<vmem>> -> memref<1x8x512xf32, #tpu.memory_space<vmem>>
      %dma_start3A_865 = tpu.memref_squeeze %dma_start3A_864 : memref<1x8x512xf32, #tpu.memory_space<vmem>> -> memref<8x512xf32, #tpu.memory_space<vmem>>
      tpu.enqueue_dma source(%dma_start3A_865 : memref<8x512xf32, #tpu.memory_space<vmem>>) target(%dma_start3A_861 : memref<8x512xf32, #tpu.memory_space<hbm>>) target_semaphore(%dma_start3A_859 : memref<!tpu.dma_semaphore, #tpu.memory_space<semaphore_mem>>)
    }
    %scan3A_673 = arith.constant 64 : i32
    %dma_wait3A_674 = arith.constant 0 : i32
    %dma_wait3A_675 = arith.constant 0 : i32
    %dma_wait3A_676 = arith.constant 0 : i32
    %dma_wait3A_677 = arith.constant 0 : i32
    %dma_wait3A_678 = tpu.memref_slice %arg12[%dma_wait3A_674, %dma_wait3A_676, %dma_wait3A_677] : memref<2x8x512xf32, #tpu.memory_space<vmem>> -> memref<1x8x512xf32, #tpu.memory_space<vmem>>
    %dma_wait3A_679 = tpu.memref_squeeze %dma_wait3A_678 : memref<1x8x512xf32, #tpu.memory_space<vmem>> -> memref<8x512xf32, #tpu.memory_space<vmem>>
    %dma_wait3A_680 = arith.constant 0 : i32
    %dma_wait3A_681 = arith.constant 0 : i32
    %dma_wait3A_682 = tpu.memref_slice %arg9[%dma_wait3A_680, %dma_wait3A_681] : memref<92160x512xf32, #tpu.memory_space<hbm>> -> memref<8x512xf32, #tpu.memory_space<hbm>>
    %dma_wait3A_683 = tpu.memref_slice %arg19[%dma_wait3A_675] : memref<2x!tpu.dma_semaphore, #tpu.memory_space<semaphore_mem>> -> memref<1x!tpu.dma_semaphore, #tpu.memory_space<semaphore_mem>>
    %dma_wait3A_684 = tpu.memref_squeeze %dma_wait3A_683 : memref<1x!tpu.dma_semaphore, #tpu.memory_space<semaphore_mem>> -> memref<!tpu.dma_semaphore, #tpu.memory_space<semaphore_mem>>
    %dma_wait3A_685 = arith.constant 0 : i32
    %dma_wait3A_686 = arith.constant 0 : i32
    %dma_wait3A_687 = tpu.memref_slice %arg9[%dma_wait3A_685, %dma_wait3A_686] : memref<92160x512xf32, #tpu.memory_space<hbm>> -> memref<8x512xf32, #tpu.memory_space<hbm>>
    %dma_wait3A_688 = arith.constant 0 : i32
    %dma_wait3A_689 = arith.constant 0 : i32
    %dma_wait3A_690 = tpu.memref_slice %arg12[%dma_wait3A_674, %dma_wait3A_688, %dma_wait3A_689] : memref<2x8x512xf32, #tpu.memory_space<vmem>> -> memref<1x8x512xf32, #tpu.memory_space<vmem>>
    %dma_wait3A_691 = tpu.memref_squeeze %dma_wait3A_690 : memref<1x8x512xf32, #tpu.memory_space<vmem>> -> memref<8x512xf32, #tpu.memory_space<vmem>>
    tpu.wait_dma2 semaphore(%dma_wait3A_684 : memref<!tpu.dma_semaphore, #tpu.memory_space<semaphore_mem>>) src(%dma_wait3A_691 : memref<8x512xf32, #tpu.memory_space<vmem>>) dst(%dma_wait3A_687 : memref<8x512xf32, #tpu.memory_space<hbm>>)
    %dma_wait3A_692 = arith.constant 1 : i32
    %dma_wait3A_693 = arith.constant 1 : i32
    %dma_wait3A_694 = arith.constant 0 : i32
    %dma_wait3A_695 = arith.constant 0 : i32
    %dma_wait3A_696 = tpu.memref_slice %arg12[%dma_wait3A_692, %dma_wait3A_694, %dma_wait3A_695] : memref<2x8x512xf32, #tpu.memory_space<vmem>> -> memref<1x8x512xf32, #tpu.memory_space<vmem>>
    %dma_wait3A_697 = tpu.memref_squeeze %dma_wait3A_696 : memref<1x8x512xf32, #tpu.memory_space<vmem>> -> memref<8x512xf32, #tpu.memory_space<vmem>>
    %dma_wait3A_698 = arith.constant 0 : i32
    %dma_wait3A_699 = arith.constant 0 : i32
    %dma_wait3A_700 = tpu.memref_slice %arg9[%dma_wait3A_698, %dma_wait3A_699] : memref<92160x512xf32, #tpu.memory_space<hbm>> -> memref<8x512xf32, #tpu.memory_space<hbm>>
    %dma_wait3A_701 = tpu.memref_slice %arg19[%dma_wait3A_693] : memref<2x!tpu.dma_semaphore, #tpu.memory_space<semaphore_mem>> -> memref<1x!tpu.dma_semaphore, #tpu.memory_space<semaphore_mem>>
    %dma_wait3A_702 = tpu.memref_squeeze %dma_wait3A_701 : memref<1x!tpu.dma_semaphore, #tpu.memory_space<semaphore_mem>> -> memref<!tpu.dma_semaphore, #tpu.memory_space<semaphore_mem>>
    %dma_wait3A_703 = arith.constant 0 : i32
    %dma_wait3A_704 = arith.constant 0 : i32
    %dma_wait3A_705 = tpu.memref_slice %arg9[%dma_wait3A_703, %dma_wait3A_704] : memref<92160x512xf32, #tpu.memory_space<hbm>> -> memref<8x512xf32, #tpu.memory_space<hbm>>
    %dma_wait3A_706 = arith.constant 0 : i32
    %dma_wait3A_707 = arith.constant 0 : i32
    %dma_wait3A_708 = tpu.memref_slice %arg12[%dma_wait3A_692, %dma_wait3A_706, %dma_wait3A_707] : memref<2x8x512xf32, #tpu.memory_space<vmem>> -> memref<1x8x512xf32, #tpu.memory_space<vmem>>
    %dma_wait3A_709 = tpu.memref_squeeze %dma_wait3A_708 : memref<1x8x512xf32, #tpu.memory_space<vmem>> -> memref<8x512xf32, #tpu.memory_space<vmem>>
    tpu.wait_dma2 semaphore(%dma_wait3A_702 : memref<!tpu.dma_semaphore, #tpu.memory_space<semaphore_mem>>) src(%dma_wait3A_709 : memref<8x512xf32, #tpu.memory_space<vmem>>) dst(%dma_wait3A_705 : memref<8x512xf32, #tpu.memory_space<hbm>>)
    %dma_wait3A_710 = arith.constant 0 : i32
    %dma_wait3A_711 = arith.constant 0 : i32
    %dma_wait3A_712 = arith.constant 0 : i32
    %dma_wait3A_713 = arith.constant 0 : i32
    %dma_wait3A_714 = tpu.memref_slice %arg13[%dma_wait3A_710, %dma_wait3A_712, %dma_wait3A_713] : memref<2x4x512xf32, #tpu.memory_space<vmem>> -> memref<1x4x512xf32, #tpu.memory_space<vmem>>
    %dma_wait3A_715 = tpu.memref_squeeze %dma_wait3A_714 : memref<1x4x512xf32, #tpu.memory_space<vmem>> -> memref<4x512xf32, #tpu.memory_space<vmem>>
    %dma_wait3A_716 = arith.constant 0 : i32
    %dma_wait3A_717 = arith.constant 0 : i32
    %dma_wait3A_718 = tpu.memref_slice %arg9[%dma_wait3A_716, %dma_wait3A_717] : memref<92160x512xf32, #tpu.memory_space<hbm>> -> memref<4x512xf32, #tpu.memory_space<hbm>>
    %dma_wait3A_719 = tpu.memref_slice %arg22[%dma_wait3A_711] : memref<2x!tpu.dma_semaphore, #tpu.memory_space<semaphore_mem>> -> memref<1x!tpu.dma_semaphore, #tpu.memory_space<semaphore_mem>>
    %dma_wait3A_720 = tpu.memref_squeeze %dma_wait3A_719 : memref<1x!tpu.dma_semaphore, #tpu.memory_space<semaphore_mem>> -> memref<!tpu.dma_semaphore, #tpu.memory_space<semaphore_mem>>
    %dma_wait3A_721 = arith.constant 0 : i32
    %dma_wait3A_722 = arith.constant 0 : i32
    %dma_wait3A_723 = tpu.memref_slice %arg9[%dma_wait3A_721, %dma_wait3A_722] : memref<92160x512xf32, #tpu.memory_space<hbm>> -> memref<4x512xf32, #tpu.memory_space<hbm>>
    %dma_wait3A_724 = arith.constant 0 : i32
    %dma_wait3A_725 = arith.constant 0 : i32
    %dma_wait3A_726 = tpu.memref_slice %arg13[%dma_wait3A_710, %dma_wait3A_724, %dma_wait3A_725] : memref<2x4x512xf32, #tpu.memory_space<vmem>> -> memref<1x4x512xf32, #tpu.memory_space<vmem>>
    %dma_wait3A_727 = tpu.memref_squeeze %dma_wait3A_726 : memref<1x4x512xf32, #tpu.memory_space<vmem>> -> memref<4x512xf32, #tpu.memory_space<vmem>>
    tpu.wait_dma2 semaphore(%dma_wait3A_720 : memref<!tpu.dma_semaphore, #tpu.memory_space<semaphore_mem>>) src(%dma_wait3A_727 : memref<4x512xf32, #tpu.memory_space<vmem>>) dst(%dma_wait3A_723 : memref<4x512xf32, #tpu.memory_space<hbm>>)
    %dma_wait3A_728 = arith.constant 1 : i32
    %dma_wait3A_729 = arith.constant 1 : i32
    %dma_wait3A_730 = arith.constant 0 : i32
    %dma_wait3A_731 = arith.constant 0 : i32
    %dma_wait3A_732 = tpu.memref_slice %arg13[%dma_wait3A_728, %dma_wait3A_730, %dma_wait3A_731] : memref<2x4x512xf32, #tpu.memory_space<vmem>> -> memref<1x4x512xf32, #tpu.memory_space<vmem>>
    %dma_wait3A_733 = tpu.memref_squeeze %dma_wait3A_732 : memref<1x4x512xf32, #tpu.memory_space<vmem>> -> memref<4x512xf32, #tpu.memory_space<vmem>>
    %dma_wait3A_734 = arith.constant 0 : i32
    %dma_wait3A_735 = arith.constant 0 : i32
    %dma_wait3A_736 = tpu.memref_slice %arg9[%dma_wait3A_734, %dma_wait3A_735] : memref<92160x512xf32, #tpu.memory_space<hbm>> -> memref<4x512xf32, #tpu.memory_space<hbm>>
    %dma_wait3A_737 = tpu.memref_slice %arg22[%dma_wait3A_729] : memref<2x!tpu.dma_semaphore, #tpu.memory_space<semaphore_mem>> -> memref<1x!tpu.dma_semaphore, #tpu.memory_space<semaphore_mem>>
    %dma_wait3A_738 = tpu.memref_squeeze %dma_wait3A_737 : memref<1x!tpu.dma_semaphore, #tpu.memory_space<semaphore_mem>> -> memref<!tpu.dma_semaphore, #tpu.memory_space<semaphore_mem>>
    %dma_wait3A_739 = arith.constant 0 : i32
    %dma_wait3A_740 = arith.constant 0 : i32
    %dma_wait3A_741 = tpu.memref_slice %arg9[%dma_wait3A_739, %dma_wait3A_740] : memref<92160x512xf32, #tpu.memory_space<hbm>> -> memref<4x512xf32, #tpu.memory_space<hbm>>
    %dma_wait3A_742 = arith.constant 0 : i32
    %dma_wait3A_743 = arith.constant 0 : i32
    %dma_wait3A_744 = tpu.memref_slice %arg13[%dma_wait3A_728, %dma_wait3A_742, %dma_wait3A_743] : memref<2x4x512xf32, #tpu.memory_space<vmem>> -> memref<1x4x512xf32, #tpu.memory_space<vmem>>
    %dma_wait3A_745 = tpu.memref_squeeze %dma_wait3A_744 : memref<1x4x512xf32, #tpu.memory_space<vmem>> -> memref<4x512xf32, #tpu.memory_space<vmem>>
    tpu.wait_dma2 semaphore(%dma_wait3A_738 : memref<!tpu.dma_semaphore, #tpu.memory_space<semaphore_mem>>) src(%dma_wait3A_745 : memref<4x512xf32, #tpu.memory_space<vmem>>) dst(%dma_wait3A_741 : memref<4x512xf32, #tpu.memory_space<hbm>>)
    return
  }
}

</mosaic_0001>

<sc_bundles>
// kernel: _pv_query.3.cloned.1.call-start
scs
__scs_entry_jumppad:
0x0: {  	(pc) =	sbr.rel $0x88, $3  }
0x1: {  	(tag) =	ssettag $0x0;
	lr =	simm.s32 $0x1  }
0x2: {  	[smem:$0x3F9A] =	sst lr;
	_ =	strace $0xD0000000  }
0x3: {  	_ = 	snop  }
0x4: {  	_ = 	snop  }
0x5: {  	_ = 	snop  }
0x6: {  	_ = 	snop  }
0x7: {  	_ = 	snop  }
__scs_overlays_trampoline_lowered:
0x8: {  	[smem:$0x3FA9] =	sst s0  }
0x9: {  	[smem:$0x3FAA] =	sst s1  }
0xa: {  	[smem:$0x3FAB] =	sst s2  }
0xb: {  	[smem:$0x3FAC] =	sst s3  }
0xc: {  	[smem:$0x3FAD] =	sst s4  }
0xd: {  	[smem:$0x3FAE] =	sst s5  }
0xe: {  	[smem:$0x3FAF] =	sst s6  }
0xf: {  	[smem:$0x3FB0] =	sst s7  }
0x10: {  	[smem:$0x3FB1] =	sst s8  }
0x11: {  	[smem:$0x3FB2] =	sst s9;
	s0 =	simm.s32 @!p0 $0x0  }
0x12: {  	s1 =	sld [smem:$0x3F98];
	s0 =	simm.s32 @p0 $0x1  }
0x13: {  	[smem:$0x3FB3] =	sst s0;
	s0 =	simm.s32 @!p1 $0x0  }
0x14: {  	s2 =	sld [smem:$0x3F97];
	s0 =	simm.s32 @p1 $0x1  }
0x15: {  	[smem:$0x3FB4] =	sst s0;
	s0 =	simm.s32 @!p2 $0x0  }
0x16: {  	s3 =	sld [smem:$0x3FDB];
	s0 =	simm.s32 @p2 $0x1  }
0x17: {  	s4 =	simm.s32 $0x1BF5;
	[smem:$0x3FB6] =	sst s0  }
0x18: {  	s0 =	sld [smem:$0x3F99];
	_ =	swait.ge [sflag:s4], $0x0  }
0x19: {  	s7 =	sld [smem:$0x3F9A]  }
0x1a: {  	s8 =	sadd.s32 $0xFFFFE003, lr  }
0x1b: {  	s9 =	sadd.s32 $0xFFFFFEF7, lr;
	s5 =	simm.s32 $0xFFFFFFFF;
	p2 =	slt.u32 s8, $0xFFFFF086  }
0x1c: {  	p1 =	slt.u32 s9, $0xF7A;
	s5 =	simm.s32 @!p2 $0x0  }
0x1d: {  	s5 =	simm.s32 @p1 $0x1;
	p0 =	seq.s32 s7, s2  }
0x1e: {  	s7 =	smul.u32 @!p0 $0xF7A, s2;
	p2 =	seq.s32 @!p0 s5, $0x0  }
0x1f: {  	s9 =	smul.u32 $0xF7A, s1;
	s8 =	simm.s32 @!p0 $0x1BF5;
	p2 =	por !p2, p0  }
0x20: {  	[sflag:s8] =	ssyncset.s32 @!p0 $0xFFFFF086;
	s6 =	sadd.s32 @!p0 s3, s7;
	s7 =	simm.s32 @!p0 $0x108  }
0x21: {  	s3 =	sadd.s32 s3, s9;
	s6 =	sadd.s32 @!p0 $0x88, s6;
	s7 =	simm.s32 @p2 $0x1082  }
0x22: {  	[simem:s7], [sflag:s8] =	dma.local @!p0 [hbm:s6], $0xF7A  }
0x23: {  	s9 =	sor.u32 $0xD0000000, s2;
	s6 =	simm.s32 $0x108;
	_ =	swait.ge @!p0 [sflag:s8], $0x0  }
0x24: {  	s3 =	sadd.s32 $0x88, s3;
	s6 =	simm.s32 @!p1 $0x1082;
	[sflag:s4] =	ssyncset.s32 $0xFFFFF086  }
0x25: {  	[simem:s6], [sflag:s4] =	dma.local [hbm:s3], $0xF7A  }
0x26: {  	[smem:$0x3F9A] =	sst s1;
	(tag) =	ssettag s2;
	_ =	strace s9  }
0x27: {  	s1 =	sld [smem:$0x3FAA]  }
0x28: {  	s2 =	sld [smem:$0x3FAB]  }
0x29: {  	s4 =	sld [smem:$0x3FAD]  }
0x2a: {  	p0 =	seq.s32 s5, $0x0;
	s5 =	sld [smem:$0x3FAE]  }
0x2b: {  	s6 =	sld [smem:$0x3FAF]  }
0x2c: {  	s7 =	sld [smem:$0x3FB0]  }
0x2d: {  	s3 =	simm.s32 $0x108;
	s8 =	sld [smem:$0x3FB1]  }
0x2e: {  	s3 =	simm.s32 @!p0 $0x1082;
	s9 =	sld [smem:$0x3FB2]  }
0x2f: {  	lr =	sadd.s32 s0, s3;
	s0 =	sld [smem:$0x3FA9]  }
0x30: {  	s3 =	sld [smem:$0x3FAC]  }
0x31: {  	[smem:$0x3FB5] =	sst s10  }
0x32: {  	s10 =	sld [smem:$0x3FB3];
	_ =	sdelay $0x3  }
0x33: {  	p0 =	seq.s32 s10, $0x1;
	s10 =	sld [smem:$0x3FB5];
	_ =	sdelay $0x3  }
0x34: {  	[smem:$0x3FB5] =	sst s10  }
0x35: {  	s10 =	sld [smem:$0x3FB4];
	_ =	sdelay $0x3  }
0x36: {  	p1 =	seq.s32 s10, $0x1;
	s10 =	sld [smem:$0x3FB5];
	_ =	sdelay $0x3  }
0x37: {  	[smem:$0x3FB5] =	sst s10  }
0x38: {  	s10 =	sld [smem:$0x3FB6]  }
0x39: {  	_ = 	snop;
	(pc) =	sbr.ind lr, $3  }
0x3a: {  	_ = 	snop  }
0x3b: {  	_ = 	snop  }
0x3c: {  	p2 =	seq.s32 s10, $0x1;
	s10 =	sld [smem:$0x3FB5]  }
0x3d: {  	_ =	shalt  }
0x3e: {  	_ =	shalt  }
0x3f: {  	_ =	shalt  }
0x40: {  	_ =	shalt  }
0x41: {  	_ =	shalt  }
0x42: {  	_ =	shalt  }
0x43: {  	_ =	shalt  }
0x44: {  	_ =	shalt  }
0x45: {  	_ =	shalt  }
0x46: {  	_ =	shalt  }
0x47: {  	_ =	shalt  }
0x48: {  	_ =	shalt  }
0x49: {  	_ =	shalt  }
0x4a: {  	_ =	shalt  }
0x4b: {  	_ =	shalt  }
0x4c: {  	_ =	shalt  }
0x4d: {  	_ =	shalt  }
0x4e: {  	_ =	shalt  }
0x4f: {  	_ =	shalt  }
0x50: {  	_ =	shalt  }
0x51: {  	_ =	shalt  }
0x52: {  	_ =	shalt  }
0x53: {  	_ =	shalt  }
0x54: {  	_ =	shalt  }
0x55: {  	_ =	shalt  }
0x56: {  	_ =	shalt  }
0x57: {  	_ =	shalt  }
0x58: {  	_ =	shalt  }
0x59: {  	_ =	shalt  }
0x5a: {  	_ =	shalt  }
0x5b: {  	_ =	shalt  }
0x5c: {  	_ =	shalt  }
0x5d: {  	_ =	shalt  }
0x5e: {  	_ =	shalt  }
0x5f: {  	_ =	shalt  }
0x60: {  	_ =	shalt  }
0x61: {  	_ =	shalt  }
0x62: {  	_ =	shalt  }
0x63: {  	_ =	shalt  }
0x64: {  	_ =	shalt  }
0x65: {  	_ =	shalt  }
0x66: {  	_ =	shalt  }
0x67: {  	_ =	shalt  }
0x68: {  	_ =	shalt  }
0x69: {  	_ =	shalt  }
0x6a: {  	_ =	shalt  }
0x6b: {  	_ =	shalt  }
0x6c: {  	_ =	shalt  }
0x6d: {  	_ =	shalt  }
0x6e: {  	_ =	shalt  }
0x6f: {  	_ =	shalt  }
0x70: {  	_ =	shalt  }
0x71: {  	_ =	shalt  }
0x72: {  	_ =	shalt  }
0x73: {  	_ =	shalt  }
0x74: {  	_ =	shalt  }
0x75: {  	_ =	shalt  }
0x76: {  	_ =	shalt  }
0x77: {  	_ =	shalt  }
0x78: {  	_ =	shalt  }
0x79: {  	_ =	shalt  }
0x7a: {  	_ =	shalt  }
0x7b: {  	_ =	shalt  }
0x7c: {  	_ =	shalt  }
0x7d: {  	_ =	shalt  }
0x7e: {  	_ =	shalt  }
0x7f: {  	_ =	shalt  }
0x80: {  	_ =	shalt  }
0x81: {  	_ =	shalt  }
0x82: {  	_ =	shalt  }
0x83: {  	_ =	shalt  }
0x84: {  	_ =	shalt  }
0x85: {  	_ =	shalt  }
0x86: {  	_ =	shalt  }
0x87: {  	_ =	shalt  }
.Lfunc_end0:
.L_simem_size_0:
called_computation_lowered:
.L_overlay_start_0:
0x88: {  	s2 =	sld [smem:$0x3FD9]  }
0x89: {  	s3 =	sld [smem:$0x3FFE];
	_ =	sdelay $0x1  }
0x8a: {  	s1 =	srdreg.scid  }
0x8b: {  	s0 =	sand.u32 $0x1, s1  }
0x8c: {  	s17 =	sshll.u32 s0, $0xA;
	s2 =	sadd.s32 s3, s2  }
0x8d: {  	s2 =	sadd.s32 s2, s17  }
0x8e: {  	[smem:$0x3FC1] =	sst s2  }
0x8f: {  	_ = 	snop  }
0x90: {  	s2 =	sld [smem:$0x3FC7]  }
0x91: {  	s18 =	sld [smem:$0x3FC5]  }
0x92: {  	s4 =	sld [smem:$0x3FC4]  }
0x93: {  	s5 =	sld [smem:$0x3FD0];
	(tm) =	ssettm $0x1  }
0x94: {  	s6 =	sld [smem:$0x3FFB];
	_ =	sdelay $0x3  }
0x95: {  	_ =	strace s6  }
0x96: {  	s6 =	sld [smem:$0x3FFC];
	_ =	sdelay $0x3  }
0x97: {  	_ =	strace s6  }
0x98: {  	s6 =	sld [smem:$0x3FFD];
	_ =	sdelay $0x3  }
0x99: {  	_ =	strace s6  }
0x9a: {  	_ =	strace $0x8FFFFFFF  }
0x9b: {  	s19 =	sld [smem:$0x3FDB];
	_ =	sdelay $0x1  }
0x9c: {  	s7 =	simm.s32 $_scs_section_size  }
0x9d: {  	s8 =	simm.s32 $_size__tile_overlayer_lowered;
	s9 =	simm.s32 $_tile_overlayer_lowered  }
0x9e: {  	s22 =	simm.s32 $0x1BFF;
	s21 =	sshll.u32 s9, $0x1;
	s6 =	sadd.s32 s7, s19  }
0x9f: {  	s10 =	simm.s32 $0x0;
	s20 =	sshll.u32 s8, $0x1;
	s8 =	sadd.s32 s21, s6  }
0xa0: {  	[timem:s10], [sflag:s22] =	dma.local [hbm:s8], s20  }
0xa1: {  	_ =	swait.ge [sflag:s22], s20  }
0xa2: {  	s7 =	ssub.s32 $0x0, s20;
	[sflag:s22] =	ssyncset.done $0x0  }
0xa3: {  	[sflag:s22] =	ssyncadd.s32 s7;
	_ =	sdelay $0x1  }
0xa4: {  	s23 =	simm.s32 $0x1B8B  }
0xa5: {  	_ =	swait.ge [sflag:s23], $0x1  }
0xa6: {  	[sflag:s23] =	ssyncset.done $0x0  }
0xa7: {  	s25 =	simm.s32 $0x1B8E;
	s24 =	sld [smem:$0x3FFE];
	[sflag:s23] =	ssyncadd.s32 $0xFFFFFFFF  }
0xa8: {  	s26 =	simm.s32 $execute0_lowered;
	[smem:$0x3FD2] =	sst s25  }
0xa9: {  	s8 =	sshll.u32 s26, $0x1;
	_ =	strace $0x80000046;
	[dreg:$0x1] =	wrdreg $0xFFFFFFFF  }
0xaa: {  	s28 =	simm.s32 $_size_execute0_lowered;
	s6 =	sadd.s32 s6, s8;
	[dreg:$0x0] =	wrdreg $0x0  }
0xab: {  	s8 =	sshll.u32 s28, $0x1;
	[dreg:$0x2] =	wrdreg s6  }
0xac: {  	[dreg:$0x3] =	wrdreg s8  }
0xad: {  	[dreg:$0x4] =	wrdreg $0xC0  }
0xae: {  	_ =	task [dreg:s10], $0x5FFFF  }
0xaf: {  	[dreg:$0x1] =	wrdreg $0xFFFFFFFF  }
0xb0: {  	[dreg:$0x0] =	wrdreg $0x60  }
0xb1: {  	[dreg:$0x2] =	wrdreg s24  }
0xb2: {  	[dreg:$0x3] =	wrdreg s2  }
0xb3: {  	[dreg:$0x4] =	wrdreg s18  }
0xb4: {  	[dreg:$0x5] =	wrdreg s4  }
0xb5: {  	[dreg:$0x6] =	wrdreg s5  }
0xb6: {  	[dreg:$0x7] =	wrdreg $0x9  }
0xb7: {  	_ =	task.clear_ibuf [dreg:s10], $0x8FFFF;
	_ =	strace $0x90000046  }
0xb8: {  	s29 =	simm.s32 $0x9;
	_ =	strace $0x80000048  }
0xb9: {  	_ =	swait.ge [sflag:s29], $0x1  }
0xba: {  	[sflag:s29] =	ssyncadd.s32 $0xFFFFFFFF  }
0xbb: {  	_ =	strace $0x90000048  }
0xbc: {  	_ =	sfence  }
0xbd: {  	s30 =	sld [smem:$0x0];
	_ =	sdelay $0x2  }
0xbe: {  	s31 =	sshll.u32 s1, $0xD;
	s1 =	sshrl.u32 s1, $0x2  }
0xbf: {  	s3 =	sand.u32 $0x4000, s31;
	s1 =	sadd.s32 s1, s30  }
0xc0: {  	s0 =	sor.u32 s3, s0;
	s1 =	sshll.u32 s1, $0x11  }
0xc1: {  	s0 =	sor.u32 s1, s0  }
0xc2: {  	s0 =	sadd.s32 $0x8F2B, s0  }
0xc3: {  	[sflag:s0] =	ssyncadd.remote.s32 $0x1  }
0xc4: {  	_ =	sfence.sel $0xFFFF  }
0xc5: {  	[dreg:$0x0] =	wrdreg $0xFFFFFFFF;
	(pc) =	sbr.abs _section_cstart, $3  }
0xc6: {  	[dreg:$0x1] =	wrdreg $0xFFFFFFFF  }
0xc7: {  	_ =	task.clear_ibuf [dreg:s10], $0x2FFFF;
	_ =	strace $0x9FFFFFFF  }
0xc8: {  	(tm) =	ssettm $0x7FFFFFFF  }
0xc9: {  	_ =	shalt  }
tec
execute0_lowered:
.L_overlay_start_1:
0x0: {  	(tag) =	ssettag $0x1  }
0x1: {  	s0 =	rddreg [dreg:$0x0]  }
0x2: {  	s24 =	rddreg [dreg:$0x1]  }
0x3: {  	s11 =	rddreg [dreg:$0x2]  }
0x4: {  	s12 =	rddreg [dreg:$0x3]  }
0x5: {  	s5 =	rddreg [dreg:$0x4]  }
0x6: {  	s1 =	srdreg.scid;
	s25 =	stileid.u32  }
0x7: {  	s3 =	simm.s32 $0x0;
	s28 =	simm.s32 $0x8;
	s29 =	simm.s32 $0x1E2B8  }
0x8: {  	s31 =	simm.s32 $0x5;
	s30 =	simm.s32 $0x1F2B8;
	s7 =	sand.u32 $0x1, s1  }
0x9: {  	s21 =	sshll.u32 s25, $0x1;
	[smem:$0x7FF] =	sst s3;
	s6 =	sadd.s32 $0x2400, s0  }
0xa: {  	v0 =	vlaneseq.u32;
	s2 =	sadd.s32 $0x82400, s0;
	s4 =	sadd.s32 $0x102400, s0;
	s13 =	sor.u32 s7, s21  }
0xb: {  	v1 =	vand.u32 $0x7, v0;
	v34 =	vor.u32 $0x20, v0;
	_ =	strace $0x80000047;
	s8 =	ssub.s32 $0x2, s7;
	s7 =	sshll.u32 s7, $0xE  }
0xc: {  	v35 =	vor.u32 $0x30, v0;
	v36 =	vor.u32 $0x40, v0;
	v37 =	vor.u32 $0x50, v0;
	s1 =	sshll.u32 s13, $0x2;
	s22 =	sshrl.u32 s8, $0x1;
	s10 =	sshll.u32 s13, $0x8  }
0xd: {  	v38 =	vor.u32 $0x60, v0;
	v39 =	vor.u32 $0x70, v0;
	v40 =	vor.u32 $0x80, v0;
	s15 =	sshll.u32 s13, $0xB;
	s14 =	sadd.s32 s1, s0;
	s0 =	ssub.s32 s8, s22  }
0xe: {  	v41 =	vor.u32 $0x90, v0;
	v42 =	vor.u32 $0xA0, v0;
	v31 =	vmul.u32 $0x400, v1;
	s23 =	sor.u32 $0x10, s10;
	s26 =	sor.u32 $0x20, s10;
	s9 =	sor.u32 $0x30, s10  }
0xf: {  	v43 =	vor.u32 $0xB0, v0;
	v44 =	vor.u32 $0xC0, v0;
	v2 =	vor.u32 s10, v0;
	s16 =	sor.u32 $0x40, s10;
	s17 =	sor.u32 $0x50, s10;
	s18 =	sor.u32 $0x60, s10  }
0x10: {  	v45 =	vor.u32 $0xD0, v0;
	v32 =	vor.u32 $0x2000, v31;
	s19 =	sor.u32 $0x70, s10;
	s20 =	sor.u32 $0x80, s10;
	s21 =	sor.u32 $0x90, s10;
	v2 =	vshrl.u32 v2, $0x3  }
0x11: {  	s22 =	sor.u32 $0xA0, s10;
	s8 =	sor.u32 $0xD0, s10;
	s11 =	sadd.s32 s11, s1;
	v3 =	vor.u32 s23, v0;
	v5 =	vor.u32 s26, v0;
	v7 =	vor.u32 s9, v0  }
0x12: {  	s1 =	sadd.s32 s12, s1;
	v9 =	vor.u32 s16, v0;
	s16 =	sor.u32 $0xB0, s10;
	s23 =	sor.u32 $0xC0, s10;
	v11 =	vor.u32 s17, v0;
	v13 =	vor.u32 s18, v0  }
0x13: {  	v14 =	vor.u32 s19, v0;
	s9 =	sor.u32 $0xE0, s10;
	s17 =	sshll.u32 s13, $0xE;
	v17 =	vor.u32 s20, v0;
	v19 =	vor.u32 s21, v0;
	[dreg:$0x8] =	wrdreg s11  }
0x14: {  	s18 =	smul.u32 $0x30D40, s13;
	s10 =	sor.u32 $0xF0, s10;
	[dreg:$0x9] =	wrdreg s1;
	v21 =	vor.u32 s22, v0;
	v27 =	vor.u32 s8, v0;
	v1 =	vadd.s32 v31, v2  }
0x15: {  	s12 =	sadd.s32 $0x2000, s14;
	s13 =	sshll.u32 s13, $0x11;
	s14 =	sor.u32 $0x100000, s15;
	v4 =	vshrl.u32 v3, $0x3;
	v2 =	vadd.s32 v32, v2;
	v6 =	vshrl.u32 v5, $0x3  }
0x16: {  	s0 =	smax.u32 s0, $0x1;
	s8 =	simm.s32 $0x192B8;
	v8 =	vshrl.u32 v7, $0x3;
	v10 =	vshrl.u32 v9, $0x3;
	[dreg:$0xa] =	wrdreg s12;
	v12 =	vshrl.u32 v11, $0x3  }
0x17: {  	s20 =	sadd.s32 s6, s17;
	s21 =	sadd.s32 s2, s17;
	[dreg:$0xb] =	wrdreg s14;
	v15 =	vshrl.u32 v13, $0x3;
	v16 =	vshrl.u32 v14, $0x3;
	v23 =	vor.u32 s16, v0  }
0x18: {  	s19 =	sor.u32 $0x200, s17;
	v18 =	vshrl.u32 v17, $0x3;
	v25 =	vor.u32 s23, v0;
	v20 =	vshrl.u32 v19, $0x3;
	[dreg:$0x10] =	wrdreg s0;
	s0 =	simm.s32 $0x6  }
0x19: {  	v22 =	vshrl.u32 v21, $0x3;
	v29 =	vor.u32 s9, v0;
	v33 =	vor.u32 s10, v0;
	s10 =	simm.s32 $0xB;
	s9 =	simm.s32 $0x1;
	[dreg:$0x6] =	wrdreg s20  }
0x1a: {  	v28 =	vshrl.u32 v27, $0x3;
	s12 =	simm.s32 $0x2;
	s14 =	simm.s32 $0x1B2B8;
	v3 =	vadd.s32 v31, v4;
	v4 =	vadd.s32 v32, v4;
	[dreg:$0x7] =	wrdreg s21  }
0x1b: {  	v5 =	vadd.s32 v31, v6;
	v6 =	vadd.s32 v32, v6;
	s26 =	sadd.s32 $0x168, s18;
	v7 =	vadd.s32 v31, v8;
	s15 =	sadd.s32 $0x18808, s18;
	s18 =	sshll.u32 s25, $0xF  }
0x1c: {  	v8 =	vadd.s32 v32, v8;
	v9 =	vadd.s32 v31, v10;
	v10 =	vadd.s32 v32, v10;
	s21 =	sadd.s32 s6, s19;
	s25 =	sadd.s32 s2, s19;
	s1 =	sshrl.u32 s26, $0x3  }
0x1d: {  	v11 =	vadd.s32 v31, v12;
	v12 =	vadd.s32 v32, v12;
	v13 =	vadd.s32 v31, v15;
	s11 =	sshrl.u32 s15, $0x3;
	s20 =	sor.u32 s7, s18;
	[dreg:$0xe] =	wrdreg s21  }
0x1e: {  	v14 =	vadd.s32 v32, v15;
	v15 =	vadd.s32 v31, v16;
	v16 =	vadd.s32 v32, v16;
	[dreg:$0xf] =	wrdreg s25;
	s25 =	simm.s32 $0x1D2B8;
	s1 =	sadd.s32 s5, s1  }
0x1f: {  	v17 =	vadd.s32 v31, v18;
	v18 =	vadd.s32 v32, v18;
	v19 =	vadd.s32 v31, v20;
	s5 =	sadd.s32 s5, s11;
	s22 =	sor.u32 $0x600, s20;
	s20 =	simm.s32 $0x1F4F8  }
0x20: {  	v20 =	vadd.s32 v32, v20;
	v21 =	vadd.s32 v31, v22;
	v22 =	vadd.s32 v32, v22;
	s11 =	simm.s32 $0x1A2B8;
	[dreg:$0xc] =	wrdreg s1;
	s1 =	sadd.s32 s4, s13  }
0x21: {  	v24 =	vshrl.u32 v23, $0x3;
	v26 =	vshrl.u32 v25, $0x3;
	v27 =	vadd.s32 v31, v28;
	[dreg:$0xd] =	wrdreg s5;
	s15 =	sadd.s32 s22, s6;
	s6 =	sadd.s32 s18, s6  }
0x22: {  	v28 =	vadd.s32 v32, v28;
	v30 =	vshrl.u32 v29, $0x3;
	v33 =	vshrl.u32 v33, $0x3;
	s16 =	sadd.s32 s22, s2;
	s2 =	sadd.s32 s18, s2;
	s18 =	sadd.s32 $0x400, s24  }
0x23: {  	v23 =	vadd.s32 v31, v24;
	v24 =	vadd.s32 v32, v24;
	v25 =	vadd.s32 v31, v26;
	s13 =	simm.s32 $0x4;
	s5 =	simm.s32 $0x0;
	s17 =	sadd.s32 $0x1A0000, s1  }
0x24: {  	v26 =	vadd.s32 v32, v26;
	v29 =	vadd.s32 v31, v30;
	v30 =	vadd.s32 v32, v30;
	s26 =	sadd.s32 s7, s6;
	s2 =	sadd.s32 s7, s2;
	s19 =	sadd.s32 $0x1B0000, s1  }
0x25: {  	v31 =	vadd.s32 v31, v33;
	v32 =	vadd.s32 v32, v33;
	v33 =	vor.u32 $0x10, v0;
	s21 =	sadd.s32 $0x400, s26;
	s22 =	sadd.s32 $0x400, s2;
	s26 =	simm.s32 $0x7  }
.LBB2_1:
0x26: {  	_ =	sdelay $0x2  }
0x27: {  	s2 =	simm.s32 $0x1F3F8  }
0x28: {  	[tilespmem:v0+s2+$0x0] =	vst.idx.msk $0xffff, v1  }
0x29: {  	[tilespmem:v0+s20+$0x0] =	vst.idx.msk $0xffff, v2  }
0x2a: {  	[tilespmem:v33+s2+$0x0] =	vst.idx.msk $0xffff, v3  }
0x2b: {  	[tilespmem:v33+s20+$0x0] =	vst.idx.msk $0xffff, v4  }
0x2c: {  	[tilespmem:v34+s2+$0x0] =	vst.idx.msk $0xffff, v5  }
0x2d: {  	[tilespmem:v34+s20+$0x0] =	vst.idx.msk $0xffff, v6  }
0x2e: {  	[tilespmem:v35+s2+$0x0] =	vst.idx.msk $0xffff, v7  }
0x2f: {  	[tilespmem:v35+s20+$0x0] =	vst.idx.msk $0xffff, v8  }
0x30: {  	[tilespmem:v36+s2+$0x0] =	vst.idx.msk $0xffff, v9  }
0x31: {  	[tilespmem:v36+s20+$0x0] =	vst.idx.msk $0xffff, v10  }
0x32: {  	[tilespmem:v37+s2+$0x0] =	vst.idx.msk $0xffff, v11  }
0x33: {  	[tilespmem:v37+s20+$0x0] =	vst.idx.msk $0xffff, v12  }
0x34: {  	[tilespmem:v38+s2+$0x0] =	vst.idx.msk $0xffff, v13  }
0x35: {  	[tilespmem:v38+s20+$0x0] =	vst.idx.msk $0xffff, v14  }
0x36: {  	[tilespmem:v39+s2+$0x0] =	vst.idx.msk $0xffff, v15  }
0x37: {  	[tilespmem:v39+s20+$0x0] =	vst.idx.msk $0xffff, v16  }
0x38: {  	[tilespmem:v40+s2+$0x0] =	vst.idx.msk $0xffff, v17  }
0x39: {  	[tilespmem:v40+s20+$0x0] =	vst.idx.msk $0xffff, v18  }
0x3a: {  	[tilespmem:v41+s2+$0x0] =	vst.idx.msk $0xffff, v19  }
0x3b: {  	[tilespmem:v41+s20+$0x0] =	vst.idx.msk $0xffff, v20  }
0x3c: {  	[tilespmem:v42+s2+$0x0] =	vst.idx.msk $0xffff, v21  }
0x3d: {  	[tilespmem:v42+s20+$0x0] =	vst.idx.msk $0xffff, v22  }
0x3e: {  	[tilespmem:v43+s2+$0x0] =	vst.idx.msk $0xffff, v23  }
0x3f: {  	v46 =	vor.u32 $0xE0, v0;
	[tilespmem:v43+s20+$0x0] =	vst.idx.msk $0xffff, v24  }
0x40: {  	[tilespmem:v44+s2+$0x0] =	vst.idx.msk $0xffff, v25  }
0x41: {  	v47 =	vor.u32 $0xF0, v0;
	[tilespmem:v44+s20+$0x0] =	vst.idx.msk $0xffff, v26  }
0x42: {  	[tilespmem:v45+s2+$0x0] =	vst.idx.msk $0xffff, v27  }
0x43: {  	[tilespmem:v45+s20+$0x0] =	vst.idx.msk $0xffff, v28  }
0x44: {  	[tilespmem:v46+s2+$0x0] =	vst.idx.msk $0xffff, v29  }
0x45: {  	[tilespmem:v46+s20+$0x0] =	vst.idx.msk $0xffff, v30  }
0x46: {  	[dreg:$0x11] =	wrdreg s5;
	[tilespmem:v47+s2+$0x0] =	vst.idx.msk $0xffff, v31  }
0x47: {  	s1 =	rddreg [dreg:$0x6];
	[tilespmem:v47+s20+$0x0] =	vst.idx.msk $0xffff, v32  }
0x48: {  	[tilespmem:s25], [sflag:$0x7] =	stream.linear.gather [hbm4b:s1+s3], $0x1000, $0x38;
	[tilespmem:$0x1F5F8] =	vst v63  }
0x49: {  	_ =	swait.ge [sflag:s26], $0x1000  }
0x4a: {  	[sflag:s26] =	ssyncset.done $0x0  }
0x4b: {  	[sflag:s26] =	ssyncadd.s32 $0xFFFFF000  }
0x4c: {  	[hbm4b:s4+s28] =	stream.indirect.scatter [tilespmem:s25], [sflag:$0x5], $0x200, s2, s28, $0xb8;
	[tilespmem:$0x1F5F8] =	vst v63  }
0x4d: {  	s5 =	rddreg [dreg:$0xe]  }
0x4e: {  	[tilespmem:s29], [sflag:$0x8] =	stream.linear.gather [hbm4b:s5+s3], $0x1000, $0x38;
	[tilespmem:$0x1F5F8] =	vst v63  }
0x4f: {  	_ =	swait.ge [sflag:s28], $0x1000  }
0x50: {  	[sflag:s28] =	ssyncset.done $0x0  }
0x51: {  	s6 =	simm.s32 $0x1F400;
	[sflag:s28] =	ssyncadd.s32 $0xFFFFF000  }
0x52: {  	[hbm4b:s4+s28] =	stream.indirect.scatter [tilespmem:s29], [sflag:$0x6], $0x200, s6, s28, $0xb8;
	[tilespmem:$0x1F5F8] =	vst v63  }
0x53: {  	_ =	swait.ge [sflag:s31], $0x1000  }
0x54: {  	[sflag:s31] =	ssyncset.done $0x0  }
0x55: {  	s7 =	sadd.s32 $0x0, s21;
	[sflag:s31] =	ssyncadd.s32 $0xFFFFF000  }
0x56: {  	[tilespmem:s25], [sflag:$0x7] =	stream.linear.gather [hbm4b:s7+s3], $0x1000, $0x38;
	[tilespmem:$0x1F5F8] =	vst v63  }
0x57: {  	_ =	swait.ge [sflag:s26], $0x1000  }
0x58: {  	[sflag:s26] =	ssyncset.done $0x0  }
0x59: {  	s23 =	simm.s32 $0x1F408;
	[sflag:s26] =	ssyncadd.s32 $0xFFFFF000  }
0x5a: {  	[hbm4b:s4+s28] =	stream.indirect.scatter [tilespmem:s25], [sflag:$0x5], $0x200, s23, s28, $0xb8;
	[tilespmem:$0x1F5F8] =	vst v63  }
0x5b: {  	_ =	swait.ge [sflag:s0], $0x1000  }
0x5c: {  	[sflag:s0] =	ssyncset.done $0x0  }
0x5d: {  	s24 =	sadd.s32 $0x0, s15;
	[sflag:s0] =	ssyncadd.s32 $0xFFFFF000  }
0x5e: {  	[tilespmem:s29], [sflag:$0x8] =	stream.linear.gather [hbm4b:s24+s3], $0x1000, $0x38;
	[tilespmem:$0x1F5F8] =	vst v63  }
0x5f: {  	_ =	swait.ge [sflag:s28], $0x1000  }
0x60: {  	s2 =	simm.s32 $0x1F410;
	[sflag:s28] =	ssyncset.done $0x0  }
0x61: {  	s5 =	simm.s32 $0x400;
	s6 =	simm.s32 $0x1F420;
	[sflag:s28] =	ssyncadd.s32 $0xFFFFF000  }
.LBB2_2:
0x62: {  	[hbm4b:s4+s28] =	stream.indirect.scatter [tilespmem:s29], [sflag:$0x6], $0x200, s2, s28, $0xb8;
	[tilespmem:$0x1F5F8] =	vst v63  }
0x63: {  	s1 =	smov.u32 s5;
	s2 =	smov.u32 s6  }
0x64: {  	p0 =	sne.s32 s5, $0x3800;
	s5 =	sadd.s32 $0x400, s5;
	_ =	swait.ge [sflag:s31], $0x1000  }
0x65: {  	[sflag:s31] =	ssyncset.done $0x0  }
0x66: {  	s7 =	sadd.s32 s1, s21;
	[sflag:s31] =	ssyncadd.s32 $0xFFFFF000  }
0x67: {  	[tilespmem:s25], [sflag:$0x7] =	stream.linear.gather [hbm4b:s7+s3], $0x1000, $0x38;
	[tilespmem:$0x1F5F8] =	vst v63  }
0x68: {  	_ =	swait.ge [sflag:s26], $0x1000  }
0x69: {  	[sflag:s26] =	ssyncset.done $0x0  }
0x6a: {  	s7 =	sadd.s32 $0xFFFFFFF8, s6;
	[sflag:s26] =	ssyncadd.s32 $0xFFFFF000  }
0x6b: {  	[hbm4b:s4+s28] =	stream.indirect.scatter [tilespmem:s25], [sflag:$0x5], $0x200, s7, s28, $0xb8;
	[tilespmem:$0x1F5F8] =	vst v63  }
0x6c: {  	_ =	swait.ge [sflag:s0], $0x1000  }
0x6d: {  	[sflag:s0] =	ssyncset.done $0x0  }
.Ltmp0:
0x6e: {  	s1 =	sadd.s32 s1, s15;
	[sflag:s0] =	ssyncadd.s32 $0xFFFFF000;
	(pc) =	sbr.rel @p0 .LBB2_2-.Ltmp0, $4  }
0x6f: {  	[tilespmem:s29], [sflag:$0x8] =	stream.linear.gather [hbm4b:s1+s3], $0x1000, $0x38;
	[tilespmem:$0x1F5F8] =	vst v63  }
0x70: {  	_ =	swait.ge [sflag:s28], $0x1000  }
0x71: {  	[sflag:s28] =	ssyncset.done $0x0  }
0x72: {  	s6 =	sadd.s32 $0x10, s6;
	[sflag:s28] =	ssyncadd.s32 $0xFFFFF000  }
0x73: {  	[hbm4b:s4+s28] =	stream.indirect.scatter [tilespmem:s29], [sflag:$0x6], $0x200, s2, s28, $0xb8;
	[tilespmem:$0x1F5F8] =	vst v63  }
0x74: {  	_ =	swait.ge [sflag:s31], $0x1000  }
0x75: {  	[sflag:s31] =	ssyncset.done $0x0  }
0x76: {  	[sflag:s31] =	ssyncadd.s32 $0xFFFFF000  }
0x77: {  	_ =	swait.ge [sflag:s0], $0x1000  }
0x78: {  	[sflag:s0] =	ssyncset.done $0x0  }
0x79: {  	s1 =	simm.s32 $0x0;
	s5 =	rddreg [dreg:$0x7];
	[sflag:s0] =	ssyncadd.s32 $0xFFFFF000  }
0x7a: {  	[tilespmem:s25], [sflag:$0x7] =	stream.linear.gather [hbm4b:s5+s1], $0x1000, $0x38;
	[tilespmem:$0x1F5F8] =	vst v63  }
0x7b: {  	_ =	swait.ge [sflag:s26], $0x1000  }
0x7c: {  	[sflag:s26] =	ssyncset.done $0x0  }
0x7d: {  	[sflag:s26] =	ssyncadd.s32 $0xFFFFF000  }
0x7e: {  	[hbm4b:s4+s28] =	stream.indirect.scatter [tilespmem:s25], [sflag:$0x5], $0x200, s20, s28, $0xb8;
	[tilespmem:$0x1F5F8] =	vst v63  }
0x7f: {  	s6 =	rddreg [dreg:$0xf]  }
0x80: {  	[tilespmem:s29], [sflag:$0x8] =	stream.linear.gather [hbm4b:s6+s1], $0x1000, $0x38;
	[tilespmem:$0x1F5F8] =	vst v63  }
0x81: {  	_ =	swait.ge [sflag:s28], $0x1000  }
0x82: {  	[sflag:s28] =	ssyncset.done $0x0  }
0x83: {  	s7 =	simm.s32 $0x1F500;
	[sflag:s28] =	ssyncadd.s32 $0xFFFFF000  }
0x84: {  	[hbm4b:s4+s28] =	stream.indirect.scatter [tilespmem:s29], [sflag:$0x6], $0x200, s7, s28, $0xb8;
	[tilespmem:$0x1F5F8] =	vst v63  }
0x85: {  	_ =	swait.ge [sflag:s31], $0x1000  }
0x86: {  	[sflag:s31] =	ssyncset.done $0x0  }
0x87: {  	s20 =	sadd.s32 $0x0, s22;
	[sflag:s31] =	ssyncadd.s32 $0xFFFFF000  }
0x88: {  	[tilespmem:s25], [sflag:$0x7] =	stream.linear.gather [hbm4b:s20+s3], $0x1000, $0x38;
	[tilespmem:$0x1F5F8] =	vst v63  }
0x89: {  	_ =	swait.ge [sflag:s26], $0x1000  }
0x8a: {  	[sflag:s26] =	ssyncset.done $0x0  }
0x8b: {  	s23 =	simm.s32 $0x1F508;
	[sflag:s26] =	ssyncadd.s32 $0xFFFFF000  }
0x8c: {  	[hbm4b:s4+s28] =	stream.indirect.scatter [tilespmem:s25], [sflag:$0x5], $0x200, s23, s28, $0xb8;
	[tilespmem:$0x1F5F8] =	vst v63  }
0x8d: {  	_ =	swait.ge [sflag:s0], $0x1000  }
0x8e: {  	[sflag:s0] =	ssyncset.done $0x0  }
0x8f: {  	s24 =	sadd.s32 $0x0, s16;
	[sflag:s0] =	ssyncadd.s32 $0xFFFFF000  }
0x90: {  	[tilespmem:s29], [sflag:$0x8] =	stream.linear.gather [hbm4b:s24+s3], $0x1000, $0x38;
	[tilespmem:$0x1F5F8] =	vst v63  }
0x91: {  	_ =	swait.ge [sflag:s28], $0x1000  }
0x92: {  	s2 =	simm.s32 $0x1F510;
	[sflag:s28] =	ssyncset.done $0x0  }
0x93: {  	s5 =	simm.s32 $0x400;
	s6 =	simm.s32 $0x1F520;
	[sflag:s28] =	ssyncadd.s32 $0xFFFFF000  }
.LBB2_4:
0x94: {  	[hbm4b:s4+s28] =	stream.indirect.scatter [tilespmem:s29], [sflag:$0x6], $0x200, s2, s28, $0xb8;
	[tilespmem:$0x1F5F8] =	vst v63  }
0x95: {  	s1 =	smov.u32 s5;
	s2 =	smov.u32 s6  }
0x96: {  	p0 =	sne.s32 s5, $0x3800;
	s5 =	sadd.s32 $0x400, s5;
	_ =	swait.ge [sflag:s31], $0x1000  }
0x97: {  	[sflag:s31] =	ssyncset.done $0x0  }
0x98: {  	s7 =	sadd.s32 s1, s22;
	[sflag:s31] =	ssyncadd.s32 $0xFFFFF000  }
0x99: {  	[tilespmem:s25], [sflag:$0x7] =	stream.linear.gather [hbm4b:s7+s3], $0x1000, $0x38;
	[tilespmem:$0x1F5F8] =	vst v63  }
0x9a: {  	_ =	swait.ge [sflag:s26], $0x1000  }
0x9b: {  	[sflag:s26] =	ssyncset.done $0x0  }
0x9c: {  	s7 =	sadd.s32 $0xFFFFFFF8, s6;
	[sflag:s26] =	ssyncadd.s32 $0xFFFFF000  }
0x9d: {  	[hbm4b:s4+s28] =	stream.indirect.scatter [tilespmem:s25], [sflag:$0x5], $0x200, s7, s28, $0xb8;
	[tilespmem:$0x1F5F8] =	vst v63  }
0x9e: {  	_ =	swait.ge [sflag:s0], $0x1000  }
0x9f: {  	[sflag:s0] =	ssyncset.done $0x0  }
.Ltmp1:
0xa0: {  	s1 =	sadd.s32 s1, s16;
	[sflag:s0] =	ssyncadd.s32 $0xFFFFF000;
	(pc) =	sbr.rel @p0 .LBB2_4-.Ltmp1, $4  }
0xa1: {  	[tilespmem:s29], [sflag:$0x8] =	stream.linear.gather [hbm4b:s1+s3], $0x1000, $0x38;
	[tilespmem:$0x1F5F8] =	vst v63  }
0xa2: {  	_ =	swait.ge [sflag:s28], $0x1000  }
0xa3: {  	[sflag:s28] =	ssyncset.done $0x0  }
0xa4: {  	s6 =	sadd.s32 $0x10, s6;
	[sflag:s28] =	ssyncadd.s32 $0xFFFFF000  }
0xa5: {  	[hbm4b:s4+s28] =	stream.indirect.scatter [tilespmem:s29], [sflag:$0x6], $0x200, s2, s28, $0xb8;
	[tilespmem:$0x1F5F8] =	vst v63  }
0xa6: {  	_ =	swait.ge [sflag:s31], $0x1000  }
0xa7: {  	[sflag:s31] =	ssyncset.done $0x0  }
0xa8: {  	[sflag:s31] =	ssyncadd.s32 $0xFFFFF000  }
0xa9: {  	_ =	swait.ge [sflag:s0], $0x1000  }
0xaa: {  	s6 =	simm.s32 $0x20;
	[sflag:s0] =	ssyncset.done $0x0  }
0xab: {  	s5 =	simm.s32 $0x400;
	s1 =	rddreg [dreg:$0xa];
	[sflag:s0] =	ssyncadd.s32 $0xFFFFF000  }
0xac: {  	[tilespmem:s30], [sflag:$0xB] =	stream.strided.gather [hbm4b:s1+s6], $0x100, s5, s6, $0x38;
	[tilespmem:$0x1F5F8] =	vst v63  }
0xad: {  	_ =	swait.ge [sflag:s10], $0x100  }
0xae: {  	s2 =	simm.s32 $0x0;
	[sflag:s10] =	ssyncset.done $0x0  }
0xaf: {  	s20 =	simm.s32 $0x1F3B8;
	s7 =	rddreg [dreg:$0x8];
	[sflag:s10] =	ssyncadd.s32 $0xFFFFFF00  }
0xb0: {  	[tilespmem:s20], [sflag:$0xB] =	stream.linear.gather [hbm4b:s7+s2], $0x20, $0x38;
	[tilespmem:$0x1F5F8] =	vst v63  }
0xb1: {  	_ =	swait.ge [sflag:s10], $0x20  }
0xb2: {  	[sflag:s10] =	ssyncset.done $0x0  }
0xb3: {  	s24 =	simm.s32 $0x1F3D8;
	s23 =	rddreg [dreg:$0x9];
	[sflag:s10] =	ssyncadd.s32 $0xFFFFFFE0  }
0xb4: {  	[tilespmem:s24], [sflag:$0xB] =	stream.linear.gather [hbm4b:s23+s2], $0x20, $0x38;
	[tilespmem:$0x1F5F8] =	vst v63  }
0xb5: {  	_ =	swait.ge [sflag:s10], $0x20  }
0xb6: {  	[sflag:s10] =	ssyncset.done $0x0  }
0xb7: {  	s20 =	simm.s32 $0x0;
	[sflag:s10] =	ssyncadd.s32 $0xFFFFFFE0  }
.LBB2_6:
0xb8: {  	s1 =	sshll.u32 s2, $0x3  }
0xb9: {  	s7 =	sand.u32 $0x18, s1  }
0xba: {  	s23 =	sshrl.u32 s20, $0x2;
	s1 =	sadd.s32 $0x0, s7  }
0xbb: {  	s5 =	sshll.u32 s23, $0x5;
	v47 =	vmov s1  }
0xbc: {  	v46 =	vmov s5;
	v47 =	vand.u32 $0x1B, v47  }
0xbd: {  	v47 =	vor.u32 v46, v47  }
0xbe: {  	v47 =	vbroadcast v47, $0x0  }
0xbf: {  	p0 =	seq.s32 s20, $0x0  }
0xc0: {  	s1 =	simm.s32 @!p0 $0x9  }
0xc1: {  	_ =	swait.ge @!p0 [sflag:s1], $0x800  }
0xc2: {  	[sflag:s1] =	ssyncset.done @!p0 $0x0  }
0xc3: {  	[sflag:s1] =	ssyncadd.s32 @!p0 $0xFFFFF800  }
0xc4: {  	v47 =	vld.idx.msk [tilespmem:v47+s30+$0x0], $0xffff;
	_ =	sdelay $0x3  }
0xc5: {  	s6 =	simm.s32 $0x1C3B8  }
0xc6: {  	[tilespmem:s6+$0xFFFFFF00] =	vst v47  }
0xc7: {  	[tilespmem:s6+$0xFFFFFF10] =	vst v47  }
0xc8: {  	[tilespmem:s6+$0xFFFFFF20] =	vst v47  }
0xc9: {  	[tilespmem:s6+$0xFFFFFF30] =	vst v47  }
0xca: {  	[tilespmem:s6+$0xFFFFFF40] =	vst v47  }
0xcb: {  	[tilespmem:s6+$0xFFFFFF50] =	vst v47  }
0xcc: {  	[tilespmem:s6+$0xFFFFFF60] =	vst v47  }
0xcd: {  	[tilespmem:s6+$0xFFFFFF70] =	vst v47  }
0xce: {  	[tilespmem:s6+$0xFFFFFF80] =	vst v47  }
0xcf: {  	[tilespmem:s6+$0xFFFFFF90] =	vst v47  }
0xd0: {  	[tilespmem:s6+$0xFFFFFFA0] =	vst v47  }
0xd1: {  	[tilespmem:s6+$0xFFFFFFB0] =	vst v47  }
0xd2: {  	[tilespmem:s6+$0xFFFFFFC0] =	vst v47  }
0xd3: {  	[tilespmem:s6+$0xFFFFFFD0] =	vst v47  }
0xd4: {  	[tilespmem:s6+$0xFFFFFFE0] =	vst v47  }
0xd5: {  	[tilespmem:s6+$0xFFFFFFF0] =	vst v47  }
0xd6: {  	[tilespmem:s6+$0x0] =	vst v47  }
0xd7: {  	[tilespmem:s6+$0x10] =	vst v47  }
0xd8: {  	[tilespmem:s6+$0x20] =	vst v47  }
0xd9: {  	[tilespmem:s6+$0x30] =	vst v47  }
0xda: {  	[tilespmem:s6+$0x40] =	vst v47  }
0xdb: {  	s24 =	sshll.u32 s20, $0x1;
	s10 =	simm.s32 $0x2;
	[tilespmem:s6+$0x50] =	vst v47  }
0xdc: {  	s24 =	sand.u32 $0x6, s24;
	s5 =	sor.u32 $0x4, s7;
	s1 =	sadd.s32 $0x1, s7;
	[tilespmem:s6+$0x60] =	vst v47  }
.LBB2_7:
0xdd: {  	p1 =	sne.s32 s10, $0x3;
	v48 =	vmov s1;
	[tilespmem:s6+$0x70] =	vst v47  }
0xde: {  	v48 =	vand.u32 $0x1B, v48;
	[tilespmem:s6+$0x80] =	vst v47  }
0xdf: {  	v48 =	vor.u32 v46, v48;
	[tilespmem:s6+$0x90] =	vst v47  }
0xe0: {  	v48 =	vbroadcast v48, $0x0;
	[tilespmem:s6+$0xA0] =	vst v47  }
0xe1: {  	[tilespmem:s6+$0xB0] =	vst v47  }
0xe2: {  	[tilespmem:s6+$0xC0] =	vst v47  }
0xe3: {  	[tilespmem:s6+$0xD0] =	vst v47  }
0xe4: {  	[tilespmem:s6+$0xE0] =	vst v47  }
0xe5: {  	[tilespmem:s6+$0xF0] =	vst v47  }
0xe6: {  	v47 =	vld.idx.msk [tilespmem:v48+s30+$0x0], $0xffff;
	_ =	sdelay $0x4  }
0xe7: {  	s6 =	sadd.s32 $0x200, s6  }
0xe8: {  	[tilespmem:s6+$0xFFFFFF00] =	vst v47  }
0xe9: {  	[tilespmem:s6+$0xFFFFFF10] =	vst v47  }
0xea: {  	[tilespmem:s6+$0xFFFFFF20] =	vst v47  }
0xeb: {  	[tilespmem:s6+$0xFFFFFF30] =	vst v47  }
0xec: {  	[tilespmem:s6+$0xFFFFFF40] =	vst v47  }
0xed: {  	[tilespmem:s6+$0xFFFFFF50] =	vst v47  }
0xee: {  	[tilespmem:s6+$0xFFFFFF60] =	vst v47  }
0xef: {  	[tilespmem:s6+$0xFFFFFF70] =	vst v47  }
0xf0: {  	[tilespmem:s6+$0xFFFFFF80] =	vst v47  }
0xf1: {  	[tilespmem:s6+$0xFFFFFF90] =	vst v47  }
0xf2: {  	[tilespmem:s6+$0xFFFFFFA0] =	vst v47  }
0xf3: {  	[tilespmem:s6+$0xFFFFFFB0] =	vst v47  }
0xf4: {  	[tilespmem:s6+$0xFFFFFFC0] =	vst v47  }
0xf5: {  	[tilespmem:s6+$0xFFFFFFD0] =	vst v47  }
0xf6: {  	[tilespmem:s6+$0xFFFFFFE0] =	vst v47  }
0xf7: {  	[tilespmem:s6+$0xFFFFFFF0] =	vst v47  }
0xf8: {  	[tilespmem:s6+$0x0] =	vst v47  }
0xf9: {  	[tilespmem:s6+$0x10] =	vst v47  }
.Ltmp2:
0xfa: {  	[tilespmem:s6+$0x20] =	vst v47;
	(pc) =	sbr.rel @p1 .LBB2_7-.Ltmp2, $4  }
0xfb: {  	[tilespmem:s6+$0x30] =	vst v47  }
0xfc: {  	[tilespmem:s6+$0x40] =	vst v47  }
0xfd: {  	[tilespmem:s6+$0x50] =	vst v47  }
0xfe: {  	s1 =	sadd.s32 s10, s7;
	s10 =	sadd.s32 $0x1, s10;
	[tilespmem:s6+$0x60] =	vst v47  }
0xff: {  	v48 =	vmov s1;
	[tilespmem:s6+$0x70] =	vst v47  }
0x100: {  	[tilespmem:s6+$0x80] =	vst v47;
	v48 =	vand.u32 $0x1B, v48  }
0x101: {  	[tilespmem:s6+$0x90] =	vst v47;
	v48 =	vor.u32 v46, v48  }
0x102: {  	[tilespmem:s6+$0xA0] =	vst v47;
	v48 =	vbroadcast v48, $0x0  }
0x103: {  	[tilespmem:s6+$0xB0] =	vst v47  }
0x104: {  	[tilespmem:s6+$0xC0] =	vst v47  }
0x105: {  	[tilespmem:s6+$0xD0] =	vst v47  }
0x106: {  	[tilespmem:s6+$0xE0] =	vst v47  }
0x107: {  	[tilespmem:s6+$0xF0] =	vst v47  }
0x108: {  	v47 =	vld.idx.msk [tilespmem:v48+s30+$0x0], $0xffff;
	_ =	sdelay $0x3  }
0x109: {  	s1 =	sadd.s32 $0x200, s6  }
0x10a: {  	[tilespmem:s1+$0xFFFFFF00] =	vst v47  }
0x10b: {  	[tilespmem:s1+$0xFFFFFF10] =	vst v47  }
0x10c: {  	[tilespmem:s1+$0xFFFFFF20] =	vst v47  }
0x10d: {  	[tilespmem:s1+$0xFFFFFF30] =	vst v47  }
0x10e: {  	[tilespmem:s1+$0xFFFFFF40] =	vst v47  }
0x10f: {  	[tilespmem:s1+$0xFFFFFF50] =	vst v47  }
0x110: {  	[tilespmem:s1+$0xFFFFFF60] =	vst v47  }
0x111: {  	[tilespmem:s1+$0xFFFFFF70] =	vst v47  }
0x112: {  	[tilespmem:s1+$0xFFFFFF80] =	vst v47  }
0x113: {  	[tilespmem:s1+$0xFFFFFF90] =	vst v47  }
0x114: {  	[tilespmem:s1+$0xFFFFFFA0] =	vst v47  }
0x115: {  	[tilespmem:s1+$0xFFFFFFB0] =	vst v47  }
0x116: {  	[tilespmem:s1+$0xFFFFFFC0] =	vst v47  }
0x117: {  	[tilespmem:s1+$0xFFFFFFD0] =	vst v47  }
0x118: {  	[tilespmem:s1+$0xFFFFFFE0] =	vst v47  }
0x119: {  	[tilespmem:s1+$0xFFFFFFF0] =	vst v47  }
0x11a: {  	[tilespmem:s1+$0x0] =	vst v47  }
0x11b: {  	[tilespmem:s1+$0x10] =	vst v47  }
0x11c: {  	[tilespmem:s1+$0x20] =	vst v47  }
0x11d: {  	[tilespmem:s1+$0x30] =	vst v47  }
0x11e: {  	[tilespmem:s1+$0x40] =	vst v47  }
0x11f: {  	[tilespmem:s1+$0x50] =	vst v47  }
0x120: {  	[tilespmem:s1+$0x60] =	vst v47  }
0x121: {  	[tilespmem:s1+$0x70] =	vst v47  }
0x122: {  	[tilespmem:s1+$0x80] =	vst v47  }
0x123: {  	[tilespmem:s1+$0x90] =	vst v47  }
0x124: {  	s10 =	sadd.s32 $0x0, s5;
	[tilespmem:s1+$0xA0] =	vst v47  }
0x125: {  	v62 =	vmov s10;
	[tilespmem:s1+$0xB0] =	vst v47  }
0x126: {  	v48 =	vand.u32 $0x1F, v62;
	[tilespmem:s1+$0xC0] =	vst v47  }
0x127: {  	s6 =	sshll.u32 s24, $0x8;
	s7 =	sshll.u32 s23, $0x10;
	s10 =	rddreg [dreg:$0xb];
	v48 =	vor.u32 v46, v48;
	[tilespmem:s1+$0xD0] =	vst v47  }
0x128: {  	s6 =	sadd.s32 s4, s6;
	s23 =	sadd.s32 s10, s7;
	v63 =	vbroadcast v48, $0x0;
	[tilespmem:s1+$0xE0] =	vst v47  }
0x129: {  	s10 =	simm.s32 $0x1C2B8;
	s7 =	sadd.s32 s23, s6;
	[tilespmem:s1+$0xF0] =	vst v47;
	s1 =	simm.s32 @!p0 $0xA  }
0x12a: {  	[hbm4b:s7+s3] =	stream.linear.scatter [tilespmem:s10], [sflag:$0x9], $0x800, $0x38;
	[tilespmem:$0x1F5F8] =	vst v63  }
0x12b: {  	_ =	swait.ge @!p0 [sflag:s1], $0x800  }
0x12c: {  	[sflag:s1] =	ssyncset.done @!p0 $0x0  }
0x12d: {  	[sflag:s1] =	ssyncadd.s32 @!p0 $0xFFFFF800  }
0x12e: {  	v47 =	vld.idx.msk [tilespmem:v63+s30+$0x0], $0xffff;
	_ =	sdelay $0x3  }
0x12f: {  	s6 =	simm.s32 $0x1CCA8  }
0x130: {  	[tilespmem:s6+$0xFFFFFE10] =	vst v47  }
0x131: {  	[tilespmem:s6+$0xFFFFFE20] =	vst v47  }
0x132: {  	[tilespmem:s6+$0xFFFFFE30] =	vst v47  }
0x133: {  	[tilespmem:s6+$0xFFFFFE40] =	vst v47  }
0x134: {  	[tilespmem:s6+$0xFFFFFE50] =	vst v47  }
0x135: {  	[tilespmem:s6+$0xFFFFFE60] =	vst v47  }
0x136: {  	[tilespmem:s6+$0xFFFFFE70] =	vst v47  }
0x137: {  	[tilespmem:s6+$0xFFFFFE80] =	vst v47  }
0x138: {  	[tilespmem:s6+$0xFFFFFE90] =	vst v47  }
0x139: {  	[tilespmem:s6+$0xFFFFFEA0] =	vst v47  }
0x13a: {  	[tilespmem:s6+$0xFFFFFEB0] =	vst v47  }
0x13b: {  	[tilespmem:s6+$0xFFFFFEC0] =	vst v47  }
0x13c: {  	[tilespmem:s6+$0xFFFFFED0] =	vst v47  }
0x13d: {  	[tilespmem:s6+$0xFFFFFEE0] =	vst v47  }
0x13e: {  	[tilespmem:s6+$0xFFFFFEF0] =	vst v47  }
0x13f: {  	[tilespmem:s6+$0xFFFFFF00] =	vst v47  }
0x140: {  	[tilespmem:s6+$0xFFFFFF10] =	vst v47  }
0x141: {  	[tilespmem:s6+$0xFFFFFF20] =	vst v47  }
0x142: {  	[tilespmem:s6+$0xFFFFFF30] =	vst v47  }
0x143: {  	[tilespmem:s6+$0xFFFFFF40] =	vst v47  }
0x144: {  	[tilespmem:s6+$0xFFFFFF50] =	vst v47  }
0x145: {  	[tilespmem:s6+$0xFFFFFF60] =	vst v47  }
0x146: {  	s24 =	sor.u32 $0x1, s24;
	s7 =	simm.s32 $0x2;
	s1 =	sadd.s32 $0x1, s5;
	[tilespmem:s6+$0xFFFFFF70] =	vst v47  }
.LBB2_9:
0x147: {  	p0 =	sne.s32 s7, $0x3;
	v48 =	vmov s1;
	[tilespmem:s6+$0xFFFFFF80] =	vst v47  }
0x148: {  	v48 =	vand.u32 $0x1F, v48;
	[tilespmem:s6+$0xFFFFFF90] =	vst v47  }
0x149: {  	v48 =	vor.u32 v46, v48;
	[tilespmem:s6+$0xFFFFFFA0] =	vst v47  }
0x14a: {  	v48 =	vbroadcast v48, $0x0;
	[tilespmem:s6+$0xFFFFFFB0] =	vst v47  }
0x14b: {  	[tilespmem:s6+$0xFFFFFFC0] =	vst v47  }
0x14c: {  	[tilespmem:s6+$0xFFFFFFD0] =	vst v47  }
0x14d: {  	[tilespmem:s6+$0xFFFFFFE0] =	vst v47  }
0x14e: {  	[tilespmem:s6+$0xFFFFFFF0] =	vst v47  }
0x14f: {  	[tilespmem:s6+$0x0] =	vst v47  }
0x150: {  	v47 =	vld.idx.msk [tilespmem:v48+s30+$0x0], $0xffff;
	_ =	sdelay $0x4  }
0x151: {  	s6 =	sadd.s32 $0x200, s6  }
0x152: {  	[tilespmem:s6+$0xFFFFFE10] =	vst v47  }
0x153: {  	[tilespmem:s6+$0xFFFFFE20] =	vst v47  }
0x154: {  	[tilespmem:s6+$0xFFFFFE30] =	vst v47  }
0x155: {  	[tilespmem:s6+$0xFFFFFE40] =	vst v47  }
0x156: {  	[tilespmem:s6+$0xFFFFFE50] =	vst v47  }
0x157: {  	[tilespmem:s6+$0xFFFFFE60] =	vst v47  }
0x158: {  	[tilespmem:s6+$0xFFFFFE70] =	vst v47  }
0x159: {  	[tilespmem:s6+$0xFFFFFE80] =	vst v47  }
0x15a: {  	[tilespmem:s6+$0xFFFFFE90] =	vst v47  }
0x15b: {  	[tilespmem:s6+$0xFFFFFEA0] =	vst v47  }
0x15c: {  	[tilespmem:s6+$0xFFFFFEB0] =	vst v47  }
0x15d: {  	[tilespmem:s6+$0xFFFFFEC0] =	vst v47  }
0x15e: {  	[tilespmem:s6+$0xFFFFFED0] =	vst v47  }
0x15f: {  	[tilespmem:s6+$0xFFFFFEE0] =	vst v47  }
0x160: {  	[tilespmem:s6+$0xFFFFFEF0] =	vst v47  }
0x161: {  	[tilespmem:s6+$0xFFFFFF00] =	vst v47  }
0x162: {  	[tilespmem:s6+$0xFFFFFF10] =	vst v47  }
0x163: {  	[tilespmem:s6+$0xFFFFFF20] =	vst v47  }
.Ltmp3:
0x164: {  	[tilespmem:s6+$0xFFFFFF30] =	vst v47;
	(pc) =	sbr.rel @p0 .LBB2_9-.Ltmp3, $4  }
0x165: {  	[tilespmem:s6+$0xFFFFFF40] =	vst v47  }
0x166: {  	[tilespmem:s6+$0xFFFFFF50] =	vst v47  }
0x167: {  	[tilespmem:s6+$0xFFFFFF60] =	vst v47  }
0x168: {  	s1 =	sadd.s32 s7, s5;
	s7 =	sadd.s32 $0x1, s7;
	[tilespmem:s6+$0xFFFFFF70] =	vst v47  }
0x169: {  	v48 =	vmov s1;
	[tilespmem:s6+$0xFFFFFF80] =	vst v47  }
0x16a: {  	[tilespmem:s6+$0xFFFFFF90] =	vst v47;
	v48 =	vand.u32 $0x1F, v48  }
0x16b: {  	[tilespmem:s6+$0xFFFFFFA0] =	vst v47;
	v46 =	vor.u32 v46, v48  }
0x16c: {  	[tilespmem:s6+$0xFFFFFFB0] =	vst v47;
	v46 =	vbroadcast v46, $0x0  }
0x16d: {  	[tilespmem:s6+$0xFFFFFFC0] =	vst v47  }
0x16e: {  	[tilespmem:s6+$0xFFFFFFD0] =	vst v47  }
0x16f: {  	[tilespmem:s6+$0xFFFFFFE0] =	vst v47  }
0x170: {  	[tilespmem:s6+$0xFFFFFFF0] =	vst v47  }
0x171: {  	[tilespmem:s6+$0x0] =	vst v47  }
0x172: {  	v46 =	vld.idx.msk [tilespmem:v46+s30+$0x0], $0xffff;
	_ =	sdelay $0x3  }
0x173: {  	s7 =	sadd.s32 $0x200, s6  }
0x174: {  	[tilespmem:s7+$0xFFFFFE10] =	vst v46  }
0x175: {  	[tilespmem:s7+$0xFFFFFE20] =	vst v46  }
0x176: {  	[tilespmem:s7+$0xFFFFFE30] =	vst v46  }
0x177: {  	[tilespmem:s7+$0xFFFFFE40] =	vst v46  }
0x178: {  	[tilespmem:s7+$0xFFFFFE50] =	vst v46  }
0x179: {  	[tilespmem:s7+$0xFFFFFE60] =	vst v46  }
0x17a: {  	[tilespmem:s7+$0xFFFFFE70] =	vst v46  }
0x17b: {  	[tilespmem:s7+$0xFFFFFE80] =	vst v46  }
0x17c: {  	[tilespmem:s7+$0xFFFFFE90] =	vst v46  }
0x17d: {  	[tilespmem:s7+$0xFFFFFEA0] =	vst v46  }
0x17e: {  	[tilespmem:s7+$0xFFFFFEB0] =	vst v46  }
0x17f: {  	[tilespmem:s7+$0xFFFFFEC0] =	vst v46  }
0x180: {  	[tilespmem:s7+$0xFFFFFED0] =	vst v46  }
0x181: {  	[tilespmem:s7+$0xFFFFFEE0] =	vst v46  }
0x182: {  	[tilespmem:s7+$0xFFFFFEF0] =	vst v46  }
0x183: {  	[tilespmem:s7+$0xFFFFFF00] =	vst v46  }
0x184: {  	[tilespmem:s7+$0xFFFFFF10] =	vst v46  }
0x185: {  	[tilespmem:s7+$0xFFFFFF20] =	vst v46  }
0x186: {  	[tilespmem:s7+$0xFFFFFF30] =	vst v46  }
0x187: {  	[tilespmem:s7+$0xFFFFFF40] =	vst v46  }
0x188: {  	[tilespmem:s7+$0xFFFFFF50] =	vst v46  }
0x189: {  	[tilespmem:s7+$0xFFFFFF60] =	vst v46  }
0x18a: {  	[tilespmem:s7+$0xFFFFFF70] =	vst v46  }
0x18b: {  	[tilespmem:s7+$0xFFFFFF80] =	vst v46  }
0x18c: {  	[tilespmem:s7+$0xFFFFFF90] =	vst v46  }
0x18d: {  	[tilespmem:s7+$0xFFFFFFA0] =	vst v46  }
0x18e: {  	s20 =	sadd.s32 $0x1, s20;
	[tilespmem:s7+$0xFFFFFFB0] =	vst v46  }
0x18f: {  	p0 =	sne.s32 s20, $0x28;
	[tilespmem:s7+$0xFFFFFFC0] =	vst v46  }
.Ltmp4:
0x190: {  	[tilespmem:s7+$0xFFFFFFD0] =	vst v46;
	(pc) =	sbr.rel @p0 .LBB2_6-.Ltmp4, $4  }
0x191: {  	[tilespmem:s7+$0xFFFFFFE0] =	vst v46  }
0x192: {  	s5 =	sshll.u32 s24, $0x8;
	s10 =	sadd.s32 s4, s23;
	[tilespmem:s7+$0xFFFFFFF0] =	vst v46  }
0x193: {  	s24 =	simm.s32 $0x1CAB8;
	s2 =	sadd.s32 $0x1, s2;
	s23 =	sadd.s32 s5, s10;
	[tilespmem:s7+$0x0] =	vst v46  }
0x194: {  	[hbm4b:s23+s3] =	stream.linear.scatter [tilespmem:s24], [sflag:$0xA], $0x800, $0x38;
	[tilespmem:$0x1F5F8] =	vst v63  }
0x195: {  	s20 =	simm.s32 $0x0;
	s1 =	rddreg [dreg:$0xc];
	s10 =	simm.s32 $0xB  }
0x196: {  	[tilespmem:s20], [sflag:$0xB] =	stream.linear.gather [hbm4b:s1+s20], $0x182B8, $0x38;
	[tilespmem:$0x1F5F8] =	vst v63  }
0x197: {  	_ =	swait.ge [sflag:s10], $0x182B8  }
0x198: {  	[sflag:s10] =	ssyncset.done $0x0  }
0x199: {  	[sflag:s10] =	ssyncadd.s32 $0xFFFE7D48  }
0x19a: {  	s24 =	simm.s32 $0x182B8;
	s7 =	rddreg [dreg:$0x1]  }
0x19b: {  	[tilespmem:s24], [sflag:$0x1] =	stream.linear.gather [hbm4b:s7+s20], $0x1000, $0x38;
	[tilespmem:$0x1F5F8] =	vst v63  }
.LBB2_12:
0x19c: {  	s23 =	sshll.u32 s20, $0xA  }
0x19d: {  	s2 =	sor.u32 $0x200, s23  }
0x19e: {  	s1 =	sadd.s32 s7, s2  }
0x19f: {  	[tilespmem:s8], [sflag:$0x2] =	stream.linear.gather [hbm4b:s1+s3], $0x1000, $0x38;
	[tilespmem:$0x1F5F8] =	vst v63  }
0x1a0: {  	_ =	swait.ge [sflag:s9], $0x1000  }
0x1a1: {  	p0 =	seq.s32 s20, $0x0;
	[sflag:s9] =	ssyncset.done $0x0  }
0x1a2: {  	s1 =	simm.s32 @!p0 $0x3;
	[sflag:s9] =	ssyncadd.s32 $0xFFFFF000  }
0x1a3: {  	_ =	swait.ge @!p0 [sflag:s1], $0x1000  }
0x1a4: {  	[sflag:s1] =	ssyncset.done @!p0 $0x0  }
0x1a5: {  	s24 =	simm.s32 $0x0;
	[sflag:s1] =	ssyncadd.s32 @!p0 $0xFFFFF000  }
0x1a6: {  	v46 =	vld [tilespmem:s24+$0x182B8];
	_ =	sdelay $0x5  }
0x1a7: {  	v47 =	vld [tilespmem:s24+$0x182C8];
	_ =	sdelay $0x1  }
0x1a8: {  	v46 =	vld.idx.msk [tilespmem:v46+s3+$0x0], $0xffff;
	_ =	sdelay $0x3  }
0x1a9: {  	v52 =	vld [tilespmem:s24+$0x182D8]  }
0x1aa: {  	[tilespmem:s24+$0x1A2B8] =	vst v46  }
0x1ab: {  	v47 =	vld.idx.msk [tilespmem:v47+s3+$0x0], $0xffff;
	_ =	sdelay $0x3  }
0x1ac: {  	v53 =	vld [tilespmem:s24+$0x182E8]  }
0x1ad: {  	[tilespmem:s24+$0x1A2C8] =	vst v47  }
0x1ae: {  	v46 =	vld.idx.msk [tilespmem:v52+s3+$0x0], $0xffff;
	_ =	sdelay $0x3  }
0x1af: {  	v54 =	vld [tilespmem:s24+$0x182F8]  }
0x1b0: {  	[tilespmem:s24+$0x1A2D8] =	vst v46  }
0x1b1: {  	v47 =	vld.idx.msk [tilespmem:v53+s3+$0x0], $0xffff;
	_ =	sdelay $0x3  }
0x1b2: {  	v55 =	vld [tilespmem:s24+$0x18308]  }
0x1b3: {  	[tilespmem:s24+$0x1A2E8] =	vst v47  }
0x1b4: {  	v46 =	vld.idx.msk [tilespmem:v54+s3+$0x0], $0xffff;
	_ =	sdelay $0x3  }
0x1b5: {  	v56 =	vld [tilespmem:s24+$0x18318]  }
0x1b6: {  	[tilespmem:s24+$0x1A2F8] =	vst v46  }
0x1b7: {  	v47 =	vld.idx.msk [tilespmem:v55+s3+$0x0], $0xffff;
	_ =	sdelay $0x3  }
0x1b8: {  	v57 =	vld [tilespmem:s24+$0x18328]  }
0x1b9: {  	[tilespmem:s24+$0x1A308] =	vst v47  }
0x1ba: {  	v46 =	vld.idx.msk [tilespmem:v56+s3+$0x0], $0xffff;
	_ =	sdelay $0x3  }
0x1bb: {  	v58 =	vld [tilespmem:s24+$0x18338]  }
0x1bc: {  	[tilespmem:s24+$0x1A318] =	vst v46  }
0x1bd: {  	v47 =	vld.idx.msk [tilespmem:v57+s3+$0x0], $0xffff;
	_ =	sdelay $0x3  }
0x1be: {  	v59 =	vld [tilespmem:s24+$0x18348]  }
0x1bf: {  	[tilespmem:s24+$0x1A328] =	vst v47  }
0x1c0: {  	v46 =	vld.idx.msk [tilespmem:v58+s3+$0x0], $0xffff;
	_ =	sdelay $0x3  }
0x1c1: {  	v60 =	vld [tilespmem:s24+$0x18358]  }
0x1c2: {  	[tilespmem:s24+$0x1A338] =	vst v46  }
0x1c3: {  	v47 =	vld.idx.msk [tilespmem:v59+s3+$0x0], $0xffff;
	_ =	sdelay $0x3  }
0x1c4: {  	v61 =	vld [tilespmem:s24+$0x18368]  }
0x1c5: {  	[tilespmem:s24+$0x1A348] =	vst v47  }
0x1c6: {  	v46 =	vld.idx.msk [tilespmem:v60+s3+$0x0], $0xffff;
	_ =	sdelay $0x3  }
0x1c7: {  	v62 =	vld [tilespmem:s24+$0x18378]  }
0x1c8: {  	[tilespmem:s24+$0x1A358] =	vst v46  }
0x1c9: {  	v47 =	vld.idx.msk [tilespmem:v61+s3+$0x0], $0xffff;
	_ =	sdelay $0x3  }
0x1ca: {  	v63 =	vld [tilespmem:s24+$0x18388]  }
0x1cb: {  	[tilespmem:s24+$0x1A368] =	vst v47  }
0x1cc: {  	v46 =	vld.idx.msk [tilespmem:v62+s3+$0x0], $0xffff;
	_ =	sdelay $0x3  }
0x1cd: {  	v48 =	vld [tilespmem:s24+$0x18398]  }
0x1ce: {  	[tilespmem:s24+$0x1A378] =	vst v46  }
0x1cf: {  	v47 =	vld.idx.msk [tilespmem:v63+s3+$0x0], $0xffff;
	_ =	sdelay $0x3  }
0x1d0: {  	v49 =	vld [tilespmem:s24+$0x183A8]  }
0x1d1: {  	[tilespmem:s24+$0x1A388] =	vst v47  }
0x1d2: {  	v46 =	vld.idx.msk [tilespmem:v48+s3+$0x0], $0xffff;
	_ =	sdelay $0x3  }
0x1d3: {  	v50 =	vld [tilespmem:s24+$0x183B8]  }
0x1d4: {  	[tilespmem:s24+$0x1A398] =	vst v46  }
0x1d5: {  	v47 =	vld.idx.msk [tilespmem:v49+s3+$0x0], $0xffff;
	_ =	sdelay $0x3  }
0x1d6: {  	v51 =	vld [tilespmem:s24+$0x183C8]  }
0x1d7: {  	[tilespmem:s24+$0x1A3A8] =	vst v47  }
0x1d8: {  	v46 =	vld.idx.msk [tilespmem:v50+s3+$0x0], $0xffff;
	_ =	sdelay $0x3  }
0x1d9: {  	v52 =	vld [tilespmem:s24+$0x183D8]  }
0x1da: {  	[tilespmem:s24+$0x1A3B8] =	vst v46  }
0x1db: {  	v47 =	vld.idx.msk [tilespmem:v51+s3+$0x0], $0xffff;
	_ =	sdelay $0x3  }
0x1dc: {  	v53 =	vld [tilespmem:s24+$0x183E8]  }
0x1dd: {  	[tilespmem:s24+$0x1A3C8] =	vst v47  }
0x1de: {  	v46 =	vld.idx.msk [tilespmem:v52+s3+$0x0], $0xffff;
	_ =	sdelay $0x3  }
0x1df: {  	v54 =	vld [tilespmem:s24+$0x183F8]  }
0x1e0: {  	[tilespmem:s24+$0x1A3D8] =	vst v46  }
0x1e1: {  	v47 =	vld.idx.msk [tilespmem:v53+s3+$0x0], $0xffff;
	_ =	sdelay $0x3  }
0x1e2: {  	v55 =	vld [tilespmem:s24+$0x18408]  }
0x1e3: {  	[tilespmem:s24+$0x1A3E8] =	vst v47  }
0x1e4: {  	v46 =	vld.idx.msk [tilespmem:v54+s3+$0x0], $0xffff;
	_ =	sdelay $0x3  }
0x1e5: {  	v56 =	vld [tilespmem:s24+$0x18418]  }
0x1e6: {  	[tilespmem:s24+$0x1A3F8] =	vst v46  }
0x1e7: {  	v47 =	vld.idx.msk [tilespmem:v55+s3+$0x0], $0xffff;
	_ =	sdelay $0x3  }
0x1e8: {  	v57 =	vld [tilespmem:s24+$0x18428]  }
0x1e9: {  	[tilespmem:s24+$0x1A408] =	vst v47  }
0x1ea: {  	v46 =	vld.idx.msk [tilespmem:v56+s3+$0x0], $0xffff;
	_ =	sdelay $0x3  }
0x1eb: {  	v58 =	vld [tilespmem:s24+$0x18438]  }
0x1ec: {  	[tilespmem:s24+$0x1A418] =	vst v46  }
0x1ed: {  	v47 =	vld.idx.msk [tilespmem:v57+s3+$0x0], $0xffff;
	_ =	sdelay $0x3  }
0x1ee: {  	v59 =	vld [tilespmem:s24+$0x18448]  }
0x1ef: {  	[tilespmem:s24+$0x1A428] =	vst v47  }
0x1f0: {  	v46 =	vld.idx.msk [tilespmem:v58+s3+$0x0], $0xffff;
	_ =	sdelay $0x3  }
0x1f1: {  	v60 =	vld [tilespmem:s24+$0x18458]  }
0x1f2: {  	[tilespmem:s24+$0x1A438] =	vst v46  }
0x1f3: {  	v47 =	vld.idx.msk [tilespmem:v59+s3+$0x0], $0xffff;
	_ =	sdelay $0x3  }
0x1f4: {  	v61 =	vld [tilespmem:s24+$0x18468]  }
0x1f5: {  	[tilespmem:s24+$0x1A448] =	vst v47  }
0x1f6: {  	v46 =	vld.idx.msk [tilespmem:v60+s3+$0x0], $0xffff;
	_ =	sdelay $0x3  }
0x1f7: {  	v62 =	vld [tilespmem:s24+$0x18478]  }
0x1f8: {  	[tilespmem:s24+$0x1A458] =	vst v46  }
0x1f9: {  	v47 =	vld.idx.msk [tilespmem:v61+s3+$0x0], $0xffff;
	_ =	sdelay $0x3  }
0x1fa: {  	v63 =	vld [tilespmem:s24+$0x18488]  }
0x1fb: {  	[tilespmem:s24+$0x1A468] =	vst v47  }
0x1fc: {  	v46 =	vld.idx.msk [tilespmem:v62+s3+$0x0], $0xffff;
	_ =	sdelay $0x4  }
0x1fd: {  	v48 =	vld [tilespmem:s24+$0x18498];
	[tilespmem:s24+$0x1A478] =	vst v46  }
0x1fe: {  	v46 =	vld.idx.msk [tilespmem:v63+s3+$0x0], $0xffff;
	_ =	sdelay $0x4  }
0x1ff: {  	[tilespmem:s24+$0x1A488] =	vst v46;
	v46 =	vld [tilespmem:s24+$0x184A8];
	_ =	sdelay $0x1  }
0x200: {  	v47 =	vld.idx.msk [tilespmem:v48+s3+$0x0], $0xffff;
	_ =	sdelay $0x3  }
0x201: {  	s6 =	simm.s32 $0x200;
	s5 =	simm.s32 $0x1000  }
.LBB2_13:
0x202: {  	p1 =	sne.s32 s5, $0x3800;
	v48 =	vld [tilespmem:s6+$0x182B8];
	[tilespmem:s24+$0x1A498] =	vst v47  }
0x203: {  	v46 =	vld.idx.msk [tilespmem:v46+s3+$0x0], $0xffff;
	_ =	sdelay $0x5  }
0x204: {  	v47 =	vld [tilespmem:s6+$0x182C8];
	[tilespmem:s24+$0x1A4A8] =	vst v46;
	s24 =	smov.u32 s6  }
0x205: {  	v46 =	vld.idx.msk [tilespmem:v48+s3+$0x0], $0xffff;
	_ =	sdelay $0x5  }
0x206: {  	[tilespmem:s24+$0x1A2B8] =	vst v46;
	v46 =	vld [tilespmem:s24+$0x182D8]  }
0x207: {  	v47 =	vld.idx.msk [tilespmem:v47+s3+$0x0], $0xffff;
	_ =	sdelay $0x5  }
0x208: {  	[tilespmem:s24+$0x1A2C8] =	vst v47;
	v47 =	vld [tilespmem:s24+$0x182E8]  }
0x209: {  	v46 =	vld.idx.msk [tilespmem:v46+s3+$0x0], $0xffff;
	_ =	sdelay $0x5  }
0x20a: {  	[tilespmem:s24+$0x1A2D8] =	vst v46;
	v46 =	vld [tilespmem:s24+$0x182F8]  }
0x20b: {  	v47 =	vld.idx.msk [tilespmem:v47+s3+$0x0], $0xffff;
	_ =	sdelay $0x5  }
0x20c: {  	[tilespmem:s24+$0x1A2E8] =	vst v47;
	v47 =	vld [tilespmem:s24+$0x18308]  }
0x20d: {  	v46 =	vld.idx.msk [tilespmem:v46+s3+$0x0], $0xffff;
	_ =	sdelay $0x5  }
0x20e: {  	[tilespmem:s24+$0x1A2F8] =	vst v46;
	v46 =	vld [tilespmem:s24+$0x18318]  }
0x20f: {  	v47 =	vld.idx.msk [tilespmem:v47+s3+$0x0], $0xffff;
	_ =	sdelay $0x5  }
0x210: {  	[tilespmem:s24+$0x1A308] =	vst v47;
	v47 =	vld [tilespmem:s24+$0x18328]  }
0x211: {  	v46 =	vld.idx.msk [tilespmem:v46+s3+$0x0], $0xffff;
	_ =	sdelay $0x5  }
0x212: {  	[tilespmem:s24+$0x1A318] =	vst v46;
	v46 =	vld [tilespmem:s24+$0x18338]  }
0x213: {  	v47 =	vld.idx.msk [tilespmem:v47+s3+$0x0], $0xffff;
	_ =	sdelay $0x5  }
0x214: {  	[tilespmem:s24+$0x1A328] =	vst v47;
	v47 =	vld [tilespmem:s24+$0x18348]  }
0x215: {  	v46 =	vld.idx.msk [tilespmem:v46+s3+$0x0], $0xffff;
	_ =	sdelay $0x5  }
0x216: {  	[tilespmem:s24+$0x1A338] =	vst v46;
	v46 =	vld [tilespmem:s24+$0x18358]  }
0x217: {  	v47 =	vld.idx.msk [tilespmem:v47+s3+$0x0], $0xffff;
	_ =	sdelay $0x5  }
0x218: {  	[tilespmem:s24+$0x1A348] =	vst v47;
	v47 =	vld [tilespmem:s24+$0x18368]  }
0x219: {  	v46 =	vld.idx.msk [tilespmem:v46+s3+$0x0], $0xffff;
	_ =	sdelay $0x5  }
0x21a: {  	[tilespmem:s24+$0x1A358] =	vst v46;
	v46 =	vld [tilespmem:s24+$0x18378]  }
0x21b: {  	v47 =	vld.idx.msk [tilespmem:v47+s3+$0x0], $0xffff;
	_ =	sdelay $0x5  }
0x21c: {  	[tilespmem:s24+$0x1A368] =	vst v47;
	v47 =	vld [tilespmem:s24+$0x18388]  }
0x21d: {  	v46 =	vld.idx.msk [tilespmem:v46+s3+$0x0], $0xffff;
	_ =	sdelay $0x5  }
0x21e: {  	[tilespmem:s24+$0x1A378] =	vst v46;
	v46 =	vld [tilespmem:s24+$0x18398]  }
0x21f: {  	v47 =	vld.idx.msk [tilespmem:v47+s3+$0x0], $0xffff;
	_ =	sdelay $0x5  }
0x220: {  	[tilespmem:s24+$0x1A388] =	vst v47;
	v47 =	vld [tilespmem:s24+$0x183A8]  }
0x221: {  	v46 =	vld.idx.msk [tilespmem:v46+s3+$0x0], $0xffff;
	_ =	sdelay $0x5  }
0x222: {  	[tilespmem:s24+$0x1A398] =	vst v46;
	v46 =	vld [tilespmem:s24+$0x183B8]  }
0x223: {  	v47 =	vld.idx.msk [tilespmem:v47+s3+$0x0], $0xffff;
	_ =	sdelay $0x5  }
0x224: {  	[tilespmem:s24+$0x1A3A8] =	vst v47;
	v47 =	vld [tilespmem:s24+$0x183C8]  }
0x225: {  	v46 =	vld.idx.msk [tilespmem:v46+s3+$0x0], $0xffff;
	_ =	sdelay $0x5  }
0x226: {  	[tilespmem:s24+$0x1A3B8] =	vst v46;
	v46 =	vld [tilespmem:s24+$0x183D8]  }
0x227: {  	v47 =	vld.idx.msk [tilespmem:v47+s3+$0x0], $0xffff;
	_ =	sdelay $0x5  }
0x228: {  	[tilespmem:s24+$0x1A3C8] =	vst v47;
	v47 =	vld [tilespmem:s24+$0x183E8]  }
0x229: {  	v46 =	vld.idx.msk [tilespmem:v46+s3+$0x0], $0xffff;
	_ =	sdelay $0x5  }
0x22a: {  	[tilespmem:s24+$0x1A3D8] =	vst v46;
	v46 =	vld [tilespmem:s24+$0x183F8]  }
0x22b: {  	v47 =	vld.idx.msk [tilespmem:v47+s3+$0x0], $0xffff;
	_ =	sdelay $0x5  }
0x22c: {  	[tilespmem:s24+$0x1A3E8] =	vst v47;
	v47 =	vld [tilespmem:s24+$0x18408]  }
0x22d: {  	v46 =	vld.idx.msk [tilespmem:v46+s3+$0x0], $0xffff;
	_ =	sdelay $0x5  }
0x22e: {  	[tilespmem:s24+$0x1A3F8] =	vst v46;
	v46 =	vld [tilespmem:s24+$0x18418]  }
0x22f: {  	v47 =	vld.idx.msk [tilespmem:v47+s3+$0x0], $0xffff;
	_ =	sdelay $0x5  }
0x230: {  	[tilespmem:s24+$0x1A408] =	vst v47;
	v47 =	vld [tilespmem:s24+$0x18428]  }
0x231: {  	v46 =	vld.idx.msk [tilespmem:v46+s3+$0x0], $0xffff;
	_ =	sdelay $0x5  }
0x232: {  	[tilespmem:s24+$0x1A418] =	vst v46;
	v46 =	vld [tilespmem:s24+$0x18438]  }
0x233: {  	v47 =	vld.idx.msk [tilespmem:v47+s3+$0x0], $0xffff;
	_ =	sdelay $0x5  }
0x234: {  	[tilespmem:s24+$0x1A428] =	vst v47;
	v47 =	vld [tilespmem:s24+$0x18448]  }
0x235: {  	v46 =	vld.idx.msk [tilespmem:v46+s3+$0x0], $0xffff;
	_ =	sdelay $0x5  }
0x236: {  	[tilespmem:s24+$0x1A438] =	vst v46;
	v46 =	vld [tilespmem:s24+$0x18458]  }
0x237: {  	v47 =	vld.idx.msk [tilespmem:v47+s3+$0x0], $0xffff;
	_ =	sdelay $0x5  }
0x238: {  	[tilespmem:s24+$0x1A448] =	vst v47;
	v47 =	vld [tilespmem:s24+$0x18468]  }
0x239: {  	v46 =	vld.idx.msk [tilespmem:v46+s3+$0x0], $0xffff;
	_ =	sdelay $0x5  }
0x23a: {  	[tilespmem:s24+$0x1A458] =	vst v46;
	v46 =	vld [tilespmem:s24+$0x18478]  }
0x23b: {  	v47 =	vld.idx.msk [tilespmem:v47+s3+$0x0], $0xffff;
	_ =	sdelay $0x5  }
0x23c: {  	[tilespmem:s24+$0x1A468] =	vst v47;
	v47 =	vld [tilespmem:s24+$0x18488]  }
0x23d: {  	v46 =	vld.idx.msk [tilespmem:v46+s3+$0x0], $0xffff;
	_ =	sdelay $0x5  }
0x23e: {  	[tilespmem:s24+$0x1A478] =	vst v46;
	v48 =	vld [tilespmem:s24+$0x18498]  }
0x23f: {  	v46 =	vld.idx.msk [tilespmem:v47+s3+$0x0], $0xffff;
	_ =	sdelay $0x5  }
0x240: {  	[tilespmem:s24+$0x1A488] =	vst v46;
	v46 =	vld [tilespmem:s24+$0x184A8]  }
0x241: {  	v47 =	vld.idx.msk [tilespmem:v48+s3+$0x0], $0xffff  }
.Ltmp5:
0x242: {  	(pc) =	sbr.rel @p1 .LBB2_13-.Ltmp5, $2  }
0x243: {  	_ =	sdelay $0x2  }
0x244: {  	s6 =	sshra.s32 s5, $0x2;
	s5 =	sadd.s32 $0x800, s5  }
0x245: {  	_ =	sdelay $0x1  }
0x246: {  	v48 =	vld [tilespmem:s6+$0x182B8]  }
0x247: {  	[tilespmem:s24+$0x1A498] =	vst v47  }
0x248: {  	v46 =	vld.idx.msk [tilespmem:v46+s3+$0x0], $0xffff;
	_ =	sdelay $0x3  }
0x249: {  	v47 =	vld [tilespmem:s6+$0x182C8]  }
0x24a: {  	[tilespmem:s24+$0x1A4A8] =	vst v46  }
0x24b: {  	v46 =	vld.idx.msk [tilespmem:v48+s3+$0x0], $0xffff;
	_ =	sdelay $0x3  }
0x24c: {  	v50 =	vld [tilespmem:s6+$0x182D8]  }
0x24d: {  	[tilespmem:s6+$0x1A2B8] =	vst v46  }
0x24e: {  	v47 =	vld.idx.msk [tilespmem:v47+s3+$0x0], $0xffff;
	_ =	sdelay $0x3  }
0x24f: {  	v51 =	vld [tilespmem:s6+$0x182E8]  }
0x250: {  	[tilespmem:s6+$0x1A2C8] =	vst v47  }
0x251: {  	v46 =	vld.idx.msk [tilespmem:v50+s3+$0x0], $0xffff;
	_ =	sdelay $0x3  }
0x252: {  	v52 =	vld [tilespmem:s6+$0x182F8]  }
0x253: {  	[tilespmem:s6+$0x1A2D8] =	vst v46  }
0x254: {  	v47 =	vld.idx.msk [tilespmem:v51+s3+$0x0], $0xffff;
	_ =	sdelay $0x3  }
0x255: {  	v53 =	vld [tilespmem:s6+$0x18308]  }
0x256: {  	[tilespmem:s6+$0x1A2E8] =	vst v47  }
0x257: {  	v46 =	vld.idx.msk [tilespmem:v52+s3+$0x0], $0xffff;
	_ =	sdelay $0x3  }
0x258: {  	v54 =	vld [tilespmem:s6+$0x18318]  }
0x259: {  	[tilespmem:s6+$0x1A2F8] =	vst v46  }
0x25a: {  	v47 =	vld.idx.msk [tilespmem:v53+s3+$0x0], $0xffff;
	_ =	sdelay $0x3  }
0x25b: {  	v55 =	vld [tilespmem:s6+$0x18328]  }
0x25c: {  	[tilespmem:s6+$0x1A308] =	vst v47  }
0x25d: {  	v46 =	vld.idx.msk [tilespmem:v54+s3+$0x0], $0xffff;
	_ =	sdelay $0x3  }
0x25e: {  	v56 =	vld [tilespmem:s6+$0x18338]  }
0x25f: {  	[tilespmem:s6+$0x1A318] =	vst v46  }
0x260: {  	v47 =	vld.idx.msk [tilespmem:v55+s3+$0x0], $0xffff;
	_ =	sdelay $0x3  }
0x261: {  	v57 =	vld [tilespmem:s6+$0x18348]  }
0x262: {  	[tilespmem:s6+$0x1A328] =	vst v47  }
0x263: {  	v46 =	vld.idx.msk [tilespmem:v56+s3+$0x0], $0xffff;
	_ =	sdelay $0x3  }
0x264: {  	v58 =	vld [tilespmem:s6+$0x18358]  }
0x265: {  	[tilespmem:s6+$0x1A338] =	vst v46  }
0x266: {  	v47 =	vld.idx.msk [tilespmem:v57+s3+$0x0], $0xffff;
	_ =	sdelay $0x3  }
0x267: {  	v59 =	vld [tilespmem:s6+$0x18368]  }
0x268: {  	[tilespmem:s6+$0x1A348] =	vst v47  }
0x269: {  	v46 =	vld.idx.msk [tilespmem:v58+s3+$0x0], $0xffff;
	_ =	sdelay $0x3  }
0x26a: {  	v60 =	vld [tilespmem:s6+$0x18378]  }
0x26b: {  	[tilespmem:s6+$0x1A358] =	vst v46  }
0x26c: {  	v47 =	vld.idx.msk [tilespmem:v59+s3+$0x0], $0xffff;
	_ =	sdelay $0x3  }
0x26d: {  	v61 =	vld [tilespmem:s6+$0x18388]  }
0x26e: {  	[tilespmem:s6+$0x1A368] =	vst v47  }
0x26f: {  	v46 =	vld.idx.msk [tilespmem:v60+s3+$0x0], $0xffff;
	_ =	sdelay $0x3  }
0x270: {  	v62 =	vld [tilespmem:s6+$0x18398]  }
0x271: {  	[tilespmem:s6+$0x1A378] =	vst v46  }
0x272: {  	v47 =	vld.idx.msk [tilespmem:v61+s3+$0x0], $0xffff;
	_ =	sdelay $0x3  }
0x273: {  	v63 =	vld [tilespmem:s6+$0x183A8]  }
0x274: {  	[tilespmem:s6+$0x1A388] =	vst v47  }
0x275: {  	v46 =	vld.idx.msk [tilespmem:v62+s3+$0x0], $0xffff;
	_ =	sdelay $0x3  }
0x276: {  	v48 =	vld [tilespmem:s6+$0x183B8]  }
0x277: {  	[tilespmem:s6+$0x1A398] =	vst v46  }
0x278: {  	v47 =	vld.idx.msk [tilespmem:v63+s3+$0x0], $0xffff;
	_ =	sdelay $0x3  }
0x279: {  	v49 =	vld [tilespmem:s6+$0x183C8]  }
0x27a: {  	[tilespmem:s6+$0x1A3A8] =	vst v47  }
0x27b: {  	v46 =	vld.idx.msk [tilespmem:v48+s3+$0x0], $0xffff;
	_ =	sdelay $0x3  }
0x27c: {  	v50 =	vld [tilespmem:s6+$0x183D8]  }
0x27d: {  	[tilespmem:s6+$0x1A3B8] =	vst v46  }
0x27e: {  	v47 =	vld.idx.msk [tilespmem:v49+s3+$0x0], $0xffff;
	_ =	sdelay $0x3  }
0x27f: {  	v51 =	vld [tilespmem:s6+$0x183E8]  }
0x280: {  	[tilespmem:s6+$0x1A3C8] =	vst v47  }
0x281: {  	v46 =	vld.idx.msk [tilespmem:v50+s3+$0x0], $0xffff;
	_ =	sdelay $0x3  }
0x282: {  	v52 =	vld [tilespmem:s6+$0x183F8]  }
0x283: {  	[tilespmem:s6+$0x1A3D8] =	vst v46  }
0x284: {  	v47 =	vld.idx.msk [tilespmem:v51+s3+$0x0], $0xffff;
	_ =	sdelay $0x3  }
0x285: {  	v53 =	vld [tilespmem:s6+$0x18408]  }
0x286: {  	[tilespmem:s6+$0x1A3E8] =	vst v47  }
0x287: {  	v46 =	vld.idx.msk [tilespmem:v52+s3+$0x0], $0xffff;
	_ =	sdelay $0x3  }
0x288: {  	v54 =	vld [tilespmem:s6+$0x18418]  }
0x289: {  	[tilespmem:s6+$0x1A3F8] =	vst v46  }
0x28a: {  	v47 =	vld.idx.msk [tilespmem:v53+s3+$0x0], $0xffff;
	_ =	sdelay $0x3  }
0x28b: {  	v55 =	vld [tilespmem:s6+$0x18428]  }
0x28c: {  	[tilespmem:s6+$0x1A408] =	vst v47  }
0x28d: {  	v46 =	vld.idx.msk [tilespmem:v54+s3+$0x0], $0xffff;
	_ =	sdelay $0x3  }
0x28e: {  	v56 =	vld [tilespmem:s6+$0x18438]  }
0x28f: {  	[tilespmem:s6+$0x1A418] =	vst v46  }
0x290: {  	v47 =	vld.idx.msk [tilespmem:v55+s3+$0x0], $0xffff;
	_ =	sdelay $0x3  }
0x291: {  	v57 =	vld [tilespmem:s6+$0x18448]  }
0x292: {  	[tilespmem:s6+$0x1A428] =	vst v47  }
0x293: {  	v46 =	vld.idx.msk [tilespmem:v56+s3+$0x0], $0xffff;
	_ =	sdelay $0x3  }
0x294: {  	v58 =	vld [tilespmem:s6+$0x18458]  }
0x295: {  	[tilespmem:s6+$0x1A438] =	vst v46  }
0x296: {  	v47 =	vld.idx.msk [tilespmem:v57+s3+$0x0], $0xffff;
	_ =	sdelay $0x3  }
0x297: {  	v59 =	vld [tilespmem:s6+$0x18468]  }
0x298: {  	[tilespmem:s6+$0x1A448] =	vst v47  }
0x299: {  	v46 =	vld.idx.msk [tilespmem:v58+s3+$0x0], $0xffff;
	_ =	sdelay $0x3  }
0x29a: {  	v60 =	vld [tilespmem:s6+$0x18478]  }
0x29b: {  	[tilespmem:s6+$0x1A458] =	vst v46  }
0x29c: {  	v47 =	vld.idx.msk [tilespmem:v59+s3+$0x0], $0xffff;
	_ =	sdelay $0x3  }
0x29d: {  	v61 =	vld [tilespmem:s6+$0x18488]  }
0x29e: {  	[tilespmem:s6+$0x1A468] =	vst v47  }
0x29f: {  	v46 =	vld.idx.msk [tilespmem:v60+s3+$0x0], $0xffff;
	_ =	sdelay $0x3  }
0x2a0: {  	v62 =	vld [tilespmem:s6+$0x18498]  }
0x2a1: {  	[tilespmem:s6+$0x1A478] =	vst v46  }
0x2a2: {  	v47 =	vld.idx.msk [tilespmem:v61+s3+$0x0], $0xffff;
	_ =	sdelay $0x3  }
0x2a3: {  	v63 =	vld [tilespmem:s6+$0x184A8]  }
0x2a4: {  	[tilespmem:s6+$0x1A488] =	vst v47  }
0x2a5: {  	v46 =	vld.idx.msk [tilespmem:v62+s3+$0x0], $0xffff;
	_ =	sdelay $0x4  }
0x2a6: {  	[tilespmem:s6+$0x1A498] =	vst v46  }
0x2a7: {  	v46 =	vld.idx.msk [tilespmem:v63+s3+$0x0], $0xffff  }
0x2a8: {  	p1 =	sne.s32 s20, $0x3F  }
.Ltmp6:
0x2a9: {  	_ = 	snop;
	(pc) =	sbr.rel @p1 .LBB2_16-.Ltmp6, $3  }
0x2aa: {  	_ =	sdelay $0x1  }
0x2ab: {  	s1 =	sadd.s32 s23, s17;
	[tilespmem:s6+$0x1A4A8] =	vst v46  }
0x2ac: {  	[hbm4b:s1+s3] =	stream.linear.scatter [tilespmem:s11], [sflag:$0x3], $0x1000, $0x38;
	[tilespmem:$0x1F5F8] =	vst v63  }
.Ltmp7:
0x2ad: {  	(pc) =	sbr.rel .LBB2_17-.Ltmp7, $4  }
0x2ae: {  	_ = 	snop  }
0x2af: {  	_ =	swait.ge [sflag:s12], $0x1000  }
0x2b0: {  	[sflag:s12] =	ssyncset.done $0x0  }
0x2b1: {  	[sflag:s12] =	ssyncadd.s32 $0xFFFFF000  }
.LBB2_16:
.Ltmp8:
0x2b2: {  	s1 =	sadd.s32 s23, s18;
	s5 =	simm.s32 $0x182B8;
	(pc) =	sbr.rel @p0 .LBB2_18-.Ltmp8, $4  }
0x2b3: {  	[tilespmem:s5], [sflag:$0x1] =	stream.linear.gather [hbm4b:s1+s3], $0x1000, $0x38;
	[tilespmem:$0x1F5F8] =	vst v63  }
0x2b4: {  	_ =	swait.ge [sflag:s12], $0x1000  }
0x2b5: {  	[sflag:s12] =	ssyncset.done $0x0  }
0x2b6: {  	[sflag:s12] =	ssyncadd.s32 $0xFFFFF000  }
.LBB2_17:
0x2b7: {  	_ =	swait.ge [sflag:s13], $0x1000  }
0x2b8: {  	[sflag:s13] =	ssyncset.done $0x0  }
0x2b9: {  	[sflag:s13] =	ssyncadd.s32 $0xFFFFF000  }
.LBB2_18:
0x2ba: {  	s23 =	simm.s32 $0x0  }
0x2bb: {  	v46 =	vld [tilespmem:s23+$0x192B8];
	_ =	sdelay $0x5  }
0x2bc: {  	v47 =	vld [tilespmem:s23+$0x192C8];
	_ =	sdelay $0x1  }
0x2bd: {  	v46 =	vld.idx.msk [tilespmem:v46+s3+$0x0], $0xffff;
	_ =	sdelay $0x3  }
0x2be: {  	v52 =	vld [tilespmem:s23+$0x192D8]  }
0x2bf: {  	[tilespmem:s23+$0x1B2B8] =	vst v46  }
0x2c0: {  	v47 =	vld.idx.msk [tilespmem:v47+s3+$0x0], $0xffff;
	_ =	sdelay $0x3  }
0x2c1: {  	v53 =	vld [tilespmem:s23+$0x192E8]  }
0x2c2: {  	[tilespmem:s23+$0x1B2C8] =	vst v47  }
0x2c3: {  	v46 =	vld.idx.msk [tilespmem:v52+s3+$0x0], $0xffff;
	_ =	sdelay $0x3  }
0x2c4: {  	v54 =	vld [tilespmem:s23+$0x192F8]  }
0x2c5: {  	[tilespmem:s23+$0x1B2D8] =	vst v46  }
0x2c6: {  	v47 =	vld.idx.msk [tilespmem:v53+s3+$0x0], $0xffff;
	_ =	sdelay $0x3  }
0x2c7: {  	v55 =	vld [tilespmem:s23+$0x19308]  }
0x2c8: {  	[tilespmem:s23+$0x1B2E8] =	vst v47  }
0x2c9: {  	v46 =	vld.idx.msk [tilespmem:v54+s3+$0x0], $0xffff;
	_ =	sdelay $0x3  }
0x2ca: {  	v56 =	vld [tilespmem:s23+$0x19318]  }
0x2cb: {  	[tilespmem:s23+$0x1B2F8] =	vst v46  }
0x2cc: {  	v47 =	vld.idx.msk [tilespmem:v55+s3+$0x0], $0xffff;
	_ =	sdelay $0x3  }
0x2cd: {  	v57 =	vld [tilespmem:s23+$0x19328]  }
0x2ce: {  	[tilespmem:s23+$0x1B308] =	vst v47  }
0x2cf: {  	v46 =	vld.idx.msk [tilespmem:v56+s3+$0x0], $0xffff;
	_ =	sdelay $0x3  }
0x2d0: {  	v58 =	vld [tilespmem:s23+$0x19338]  }
0x2d1: {  	[tilespmem:s23+$0x1B318] =	vst v46  }
0x2d2: {  	v47 =	vld.idx.msk [tilespmem:v57+s3+$0x0], $0xffff;
	_ =	sdelay $0x3  }
0x2d3: {  	v59 =	vld [tilespmem:s23+$0x19348]  }
0x2d4: {  	[tilespmem:s23+$0x1B328] =	vst v47  }
0x2d5: {  	v46 =	vld.idx.msk [tilespmem:v58+s3+$0x0], $0xffff;
	_ =	sdelay $0x3  }
0x2d6: {  	v60 =	vld [tilespmem:s23+$0x19358]  }
0x2d7: {  	[tilespmem:s23+$0x1B338] =	vst v46  }
0x2d8: {  	v47 =	vld.idx.msk [tilespmem:v59+s3+$0x0], $0xffff;
	_ =	sdelay $0x3  }
0x2d9: {  	v61 =	vld [tilespmem:s23+$0x19368]  }
0x2da: {  	[tilespmem:s23+$0x1B348] =	vst v47  }
0x2db: {  	v46 =	vld.idx.msk [tilespmem:v60+s3+$0x0], $0xffff;
	_ =	sdelay $0x3  }
0x2dc: {  	v62 =	vld [tilespmem:s23+$0x19378]  }
0x2dd: {  	[tilespmem:s23+$0x1B358] =	vst v46  }
0x2de: {  	v47 =	vld.idx.msk [tilespmem:v61+s3+$0x0], $0xffff;
	_ =	sdelay $0x3  }
0x2df: {  	v63 =	vld [tilespmem:s23+$0x19388]  }
0x2e0: {  	[tilespmem:s23+$0x1B368] =	vst v47  }
0x2e1: {  	v46 =	vld.idx.msk [tilespmem:v62+s3+$0x0], $0xffff;
	_ =	sdelay $0x3  }
0x2e2: {  	v48 =	vld [tilespmem:s23+$0x19398]  }
0x2e3: {  	[tilespmem:s23+$0x1B378] =	vst v46  }
0x2e4: {  	v47 =	vld.idx.msk [tilespmem:v63+s3+$0x0], $0xffff;
	_ =	sdelay $0x3  }
0x2e5: {  	v49 =	vld [tilespmem:s23+$0x193A8]  }
0x2e6: {  	[tilespmem:s23+$0x1B388] =	vst v47  }
0x2e7: {  	v46 =	vld.idx.msk [tilespmem:v48+s3+$0x0], $0xffff;
	_ =	sdelay $0x3  }
0x2e8: {  	v50 =	vld [tilespmem:s23+$0x193B8]  }
0x2e9: {  	[tilespmem:s23+$0x1B398] =	vst v46  }
0x2ea: {  	v47 =	vld.idx.msk [tilespmem:v49+s3+$0x0], $0xffff;
	_ =	sdelay $0x3  }
0x2eb: {  	v51 =	vld [tilespmem:s23+$0x193C8]  }
0x2ec: {  	[tilespmem:s23+$0x1B3A8] =	vst v47  }
0x2ed: {  	v46 =	vld.idx.msk [tilespmem:v50+s3+$0x0], $0xffff;
	_ =	sdelay $0x3  }
0x2ee: {  	v52 =	vld [tilespmem:s23+$0x193D8]  }
0x2ef: {  	[tilespmem:s23+$0x1B3B8] =	vst v46  }
0x2f0: {  	v47 =	vld.idx.msk [tilespmem:v51+s3+$0x0], $0xffff;
	_ =	sdelay $0x3  }
0x2f1: {  	v53 =	vld [tilespmem:s23+$0x193E8]  }
0x2f2: {  	[tilespmem:s23+$0x1B3C8] =	vst v47  }
0x2f3: {  	v46 =	vld.idx.msk [tilespmem:v52+s3+$0x0], $0xffff;
	_ =	sdelay $0x3  }
0x2f4: {  	v54 =	vld [tilespmem:s23+$0x193F8]  }
0x2f5: {  	[tilespmem:s23+$0x1B3D8] =	vst v46  }
0x2f6: {  	v47 =	vld.idx.msk [tilespmem:v53+s3+$0x0], $0xffff;
	_ =	sdelay $0x3  }
0x2f7: {  	v55 =	vld [tilespmem:s23+$0x19408]  }
0x2f8: {  	[tilespmem:s23+$0x1B3E8] =	vst v47  }
0x2f9: {  	v46 =	vld.idx.msk [tilespmem:v54+s3+$0x0], $0xffff;
	_ =	sdelay $0x3  }
0x2fa: {  	v56 =	vld [tilespmem:s23+$0x19418]  }
0x2fb: {  	[tilespmem:s23+$0x1B3F8] =	vst v46  }
0x2fc: {  	v47 =	vld.idx.msk [tilespmem:v55+s3+$0x0], $0xffff;
	_ =	sdelay $0x3  }
0x2fd: {  	v57 =	vld [tilespmem:s23+$0x19428]  }
0x2fe: {  	[tilespmem:s23+$0x1B408] =	vst v47  }
0x2ff: {  	v46 =	vld.idx.msk [tilespmem:v56+s3+$0x0], $0xffff;
	_ =	sdelay $0x3  }
0x300: {  	v58 =	vld [tilespmem:s23+$0x19438]  }
0x301: {  	[tilespmem:s23+$0x1B418] =	vst v46  }
0x302: {  	v47 =	vld.idx.msk [tilespmem:v57+s3+$0x0], $0xffff;
	_ =	sdelay $0x3  }
0x303: {  	v59 =	vld [tilespmem:s23+$0x19448]  }
0x304: {  	[tilespmem:s23+$0x1B428] =	vst v47  }
0x305: {  	v46 =	vld.idx.msk [tilespmem:v58+s3+$0x0], $0xffff;
	_ =	sdelay $0x3  }
0x306: {  	v60 =	vld [tilespmem:s23+$0x19458]  }
0x307: {  	[tilespmem:s23+$0x1B438] =	vst v46  }
0x308: {  	v47 =	vld.idx.msk [tilespmem:v59+s3+$0x0], $0xffff;
	_ =	sdelay $0x3  }
0x309: {  	v61 =	vld [tilespmem:s23+$0x19468]  }
0x30a: {  	[tilespmem:s23+$0x1B448] =	vst v47  }
0x30b: {  	v46 =	vld.idx.msk [tilespmem:v60+s3+$0x0], $0xffff;
	_ =	sdelay $0x3  }
0x30c: {  	v62 =	vld [tilespmem:s23+$0x19478]  }
0x30d: {  	[tilespmem:s23+$0x1B458] =	vst v46  }
0x30e: {  	v47 =	vld.idx.msk [tilespmem:v61+s3+$0x0], $0xffff;
	_ =	sdelay $0x3  }
0x30f: {  	v63 =	vld [tilespmem:s23+$0x19488]  }
0x310: {  	[tilespmem:s23+$0x1B468] =	vst v47  }
0x311: {  	v46 =	vld.idx.msk [tilespmem:v62+s3+$0x0], $0xffff;
	_ =	sdelay $0x4  }
0x312: {  	v48 =	vld [tilespmem:s23+$0x19498];
	[tilespmem:s23+$0x1B478] =	vst v46  }
0x313: {  	v46 =	vld.idx.msk [tilespmem:v63+s3+$0x0], $0xffff;
	_ =	sdelay $0x4  }
0x314: {  	[tilespmem:s23+$0x1B488] =	vst v46;
	v46 =	vld [tilespmem:s23+$0x194A8];
	_ =	sdelay $0x1  }
0x315: {  	v47 =	vld.idx.msk [tilespmem:v48+s3+$0x0], $0xffff;
	_ =	sdelay $0x3  }
0x316: {  	s6 =	simm.s32 $0x200;
	s5 =	simm.s32 $0x1000  }
.LBB2_19:
0x317: {  	p0 =	sne.s32 s5, $0x3800;
	v48 =	vld [tilespmem:s6+$0x192B8];
	[tilespmem:s23+$0x1B498] =	vst v47  }
0x318: {  	v46 =	vld.idx.msk [tilespmem:v46+s3+$0x0], $0xffff;
	_ =	sdelay $0x5  }
0x319: {  	v47 =	vld [tilespmem:s6+$0x192C8];
	[tilespmem:s23+$0x1B4A8] =	vst v46;
	s23 =	smov.u32 s6  }
0x31a: {  	v46 =	vld.idx.msk [tilespmem:v48+s3+$0x0], $0xffff;
	_ =	sdelay $0x5  }
0x31b: {  	[tilespmem:s23+$0x1B2B8] =	vst v46;
	v46 =	vld [tilespmem:s23+$0x192D8]  }
0x31c: {  	v47 =	vld.idx.msk [tilespmem:v47+s3+$0x0], $0xffff;
	_ =	sdelay $0x5  }
0x31d: {  	[tilespmem:s23+$0x1B2C8] =	vst v47;
	v47 =	vld [tilespmem:s23+$0x192E8]  }
0x31e: {  	v46 =	vld.idx.msk [tilespmem:v46+s3+$0x0], $0xffff;
	_ =	sdelay $0x5  }
0x31f: {  	[tilespmem:s23+$0x1B2D8] =	vst v46;
	v46 =	vld [tilespmem:s23+$0x192F8]  }
0x320: {  	v47 =	vld.idx.msk [tilespmem:v47+s3+$0x0], $0xffff;
	_ =	sdelay $0x5  }
0x321: {  	[tilespmem:s23+$0x1B2E8] =	vst v47;
	v47 =	vld [tilespmem:s23+$0x19308]  }
0x322: {  	v46 =	vld.idx.msk [tilespmem:v46+s3+$0x0], $0xffff;
	_ =	sdelay $0x5  }
0x323: {  	[tilespmem:s23+$0x1B2F8] =	vst v46;
	v46 =	vld [tilespmem:s23+$0x19318]  }
0x324: {  	v47 =	vld.idx.msk [tilespmem:v47+s3+$0x0], $0xffff;
	_ =	sdelay $0x5  }
0x325: {  	[tilespmem:s23+$0x1B308] =	vst v47;
	v47 =	vld [tilespmem:s23+$0x19328]  }
0x326: {  	v46 =	vld.idx.msk [tilespmem:v46+s3+$0x0], $0xffff;
	_ =	sdelay $0x5  }
0x327: {  	[tilespmem:s23+$0x1B318] =	vst v46;
	v46 =	vld [tilespmem:s23+$0x19338]  }
0x328: {  	v47 =	vld.idx.msk [tilespmem:v47+s3+$0x0], $0xffff;
	_ =	sdelay $0x5  }
0x329: {  	[tilespmem:s23+$0x1B328] =	vst v47;
	v47 =	vld [tilespmem:s23+$0x19348]  }
0x32a: {  	v46 =	vld.idx.msk [tilespmem:v46+s3+$0x0], $0xffff;
	_ =	sdelay $0x5  }
0x32b: {  	[tilespmem:s23+$0x1B338] =	vst v46;
	v46 =	vld [tilespmem:s23+$0x19358]  }
0x32c: {  	v47 =	vld.idx.msk [tilespmem:v47+s3+$0x0], $0xffff;
	_ =	sdelay $0x5  }
0x32d: {  	[tilespmem:s23+$0x1B348] =	vst v47;
	v47 =	vld [tilespmem:s23+$0x19368]  }
0x32e: {  	v46 =	vld.idx.msk [tilespmem:v46+s3+$0x0], $0xffff;
	_ =	sdelay $0x5  }
0x32f: {  	[tilespmem:s23+$0x1B358] =	vst v46;
	v46 =	vld [tilespmem:s23+$0x19378]  }
0x330: {  	v47 =	vld.idx.msk [tilespmem:v47+s3+$0x0], $0xffff;
	_ =	sdelay $0x5  }
0x331: {  	[tilespmem:s23+$0x1B368] =	vst v47;
	v47 =	vld [tilespmem:s23+$0x19388]  }
0x332: {  	v46 =	vld.idx.msk [tilespmem:v46+s3+$0x0], $0xffff;
	_ =	sdelay $0x5  }
0x333: {  	[tilespmem:s23+$0x1B378] =	vst v46;
	v46 =	vld [tilespmem:s23+$0x19398]  }
0x334: {  	v47 =	vld.idx.msk [tilespmem:v47+s3+$0x0], $0xffff;
	_ =	sdelay $0x5  }
0x335: {  	[tilespmem:s23+$0x1B388] =	vst v47;
	v47 =	vld [tilespmem:s23+$0x193A8]  }
0x336: {  	v46 =	vld.idx.msk [tilespmem:v46+s3+$0x0], $0xffff;
	_ =	sdelay $0x5  }
0x337: {  	[tilespmem:s23+$0x1B398] =	vst v46;
	v46 =	vld [tilespmem:s23+$0x193B8]  }
0x338: {  	v47 =	vld.idx.msk [tilespmem:v47+s3+$0x0], $0xffff;
	_ =	sdelay $0x5  }
0x339: {  	[tilespmem:s23+$0x1B3A8] =	vst v47;
	v47 =	vld [tilespmem:s23+$0x193C8]  }
0x33a: {  	v46 =	vld.idx.msk [tilespmem:v46+s3+$0x0], $0xffff;
	_ =	sdelay $0x5  }
0x33b: {  	[tilespmem:s23+$0x1B3B8] =	vst v46;
	v46 =	vld [tilespmem:s23+$0x193D8]  }
0x33c: {  	v47 =	vld.idx.msk [tilespmem:v47+s3+$0x0], $0xffff;
	_ =	sdelay $0x5  }
0x33d: {  	[tilespmem:s23+$0x1B3C8] =	vst v47;
	v47 =	vld [tilespmem:s23+$0x193E8]  }
0x33e: {  	v46 =	vld.idx.msk [tilespmem:v46+s3+$0x0], $0xffff;
	_ =	sdelay $0x5  }
0x33f: {  	[tilespmem:s23+$0x1B3D8] =	vst v46;
	v46 =	vld [tilespmem:s23+$0x193F8]  }
0x340: {  	v47 =	vld.idx.msk [tilespmem:v47+s3+$0x0], $0xffff;
	_ =	sdelay $0x5  }
0x341: {  	[tilespmem:s23+$0x1B3E8] =	vst v47;
	v47 =	vld [tilespmem:s23+$0x19408]  }
0x342: {  	v46 =	vld.idx.msk [tilespmem:v46+s3+$0x0], $0xffff;
	_ =	sdelay $0x5  }
0x343: {  	[tilespmem:s23+$0x1B3F8] =	vst v46;
	v46 =	vld [tilespmem:s23+$0x19418]  }
0x344: {  	v47 =	vld.idx.msk [tilespmem:v47+s3+$0x0], $0xffff;
	_ =	sdelay $0x5  }
0x345: {  	[tilespmem:s23+$0x1B408] =	vst v47;
	v47 =	vld [tilespmem:s23+$0x19428]  }
0x346: {  	v46 =	vld.idx.msk [tilespmem:v46+s3+$0x0], $0xffff;
	_ =	sdelay $0x5  }
0x347: {  	[tilespmem:s23+$0x1B418] =	vst v46;
	v46 =	vld [tilespmem:s23+$0x19438]  }
0x348: {  	v47 =	vld.idx.msk [tilespmem:v47+s3+$0x0], $0xffff;
	_ =	sdelay $0x5  }
0x349: {  	[tilespmem:s23+$0x1B428] =	vst v47;
	v47 =	vld [tilespmem:s23+$0x19448]  }
0x34a: {  	v46 =	vld.idx.msk [tilespmem:v46+s3+$0x0], $0xffff;
	_ =	sdelay $0x5  }
0x34b: {  	[tilespmem:s23+$0x1B438] =	vst v46;
	v46 =	vld [tilespmem:s23+$0x19458]  }
0x34c: {  	v47 =	vld.idx.msk [tilespmem:v47+s3+$0x0], $0xffff;
	_ =	sdelay $0x5  }
0x34d: {  	[tilespmem:s23+$0x1B448] =	vst v47;
	v47 =	vld [tilespmem:s23+$0x19468]  }
0x34e: {  	v46 =	vld.idx.msk [tilespmem:v46+s3+$0x0], $0xffff;
	_ =	sdelay $0x5  }
0x34f: {  	[tilespmem:s23+$0x1B458] =	vst v46;
	v46 =	vld [tilespmem:s23+$0x19478]  }
0x350: {  	v47 =	vld.idx.msk [tilespmem:v47+s3+$0x0], $0xffff;
	_ =	sdelay $0x5  }
0x351: {  	[tilespmem:s23+$0x1B468] =	vst v47;
	v47 =	vld [tilespmem:s23+$0x19488]  }
0x352: {  	v46 =	vld.idx.msk [tilespmem:v46+s3+$0x0], $0xffff;
	_ =	sdelay $0x5  }
0x353: {  	[tilespmem:s23+$0x1B478] =	vst v46;
	v48 =	vld [tilespmem:s23+$0x19498]  }
0x354: {  	v46 =	vld.idx.msk [tilespmem:v47+s3+$0x0], $0xffff;
	_ =	sdelay $0x5  }
0x355: {  	[tilespmem:s23+$0x1B488] =	vst v46;
	v46 =	vld [tilespmem:s23+$0x194A8]  }
0x356: {  	v47 =	vld.idx.msk [tilespmem:v48+s3+$0x0], $0xffff  }
.Ltmp9:
0x357: {  	(pc) =	sbr.rel @p0 .LBB2_19-.Ltmp9, $2  }
0x358: {  	_ =	sdelay $0x2  }
0x359: {  	s6 =	sshra.s32 s5, $0x2;
	s5 =	sadd.s32 $0x800, s5  }
0x35a: {  	_ =	sdelay $0x1  }
0x35b: {  	v48 =	vld [tilespmem:s6+$0x192B8]  }
0x35c: {  	[tilespmem:s23+$0x1B498] =	vst v47  }
0x35d: {  	v46 =	vld.idx.msk [tilespmem:v46+s3+$0x0], $0xffff;
	_ =	sdelay $0x3  }
0x35e: {  	v47 =	vld [tilespmem:s6+$0x192C8]  }
0x35f: {  	[tilespmem:s23+$0x1B4A8] =	vst v46  }
0x360: {  	v46 =	vld.idx.msk [tilespmem:v48+s3+$0x0], $0xffff;
	_ =	sdelay $0x3  }
0x361: {  	v50 =	vld [tilespmem:s6+$0x192D8]  }
0x362: {  	[tilespmem:s6+$0x1B2B8] =	vst v46  }
0x363: {  	v47 =	vld.idx.msk [tilespmem:v47+s3+$0x0], $0xffff;
	_ =	sdelay $0x3  }
0x364: {  	v51 =	vld [tilespmem:s6+$0x192E8]  }
0x365: {  	[tilespmem:s6+$0x1B2C8] =	vst v47  }
0x366: {  	v46 =	vld.idx.msk [tilespmem:v50+s3+$0x0], $0xffff;
	_ =	sdelay $0x3  }
0x367: {  	v52 =	vld [tilespmem:s6+$0x192F8]  }
0x368: {  	[tilespmem:s6+$0x1B2D8] =	vst v46  }
0x369: {  	v47 =	vld.idx.msk [tilespmem:v51+s3+$0x0], $0xffff;
	_ =	sdelay $0x3  }
0x36a: {  	v53 =	vld [tilespmem:s6+$0x19308]  }
0x36b: {  	[tilespmem:s6+$0x1B2E8] =	vst v47  }
0x36c: {  	v46 =	vld.idx.msk [tilespmem:v52+s3+$0x0], $0xffff;
	_ =	sdelay $0x3  }
0x36d: {  	v54 =	vld [tilespmem:s6+$0x19318]  }
0x36e: {  	[tilespmem:s6+$0x1B2F8] =	vst v46  }
0x36f: {  	v47 =	vld.idx.msk [tilespmem:v53+s3+$0x0], $0xffff;
	_ =	sdelay $0x3  }
0x370: {  	v55 =	vld [tilespmem:s6+$0x19328]  }
0x371: {  	[tilespmem:s6+$0x1B308] =	vst v47  }
0x372: {  	v46 =	vld.idx.msk [tilespmem:v54+s3+$0x0], $0xffff;
	_ =	sdelay $0x3  }
0x373: {  	v56 =	vld [tilespmem:s6+$0x19338]  }
0x374: {  	[tilespmem:s6+$0x1B318] =	vst v46  }
0x375: {  	v47 =	vld.idx.msk [tilespmem:v55+s3+$0x0], $0xffff;
	_ =	sdelay $0x3  }
0x376: {  	v57 =	vld [tilespmem:s6+$0x19348]  }
0x377: {  	[tilespmem:s6+$0x1B328] =	vst v47  }
0x378: {  	v46 =	vld.idx.msk [tilespmem:v56+s3+$0x0], $0xffff;
	_ =	sdelay $0x3  }
0x379: {  	v58 =	vld [tilespmem:s6+$0x19358]  }
0x37a: {  	[tilespmem:s6+$0x1B338] =	vst v46  }
0x37b: {  	v47 =	vld.idx.msk [tilespmem:v57+s3+$0x0], $0xffff;
	_ =	sdelay $0x3  }
0x37c: {  	v59 =	vld [tilespmem:s6+$0x19368]  }
0x37d: {  	[tilespmem:s6+$0x1B348] =	vst v47  }
0x37e: {  	v46 =	vld.idx.msk [tilespmem:v58+s3+$0x0], $0xffff;
	_ =	sdelay $0x3  }
0x37f: {  	v60 =	vld [tilespmem:s6+$0x19378]  }
0x380: {  	[tilespmem:s6+$0x1B358] =	vst v46  }
0x381: {  	v47 =	vld.idx.msk [tilespmem:v59+s3+$0x0], $0xffff;
	_ =	sdelay $0x3  }
0x382: {  	v61 =	vld [tilespmem:s6+$0x19388]  }
0x383: {  	[tilespmem:s6+$0x1B368] =	vst v47  }
0x384: {  	v46 =	vld.idx.msk [tilespmem:v60+s3+$0x0], $0xffff;
	_ =	sdelay $0x3  }
0x385: {  	v62 =	vld [tilespmem:s6+$0x19398]  }
0x386: {  	[tilespmem:s6+$0x1B378] =	vst v46  }
0x387: {  	v47 =	vld.idx.msk [tilespmem:v61+s3+$0x0], $0xffff;
	_ =	sdelay $0x3  }
0x388: {  	v63 =	vld [tilespmem:s6+$0x193A8]  }
0x389: {  	[tilespmem:s6+$0x1B388] =	vst v47  }
0x38a: {  	v46 =	vld.idx.msk [tilespmem:v62+s3+$0x0], $0xffff;
	_ =	sdelay $0x3  }
0x38b: {  	v48 =	vld [tilespmem:s6+$0x193B8]  }
0x38c: {  	[tilespmem:s6+$0x1B398] =	vst v46  }
0x38d: {  	v47 =	vld.idx.msk [tilespmem:v63+s3+$0x0], $0xffff;
	_ =	sdelay $0x3  }
0x38e: {  	v49 =	vld [tilespmem:s6+$0x193C8]  }
0x38f: {  	[tilespmem:s6+$0x1B3A8] =	vst v47  }
0x390: {  	v46 =	vld.idx.msk [tilespmem:v48+s3+$0x0], $0xffff;
	_ =	sdelay $0x3  }
0x391: {  	v50 =	vld [tilespmem:s6+$0x193D8]  }
0x392: {  	[tilespmem:s6+$0x1B3B8] =	vst v46  }
0x393: {  	v47 =	vld.idx.msk [tilespmem:v49+s3+$0x0], $0xffff;
	_ =	sdelay $0x3  }
0x394: {  	v51 =	vld [tilespmem:s6+$0x193E8]  }
0x395: {  	[tilespmem:s6+$0x1B3C8] =	vst v47  }
0x396: {  	v46 =	vld.idx.msk [tilespmem:v50+s3+$0x0], $0xffff;
	_ =	sdelay $0x3  }
0x397: {  	v52 =	vld [tilespmem:s6+$0x193F8]  }
0x398: {  	[tilespmem:s6+$0x1B3D8] =	vst v46  }
0x399: {  	v47 =	vld.idx.msk [tilespmem:v51+s3+$0x0], $0xffff;
	_ =	sdelay $0x3  }
0x39a: {  	v53 =	vld [tilespmem:s6+$0x19408]  }
0x39b: {  	[tilespmem:s6+$0x1B3E8] =	vst v47  }
0x39c: {  	v46 =	vld.idx.msk [tilespmem:v52+s3+$0x0], $0xffff;
	_ =	sdelay $0x3  }
0x39d: {  	v54 =	vld [tilespmem:s6+$0x19418]  }
0x39e: {  	[tilespmem:s6+$0x1B3F8] =	vst v46  }
0x39f: {  	v47 =	vld.idx.msk [tilespmem:v53+s3+$0x0], $0xffff;
	_ =	sdelay $0x3  }
0x3a0: {  	v55 =	vld [tilespmem:s6+$0x19428]  }
0x3a1: {  	[tilespmem:s6+$0x1B408] =	vst v47  }
0x3a2: {  	v46 =	vld.idx.msk [tilespmem:v54+s3+$0x0], $0xffff;
	_ =	sdelay $0x3  }
0x3a3: {  	v56 =	vld [tilespmem:s6+$0x19438]  }
0x3a4: {  	[tilespmem:s6+$0x1B418] =	vst v46  }
0x3a5: {  	v47 =	vld.idx.msk [tilespmem:v55+s3+$0x0], $0xffff;
	_ =	sdelay $0x3  }
0x3a6: {  	v57 =	vld [tilespmem:s6+$0x19448]  }
0x3a7: {  	[tilespmem:s6+$0x1B428] =	vst v47  }
0x3a8: {  	v46 =	vld.idx.msk [tilespmem:v56+s3+$0x0], $0xffff;
	_ =	sdelay $0x3  }
0x3a9: {  	v58 =	vld [tilespmem:s6+$0x19458]  }
0x3aa: {  	[tilespmem:s6+$0x1B438] =	vst v46  }
0x3ab: {  	v47 =	vld.idx.msk [tilespmem:v57+s3+$0x0], $0xffff;
	_ =	sdelay $0x3  }
0x3ac: {  	v59 =	vld [tilespmem:s6+$0x19468]  }
0x3ad: {  	[tilespmem:s6+$0x1B448] =	vst v47  }
0x3ae: {  	v46 =	vld.idx.msk [tilespmem:v58+s3+$0x0], $0xffff;
	_ =	sdelay $0x3  }
0x3af: {  	v60 =	vld [tilespmem:s6+$0x19478]  }
0x3b0: {  	[tilespmem:s6+$0x1B458] =	vst v46  }
0x3b1: {  	v47 =	vld.idx.msk [tilespmem:v59+s3+$0x0], $0xffff;
	_ =	sdelay $0x3  }
0x3b2: {  	v61 =	vld [tilespmem:s6+$0x19488]  }
0x3b3: {  	[tilespmem:s6+$0x1B468] =	vst v47  }
0x3b4: {  	v46 =	vld.idx.msk [tilespmem:v60+s3+$0x0], $0xffff;
	_ =	sdelay $0x3  }
0x3b5: {  	v62 =	vld [tilespmem:s6+$0x19498]  }
0x3b6: {  	[tilespmem:s6+$0x1B478] =	vst v46  }
0x3b7: {  	v47 =	vld.idx.msk [tilespmem:v61+s3+$0x0], $0xffff;
	_ =	sdelay $0x3  }
0x3b8: {  	v63 =	vld [tilespmem:s6+$0x194A8]  }
0x3b9: {  	[tilespmem:s6+$0x1B488] =	vst v47  }
0x3ba: {  	v46 =	vld.idx.msk [tilespmem:v62+s3+$0x0], $0xffff;
	_ =	sdelay $0x4  }
0x3bb: {  	[tilespmem:s6+$0x1B498] =	vst v46  }
0x3bc: {  	s20 =	sadd.s32 $0x1, s20;
	v46 =	vld.idx.msk [tilespmem:v63+s3+$0x0], $0xffff  }
0x3bd: {  	p0 =	sne.s32 s20, $0x40  }
.Ltmp10:
0x3be: {  	_ = 	snop;
	(pc) =	sbr.rel @p0 .LBB2_12-.Ltmp10, $3  }
0x3bf: {  	_ =	sdelay $0x1  }
0x3c0: {  	s1 =	sadd.s32 s2, s17;
	[tilespmem:s6+$0x1B4A8] =	vst v46  }
0x3c1: {  	[hbm4b:s1+s3] =	stream.linear.scatter [tilespmem:s14], [sflag:$0x4], $0x1000, $0x38;
	[tilespmem:$0x1F5F8] =	vst v63  }
0x3c2: {  	s1 =	simm.s32 $0x3  }
0x3c3: {  	_ =	swait.ge [sflag:s1], $0x1000  }
0x3c4: {  	[sflag:s1] =	ssyncset.done $0x0  }
0x3c5: {  	[sflag:s1] =	ssyncadd.s32 $0xFFFFF000  }
0x3c6: {  	_ =	swait.ge [sflag:s13], $0x1000  }
0x3c7: {  	[sflag:s13] =	ssyncset.done $0x0  }
0x3c8: {  	s20 =	simm.s32 $0x0;
	s23 =	rddreg [dreg:$0xd];
	[sflag:s13] =	ssyncadd.s32 $0xFFFFF000  }
0x3c9: {  	[tilespmem:s20], [sflag:$0xB] =	stream.linear.gather [hbm4b:s23+s20], $0x182B8, $0x38;
	[tilespmem:$0x1F5F8] =	vst v63  }
0x3ca: {  	_ =	swait.ge [sflag:s10], $0x182B8  }
0x3cb: {  	[sflag:s10] =	ssyncset.done $0x0  }
0x3cc: {  	s24 =	simm.s32 $0x182B8;
	[sflag:s10] =	ssyncadd.s32 $0xFFFE7D48  }
0x3cd: {  	[tilespmem:s24], [sflag:$0x1] =	stream.linear.gather [hbm4b:s7+s20], $0x1000, $0x38;
	[tilespmem:$0x1F5F8] =	vst v63  }
.LBB2_22:
0x3ce: {  	s23 =	sshll.u32 s20, $0xA  }
0x3cf: {  	s2 =	sor.u32 $0x200, s23  }
0x3d0: {  	s1 =	sadd.s32 s7, s2  }
0x3d1: {  	[tilespmem:s8], [sflag:$0x2] =	stream.linear.gather [hbm4b:s1+s3], $0x1000, $0x38;
	[tilespmem:$0x1F5F8] =	vst v63  }
0x3d2: {  	_ =	swait.ge [sflag:s9], $0x1000  }
0x3d3: {  	p0 =	seq.s32 s20, $0x0;
	[sflag:s9] =	ssyncset.done $0x0  }
0x3d4: {  	s1 =	simm.s32 @!p0 $0x3;
	[sflag:s9] =	ssyncadd.s32 $0xFFFFF000  }
0x3d5: {  	_ =	swait.ge @!p0 [sflag:s1], $0x1000  }
0x3d6: {  	[sflag:s1] =	ssyncset.done @!p0 $0x0  }
0x3d7: {  	s24 =	simm.s32 $0x0;
	[sflag:s1] =	ssyncadd.s32 @!p0 $0xFFFFF000  }
0x3d8: {  	v46 =	vld [tilespmem:s24+$0x182B8];
	_ =	sdelay $0x5  }
0x3d9: {  	v47 =	vld [tilespmem:s24+$0x182C8];
	_ =	sdelay $0x1  }
0x3da: {  	v46 =	vld.idx.msk [tilespmem:v46+s3+$0x0], $0xffff;
	_ =	sdelay $0x3  }
0x3db: {  	v52 =	vld [tilespmem:s24+$0x182D8]  }
0x3dc: {  	[tilespmem:s24+$0x1A2B8] =	vst v46  }
0x3dd: {  	v47 =	vld.idx.msk [tilespmem:v47+s3+$0x0], $0xffff;
	_ =	sdelay $0x3  }
0x3de: {  	v53 =	vld [tilespmem:s24+$0x182E8]  }
0x3df: {  	[tilespmem:s24+$0x1A2C8] =	vst v47  }
0x3e0: {  	v46 =	vld.idx.msk [tilespmem:v52+s3+$0x0], $0xffff;
	_ =	sdelay $0x3  }
0x3e1: {  	v54 =	vld [tilespmem:s24+$0x182F8]  }
0x3e2: {  	[tilespmem:s24+$0x1A2D8] =	vst v46  }
0x3e3: {  	v47 =	vld.idx.msk [tilespmem:v53+s3+$0x0], $0xffff;
	_ =	sdelay $0x3  }
0x3e4: {  	v55 =	vld [tilespmem:s24+$0x18308]  }
0x3e5: {  	[tilespmem:s24+$0x1A2E8] =	vst v47  }
0x3e6: {  	v46 =	vld.idx.msk [tilespmem:v54+s3+$0x0], $0xffff;
	_ =	sdelay $0x3  }
0x3e7: {  	v56 =	vld [tilespmem:s24+$0x18318]  }
0x3e8: {  	[tilespmem:s24+$0x1A2F8] =	vst v46  }
0x3e9: {  	v47 =	vld.idx.msk [tilespmem:v55+s3+$0x0], $0xffff;
	_ =	sdelay $0x3  }
0x3ea: {  	v57 =	vld [tilespmem:s24+$0x18328]  }
0x3eb: {  	[tilespmem:s24+$0x1A308] =	vst v47  }
0x3ec: {  	v46 =	vld.idx.msk [tilespmem:v56+s3+$0x0], $0xffff;
	_ =	sdelay $0x3  }
0x3ed: {  	v58 =	vld [tilespmem:s24+$0x18338]  }
0x3ee: {  	[tilespmem:s24+$0x1A318] =	vst v46  }
0x3ef: {  	v47 =	vld.idx.msk [tilespmem:v57+s3+$0x0], $0xffff;
	_ =	sdelay $0x3  }
0x3f0: {  	v59 =	vld [tilespmem:s24+$0x18348]  }
0x3f1: {  	[tilespmem:s24+$0x1A328] =	vst v47  }
0x3f2: {  	v46 =	vld.idx.msk [tilespmem:v58+s3+$0x0], $0xffff;
	_ =	sdelay $0x3  }
0x3f3: {  	v60 =	vld [tilespmem:s24+$0x18358]  }
0x3f4: {  	[tilespmem:s24+$0x1A338] =	vst v46  }
0x3f5: {  	v47 =	vld.idx.msk [tilespmem:v59+s3+$0x0], $0xffff;
	_ =	sdelay $0x3  }
0x3f6: {  	v61 =	vld [tilespmem:s24+$0x18368]  }
0x3f7: {  	[tilespmem:s24+$0x1A348] =	vst v47  }
0x3f8: {  	v46 =	vld.idx.msk [tilespmem:v60+s3+$0x0], $0xffff;
	_ =	sdelay $0x3  }
0x3f9: {  	v62 =	vld [tilespmem:s24+$0x18378]  }
0x3fa: {  	[tilespmem:s24+$0x1A358] =	vst v46  }
0x3fb: {  	v47 =	vld.idx.msk [tilespmem:v61+s3+$0x0], $0xffff;
	_ =	sdelay $0x3  }
0x3fc: {  	v63 =	vld [tilespmem:s24+$0x18388]  }
0x3fd: {  	[tilespmem:s24+$0x1A368] =	vst v47  }
0x3fe: {  	v46 =	vld.idx.msk [tilespmem:v62+s3+$0x0], $0xffff;
	_ =	sdelay $0x3  }
0x3ff: {  	v48 =	vld [tilespmem:s24+$0x18398]  }
0x400: {  	[tilespmem:s24+$0x1A378] =	vst v46  }
0x401: {  	v47 =	vld.idx.msk [tilespmem:v63+s3+$0x0], $0xffff;
	_ =	sdelay $0x3  }
0x402: {  	v49 =	vld [tilespmem:s24+$0x183A8]  }
0x403: {  	[tilespmem:s24+$0x1A388] =	vst v47  }
0x404: {  	v46 =	vld.idx.msk [tilespmem:v48+s3+$0x0], $0xffff;
	_ =	sdelay $0x3  }
0x405: {  	v50 =	vld [tilespmem:s24+$0x183B8]  }
0x406: {  	[tilespmem:s24+$0x1A398] =	vst v46  }
0x407: {  	v47 =	vld.idx.msk [tilespmem:v49+s3+$0x0], $0xffff;
	_ =	sdelay $0x3  }
0x408: {  	v51 =	vld [tilespmem:s24+$0x183C8]  }
0x409: {  	[tilespmem:s24+$0x1A3A8] =	vst v47  }
0x40a: {  	v46 =	vld.idx.msk [tilespmem:v50+s3+$0x0], $0xffff;
	_ =	sdelay $0x3  }
0x40b: {  	v52 =	vld [tilespmem:s24+$0x183D8]  }
0x40c: {  	[tilespmem:s24+$0x1A3B8] =	vst v46  }
0x40d: {  	v47 =	vld.idx.msk [tilespmem:v51+s3+$0x0], $0xffff;
	_ =	sdelay $0x3  }
0x40e: {  	v53 =	vld [tilespmem:s24+$0x183E8]  }
0x40f: {  	[tilespmem:s24+$0x1A3C8] =	vst v47  }
0x410: {  	v46 =	vld.idx.msk [tilespmem:v52+s3+$0x0], $0xffff;
	_ =	sdelay $0x3  }
0x411: {  	v54 =	vld [tilespmem:s24+$0x183F8]  }
0x412: {  	[tilespmem:s24+$0x1A3D8] =	vst v46  }
0x413: {  	v47 =	vld.idx.msk [tilespmem:v53+s3+$0x0], $0xffff;
	_ =	sdelay $0x3  }
0x414: {  	v55 =	vld [tilespmem:s24+$0x18408]  }
0x415: {  	[tilespmem:s24+$0x1A3E8] =	vst v47  }
0x416: {  	v46 =	vld.idx.msk [tilespmem:v54+s3+$0x0], $0xffff;
	_ =	sdelay $0x3  }
0x417: {  	v56 =	vld [tilespmem:s24+$0x18418]  }
0x418: {  	[tilespmem:s24+$0x1A3F8] =	vst v46  }
0x419: {  	v47 =	vld.idx.msk [tilespmem:v55+s3+$0x0], $0xffff;
	_ =	sdelay $0x3  }
0x41a: {  	v57 =	vld [tilespmem:s24+$0x18428]  }
0x41b: {  	[tilespmem:s24+$0x1A408] =	vst v47  }
0x41c: {  	v46 =	vld.idx.msk [tilespmem:v56+s3+$0x0], $0xffff;
	_ =	sdelay $0x3  }
0x41d: {  	v58 =	vld [tilespmem:s24+$0x18438]  }
0x41e: {  	[tilespmem:s24+$0x1A418] =	vst v46  }
0x41f: {  	v47 =	vld.idx.msk [tilespmem:v57+s3+$0x0], $0xffff;
	_ =	sdelay $0x3  }
0x420: {  	v59 =	vld [tilespmem:s24+$0x18448]  }
0x421: {  	[tilespmem:s24+$0x1A428] =	vst v47  }
0x422: {  	v46 =	vld.idx.msk [tilespmem:v58+s3+$0x0], $0xffff;
	_ =	sdelay $0x3  }
0x423: {  	v60 =	vld [tilespmem:s24+$0x18458]  }
0x424: {  	[tilespmem:s24+$0x1A438] =	vst v46  }
0x425: {  	v47 =	vld.idx.msk [tilespmem:v59+s3+$0x0], $0xffff;
	_ =	sdelay $0x3  }
0x426: {  	v61 =	vld [tilespmem:s24+$0x18468]  }
0x427: {  	[tilespmem:s24+$0x1A448] =	vst v47  }
0x428: {  	v46 =	vld.idx.msk [tilespmem:v60+s3+$0x0], $0xffff;
	_ =	sdelay $0x3  }
0x429: {  	v62 =	vld [tilespmem:s24+$0x18478]  }
0x42a: {  	[tilespmem:s24+$0x1A458] =	vst v46  }
0x42b: {  	v47 =	vld.idx.msk [tilespmem:v61+s3+$0x0], $0xffff;
	_ =	sdelay $0x3  }
0x42c: {  	v63 =	vld [tilespmem:s24+$0x18488]  }
0x42d: {  	[tilespmem:s24+$0x1A468] =	vst v47  }
0x42e: {  	v46 =	vld.idx.msk [tilespmem:v62+s3+$0x0], $0xffff;
	_ =	sdelay $0x4  }
0x42f: {  	v48 =	vld [tilespmem:s24+$0x18498];
	[tilespmem:s24+$0x1A478] =	vst v46  }
0x430: {  	v46 =	vld.idx.msk [tilespmem:v63+s3+$0x0], $0xffff;
	_ =	sdelay $0x4  }
0x431: {  	[tilespmem:s24+$0x1A488] =	vst v46;
	v46 =	vld [tilespmem:s24+$0x184A8];
	_ =	sdelay $0x1  }
0x432: {  	v47 =	vld.idx.msk [tilespmem:v48+s3+$0x0], $0xffff;
	_ =	sdelay $0x3  }
0x433: {  	s6 =	simm.s32 $0x200;
	s5 =	simm.s32 $0x1000  }
.LBB2_23:
0x434: {  	p1 =	sne.s32 s5, $0x3800;
	v48 =	vld [tilespmem:s6+$0x182B8];
	[tilespmem:s24+$0x1A498] =	vst v47  }
0x435: {  	v46 =	vld.idx.msk [tilespmem:v46+s3+$0x0], $0xffff;
	_ =	sdelay $0x5  }
0x436: {  	v47 =	vld [tilespmem:s6+$0x182C8];
	[tilespmem:s24+$0x1A4A8] =	vst v46;
	s24 =	smov.u32 s6  }
0x437: {  	v46 =	vld.idx.msk [tilespmem:v48+s3+$0x0], $0xffff;
	_ =	sdelay $0x5  }
0x438: {  	[tilespmem:s24+$0x1A2B8] =	vst v46;
	v46 =	vld [tilespmem:s24+$0x182D8]  }
0x439: {  	v47 =	vld.idx.msk [tilespmem:v47+s3+$0x0], $0xffff;
	_ =	sdelay $0x5  }
0x43a: {  	[tilespmem:s24+$0x1A2C8] =	vst v47;
	v47 =	vld [tilespmem:s24+$0x182E8]  }
0x43b: {  	v46 =	vld.idx.msk [tilespmem:v46+s3+$0x0], $0xffff;
	_ =	sdelay $0x5  }
0x43c: {  	[tilespmem:s24+$0x1A2D8] =	vst v46;
	v46 =	vld [tilespmem:s24+$0x182F8]  }
0x43d: {  	v47 =	vld.idx.msk [tilespmem:v47+s3+$0x0], $0xffff;
	_ =	sdelay $0x5  }
0x43e: {  	[tilespmem:s24+$0x1A2E8] =	vst v47;
	v47 =	vld [tilespmem:s24+$0x18308]  }
0x43f: {  	v46 =	vld.idx.msk [tilespmem:v46+s3+$0x0], $0xffff;
	_ =	sdelay $0x5  }
0x440: {  	[tilespmem:s24+$0x1A2F8] =	vst v46;
	v46 =	vld [tilespmem:s24+$0x18318]  }
0x441: {  	v47 =	vld.idx.msk [tilespmem:v47+s3+$0x0], $0xffff;
	_ =	sdelay $0x5  }
0x442: {  	[tilespmem:s24+$0x1A308] =	vst v47;
	v47 =	vld [tilespmem:s24+$0x18328]  }
0x443: {  	v46 =	vld.idx.msk [tilespmem:v46+s3+$0x0], $0xffff;
	_ =	sdelay $0x5  }
0x444: {  	[tilespmem:s24+$0x1A318] =	vst v46;
	v46 =	vld [tilespmem:s24+$0x18338]  }
0x445: {  	v47 =	vld.idx.msk [tilespmem:v47+s3+$0x0], $0xffff;
	_ =	sdelay $0x5  }
0x446: {  	[tilespmem:s24+$0x1A328] =	vst v47;
	v47 =	vld [tilespmem:s24+$0x18348]  }
0x447: {  	v46 =	vld.idx.msk [tilespmem:v46+s3+$0x0], $0xffff;
	_ =	sdelay $0x5  }
0x448: {  	[tilespmem:s24+$0x1A338] =	vst v46;
	v46 =	vld [tilespmem:s24+$0x18358]  }
0x449: {  	v47 =	vld.idx.msk [tilespmem:v47+s3+$0x0], $0xffff;
	_ =	sdelay $0x5  }
0x44a: {  	[tilespmem:s24+$0x1A348] =	vst v47;
	v47 =	vld [tilespmem:s24+$0x18368]  }
0x44b: {  	v46 =	vld.idx.msk [tilespmem:v46+s3+$0x0], $0xffff;
	_ =	sdelay $0x5  }
0x44c: {  	[tilespmem:s24+$0x1A358] =	vst v46;
	v46 =	vld [tilespmem:s24+$0x18378]  }
0x44d: {  	v47 =	vld.idx.msk [tilespmem:v47+s3+$0x0], $0xffff;
	_ =	sdelay $0x5  }
0x44e: {  	[tilespmem:s24+$0x1A368] =	vst v47;
	v47 =	vld [tilespmem:s24+$0x18388]  }
0x44f: {  	v46 =	vld.idx.msk [tilespmem:v46+s3+$0x0], $0xffff;
	_ =	sdelay $0x5  }
0x450: {  	[tilespmem:s24+$0x1A378] =	vst v46;
	v46 =	vld [tilespmem:s24+$0x18398]  }
0x451: {  	v47 =	vld.idx.msk [tilespmem:v47+s3+$0x0], $0xffff;
	_ =	sdelay $0x5  }
0x452: {  	[tilespmem:s24+$0x1A388] =	vst v47;
	v47 =	vld [tilespmem:s24+$0x183A8]  }
0x453: {  	v46 =	vld.idx.msk [tilespmem:v46+s3+$0x0], $0xffff;
	_ =	sdelay $0x5  }
0x454: {  	[tilespmem:s24+$0x1A398] =	vst v46;
	v46 =	vld [tilespmem:s24+$0x183B8]  }
0x455: {  	v47 =	vld.idx.msk [tilespmem:v47+s3+$0x0], $0xffff;
	_ =	sdelay $0x5  }
0x456: {  	[tilespmem:s24+$0x1A3A8] =	vst v47;
	v47 =	vld [tilespmem:s24+$0x183C8]  }
0x457: {  	v46 =	vld.idx.msk [tilespmem:v46+s3+$0x0], $0xffff;
	_ =	sdelay $0x5  }
0x458: {  	[tilespmem:s24+$0x1A3B8] =	vst v46;
	v46 =	vld [tilespmem:s24+$0x183D8]  }
0x459: {  	v47 =	vld.idx.msk [tilespmem:v47+s3+$0x0], $0xffff;
	_ =	sdelay $0x5  }
0x45a: {  	[tilespmem:s24+$0x1A3C8] =	vst v47;
	v47 =	vld [tilespmem:s24+$0x183E8]  }
0x45b: {  	v46 =	vld.idx.msk [tilespmem:v46+s3+$0x0], $0xffff;
	_ =	sdelay $0x5  }
0x45c: {  	[tilespmem:s24+$0x1A3D8] =	vst v46;
	v46 =	vld [tilespmem:s24+$0x183F8]  }
0x45d: {  	v47 =	vld.idx.msk [tilespmem:v47+s3+$0x0], $0xffff;
	_ =	sdelay $0x5  }
0x45e: {  	[tilespmem:s24+$0x1A3E8] =	vst v47;
	v47 =	vld [tilespmem:s24+$0x18408]  }
0x45f: {  	v46 =	vld.idx.msk [tilespmem:v46+s3+$0x0], $0xffff;
	_ =	sdelay $0x5  }
0x460: {  	[tilespmem:s24+$0x1A3F8] =	vst v46;
	v46 =	vld [tilespmem:s24+$0x18418]  }
0x461: {  	v47 =	vld.idx.msk [tilespmem:v47+s3+$0x0], $0xffff;
	_ =	sdelay $0x5  }
0x462: {  	[tilespmem:s24+$0x1A408] =	vst v47;
	v47 =	vld [tilespmem:s24+$0x18428]  }
0x463: {  	v46 =	vld.idx.msk [tilespmem:v46+s3+$0x0], $0xffff;
	_ =	sdelay $0x5  }
0x464: {  	[tilespmem:s24+$0x1A418] =	vst v46;
	v46 =	vld [tilespmem:s24+$0x18438]  }
0x465: {  	v47 =	vld.idx.msk [tilespmem:v47+s3+$0x0], $0xffff;
	_ =	sdelay $0x5  }
0x466: {  	[tilespmem:s24+$0x1A428] =	vst v47;
	v47 =	vld [tilespmem:s24+$0x18448]  }
0x467: {  	v46 =	vld.idx.msk [tilespmem:v46+s3+$0x0], $0xffff;
	_ =	sdelay $0x5  }
0x468: {  	[tilespmem:s24+$0x1A438] =	vst v46;
	v46 =	vld [tilespmem:s24+$0x18458]  }
0x469: {  	v47 =	vld.idx.msk [tilespmem:v47+s3+$0x0], $0xffff;
	_ =	sdelay $0x5  }
0x46a: {  	[tilespmem:s24+$0x1A448] =	vst v47;
	v47 =	vld [tilespmem:s24+$0x18468]  }
0x46b: {  	v46 =	vld.idx.msk [tilespmem:v46+s3+$0x0], $0xffff;
	_ =	sdelay $0x5  }
0x46c: {  	[tilespmem:s24+$0x1A458] =	vst v46;
	v46 =	vld [tilespmem:s24+$0x18478]  }
0x46d: {  	v47 =	vld.idx.msk [tilespmem:v47+s3+$0x0], $0xffff;
	_ =	sdelay $0x5  }
0x46e: {  	[tilespmem:s24+$0x1A468] =	vst v47;
	v47 =	vld [tilespmem:s24+$0x18488]  }
0x46f: {  	v46 =	vld.idx.msk [tilespmem:v46+s3+$0x0], $0xffff;
	_ =	sdelay $0x5  }
0x470: {  	[tilespmem:s24+$0x1A478] =	vst v46;
	v48 =	vld [tilespmem:s24+$0x18498]  }
0x471: {  	v46 =	vld.idx.msk [tilespmem:v47+s3+$0x0], $0xffff;
	_ =	sdelay $0x5  }
0x472: {  	[tilespmem:s24+$0x1A488] =	vst v46;
	v46 =	vld [tilespmem:s24+$0x184A8]  }
0x473: {  	v47 =	vld.idx.msk [tilespmem:v48+s3+$0x0], $0xffff  }
.Ltmp11:
0x474: {  	(pc) =	sbr.rel @p1 .LBB2_23-.Ltmp11, $2  }
0x475: {  	_ =	sdelay $0x2  }
0x476: {  	s6 =	sshra.s32 s5, $0x2;
	s5 =	sadd.s32 $0x800, s5  }
0x477: {  	_ =	sdelay $0x1  }
0x478: {  	v48 =	vld [tilespmem:s6+$0x182B8]  }
0x479: {  	[tilespmem:s24+$0x1A498] =	vst v47  }
0x47a: {  	v46 =	vld.idx.msk [tilespmem:v46+s3+$0x0], $0xffff;
	_ =	sdelay $0x3  }
0x47b: {  	v47 =	vld [tilespmem:s6+$0x182C8]  }
0x47c: {  	[tilespmem:s24+$0x1A4A8] =	vst v46  }
0x47d: {  	v46 =	vld.idx.msk [tilespmem:v48+s3+$0x0], $0xffff;
	_ =	sdelay $0x3  }
0x47e: {  	v50 =	vld [tilespmem:s6+$0x182D8]  }
0x47f: {  	[tilespmem:s6+$0x1A2B8] =	vst v46  }
0x480: {  	v47 =	vld.idx.msk [tilespmem:v47+s3+$0x0], $0xffff;
	_ =	sdelay $0x3  }
0x481: {  	v51 =	vld [tilespmem:s6+$0x182E8]  }
0x482: {  	[tilespmem:s6+$0x1A2C8] =	vst v47  }
0x483: {  	v46 =	vld.idx.msk [tilespmem:v50+s3+$0x0], $0xffff;
	_ =	sdelay $0x3  }
0x484: {  	v52 =	vld [tilespmem:s6+$0x182F8]  }
0x485: {  	[tilespmem:s6+$0x1A2D8] =	vst v46  }
0x486: {  	v47 =	vld.idx.msk [tilespmem:v51+s3+$0x0], $0xffff;
	_ =	sdelay $0x3  }
0x487: {  	v53 =	vld [tilespmem:s6+$0x18308]  }
0x488: {  	[tilespmem:s6+$0x1A2E8] =	vst v47  }
0x489: {  	v46 =	vld.idx.msk [tilespmem:v52+s3+$0x0], $0xffff;
	_ =	sdelay $0x3  }
0x48a: {  	v54 =	vld [tilespmem:s6+$0x18318]  }
0x48b: {  	[tilespmem:s6+$0x1A2F8] =	vst v46  }
0x48c: {  	v47 =	vld.idx.msk [tilespmem:v53+s3+$0x0], $0xffff;
	_ =	sdelay $0x3  }
0x48d: {  	v55 =	vld [tilespmem:s6+$0x18328]  }
0x48e: {  	[tilespmem:s6+$0x1A308] =	vst v47  }
0x48f: {  	v46 =	vld.idx.msk [tilespmem:v54+s3+$0x0], $0xffff;
	_ =	sdelay $0x3  }
0x490: {  	v56 =	vld [tilespmem:s6+$0x18338]  }
0x491: {  	[tilespmem:s6+$0x1A318] =	vst v46  }
0x492: {  	v47 =	vld.idx.msk [tilespmem:v55+s3+$0x0], $0xffff;
	_ =	sdelay $0x3  }
0x493: {  	v57 =	vld [tilespmem:s6+$0x18348]  }
0x494: {  	[tilespmem:s6+$0x1A328] =	vst v47  }
0x495: {  	v46 =	vld.idx.msk [tilespmem:v56+s3+$0x0], $0xffff;
	_ =	sdelay $0x3  }
0x496: {  	v58 =	vld [tilespmem:s6+$0x18358]  }
0x497: {  	[tilespmem:s6+$0x1A338] =	vst v46  }
0x498: {  	v47 =	vld.idx.msk [tilespmem:v57+s3+$0x0], $0xffff;
	_ =	sdelay $0x3  }
0x499: {  	v59 =	vld [tilespmem:s6+$0x18368]  }
0x49a: {  	[tilespmem:s6+$0x1A348] =	vst v47  }
0x49b: {  	v46 =	vld.idx.msk [tilespmem:v58+s3+$0x0], $0xffff;
	_ =	sdelay $0x3  }
0x49c: {  	v60 =	vld [tilespmem:s6+$0x18378]  }
0x49d: {  	[tilespmem:s6+$0x1A358] =	vst v46  }
0x49e: {  	v47 =	vld.idx.msk [tilespmem:v59+s3+$0x0], $0xffff;
	_ =	sdelay $0x3  }
0x49f: {  	v61 =	vld [tilespmem:s6+$0x18388]  }
0x4a0: {  	[tilespmem:s6+$0x1A368] =	vst v47  }
0x4a1: {  	v46 =	vld.idx.msk [tilespmem:v60+s3+$0x0], $0xffff;
	_ =	sdelay $0x3  }
0x4a2: {  	v62 =	vld [tilespmem:s6+$0x18398]  }
0x4a3: {  	[tilespmem:s6+$0x1A378] =	vst v46  }
0x4a4: {  	v47 =	vld.idx.msk [tilespmem:v61+s3+$0x0], $0xffff;
	_ =	sdelay $0x3  }
0x4a5: {  	v63 =	vld [tilespmem:s6+$0x183A8]  }
0x4a6: {  	[tilespmem:s6+$0x1A388] =	vst v47  }
0x4a7: {  	v46 =	vld.idx.msk [tilespmem:v62+s3+$0x0], $0xffff;
	_ =	sdelay $0x3  }
0x4a8: {  	v48 =	vld [tilespmem:s6+$0x183B8]  }
0x4a9: {  	[tilespmem:s6+$0x1A398] =	vst v46  }
0x4aa: {  	v47 =	vld.idx.msk [tilespmem:v63+s3+$0x0], $0xffff;
	_ =	sdelay $0x3  }
0x4ab: {  	v49 =	vld [tilespmem:s6+$0x183C8]  }
0x4ac: {  	[tilespmem:s6+$0x1A3A8] =	vst v47  }
0x4ad: {  	v46 =	vld.idx.msk [tilespmem:v48+s3+$0x0], $0xffff;
	_ =	sdelay $0x3  }
0x4ae: {  	v50 =	vld [tilespmem:s6+$0x183D8]  }
0x4af: {  	[tilespmem:s6+$0x1A3B8] =	vst v46  }
0x4b0: {  	v47 =	vld.idx.msk [tilespmem:v49+s3+$0x0], $0xffff;
	_ =	sdelay $0x3  }
0x4b1: {  	v51 =	vld [tilespmem:s6+$0x183E8]  }
0x4b2: {  	[tilespmem:s6+$0x1A3C8] =	vst v47  }
0x4b3: {  	v46 =	vld.idx.msk [tilespmem:v50+s3+$0x0], $0xffff;
	_ =	sdelay $0x3  }
0x4b4: {  	v52 =	vld [tilespmem:s6+$0x183F8]  }
0x4b5: {  	[tilespmem:s6+$0x1A3D8] =	vst v46  }
0x4b6: {  	v47 =	vld.idx.msk [tilespmem:v51+s3+$0x0], $0xffff;
	_ =	sdelay $0x3  }
0x4b7: {  	v53 =	vld [tilespmem:s6+$0x18408]  }
0x4b8: {  	[tilespmem:s6+$0x1A3E8] =	vst v47  }
0x4b9: {  	v46 =	vld.idx.msk [tilespmem:v52+s3+$0x0], $0xffff;
	_ =	sdelay $0x3  }
0x4ba: {  	v54 =	vld [tilespmem:s6+$0x18418]  }
0x4bb: {  	[tilespmem:s6+$0x1A3F8] =	vst v46  }
0x4bc: {  	v47 =	vld.idx.msk [tilespmem:v53+s3+$0x0], $0xffff;
	_ =	sdelay $0x3  }
0x4bd: {  	v55 =	vld [tilespmem:s6+$0x18428]  }
0x4be: {  	[tilespmem:s6+$0x1A408] =	vst v47  }
0x4bf: {  	v46 =	vld.idx.msk [tilespmem:v54+s3+$0x0], $0xffff;
	_ =	sdelay $0x3  }
0x4c0: {  	v56 =	vld [tilespmem:s6+$0x18438]  }
0x4c1: {  	[tilespmem:s6+$0x1A418] =	vst v46  }
0x4c2: {  	v47 =	vld.idx.msk [tilespmem:v55+s3+$0x0], $0xffff;
	_ =	sdelay $0x3  }
0x4c3: {  	v57 =	vld [tilespmem:s6+$0x18448]  }
0x4c4: {  	[tilespmem:s6+$0x1A428] =	vst v47  }
0x4c5: {  	v46 =	vld.idx.msk [tilespmem:v56+s3+$0x0], $0xffff;
	_ =	sdelay $0x3  }
0x4c6: {  	v58 =	vld [tilespmem:s6+$0x18458]  }
0x4c7: {  	[tilespmem:s6+$0x1A438] =	vst v46  }
0x4c8: {  	v47 =	vld.idx.msk [tilespmem:v57+s3+$0x0], $0xffff;
	_ =	sdelay $0x3  }
0x4c9: {  	v59 =	vld [tilespmem:s6+$0x18468]  }
0x4ca: {  	[tilespmem:s6+$0x1A448] =	vst v47  }
0x4cb: {  	v46 =	vld.idx.msk [tilespmem:v58+s3+$0x0], $0xffff;
	_ =	sdelay $0x3  }
0x4cc: {  	v60 =	vld [tilespmem:s6+$0x18478]  }
0x4cd: {  	[tilespmem:s6+$0x1A458] =	vst v46  }
0x4ce: {  	v47 =	vld.idx.msk [tilespmem:v59+s3+$0x0], $0xffff;
	_ =	sdelay $0x3  }
0x4cf: {  	v61 =	vld [tilespmem:s6+$0x18488]  }
0x4d0: {  	[tilespmem:s6+$0x1A468] =	vst v47  }
0x4d1: {  	v46 =	vld.idx.msk [tilespmem:v60+s3+$0x0], $0xffff;
	_ =	sdelay $0x3  }
0x4d2: {  	v62 =	vld [tilespmem:s6+$0x18498]  }
0x4d3: {  	[tilespmem:s6+$0x1A478] =	vst v46  }
0x4d4: {  	v47 =	vld.idx.msk [tilespmem:v61+s3+$0x0], $0xffff;
	_ =	sdelay $0x3  }
0x4d5: {  	v63 =	vld [tilespmem:s6+$0x184A8]  }
0x4d6: {  	[tilespmem:s6+$0x1A488] =	vst v47  }
0x4d7: {  	v46 =	vld.idx.msk [tilespmem:v62+s3+$0x0], $0xffff;
	_ =	sdelay $0x4  }
0x4d8: {  	[tilespmem:s6+$0x1A498] =	vst v46  }
0x4d9: {  	v46 =	vld.idx.msk [tilespmem:v63+s3+$0x0], $0xffff  }
0x4da: {  	p1 =	sne.s32 s20, $0x3F  }
.Ltmp12:
0x4db: {  	_ = 	snop;
	(pc) =	sbr.rel @p1 .LBB2_26-.Ltmp12, $3  }
0x4dc: {  	_ =	sdelay $0x1  }
0x4dd: {  	s1 =	sadd.s32 s23, s19;
	[tilespmem:s6+$0x1A4A8] =	vst v46  }
0x4de: {  	[hbm4b:s1+s3] =	stream.linear.scatter [tilespmem:s11], [sflag:$0x3], $0x1000, $0x38;
	[tilespmem:$0x1F5F8] =	vst v63  }
.Ltmp13:
0x4df: {  	(pc) =	sbr.rel .LBB2_27-.Ltmp13, $4  }
0x4e0: {  	_ = 	snop  }
0x4e1: {  	_ =	swait.ge [sflag:s12], $0x1000  }
0x4e2: {  	[sflag:s12] =	ssyncset.done $0x0  }
0x4e3: {  	[sflag:s12] =	ssyncadd.s32 $0xFFFFF000  }
.LBB2_26:
.Ltmp14:
0x4e4: {  	s1 =	sadd.s32 s23, s18;
	s5 =	simm.s32 $0x182B8;
	(pc) =	sbr.rel @p0 .LBB2_28-.Ltmp14, $4  }
0x4e5: {  	[tilespmem:s5], [sflag:$0x1] =	stream.linear.gather [hbm4b:s1+s3], $0x1000, $0x38;
	[tilespmem:$0x1F5F8] =	vst v63  }
0x4e6: {  	_ =	swait.ge [sflag:s12], $0x1000  }
0x4e7: {  	[sflag:s12] =	ssyncset.done $0x0  }
0x4e8: {  	[sflag:s12] =	ssyncadd.s32 $0xFFFFF000  }
.LBB2_27:
0x4e9: {  	_ =	swait.ge [sflag:s13], $0x1000  }
0x4ea: {  	[sflag:s13] =	ssyncset.done $0x0  }
0x4eb: {  	[sflag:s13] =	ssyncadd.s32 $0xFFFFF000  }
.LBB2_28:
0x4ec: {  	s23 =	simm.s32 $0x0  }
0x4ed: {  	v46 =	vld [tilespmem:s23+$0x192B8];
	_ =	sdelay $0x5  }
0x4ee: {  	v47 =	vld [tilespmem:s23+$0x192C8];
	_ =	sdelay $0x1  }
0x4ef: {  	v46 =	vld.idx.msk [tilespmem:v46+s3+$0x0], $0xffff;
	_ =	sdelay $0x3  }
0x4f0: {  	v52 =	vld [tilespmem:s23+$0x192D8]  }
0x4f1: {  	[tilespmem:s23+$0x1B2B8] =	vst v46  }
0x4f2: {  	v47 =	vld.idx.msk [tilespmem:v47+s3+$0x0], $0xffff;
	_ =	sdelay $0x3  }
0x4f3: {  	v53 =	vld [tilespmem:s23+$0x192E8]  }
0x4f4: {  	[tilespmem:s23+$0x1B2C8] =	vst v47  }
0x4f5: {  	v46 =	vld.idx.msk [tilespmem:v52+s3+$0x0], $0xffff;
	_ =	sdelay $0x3  }
0x4f6: {  	v54 =	vld [tilespmem:s23+$0x192F8]  }
0x4f7: {  	[tilespmem:s23+$0x1B2D8] =	vst v46  }
0x4f8: {  	v47 =	vld.idx.msk [tilespmem:v53+s3+$0x0], $0xffff;
	_ =	sdelay $0x3  }
0x4f9: {  	v55 =	vld [tilespmem:s23+$0x19308]  }
0x4fa: {  	[tilespmem:s23+$0x1B2E8] =	vst v47  }
0x4fb: {  	v46 =	vld.idx.msk [tilespmem:v54+s3+$0x0], $0xffff;
	_ =	sdelay $0x3  }
0x4fc: {  	v56 =	vld [tilespmem:s23+$0x19318]  }
0x4fd: {  	[tilespmem:s23+$0x1B2F8] =	vst v46  }
0x4fe: {  	v47 =	vld.idx.msk [tilespmem:v55+s3+$0x0], $0xffff;
	_ =	sdelay $0x3  }
0x4ff: {  	v57 =	vld [tilespmem:s23+$0x19328]  }
0x500: {  	[tilespmem:s23+$0x1B308] =	vst v47  }
0x501: {  	v46 =	vld.idx.msk [tilespmem:v56+s3+$0x0], $0xffff;
	_ =	sdelay $0x3  }
0x502: {  	v58 =	vld [tilespmem:s23+$0x19338]  }
0x503: {  	[tilespmem:s23+$0x1B318] =	vst v46  }
0x504: {  	v47 =	vld.idx.msk [tilespmem:v57+s3+$0x0], $0xffff;
	_ =	sdelay $0x3  }
0x505: {  	v59 =	vld [tilespmem:s23+$0x19348]  }
0x506: {  	[tilespmem:s23+$0x1B328] =	vst v47  }
0x507: {  	v46 =	vld.idx.msk [tilespmem:v58+s3+$0x0], $0xffff;
	_ =	sdelay $0x3  }
0x508: {  	v60 =	vld [tilespmem:s23+$0x19358]  }
0x509: {  	[tilespmem:s23+$0x1B338] =	vst v46  }
0x50a: {  	v47 =	vld.idx.msk [tilespmem:v59+s3+$0x0], $0xffff;
	_ =	sdelay $0x3  }
0x50b: {  	v61 =	vld [tilespmem:s23+$0x19368]  }
0x50c: {  	[tilespmem:s23+$0x1B348] =	vst v47  }
0x50d: {  	v46 =	vld.idx.msk [tilespmem:v60+s3+$0x0], $0xffff;
	_ =	sdelay $0x3  }
0x50e: {  	v62 =	vld [tilespmem:s23+$0x19378]  }
0x50f: {  	[tilespmem:s23+$0x1B358] =	vst v46  }
0x510: {  	v47 =	vld.idx.msk [tilespmem:v61+s3+$0x0], $0xffff;
	_ =	sdelay $0x3  }
0x511: {  	v63 =	vld [tilespmem:s23+$0x19388]  }
0x512: {  	[tilespmem:s23+$0x1B368] =	vst v47  }
0x513: {  	v46 =	vld.idx.msk [tilespmem:v62+s3+$0x0], $0xffff;
	_ =	sdelay $0x3  }
0x514: {  	v48 =	vld [tilespmem:s23+$0x19398]  }
0x515: {  	[tilespmem:s23+$0x1B378] =	vst v46  }
0x516: {  	v47 =	vld.idx.msk [tilespmem:v63+s3+$0x0], $0xffff;
	_ =	sdelay $0x3  }
0x517: {  	v49 =	vld [tilespmem:s23+$0x193A8]  }
0x518: {  	[tilespmem:s23+$0x1B388] =	vst v47  }
0x519: {  	v46 =	vld.idx.msk [tilespmem:v48+s3+$0x0], $0xffff;
	_ =	sdelay $0x3  }
0x51a: {  	v50 =	vld [tilespmem:s23+$0x193B8]  }
0x51b: {  	[tilespmem:s23+$0x1B398] =	vst v46  }
0x51c: {  	v47 =	vld.idx.msk [tilespmem:v49+s3+$0x0], $0xffff;
	_ =	sdelay $0x3  }
0x51d: {  	v51 =	vld [tilespmem:s23+$0x193C8]  }
0x51e: {  	[tilespmem:s23+$0x1B3A8] =	vst v47  }
0x51f: {  	v46 =	vld.idx.msk [tilespmem:v50+s3+$0x0], $0xffff;
	_ =	sdelay $0x3  }
0x520: {  	v52 =	vld [tilespmem:s23+$0x193D8]  }
0x521: {  	[tilespmem:s23+$0x1B3B8] =	vst v46  }
0x522: {  	v47 =	vld.idx.msk [tilespmem:v51+s3+$0x0], $0xffff;
	_ =	sdelay $0x3  }
0x523: {  	v53 =	vld [tilespmem:s23+$0x193E8]  }
0x524: {  	[tilespmem:s23+$0x1B3C8] =	vst v47  }
0x525: {  	v46 =	vld.idx.msk [tilespmem:v52+s3+$0x0], $0xffff;
	_ =	sdelay $0x3  }
0x526: {  	v54 =	vld [tilespmem:s23+$0x193F8]  }
0x527: {  	[tilespmem:s23+$0x1B3D8] =	vst v46  }
0x528: {  	v47 =	vld.idx.msk [tilespmem:v53+s3+$0x0], $0xffff;
	_ =	sdelay $0x3  }
0x529: {  	v55 =	vld [tilespmem:s23+$0x19408]  }
0x52a: {  	[tilespmem:s23+$0x1B3E8] =	vst v47  }
0x52b: {  	v46 =	vld.idx.msk [tilespmem:v54+s3+$0x0], $0xffff;
	_ =	sdelay $0x3  }
0x52c: {  	v56 =	vld [tilespmem:s23+$0x19418]  }
0x52d: {  	[tilespmem:s23+$0x1B3F8] =	vst v46  }
0x52e: {  	v47 =	vld.idx.msk [tilespmem:v55+s3+$0x0], $0xffff;
	_ =	sdelay $0x3  }
0x52f: {  	v57 =	vld [tilespmem:s23+$0x19428]  }
0x530: {  	[tilespmem:s23+$0x1B408] =	vst v47  }
0x531: {  	v46 =	vld.idx.msk [tilespmem:v56+s3+$0x0], $0xffff;
	_ =	sdelay $0x3  }
0x532: {  	v58 =	vld [tilespmem:s23+$0x19438]  }
0x533: {  	[tilespmem:s23+$0x1B418] =	vst v46  }
0x534: {  	v47 =	vld.idx.msk [tilespmem:v57+s3+$0x0], $0xffff;
	_ =	sdelay $0x3  }
0x535: {  	v59 =	vld [tilespmem:s23+$0x19448]  }
0x536: {  	[tilespmem:s23+$0x1B428] =	vst v47  }
0x537: {  	v46 =	vld.idx.msk [tilespmem:v58+s3+$0x0], $0xffff;
	_ =	sdelay $0x3  }
0x538: {  	v60 =	vld [tilespmem:s23+$0x19458]  }
0x539: {  	[tilespmem:s23+$0x1B438] =	vst v46  }
0x53a: {  	v47 =	vld.idx.msk [tilespmem:v59+s3+$0x0], $0xffff;
	_ =	sdelay $0x3  }
0x53b: {  	v61 =	vld [tilespmem:s23+$0x19468]  }
0x53c: {  	[tilespmem:s23+$0x1B448] =	vst v47  }
0x53d: {  	v46 =	vld.idx.msk [tilespmem:v60+s3+$0x0], $0xffff;
	_ =	sdelay $0x3  }
0x53e: {  	v62 =	vld [tilespmem:s23+$0x19478]  }
0x53f: {  	[tilespmem:s23+$0x1B458] =	vst v46  }
0x540: {  	v47 =	vld.idx.msk [tilespmem:v61+s3+$0x0], $0xffff;
	_ =	sdelay $0x3  }
0x541: {  	v63 =	vld [tilespmem:s23+$0x19488]  }
0x542: {  	[tilespmem:s23+$0x1B468] =	vst v47  }
0x543: {  	v46 =	vld.idx.msk [tilespmem:v62+s3+$0x0], $0xffff;
	_ =	sdelay $0x4  }
0x544: {  	v48 =	vld [tilespmem:s23+$0x19498];
	[tilespmem:s23+$0x1B478] =	vst v46  }
0x545: {  	v46 =	vld.idx.msk [tilespmem:v63+s3+$0x0], $0xffff;
	_ =	sdelay $0x4  }
0x546: {  	[tilespmem:s23+$0x1B488] =	vst v46;
	v46 =	vld [tilespmem:s23+$0x194A8];
	_ =	sdelay $0x1  }
0x547: {  	v47 =	vld.idx.msk [tilespmem:v48+s3+$0x0], $0xffff;
	_ =	sdelay $0x3  }
0x548: {  	s6 =	simm.s32 $0x200;
	s5 =	simm.s32 $0x1000  }
.LBB2_29:
0x549: {  	p0 =	sne.s32 s5, $0x3800;
	v48 =	vld [tilespmem:s6+$0x192B8];
	[tilespmem:s23+$0x1B498] =	vst v47  }
0x54a: {  	v46 =	vld.idx.msk [tilespmem:v46+s3+$0x0], $0xffff;
	_ =	sdelay $0x5  }
0x54b: {  	v47 =	vld [tilespmem:s6+$0x192C8];
	[tilespmem:s23+$0x1B4A8] =	vst v46;
	s23 =	smov.u32 s6  }
0x54c: {  	v46 =	vld.idx.msk [tilespmem:v48+s3+$0x0], $0xffff;
	_ =	sdelay $0x5  }
0x54d: {  	[tilespmem:s23+$0x1B2B8] =	vst v46;
	v46 =	vld [tilespmem:s23+$0x192D8]  }
0x54e: {  	v47 =	vld.idx.msk [tilespmem:v47+s3+$0x0], $0xffff;
	_ =	sdelay $0x5  }
0x54f: {  	[tilespmem:s23+$0x1B2C8] =	vst v47;
	v47 =	vld [tilespmem:s23+$0x192E8]  }
0x550: {  	v46 =	vld.idx.msk [tilespmem:v46+s3+$0x0], $0xffff;
	_ =	sdelay $0x5  }
0x551: {  	[tilespmem:s23+$0x1B2D8] =	vst v46;
	v46 =	vld [tilespmem:s23+$0x192F8]  }
0x552: {  	v47 =	vld.idx.msk [tilespmem:v47+s3+$0x0], $0xffff;
	_ =	sdelay $0x5  }
0x553: {  	[tilespmem:s23+$0x1B2E8] =	vst v47;
	v47 =	vld [tilespmem:s23+$0x19308]  }
0x554: {  	v46 =	vld.idx.msk [tilespmem:v46+s3+$0x0], $0xffff;
	_ =	sdelay $0x5  }
0x555: {  	[tilespmem:s23+$0x1B2F8] =	vst v46;
	v46 =	vld [tilespmem:s23+$0x19318]  }
0x556: {  	v47 =	vld.idx.msk [tilespmem:v47+s3+$0x0], $0xffff;
	_ =	sdelay $0x5  }
0x557: {  	[tilespmem:s23+$0x1B308] =	vst v47;
	v47 =	vld [tilespmem:s23+$0x19328]  }
0x558: {  	v46 =	vld.idx.msk [tilespmem:v46+s3+$0x0], $0xffff;
	_ =	sdelay $0x5  }
0x559: {  	[tilespmem:s23+$0x1B318] =	vst v46;
	v46 =	vld [tilespmem:s23+$0x19338]  }
0x55a: {  	v47 =	vld.idx.msk [tilespmem:v47+s3+$0x0], $0xffff;
	_ =	sdelay $0x5  }
0x55b: {  	[tilespmem:s23+$0x1B328] =	vst v47;
	v47 =	vld [tilespmem:s23+$0x19348]  }
0x55c: {  	v46 =	vld.idx.msk [tilespmem:v46+s3+$0x0], $0xffff;
	_ =	sdelay $0x5  }
0x55d: {  	[tilespmem:s23+$0x1B338] =	vst v46;
	v46 =	vld [tilespmem:s23+$0x19358]  }
0x55e: {  	v47 =	vld.idx.msk [tilespmem:v47+s3+$0x0], $0xffff;
	_ =	sdelay $0x5  }
0x55f: {  	[tilespmem:s23+$0x1B348] =	vst v47;
	v47 =	vld [tilespmem:s23+$0x19368]  }
0x560: {  	v46 =	vld.idx.msk [tilespmem:v46+s3+$0x0], $0xffff;
	_ =	sdelay $0x5  }
0x561: {  	[tilespmem:s23+$0x1B358] =	vst v46;
	v46 =	vld [tilespmem:s23+$0x19378]  }
0x562: {  	v47 =	vld.idx.msk [tilespmem:v47+s3+$0x0], $0xffff;
	_ =	sdelay $0x5  }
0x563: {  	[tilespmem:s23+$0x1B368] =	vst v47;
	v47 =	vld [tilespmem:s23+$0x19388]  }
0x564: {  	v46 =	vld.idx.msk [tilespmem:v46+s3+$0x0], $0xffff;
	_ =	sdelay $0x5  }
0x565: {  	[tilespmem:s23+$0x1B378] =	vst v46;
	v46 =	vld [tilespmem:s23+$0x19398]  }
0x566: {  	v47 =	vld.idx.msk [tilespmem:v47+s3+$0x0], $0xffff;
	_ =	sdelay $0x5  }
0x567: {  	[tilespmem:s23+$0x1B388] =	vst v47;
	v47 =	vld [tilespmem:s23+$0x193A8]  }
0x568: {  	v46 =	vld.idx.msk [tilespmem:v46+s3+$0x0], $0xffff;
	_ =	sdelay $0x5  }
0x569: {  	[tilespmem:s23+$0x1B398] =	vst v46;
	v46 =	vld [tilespmem:s23+$0x193B8]  }
0x56a: {  	v47 =	vld.idx.msk [tilespmem:v47+s3+$0x0], $0xffff;
	_ =	sdelay $0x5  }
0x56b: {  	[tilespmem:s23+$0x1B3A8] =	vst v47;
	v47 =	vld [tilespmem:s23+$0x193C8]  }
0x56c: {  	v46 =	vld.idx.msk [tilespmem:v46+s3+$0x0], $0xffff;
	_ =	sdelay $0x5  }
0x56d: {  	[tilespmem:s23+$0x1B3B8] =	vst v46;
	v46 =	vld [tilespmem:s23+$0x193D8]  }
0x56e: {  	v47 =	vld.idx.msk [tilespmem:v47+s3+$0x0], $0xffff;
	_ =	sdelay $0x5  }
0x56f: {  	[tilespmem:s23+$0x1B3C8] =	vst v47;
	v47 =	vld [tilespmem:s23+$0x193E8]  }
0x570: {  	v46 =	vld.idx.msk [tilespmem:v46+s3+$0x0], $0xffff;
	_ =	sdelay $0x5  }
0x571: {  	[tilespmem:s23+$0x1B3D8] =	vst v46;
	v46 =	vld [tilespmem:s23+$0x193F8]  }
0x572: {  	v47 =	vld.idx.msk [tilespmem:v47+s3+$0x0], $0xffff;
	_ =	sdelay $0x5  }
0x573: {  	[tilespmem:s23+$0x1B3E8] =	vst v47;
	v47 =	vld [tilespmem:s23+$0x19408]  }
0x574: {  	v46 =	vld.idx.msk [tilespmem:v46+s3+$0x0], $0xffff;
	_ =	sdelay $0x5  }
0x575: {  	[tilespmem:s23+$0x1B3F8] =	vst v46;
	v46 =	vld [tilespmem:s23+$0x19418]  }
0x576: {  	v47 =	vld.idx.msk [tilespmem:v47+s3+$0x0], $0xffff;
	_ =	sdelay $0x5  }
0x577: {  	[tilespmem:s23+$0x1B408] =	vst v47;
	v47 =	vld [tilespmem:s23+$0x19428]  }
0x578: {  	v46 =	vld.idx.msk [tilespmem:v46+s3+$0x0], $0xffff;
	_ =	sdelay $0x5  }
0x579: {  	[tilespmem:s23+$0x1B418] =	vst v46;
	v46 =	vld [tilespmem:s23+$0x19438]  }
0x57a: {  	v47 =	vld.idx.msk [tilespmem:v47+s3+$0x0], $0xffff;
	_ =	sdelay $0x5  }
0x57b: {  	[tilespmem:s23+$0x1B428] =	vst v47;
	v47 =	vld [tilespmem:s23+$0x19448]  }
0x57c: {  	v46 =	vld.idx.msk [tilespmem:v46+s3+$0x0], $0xffff;
	_ =	sdelay $0x5  }
0x57d: {  	[tilespmem:s23+$0x1B438] =	vst v46;
	v46 =	vld [tilespmem:s23+$0x19458]  }
0x57e: {  	v47 =	vld.idx.msk [tilespmem:v47+s3+$0x0], $0xffff;
	_ =	sdelay $0x5  }
0x57f: {  	[tilespmem:s23+$0x1B448] =	vst v47;
	v47 =	vld [tilespmem:s23+$0x19468]  }
0x580: {  	v46 =	vld.idx.msk [tilespmem:v46+s3+$0x0], $0xffff;
	_ =	sdelay $0x5  }
0x581: {  	[tilespmem:s23+$0x1B458] =	vst v46;
	v46 =	vld [tilespmem:s23+$0x19478]  }
0x582: {  	v47 =	vld.idx.msk [tilespmem:v47+s3+$0x0], $0xffff;
	_ =	sdelay $0x5  }
0x583: {  	[tilespmem:s23+$0x1B468] =	vst v47;
	v47 =	vld [tilespmem:s23+$0x19488]  }
0x584: {  	v46 =	vld.idx.msk [tilespmem:v46+s3+$0x0], $0xffff;
	_ =	sdelay $0x5  }
0x585: {  	[tilespmem:s23+$0x1B478] =	vst v46;
	v48 =	vld [tilespmem:s23+$0x19498]  }
0x586: {  	v46 =	vld.idx.msk [tilespmem:v47+s3+$0x0], $0xffff;
	_ =	sdelay $0x5  }
0x587: {  	[tilespmem:s23+$0x1B488] =	vst v46;
	v46 =	vld [tilespmem:s23+$0x194A8]  }
0x588: {  	v47 =	vld.idx.msk [tilespmem:v48+s3+$0x0], $0xffff  }
.Ltmp15:
0x589: {  	(pc) =	sbr.rel @p0 .LBB2_29-.Ltmp15, $2  }
0x58a: {  	_ =	sdelay $0x2  }
0x58b: {  	s6 =	sshra.s32 s5, $0x2;
	s5 =	sadd.s32 $0x800, s5  }
0x58c: {  	_ =	sdelay $0x1  }
0x58d: {  	v48 =	vld [tilespmem:s6+$0x192B8]  }
0x58e: {  	[tilespmem:s23+$0x1B498] =	vst v47  }
0x58f: {  	v46 =	vld.idx.msk [tilespmem:v46+s3+$0x0], $0xffff;
	_ =	sdelay $0x3  }
0x590: {  	v47 =	vld [tilespmem:s6+$0x192C8]  }
0x591: {  	[tilespmem:s23+$0x1B4A8] =	vst v46  }
0x592: {  	v46 =	vld.idx.msk [tilespmem:v48+s3+$0x0], $0xffff;
	_ =	sdelay $0x3  }
0x593: {  	v50 =	vld [tilespmem:s6+$0x192D8]  }
0x594: {  	[tilespmem:s6+$0x1B2B8] =	vst v46  }
0x595: {  	v47 =	vld.idx.msk [tilespmem:v47+s3+$0x0], $0xffff;
	_ =	sdelay $0x3  }
0x596: {  	v51 =	vld [tilespmem:s6+$0x192E8]  }
0x597: {  	[tilespmem:s6+$0x1B2C8] =	vst v47  }
0x598: {  	v46 =	vld.idx.msk [tilespmem:v50+s3+$0x0], $0xffff;
	_ =	sdelay $0x3  }
0x599: {  	v52 =	vld [tilespmem:s6+$0x192F8]  }
0x59a: {  	[tilespmem:s6+$0x1B2D8] =	vst v46  }
0x59b: {  	v47 =	vld.idx.msk [tilespmem:v51+s3+$0x0], $0xffff;
	_ =	sdelay $0x3  }
0x59c: {  	v53 =	vld [tilespmem:s6+$0x19308]  }
0x59d: {  	[tilespmem:s6+$0x1B2E8] =	vst v47  }
0x59e: {  	v46 =	vld.idx.msk [tilespmem:v52+s3+$0x0], $0xffff;
	_ =	sdelay $0x3  }
0x59f: {  	v54 =	vld [tilespmem:s6+$0x19318]  }
0x5a0: {  	[tilespmem:s6+$0x1B2F8] =	vst v46  }
0x5a1: {  	v47 =	vld.idx.msk [tilespmem:v53+s3+$0x0], $0xffff;
	_ =	sdelay $0x3  }
0x5a2: {  	v55 =	vld [tilespmem:s6+$0x19328]  }
0x5a3: {  	[tilespmem:s6+$0x1B308] =	vst v47  }
0x5a4: {  	v46 =	vld.idx.msk [tilespmem:v54+s3+$0x0], $0xffff;
	_ =	sdelay $0x3  }
0x5a5: {  	v56 =	vld [tilespmem:s6+$0x19338]  }
0x5a6: {  	[tilespmem:s6+$0x1B318] =	vst v46  }
0x5a7: {  	v47 =	vld.idx.msk [tilespmem:v55+s3+$0x0], $0xffff;
	_ =	sdelay $0x3  }
0x5a8: {  	v57 =	vld [tilespmem:s6+$0x19348]  }
0x5a9: {  	[tilespmem:s6+$0x1B328] =	vst v47  }
0x5aa: {  	v46 =	vld.idx.msk [tilespmem:v56+s3+$0x0], $0xffff;
	_ =	sdelay $0x3  }
0x5ab: {  	v58 =	vld [tilespmem:s6+$0x19358]  }
0x5ac: {  	[tilespmem:s6+$0x1B338] =	vst v46  }
0x5ad: {  	v47 =	vld.idx.msk [tilespmem:v57+s3+$0x0], $0xffff;
	_ =	sdelay $0x3  }
0x5ae: {  	v59 =	vld [tilespmem:s6+$0x19368]  }
0x5af: {  	[tilespmem:s6+$0x1B348] =	vst v47  }
0x5b0: {  	v46 =	vld.idx.msk [tilespmem:v58+s3+$0x0], $0xffff;
	_ =	sdelay $0x3  }
0x5b1: {  	v60 =	vld [tilespmem:s6+$0x19378]  }
0x5b2: {  	[tilespmem:s6+$0x1B358] =	vst v46  }
0x5b3: {  	v47 =	vld.idx.msk [tilespmem:v59+s3+$0x0], $0xffff;
	_ =	sdelay $0x3  }
0x5b4: {  	v61 =	vld [tilespmem:s6+$0x19388]  }
0x5b5: {  	[tilespmem:s6+$0x1B368] =	vst v47  }
0x5b6: {  	v46 =	vld.idx.msk [tilespmem:v60+s3+$0x0], $0xffff;
	_ =	sdelay $0x3  }
0x5b7: {  	v62 =	vld [tilespmem:s6+$0x19398]  }
0x5b8: {  	[tilespmem:s6+$0x1B378] =	vst v46  }
0x5b9: {  	v47 =	vld.idx.msk [tilespmem:v61+s3+$0x0], $0xffff;
	_ =	sdelay $0x3  }
0x5ba: {  	v63 =	vld [tilespmem:s6+$0x193A8]  }
0x5bb: {  	[tilespmem:s6+$0x1B388] =	vst v47  }
0x5bc: {  	v46 =	vld.idx.msk [tilespmem:v62+s3+$0x0], $0xffff;
	_ =	sdelay $0x3  }
0x5bd: {  	v48 =	vld [tilespmem:s6+$0x193B8]  }
0x5be: {  	[tilespmem:s6+$0x1B398] =	vst v46  }
0x5bf: {  	v47 =	vld.idx.msk [tilespmem:v63+s3+$0x0], $0xffff;
	_ =	sdelay $0x3  }
0x5c0: {  	v49 =	vld [tilespmem:s6+$0x193C8]  }
0x5c1: {  	[tilespmem:s6+$0x1B3A8] =	vst v47  }
0x5c2: {  	v46 =	vld.idx.msk [tilespmem:v48+s3+$0x0], $0xffff;
	_ =	sdelay $0x3  }
0x5c3: {  	v50 =	vld [tilespmem:s6+$0x193D8]  }
0x5c4: {  	[tilespmem:s6+$0x1B3B8] =	vst v46  }
0x5c5: {  	v47 =	vld.idx.msk [tilespmem:v49+s3+$0x0], $0xffff;
	_ =	sdelay $0x3  }
0x5c6: {  	v51 =	vld [tilespmem:s6+$0x193E8]  }
0x5c7: {  	[tilespmem:s6+$0x1B3C8] =	vst v47  }
0x5c8: {  	v46 =	vld.idx.msk [tilespmem:v50+s3+$0x0], $0xffff;
	_ =	sdelay $0x3  }
0x5c9: {  	v52 =	vld [tilespmem:s6+$0x193F8]  }
0x5ca: {  	[tilespmem:s6+$0x1B3D8] =	vst v46  }
0x5cb: {  	v47 =	vld.idx.msk [tilespmem:v51+s3+$0x0], $0xffff;
	_ =	sdelay $0x3  }
0x5cc: {  	v53 =	vld [tilespmem:s6+$0x19408]  }
0x5cd: {  	[tilespmem:s6+$0x1B3E8] =	vst v47  }
0x5ce: {  	v46 =	vld.idx.msk [tilespmem:v52+s3+$0x0], $0xffff;
	_ =	sdelay $0x3  }
0x5cf: {  	v54 =	vld [tilespmem:s6+$0x19418]  }
0x5d0: {  	[tilespmem:s6+$0x1B3F8] =	vst v46  }
0x5d1: {  	v47 =	vld.idx.msk [tilespmem:v53+s3+$0x0], $0xffff;
	_ =	sdelay $0x3  }
0x5d2: {  	v55 =	vld [tilespmem:s6+$0x19428]  }
0x5d3: {  	[tilespmem:s6+$0x1B408] =	vst v47  }
0x5d4: {  	v46 =	vld.idx.msk [tilespmem:v54+s3+$0x0], $0xffff;
	_ =	sdelay $0x3  }
0x5d5: {  	v56 =	vld [tilespmem:s6+$0x19438]  }
0x5d6: {  	[tilespmem:s6+$0x1B418] =	vst v46  }
0x5d7: {  	v47 =	vld.idx.msk [tilespmem:v55+s3+$0x0], $0xffff;
	_ =	sdelay $0x3  }
0x5d8: {  	v57 =	vld [tilespmem:s6+$0x19448]  }
0x5d9: {  	[tilespmem:s6+$0x1B428] =	vst v47  }
0x5da: {  	v46 =	vld.idx.msk [tilespmem:v56+s3+$0x0], $0xffff;
	_ =	sdelay $0x3  }
0x5db: {  	v58 =	vld [tilespmem:s6+$0x19458]  }
0x5dc: {  	[tilespmem:s6+$0x1B438] =	vst v46  }
0x5dd: {  	v47 =	vld.idx.msk [tilespmem:v57+s3+$0x0], $0xffff;
	_ =	sdelay $0x3  }
0x5de: {  	v59 =	vld [tilespmem:s6+$0x19468]  }
0x5df: {  	[tilespmem:s6+$0x1B448] =	vst v47  }
0x5e0: {  	v46 =	vld.idx.msk [tilespmem:v58+s3+$0x0], $0xffff;
	_ =	sdelay $0x3  }
0x5e1: {  	v60 =	vld [tilespmem:s6+$0x19478]  }
0x5e2: {  	[tilespmem:s6+$0x1B458] =	vst v46  }
0x5e3: {  	v47 =	vld.idx.msk [tilespmem:v59+s3+$0x0], $0xffff;
	_ =	sdelay $0x3  }
0x5e4: {  	v61 =	vld [tilespmem:s6+$0x19488]  }
0x5e5: {  	[tilespmem:s6+$0x1B468] =	vst v47  }
0x5e6: {  	v46 =	vld.idx.msk [tilespmem:v60+s3+$0x0], $0xffff;
	_ =	sdelay $0x3  }
0x5e7: {  	v62 =	vld [tilespmem:s6+$0x19498]  }
0x5e8: {  	[tilespmem:s6+$0x1B478] =	vst v46  }
0x5e9: {  	v47 =	vld.idx.msk [tilespmem:v61+s3+$0x0], $0xffff;
	_ =	sdelay $0x3  }
0x5ea: {  	v63 =	vld [tilespmem:s6+$0x194A8]  }
0x5eb: {  	[tilespmem:s6+$0x1B488] =	vst v47  }
0x5ec: {  	v46 =	vld.idx.msk [tilespmem:v62+s3+$0x0], $0xffff;
	_ =	sdelay $0x4  }
0x5ed: {  	[tilespmem:s6+$0x1B498] =	vst v46  }
0x5ee: {  	s20 =	sadd.s32 $0x1, s20;
	v46 =	vld.idx.msk [tilespmem:v63+s3+$0x0], $0xffff  }
0x5ef: {  	p0 =	sne.s32 s20, $0x40  }
.Ltmp16:
0x5f0: {  	_ = 	snop;
	(pc) =	sbr.rel @p0 .LBB2_22-.Ltmp16, $3  }
0x5f1: {  	_ =	sdelay $0x1  }
0x5f2: {  	s1 =	sadd.s32 s2, s19;
	[tilespmem:s6+$0x1B4A8] =	vst v46  }
0x5f3: {  	[hbm4b:s1+s3] =	stream.linear.scatter [tilespmem:s14], [sflag:$0x4], $0x1000, $0x38;
	[tilespmem:$0x1F5F8] =	vst v63  }
0x5f4: {  	s1 =	simm.s32 $0x3  }
0x5f5: {  	_ =	swait.ge [sflag:s1], $0x1000  }
0x5f6: {  	[sflag:s1] =	ssyncset.done $0x0  }
0x5f7: {  	[sflag:s1] =	ssyncadd.s32 $0xFFFFF000  }
0x5f8: {  	_ =	swait.ge [sflag:s13], $0x1000  }
0x5f9: {  	[sflag:s13] =	ssyncset.done $0x0  }
0x5fa: {  	s23 =	simm.s32 $0x9;
	[sflag:s13] =	ssyncadd.s32 $0xFFFFF000  }
0x5fb: {  	_ =	swait.ge [sflag:s23], $0x800  }
0x5fc: {  	[sflag:s23] =	ssyncset.done $0x0  }
0x5fd: {  	s2 =	simm.s32 $0xA;
	[sflag:s23] =	ssyncadd.s32 $0xFFFFF800  }
0x5fe: {  	_ =	swait.ge [sflag:s2], $0x800  }
0x5ff: {  	s5 =	rddreg [dreg:$0x11]  }
0x600: {  	s24 =	rddreg [dreg:$0x10];
	s5 =	sadd.s32 $0x1, s5  }
0x601: {  	p0 =	sne.s32 s5, s24  }
.Ltmp17:
0x602: {  	_ = 	snop;
	(pc) =	sbr.rel @p0 .LBB2_1-.Ltmp17, $3  }
0x603: {  	_ =	sdelay $0x1  }
0x604: {  	[sflag:s2] =	ssyncset.done $0x0  }
0x605: {  	s20 =	simm.s32 $0x1F4F8;
	[sflag:s2] =	ssyncadd.s32 $0xFFFFF800  }
0x606: {  	_ =	sfence.sel $0x180000  }
0x607: {  	[bflag:$0x0] =	sbarrier.arrive $0xFFFF  }
0x608: {  	_ =	strace $0x90000047  }
0x609: {  	s0 =	stileid.u32;
	[bflag:$0x2] =	sbarrier.arrive $0xFFFF  }
0x60a: {  	p0 =	sne.s32 s0, $0x0;
	s0 =	rddreg [dreg:$0x5]  }
0x60b: {  	s0 =	sadd.s32 @!p0 $0x100000, s0  }
0x60c: {  	[sflag:s0] =	ssyncadd.tile.s32 @!p0 $0x1;
	_ =	shalt  }
.Lfunc_end2:
_tile_overlayer_lowered:
.L_overlay_start_2:
0x60d: {  	(tag) =	ssettag $0x2  }
0x60e: {  	s0 =	rddreg [dreg:$0x0];
	s2 =	stileid.u32  }
0x60f: {  	s1 =	rddreg [dreg:$0x1];
	p0 =	sne.s32 s2, $0x0  }
0x610: {  	s3 =	rddreg [dreg:$0x2];
	[bflag:$0x3] =	sbarrier.arrive $0xFFFF;
	s2 =	simm.s32 @!p0 $0x1C0B  }
0x611: {  	[timem:s3], [sflag:s2] =	dma.local @!p0 [hbm:s0], s1  }
0x612: {  	s0 =	simm.s32 @!p0 $0xB  }
0x613: {  	_ =	swait.ge @!p0 [sflag:s0], s1  }
0x614: {  	s1 =	ssub.s32 @!p0 $0x0, s1;
	[sflag:s0] =	ssyncset.done @!p0 $0x0  }
0x615: {  	[sflag:s0] =	ssyncadd.s32 @!p0 s1  }
0x616: {  	[bflag:$0x3] =	sbarrier.arrive $0xFFFF  }
0x617: {  	_ =	shalt  }

</sc_bundles>
